<compile_context>
chip_gen: v7x
topology: tpu7x:2x2x1
jax: 0.10.2.dev20260603
libtpu: 0.0.44.dev20260713+nightly
codegen_flags: <defaults>
</compile_context>

<pallas_src>
import jax
import jax.numpy as jnp
from jax import lax
from jax.experimental import pallas as pl
from jax.experimental.pallas import tpu as pltpu
from jax.experimental.pallas import tpu_sc as plsc

_NC = 2
_NS = 16
_NW = _NC * _NS
_D = 128
_CHUNK = 32
_LANES = _D // 16


_P = 16384 // _NW
_N_CH = _P // _CHUNK


def _sc_body(f_hbm, c_hbm, emb_hbm, out_hbm,
             idxf, idxc, rowsf, rowsc, accv, *sems):
    cid = lax.axis_index("c")
    sid = lax.axis_index("s")
    wid = sid * _NC + cid
    base = wid * _P
    pltpu.sync_copy(f_hbm.at[pl.ds(base, _P)], idxf)
    pltpu.sync_copy(c_hbm.at[pl.ds(base, _P)], idxc)
    semf = sems[:12]
    semc = sems[12:]

    def start(ch):
        b = ch % 12
        df = pltpu.async_copy(emb_hbm.at[idxf.at[pl.ds(ch * _CHUNK, _CHUNK)]],
                              rowsf.at[b], semf[b])
        dc = pltpu.async_copy(emb_hbm.at[idxc.at[pl.ds(ch * _CHUNK, _CHUNK)]],
                              rowsc.at[b], semc[b])
        return df, dc

    descs = [None] * _N_CH
    for ch in range(6):
        descs[ch] = start(ch)
    accs = tuple(jnp.zeros((16,), jnp.float32) for _ in range(_LANES))
    for ch in range(_N_CH):
        if ch + 6 < _N_CH:
            descs[ch + 6] = start(ch + 6)
        descs[ch][0].wait()
        descs[ch][1].wait()
        b = ch % 12

        @plsc.parallel_loop(0, _CHUNK, step=1, unroll=4, carry=accs)
        def accs(r, a, _b=b):
            return tuple(
                a[j] + rowsf[_b, r, pl.ds(j * 16, 16)]
                     * rowsc[_b, r, pl.ds(j * 16, 16)]
                for j in range(_LANES))

    acc = accs[0]
    for j in range(1, _LANES):
        acc = acc + accs[j]
    accv[...] = acc
    pltpu.sync_copy(accv, out_hbm.at[wid])


_sc_gather_dot = pl.kernel(
    _sc_body,
    out_type=jax.ShapeDtypeStruct((_NW, 16), jnp.float32),
    mesh=plsc.VectorSubcoreMesh(core_axis_name="c", subcore_axis_name="s",
                                num_cores=_NC, num_subcores=_NS),
    scratch_types=[
        pltpu.VMEM((_P,), jnp.int32),
        pltpu.VMEM((_P,), jnp.int32),
        pltpu.VMEM((12, _CHUNK, _D), jnp.float32),
        pltpu.VMEM((12, _CHUNK, _D), jnp.float32),
        pltpu.VMEM((16,), jnp.float32),
    ] + [pltpu.SemaphoreType.DMA] * 24,
)


def _finish_body(p_ref, o_ref):
    s = jnp.sum(p_ref[...])
    out = jnp.minimum(s, 0.0) - jnp.log1p(jnp.exp(-jnp.abs(s)))
    o_ref[...] = jnp.full((1, 1), out, jnp.float32)


_finish = pl.pallas_call(
    _finish_body,
    out_shape=jax.ShapeDtypeStruct((1, 1), jnp.float32),
)


def kernel(focus, context, embeddings):
    partials = _sc_gather_dot(focus, context, embeddings)
    return _finish(partials)

# --- scband reference (transcript-rebuilt; emitter-appended) ---
"""Pipeline reference for scband-skip-gram-72730976190721 (READ-ONLY COPY).

The authoritative reference and input builder live on the scoring server;
editing this copy changes nothing except your own understanding.
"""

import jax, jax.numpy as jnp
import numpy as np

VOCAB_SIZE = 1000000
EMBD_SIZE = 128
BATCH = 16384


def setup_inputs(seed: int = 0) -> dict:
    key = jax.random.key(seed)
    k_emb, k_focus, k_ctx = jax.random.split(key, 3)
    # nn.Embedding default init: N(0, 1)
    embeddings = jax.random.normal(k_emb, (VOCAB_SIZE, EMBD_SIZE), dtype=jnp.float32)
    focus = jax.random.randint(k_focus, (BATCH,), 0, VOCAB_SIZE, dtype=jnp.int32)
    context = jax.random.randint(k_ctx, (BATCH,), 0, VOCAB_SIZE, dtype=jnp.int32)
    return {"focus": focus, "context": context, "embeddings": embeddings}


def reference(focus, context, embeddings):
    # embed_focus = self.embeddings(focus).view((1, -1))
    embed_focus = jnp.take(embeddings, focus, axis=0).reshape(1, -1)
    # embed_ctx = self.embeddings(context).view((1, -1))
    embed_ctx = jnp.take(embeddings, context, axis=0).reshape(1, -1)
    # score = torch.mm(embed_focus, torch.t(embed_ctx))
    score = jnp.matmul(embed_focus, embed_ctx.T)
    # log_probs = F.logsigmoid(score)
    log_probs = jax.nn.log_sigmoid(score)
    return log_probs

if __name__ == "__main__":
    import jax
    _d = setup_inputs()
    print(jax.jit(kernel)(*tuple(_d.values())))

</pallas_src>

<mosaic_0001>
#map = affine_map<(d0, d1) -> (0)>
#map1 = affine_map<(d0, d1) -> (0, 0)>
module attributes {stable_mosaic.version = 14 : i64} {
  func.func @_sc_body(%arg0: i32, %arg1: i32, %arg2: memref<16384xi32, #tpu.memory_space<hbm>>, %arg3: memref<16384xi32, #tpu.memory_space<hbm>>, %arg4: memref<1000000x128xf32, #tpu.memory_space<hbm>>, %arg5: memref<32x16xf32, #tpu.memory_space<hbm>>, %arg6: memref<512xi32, #tpu.memory_space<vmem>>, %arg7: memref<512xi32, #tpu.memory_space<vmem>>, %arg8: memref<12x32x128xf32, #tpu.memory_space<vmem>>, %arg9: memref<12x32x128xf32, #tpu.memory_space<vmem>>, %arg10: memref<16xf32, #tpu.memory_space<vmem>>, %arg11: memref<!tpu.dma_semaphore, #tpu.memory_space<semaphore_mem>>, %arg12: memref<!tpu.dma_semaphore, #tpu.memory_space<semaphore_mem>>, %arg13: memref<!tpu.dma_semaphore, #tpu.memory_space<semaphore_mem>>, %arg14: memref<!tpu.dma_semaphore, #tpu.memory_space<semaphore_mem>>, %arg15: memref<!tpu.dma_semaphore, #tpu.memory_space<semaphore_mem>>, %arg16: memref<!tpu.dma_semaphore, #tpu.memory_space<semaphore_mem>>, %arg17: memref<!tpu.dma_semaphore, #tpu.memory_space<semaphore_mem>>, %arg18: memref<!tpu.dma_semaphore, #tpu.memory_space<semaphore_mem>>, %arg19: memref<!tpu.dma_semaphore, #tpu.memory_space<semaphore_mem>>, %arg20: memref<!tpu.dma_semaphore, #tpu.memory_space<semaphore_mem>>, %arg21: memref<!tpu.dma_semaphore, #tpu.memory_space<semaphore_mem>>, %arg22: memref<!tpu.dma_semaphore, #tpu.memory_space<semaphore_mem>>, %arg23: memref<!tpu.dma_semaphore, #tpu.memory_space<semaphore_mem>>, %arg24: memref<!tpu.dma_semaphore, #tpu.memory_space<semaphore_mem>>, %arg25: memref<!tpu.dma_semaphore, #tpu.memory_space<semaphore_mem>>, %arg26: memref<!tpu.dma_semaphore, #tpu.memory_space<semaphore_mem>>, %arg27: memref<!tpu.dma_semaphore, #tpu.memory_space<semaphore_mem>>, %arg28: memref<!tpu.dma_semaphore, #tpu.memory_space<semaphore_mem>>, %arg29: memref<!tpu.dma_semaphore, #tpu.memory_space<semaphore_mem>>, %arg30: memref<!tpu.dma_semaphore, #tpu.memory_space<semaphore_mem>>, %arg31: memref<!tpu.dma_semaphore, #tpu.memory_space<semaphore_mem>>, %arg32: memref<!tpu.dma_semaphore, #tpu.memory_space<semaphore_mem>>, %arg33: memref<!tpu.dma_semaphore, #tpu.memory_space<semaphore_mem>>, %arg34: memref<!tpu.dma_semaphore, #tpu.memory_space<semaphore_mem>>) attributes {dimension_semantics = [#tpu.dimension_semantics<core_parallel>, #tpu.dimension_semantics<subcore_parallel>], iteration_bounds = array<i64: 2, 16>, scalar_prefetch = 0 : i64, scratch_operands = 29 : i64, tpu.core_type = #tpu.core_type<sc_vector_subcore>, window_params = [{transform_indices = #map}, {transform_indices = #map}, {transform_indices = #map1}, {transform_indices = #map1}]} {
    %mul3A = arith.constant 2 : i32
    %mul3A_0 = arith.muli %arg1, %mul3A : i32
    %add3A = arith.addi %mul3A_0, %arg0 : i32
    %mul3A_1 = arith.constant 512 : i32
    %mul3A_2 = arith.muli %add3A, %mul3A_1 : i32
    "tpu.region"() ({
      %run_scoped3A = tpu.sem_alloc : memref<!tpu.dma_semaphore, #tpu.memory_space<semaphore_mem>>
      %dma_start3A_729 = tpu.memref_slice %arg2[%mul3A_2] : memref<16384xi32, #tpu.memory_space<hbm>> -> memref<512xi32, #tpu.memory_space<hbm>>
      %dma_start3A_730 = tpu.memref_slice %arg2[%mul3A_2] : memref<16384xi32, #tpu.memory_space<hbm>> -> memref<512xi32, #tpu.memory_space<hbm>>
      tpu.enqueue_dma source(%dma_start3A_730 : memref<512xi32, #tpu.memory_space<hbm>>) target(%arg6 : memref<512xi32, #tpu.memory_space<vmem>>) target_semaphore(%run_scoped3A : memref<!tpu.dma_semaphore, #tpu.memory_space<semaphore_mem>>)
      %dma_wait3A_731 = tpu.memref_slice %arg2[%mul3A_2] : memref<16384xi32, #tpu.memory_space<hbm>> -> memref<512xi32, #tpu.memory_space<hbm>>
      %dma_wait3A_732 = tpu.memref_slice %arg2[%mul3A_2] : memref<16384xi32, #tpu.memory_space<hbm>> -> memref<512xi32, #tpu.memory_space<hbm>>
      tpu.wait_dma2 semaphore(%run_scoped3A : memref<!tpu.dma_semaphore, #tpu.memory_space<semaphore_mem>>) src(%dma_wait3A_732 : memref<512xi32, #tpu.memory_space<hbm>>) dst(%arg6 : memref<512xi32, #tpu.memory_space<vmem>>)
      tpu.yield
    }) : () -> ()
    "tpu.region"() ({
      %run_scoped3A = tpu.sem_alloc : memref<!tpu.dma_semaphore, #tpu.memory_space<semaphore_mem>>
      %dma_start3A_729 = tpu.memref_slice %arg3[%mul3A_2] : memref<16384xi32, #tpu.memory_space<hbm>> -> memref<512xi32, #tpu.memory_space<hbm>>
      %dma_start3A_730 = tpu.memref_slice %arg3[%mul3A_2] : memref<16384xi32, #tpu.memory_space<hbm>> -> memref<512xi32, #tpu.memory_space<hbm>>
      tpu.enqueue_dma source(%dma_start3A_730 : memref<512xi32, #tpu.memory_space<hbm>>) target(%arg7 : memref<512xi32, #tpu.memory_space<vmem>>) target_semaphore(%run_scoped3A : memref<!tpu.dma_semaphore, #tpu.memory_space<semaphore_mem>>)
      %dma_wait3A_731 = tpu.memref_slice %arg3[%mul3A_2] : memref<16384xi32, #tpu.memory_space<hbm>> -> memref<512xi32, #tpu.memory_space<hbm>>
      %dma_wait3A_732 = tpu.memref_slice %arg3[%mul3A_2] : memref<16384xi32, #tpu.memory_space<hbm>> -> memref<512xi32, #tpu.memory_space<hbm>>
      tpu.wait_dma2 semaphore(%run_scoped3A : memref<!tpu.dma_semaphore, #tpu.memory_space<semaphore_mem>>) src(%dma_wait3A_732 : memref<512xi32, #tpu.memory_space<hbm>>) dst(%arg7 : memref<512xi32, #tpu.memory_space<vmem>>)
      tpu.yield
    }) : () -> ()
    %dma_start3A = arith.constant 0 : i32
    %dma_start3A_3 = arith.constant 0 : i32
    %dma_start3A_4 = arith.constant 0 : i32
    %dma_start3A_5 = tpu.memref_slice %arg8[%dma_start3A, %dma_start3A_3, %dma_start3A_4] : memref<12x32x128xf32, #tpu.memory_space<vmem>> -> memref<1x32x128xf32, #tpu.memory_space<vmem>>
    %dma_start3A_6 = tpu.memref_squeeze %dma_start3A_5 : memref<1x32x128xf32, #tpu.memory_space<vmem>> -> memref<32x128xf32, #tpu.memory_space<vmem>>
    %dma_start3A_7 = arith.constant 0 : i32
    %dma_start3A_8 = tpu.memref_slice %arg6[%dma_start3A_7] : memref<512xi32, #tpu.memory_space<vmem>> -> memref<32xi32, #tpu.memory_space<vmem>>
    %dma_start3A_9 = arith.constant 0 : i32
    %dma_start3A_10 = arith.constant 0 : i32
    %dma_start3A_11 = tpu.memref_slice %arg4[%dma_start3A_9, %dma_start3A_10] : memref<1000000x128xf32, #tpu.memory_space<hbm>> -> memref<1000000x128xf32, #tpu.memory_space<hbm>>
    tpu.enqueue_indirect_dma source(%dma_start3A_11 : memref<1000000x128xf32, #tpu.memory_space<hbm>>) target(%dma_start3A_6 : memref<32x128xf32, #tpu.memory_space<vmem>>) offsets(%dma_start3A_8 : memref<32xi32, #tpu.memory_space<vmem>>) semaphore(%arg11 : memref<!tpu.dma_semaphore, #tpu.memory_space<semaphore_mem>>)
    %dma_start3A_12 = arith.constant 0 : i32
    %dma_start3A_13 = arith.constant 0 : i32
    %dma_start3A_14 = arith.constant 0 : i32
    %dma_start3A_15 = tpu.memref_slice %arg9[%dma_start3A_12, %dma_start3A_13, %dma_start3A_14] : memref<12x32x128xf32, #tpu.memory_space<vmem>> -> memref<1x32x128xf32, #tpu.memory_space<vmem>>
    %dma_start3A_16 = tpu.memref_squeeze %dma_start3A_15 : memref<1x32x128xf32, #tpu.memory_space<vmem>> -> memref<32x128xf32, #tpu.memory_space<vmem>>
    %dma_start3A_17 = arith.constant 0 : i32
    %dma_start3A_18 = tpu.memref_slice %arg7[%dma_start3A_17] : memref<512xi32, #tpu.memory_space<vmem>> -> memref<32xi32, #tpu.memory_space<vmem>>
    %dma_start3A_19 = arith.constant 0 : i32
    %dma_start3A_20 = arith.constant 0 : i32
    %dma_start3A_21 = tpu.memref_slice %arg4[%dma_start3A_19, %dma_start3A_20] : memref<1000000x128xf32, #tpu.memory_space<hbm>> -> memref<1000000x128xf32, #tpu.memory_space<hbm>>
    tpu.enqueue_indirect_dma source(%dma_start3A_21 : memref<1000000x128xf32, #tpu.memory_space<hbm>>) target(%dma_start3A_16 : memref<32x128xf32, #tpu.memory_space<vmem>>) offsets(%dma_start3A_18 : memref<32xi32, #tpu.memory_space<vmem>>) semaphore(%arg23 : memref<!tpu.dma_semaphore, #tpu.memory_space<semaphore_mem>>)
    %dma_start3A_22 = arith.constant 1 : i32
    %dma_start3A_23 = arith.constant 0 : i32
    %dma_start3A_24 = arith.constant 0 : i32
    %dma_start3A_25 = tpu.memref_slice %arg8[%dma_start3A_22, %dma_start3A_23, %dma_start3A_24] : memref<12x32x128xf32, #tpu.memory_space<vmem>> -> memref<1x32x128xf32, #tpu.memory_space<vmem>>
    %dma_start3A_26 = tpu.memref_squeeze %dma_start3A_25 : memref<1x32x128xf32, #tpu.memory_space<vmem>> -> memref<32x128xf32, #tpu.memory_space<vmem>>
    %dma_start3A_27 = arith.constant 32 : i32
    %dma_start3A_28 = tpu.memref_slice %arg6[%dma_start3A_27] : memref<512xi32, #tpu.memory_space<vmem>> -> memref<32xi32, #tpu.memory_space<vmem>>
    %dma_start3A_29 = arith.constant 0 : i32
    %dma_start3A_30 = arith.constant 0 : i32
    %dma_start3A_31 = tpu.memref_slice %arg4[%dma_start3A_29, %dma_start3A_30] : memref<1000000x128xf32, #tpu.memory_space<hbm>> -> memref<1000000x128xf32, #tpu.memory_space<hbm>>
    tpu.enqueue_indirect_dma source(%dma_start3A_31 : memref<1000000x128xf32, #tpu.memory_space<hbm>>) target(%dma_start3A_26 : memref<32x128xf32, #tpu.memory_space<vmem>>) offsets(%dma_start3A_28 : memref<32xi32, #tpu.memory_space<vmem>>) semaphore(%arg12 : memref<!tpu.dma_semaphore, #tpu.memory_space<semaphore_mem>>)
    %dma_start3A_32 = arith.constant 1 : i32
    %dma_start3A_33 = arith.constant 0 : i32
    %dma_start3A_34 = arith.constant 0 : i32
    %dma_start3A_35 = tpu.memref_slice %arg9[%dma_start3A_32, %dma_start3A_33, %dma_start3A_34] : memref<12x32x128xf32, #tpu.memory_space<vmem>> -> memref<1x32x128xf32, #tpu.memory_space<vmem>>
    %dma_start3A_36 = tpu.memref_squeeze %dma_start3A_35 : memref<1x32x128xf32, #tpu.memory_space<vmem>> -> memref<32x128xf32, #tpu.memory_space<vmem>>
    %dma_start3A_37 = arith.constant 32 : i32
    %dma_start3A_38 = tpu.memref_slice %arg7[%dma_start3A_37] : memref<512xi32, #tpu.memory_space<vmem>> -> memref<32xi32, #tpu.memory_space<vmem>>
    %dma_start3A_39 = arith.constant 0 : i32
    %dma_start3A_40 = arith.constant 0 : i32
    %dma_start3A_41 = tpu.memref_slice %arg4[%dma_start3A_39, %dma_start3A_40] : memref<1000000x128xf32, #tpu.memory_space<hbm>> -> memref<1000000x128xf32, #tpu.memory_space<hbm>>
    tpu.enqueue_indirect_dma source(%dma_start3A_41 : memref<1000000x128xf32, #tpu.memory_space<hbm>>) target(%dma_start3A_36 : memref<32x128xf32, #tpu.memory_space<vmem>>) offsets(%dma_start3A_38 : memref<32xi32, #tpu.memory_space<vmem>>) semaphore(%arg24 : memref<!tpu.dma_semaphore, #tpu.memory_space<semaphore_mem>>)
    %dma_start3A_42 = arith.constant 2 : i32
    %dma_start3A_43 = arith.constant 0 : i32
    %dma_start3A_44 = arith.constant 0 : i32
    %dma_start3A_45 = tpu.memref_slice %arg8[%dma_start3A_42, %dma_start3A_43, %dma_start3A_44] : memref<12x32x128xf32, #tpu.memory_space<vmem>> -> memref<1x32x128xf32, #tpu.memory_space<vmem>>
    %dma_start3A_46 = tpu.memref_squeeze %dma_start3A_45 : memref<1x32x128xf32, #tpu.memory_space<vmem>> -> memref<32x128xf32, #tpu.memory_space<vmem>>
    %dma_start3A_47 = arith.constant 64 : i32
    %dma_start3A_48 = tpu.memref_slice %arg6[%dma_start3A_47] : memref<512xi32, #tpu.memory_space<vmem>> -> memref<32xi32, #tpu.memory_space<vmem>>
    %dma_start3A_49 = arith.constant 0 : i32
    %dma_start3A_50 = arith.constant 0 : i32
    %dma_start3A_51 = tpu.memref_slice %arg4[%dma_start3A_49, %dma_start3A_50] : memref<1000000x128xf32, #tpu.memory_space<hbm>> -> memref<1000000x128xf32, #tpu.memory_space<hbm>>
    tpu.enqueue_indirect_dma source(%dma_start3A_51 : memref<1000000x128xf32, #tpu.memory_space<hbm>>) target(%dma_start3A_46 : memref<32x128xf32, #tpu.memory_space<vmem>>) offsets(%dma_start3A_48 : memref<32xi32, #tpu.memory_space<vmem>>) semaphore(%arg13 : memref<!tpu.dma_semaphore, #tpu.memory_space<semaphore_mem>>)
    %dma_start3A_52 = arith.constant 2 : i32
    %dma_start3A_53 = arith.constant 0 : i32
    %dma_start3A_54 = arith.constant 0 : i32
    %dma_start3A_55 = tpu.memref_slice %arg9[%dma_start3A_52, %dma_start3A_53, %dma_start3A_54] : memref<12x32x128xf32, #tpu.memory_space<vmem>> -> memref<1x32x128xf32, #tpu.memory_space<vmem>>
    %dma_start3A_56 = tpu.memref_squeeze %dma_start3A_55 : memref<1x32x128xf32, #tpu.memory_space<vmem>> -> memref<32x128xf32, #tpu.memory_space<vmem>>
    %dma_start3A_57 = arith.constant 64 : i32
    %dma_start3A_58 = tpu.memref_slice %arg7[%dma_start3A_57] : memref<512xi32, #tpu.memory_space<vmem>> -> memref<32xi32, #tpu.memory_space<vmem>>
    %dma_start3A_59 = arith.constant 0 : i32
    %dma_start3A_60 = arith.constant 0 : i32
    %dma_start3A_61 = tpu.memref_slice %arg4[%dma_start3A_59, %dma_start3A_60] : memref<1000000x128xf32, #tpu.memory_space<hbm>> -> memref<1000000x128xf32, #tpu.memory_space<hbm>>
    tpu.enqueue_indirect_dma source(%dma_start3A_61 : memref<1000000x128xf32, #tpu.memory_space<hbm>>) target(%dma_start3A_56 : memref<32x128xf32, #tpu.memory_space<vmem>>) offsets(%dma_start3A_58 : memref<32xi32, #tpu.memory_space<vmem>>) semaphore(%arg25 : memref<!tpu.dma_semaphore, #tpu.memory_space<semaphore_mem>>)
    %dma_start3A_62 = arith.constant 3 : i32
    %dma_start3A_63 = arith.constant 0 : i32
    %dma_start3A_64 = arith.constant 0 : i32
    %dma_start3A_65 = tpu.memref_slice %arg8[%dma_start3A_62, %dma_start3A_63, %dma_start3A_64] : memref<12x32x128xf32, #tpu.memory_space<vmem>> -> memref<1x32x128xf32, #tpu.memory_space<vmem>>
    %dma_start3A_66 = tpu.memref_squeeze %dma_start3A_65 : memref<1x32x128xf32, #tpu.memory_space<vmem>> -> memref<32x128xf32, #tpu.memory_space<vmem>>
    %dma_start3A_67 = arith.constant 96 : i32
    %dma_start3A_68 = tpu.memref_slice %arg6[%dma_start3A_67] : memref<512xi32, #tpu.memory_space<vmem>> -> memref<32xi32, #tpu.memory_space<vmem>>
    %dma_start3A_69 = arith.constant 0 : i32
    %dma_start3A_70 = arith.constant 0 : i32
    %dma_start3A_71 = tpu.memref_slice %arg4[%dma_start3A_69, %dma_start3A_70] : memref<1000000x128xf32, #tpu.memory_space<hbm>> -> memref<1000000x128xf32, #tpu.memory_space<hbm>>
    tpu.enqueue_indirect_dma source(%dma_start3A_71 : memref<1000000x128xf32, #tpu.memory_space<hbm>>) target(%dma_start3A_66 : memref<32x128xf32, #tpu.memory_space<vmem>>) offsets(%dma_start3A_68 : memref<32xi32, #tpu.memory_space<vmem>>) semaphore(%arg14 : memref<!tpu.dma_semaphore, #tpu.memory_space<semaphore_mem>>)
    %dma_start3A_72 = arith.constant 3 : i32
    %dma_start3A_73 = arith.constant 0 : i32
    %dma_start3A_74 = arith.constant 0 : i32
    %dma_start3A_75 = tpu.memref_slice %arg9[%dma_start3A_72, %dma_start3A_73, %dma_start3A_74] : memref<12x32x128xf32, #tpu.memory_space<vmem>> -> memref<1x32x128xf32, #tpu.memory_space<vmem>>
    %dma_start3A_76 = tpu.memref_squeeze %dma_start3A_75 : memref<1x32x128xf32, #tpu.memory_space<vmem>> -> memref<32x128xf32, #tpu.memory_space<vmem>>
    %dma_start3A_77 = arith.constant 96 : i32
    %dma_start3A_78 = tpu.memref_slice %arg7[%dma_start3A_77] : memref<512xi32, #tpu.memory_space<vmem>> -> memref<32xi32, #tpu.memory_space<vmem>>
    %dma_start3A_79 = arith.constant 0 : i32
    %dma_start3A_80 = arith.constant 0 : i32
    %dma_start3A_81 = tpu.memref_slice %arg4[%dma_start3A_79, %dma_start3A_80] : memref<1000000x128xf32, #tpu.memory_space<hbm>> -> memref<1000000x128xf32, #tpu.memory_space<hbm>>
    tpu.enqueue_indirect_dma source(%dma_start3A_81 : memref<1000000x128xf32, #tpu.memory_space<hbm>>) target(%dma_start3A_76 : memref<32x128xf32, #tpu.memory_space<vmem>>) offsets(%dma_start3A_78 : memref<32xi32, #tpu.memory_space<vmem>>) semaphore(%arg26 : memref<!tpu.dma_semaphore, #tpu.memory_space<semaphore_mem>>)
    %dma_start3A_82 = arith.constant 4 : i32
    %dma_start3A_83 = arith.constant 0 : i32
    %dma_start3A_84 = arith.constant 0 : i32
    %dma_start3A_85 = tpu.memref_slice %arg8[%dma_start3A_82, %dma_start3A_83, %dma_start3A_84] : memref<12x32x128xf32, #tpu.memory_space<vmem>> -> memref<1x32x128xf32, #tpu.memory_space<vmem>>
    %dma_start3A_86 = tpu.memref_squeeze %dma_start3A_85 : memref<1x32x128xf32, #tpu.memory_space<vmem>> -> memref<32x128xf32, #tpu.memory_space<vmem>>
    %dma_start3A_87 = arith.constant 128 : i32
    %dma_start3A_88 = tpu.memref_slice %arg6[%dma_start3A_87] : memref<512xi32, #tpu.memory_space<vmem>> -> memref<32xi32, #tpu.memory_space<vmem>>
    %dma_start3A_89 = arith.constant 0 : i32
    %dma_start3A_90 = arith.constant 0 : i32
    %dma_start3A_91 = tpu.memref_slice %arg4[%dma_start3A_89, %dma_start3A_90] : memref<1000000x128xf32, #tpu.memory_space<hbm>> -> memref<1000000x128xf32, #tpu.memory_space<hbm>>
    tpu.enqueue_indirect_dma source(%dma_start3A_91 : memref<1000000x128xf32, #tpu.memory_space<hbm>>) target(%dma_start3A_86 : memref<32x128xf32, #tpu.memory_space<vmem>>) offsets(%dma_start3A_88 : memref<32xi32, #tpu.memory_space<vmem>>) semaphore(%arg15 : memref<!tpu.dma_semaphore, #tpu.memory_space<semaphore_mem>>)
    %dma_start3A_92 = arith.constant 4 : i32
    %dma_start3A_93 = arith.constant 0 : i32
    %dma_start3A_94 = arith.constant 0 : i32
    %dma_start3A_95 = tpu.memref_slice %arg9[%dma_start3A_92, %dma_start3A_93, %dma_start3A_94] : memref<12x32x128xf32, #tpu.memory_space<vmem>> -> memref<1x32x128xf32, #tpu.memory_space<vmem>>
    %dma_start3A_96 = tpu.memref_squeeze %dma_start3A_95 : memref<1x32x128xf32, #tpu.memory_space<vmem>> -> memref<32x128xf32, #tpu.memory_space<vmem>>
    %dma_start3A_97 = arith.constant 128 : i32
    %dma_start3A_98 = tpu.memref_slice %arg7[%dma_start3A_97] : memref<512xi32, #tpu.memory_space<vmem>> -> memref<32xi32, #tpu.memory_space<vmem>>
    %dma_start3A_99 = arith.constant 0 : i32
    %dma_start3A_100 = arith.constant 0 : i32
    %dma_start3A_101 = tpu.memref_slice %arg4[%dma_start3A_99, %dma_start3A_100] : memref<1000000x128xf32, #tpu.memory_space<hbm>> -> memref<1000000x128xf32, #tpu.memory_space<hbm>>
    tpu.enqueue_indirect_dma source(%dma_start3A_101 : memref<1000000x128xf32, #tpu.memory_space<hbm>>) target(%dma_start3A_96 : memref<32x128xf32, #tpu.memory_space<vmem>>) offsets(%dma_start3A_98 : memref<32xi32, #tpu.memory_space<vmem>>) semaphore(%arg27 : memref<!tpu.dma_semaphore, #tpu.memory_space<semaphore_mem>>)
    %dma_start3A_102 = arith.constant 5 : i32
    %dma_start3A_103 = arith.constant 0 : i32
    %dma_start3A_104 = arith.constant 0 : i32
    %dma_start3A_105 = tpu.memref_slice %arg8[%dma_start3A_102, %dma_start3A_103, %dma_start3A_104] : memref<12x32x128xf32, #tpu.memory_space<vmem>> -> memref<1x32x128xf32, #tpu.memory_space<vmem>>
    %dma_start3A_106 = tpu.memref_squeeze %dma_start3A_105 : memref<1x32x128xf32, #tpu.memory_space<vmem>> -> memref<32x128xf32, #tpu.memory_space<vmem>>
    %dma_start3A_107 = arith.constant 160 : i32
    %dma_start3A_108 = tpu.memref_slice %arg6[%dma_start3A_107] : memref<512xi32, #tpu.memory_space<vmem>> -> memref<32xi32, #tpu.memory_space<vmem>>
    %dma_start3A_109 = arith.constant 0 : i32
    %dma_start3A_110 = arith.constant 0 : i32
    %dma_start3A_111 = tpu.memref_slice %arg4[%dma_start3A_109, %dma_start3A_110] : memref<1000000x128xf32, #tpu.memory_space<hbm>> -> memref<1000000x128xf32, #tpu.memory_space<hbm>>
    tpu.enqueue_indirect_dma source(%dma_start3A_111 : memref<1000000x128xf32, #tpu.memory_space<hbm>>) target(%dma_start3A_106 : memref<32x128xf32, #tpu.memory_space<vmem>>) offsets(%dma_start3A_108 : memref<32xi32, #tpu.memory_space<vmem>>) semaphore(%arg16 : memref<!tpu.dma_semaphore, #tpu.memory_space<semaphore_mem>>)
    %dma_start3A_112 = arith.constant 5 : i32
    %dma_start3A_113 = arith.constant 0 : i32
    %dma_start3A_114 = arith.constant 0 : i32
    %dma_start3A_115 = tpu.memref_slice %arg9[%dma_start3A_112, %dma_start3A_113, %dma_start3A_114] : memref<12x32x128xf32, #tpu.memory_space<vmem>> -> memref<1x32x128xf32, #tpu.memory_space<vmem>>
    %dma_start3A_116 = tpu.memref_squeeze %dma_start3A_115 : memref<1x32x128xf32, #tpu.memory_space<vmem>> -> memref<32x128xf32, #tpu.memory_space<vmem>>
    %dma_start3A_117 = arith.constant 160 : i32
    %dma_start3A_118 = tpu.memref_slice %arg7[%dma_start3A_117] : memref<512xi32, #tpu.memory_space<vmem>> -> memref<32xi32, #tpu.memory_space<vmem>>
    %dma_start3A_119 = arith.constant 0 : i32
    %dma_start3A_120 = arith.constant 0 : i32
    %dma_start3A_121 = tpu.memref_slice %arg4[%dma_start3A_119, %dma_start3A_120] : memref<1000000x128xf32, #tpu.memory_space<hbm>> -> memref<1000000x128xf32, #tpu.memory_space<hbm>>
    tpu.enqueue_indirect_dma source(%dma_start3A_121 : memref<1000000x128xf32, #tpu.memory_space<hbm>>) target(%dma_start3A_116 : memref<32x128xf32, #tpu.memory_space<vmem>>) offsets(%dma_start3A_118 : memref<32xi32, #tpu.memory_space<vmem>>) semaphore(%arg28 : memref<!tpu.dma_semaphore, #tpu.memory_space<semaphore_mem>>)
    %broadcast_in_dim3A = arith.constant 0.000000e+00 : f32
    %broadcast_in_dim3A_122 = vector.broadcast %broadcast_in_dim3A : f32 to vector<16xf32>
    %broadcast_in_dim3A_123 = arith.constant 0.000000e+00 : f32
    %broadcast_in_dim3A_124 = vector.broadcast %broadcast_in_dim3A_123 : f32 to vector<16xf32>
    %broadcast_in_dim3A_125 = arith.constant 0.000000e+00 : f32
    %broadcast_in_dim3A_126 = vector.broadcast %broadcast_in_dim3A_125 : f32 to vector<16xf32>
    %broadcast_in_dim3A_127 = arith.constant 0.000000e+00 : f32
    %broadcast_in_dim3A_128 = vector.broadcast %broadcast_in_dim3A_127 : f32 to vector<16xf32>
    %broadcast_in_dim3A_129 = arith.constant 0.000000e+00 : f32
    %broadcast_in_dim3A_130 = vector.broadcast %broadcast_in_dim3A_129 : f32 to vector<16xf32>
    %broadcast_in_dim3A_131 = arith.constant 0.000000e+00 : f32
    %broadcast_in_dim3A_132 = vector.broadcast %broadcast_in_dim3A_131 : f32 to vector<16xf32>
    %broadcast_in_dim3A_133 = arith.constant 0.000000e+00 : f32
    %broadcast_in_dim3A_134 = vector.broadcast %broadcast_in_dim3A_133 : f32 to vector<16xf32>
    %broadcast_in_dim3A_135 = arith.constant 0.000000e+00 : f32
    %broadcast_in_dim3A_136 = vector.broadcast %broadcast_in_dim3A_135 : f32 to vector<16xf32>
    %dma_start3A_137 = arith.constant 6 : i32
    %dma_start3A_138 = arith.constant 0 : i32
    %dma_start3A_139 = arith.constant 0 : i32
    %dma_start3A_140 = tpu.memref_slice %arg8[%dma_start3A_137, %dma_start3A_138, %dma_start3A_139] : memref<12x32x128xf32, #tpu.memory_space<vmem>> -> memref<1x32x128xf32, #tpu.memory_space<vmem>>
    %dma_start3A_141 = tpu.memref_squeeze %dma_start3A_140 : memref<1x32x128xf32, #tpu.memory_space<vmem>> -> memref<32x128xf32, #tpu.memory_space<vmem>>
    %dma_start3A_142 = arith.constant 192 : i32
    %dma_start3A_143 = tpu.memref_slice %arg6[%dma_start3A_142] : memref<512xi32, #tpu.memory_space<vmem>> -> memref<32xi32, #tpu.memory_space<vmem>>
    %dma_start3A_144 = arith.constant 0 : i32
    %dma_start3A_145 = arith.constant 0 : i32
    %dma_start3A_146 = tpu.memref_slice %arg4[%dma_start3A_144, %dma_start3A_145] : memref<1000000x128xf32, #tpu.memory_space<hbm>> -> memref<1000000x128xf32, #tpu.memory_space<hbm>>
    tpu.enqueue_indirect_dma source(%dma_start3A_146 : memref<1000000x128xf32, #tpu.memory_space<hbm>>) target(%dma_start3A_141 : memref<32x128xf32, #tpu.memory_space<vmem>>) offsets(%dma_start3A_143 : memref<32xi32, #tpu.memory_space<vmem>>) semaphore(%arg17 : memref<!tpu.dma_semaphore, #tpu.memory_space<semaphore_mem>>)
    %dma_start3A_147 = arith.constant 6 : i32
    %dma_start3A_148 = arith.constant 0 : i32
    %dma_start3A_149 = arith.constant 0 : i32
    %dma_start3A_150 = tpu.memref_slice %arg9[%dma_start3A_147, %dma_start3A_148, %dma_start3A_149] : memref<12x32x128xf32, #tpu.memory_space<vmem>> -> memref<1x32x128xf32, #tpu.memory_space<vmem>>
    %dma_start3A_151 = tpu.memref_squeeze %dma_start3A_150 : memref<1x32x128xf32, #tpu.memory_space<vmem>> -> memref<32x128xf32, #tpu.memory_space<vmem>>
    %dma_start3A_152 = arith.constant 192 : i32
    %dma_start3A_153 = tpu.memref_slice %arg7[%dma_start3A_152] : memref<512xi32, #tpu.memory_space<vmem>> -> memref<32xi32, #tpu.memory_space<vmem>>
    %dma_start3A_154 = arith.constant 0 : i32
    %dma_start3A_155 = arith.constant 0 : i32
    %dma_start3A_156 = tpu.memref_slice %arg4[%dma_start3A_154, %dma_start3A_155] : memref<1000000x128xf32, #tpu.memory_space<hbm>> -> memref<1000000x128xf32, #tpu.memory_space<hbm>>
    tpu.enqueue_indirect_dma source(%dma_start3A_156 : memref<1000000x128xf32, #tpu.memory_space<hbm>>) target(%dma_start3A_151 : memref<32x128xf32, #tpu.memory_space<vmem>>) offsets(%dma_start3A_153 : memref<32xi32, #tpu.memory_space<vmem>>) semaphore(%arg29 : memref<!tpu.dma_semaphore, #tpu.memory_space<semaphore_mem>>)
    %dma_wait3A = arith.constant 0 : i32
    %dma_wait3A_157 = arith.constant 0 : i32
    %dma_wait3A_158 = arith.constant 0 : i32
    %dma_wait3A_159 = tpu.memref_slice %arg8[%dma_wait3A, %dma_wait3A_157, %dma_wait3A_158] : memref<12x32x128xf32, #tpu.memory_space<vmem>> -> memref<1x32x128xf32, #tpu.memory_space<vmem>>
    %dma_wait3A_160 = tpu.memref_squeeze %dma_wait3A_159 : memref<1x32x128xf32, #tpu.memory_space<vmem>> -> memref<32x128xf32, #tpu.memory_space<vmem>>
    %dma_wait3A_161 = arith.constant 0 : i32
    %dma_wait3A_162 = tpu.memref_slice %arg6[%dma_wait3A_161] : memref<512xi32, #tpu.memory_space<vmem>> -> memref<32xi32, #tpu.memory_space<vmem>>
    %dma_wait3A_163 = arith.constant 0 : i32
    %dma_wait3A_164 = arith.constant 0 : i32
    %dma_wait3A_165 = tpu.memref_slice %arg4[%dma_wait3A_163, %dma_wait3A_164] : memref<1000000x128xf32, #tpu.memory_space<hbm>> -> memref<1000000x128xf32, #tpu.memory_space<hbm>>
    tpu.wait_indirect_dma semaphore(%arg11 : memref<!tpu.dma_semaphore, #tpu.memory_space<semaphore_mem>>) src(%dma_wait3A_165 : memref<1000000x128xf32, #tpu.memory_space<hbm>>) dst(%dma_wait3A_160 : memref<32x128xf32, #tpu.memory_space<vmem>>)
    %dma_wait3A_166 = arith.constant 0 : i32
    %dma_wait3A_167 = arith.constant 0 : i32
    %dma_wait3A_168 = arith.constant 0 : i32
    %dma_wait3A_169 = tpu.memref_slice %arg9[%dma_wait3A_166, %dma_wait3A_167, %dma_wait3A_168] : memref<12x32x128xf32, #tpu.memory_space<vmem>> -> memref<1x32x128xf32, #tpu.memory_space<vmem>>
    %dma_wait3A_170 = tpu.memref_squeeze %dma_wait3A_169 : memref<1x32x128xf32, #tpu.memory_space<vmem>> -> memref<32x128xf32, #tpu.memory_space<vmem>>
    %dma_wait3A_171 = arith.constant 0 : i32
    %dma_wait3A_172 = tpu.memref_slice %arg7[%dma_wait3A_171] : memref<512xi32, #tpu.memory_space<vmem>> -> memref<32xi32, #tpu.memory_space<vmem>>
    %dma_wait3A_173 = arith.constant 0 : i32
    %dma_wait3A_174 = arith.constant 0 : i32
    %dma_wait3A_175 = tpu.memref_slice %arg4[%dma_wait3A_173, %dma_wait3A_174] : memref<1000000x128xf32, #tpu.memory_space<hbm>> -> memref<1000000x128xf32, #tpu.memory_space<hbm>>
    tpu.wait_indirect_dma semaphore(%arg23 : memref<!tpu.dma_semaphore, #tpu.memory_space<semaphore_mem>>) src(%dma_wait3A_175 : memref<1000000x128xf32, #tpu.memory_space<hbm>>) dst(%dma_wait3A_170 : memref<32x128xf32, #tpu.memory_space<vmem>>)
    %parallel_loop3A = arith.constant 0 : i32
    %parallel_loop3A_176 = arith.constant 32 : i32
    %parallel_loop3A_177 = arith.constant 1 : i32
    %parallel_loop3A_178:8 = scf.for %parallel_loop3A_729 = %parallel_loop3A to %parallel_loop3A_176 step %parallel_loop3A_177 iter_args(%parallel_loop3A_730 = %broadcast_in_dim3A_122, %parallel_loop3A_731 = %broadcast_in_dim3A_124, %parallel_loop3A_732 = %broadcast_in_dim3A_126, %parallel_loop3A_733 = %broadcast_in_dim3A_128, %parallel_loop3A_734 = %broadcast_in_dim3A_130, %parallel_loop3A_735 = %broadcast_in_dim3A_132, %parallel_loop3A_736 = %broadcast_in_dim3A_134, %parallel_loop3A_737 = %broadcast_in_dim3A_136) -> (vector<16xf32>, vector<16xf32>, vector<16xf32>, vector<16xf32>, vector<16xf32>, vector<16xf32>, vector<16xf32>, vector<16xf32>)  : i32 {
      %parallel_loop3A_738 = arith.constant 0 : i32
      %parallel_loop3A_739 = arith.index_cast %parallel_loop3A_738 : i32 to index
      %parallel_loop3A_740 = arith.index_cast %parallel_loop3A_729 : i32 to index
      %parallel_loop3A_741 = arith.constant 0 : index
      %parallel_loop3A_742 = tpu.vector_load %arg8[%parallel_loop3A_739, %parallel_loop3A_740, %parallel_loop3A_741] {strides = array<i32>} : memref<12x32x128xf32, #tpu.memory_space<vmem>>, vector<1x1x16xf32>,
      %parallel_loop3A_743 = vector.shape_cast %parallel_loop3A_742 : vector<1x1x16xf32> to vector<16xf32>
      %parallel_loop3A_744 = arith.constant 0 : i32
      %parallel_loop3A_745 = arith.index_cast %parallel_loop3A_744 : i32 to index
      %parallel_loop3A_746 = arith.index_cast %parallel_loop3A_729 : i32 to index
      %parallel_loop3A_747 = arith.constant 0 : index
      %parallel_loop3A_748 = tpu.vector_load %arg9[%parallel_loop3A_745, %parallel_loop3A_746, %parallel_loop3A_747] {strides = array<i32>} : memref<12x32x128xf32, #tpu.memory_space<vmem>>, vector<1x1x16xf32>,
      %parallel_loop3A_749 = vector.shape_cast %parallel_loop3A_748 : vector<1x1x16xf32> to vector<16xf32>
      %parallel_loop3A_750 = arith.mulf %parallel_loop3A_743, %parallel_loop3A_749 : vector<16xf32>
      %parallel_loop3A_751 = arith.addf %parallel_loop3A_730, %parallel_loop3A_750 : vector<16xf32>
      %parallel_loop3A_752 = arith.constant 0 : i32
      %parallel_loop3A_753 = arith.index_cast %parallel_loop3A_752 : i32 to index
      %parallel_loop3A_754 = arith.index_cast %parallel_loop3A_729 : i32 to index
      %parallel_loop3A_755 = arith.constant 16 : index
      %parallel_loop3A_756 = tpu.vector_load %arg8[%parallel_loop3A_753, %parallel_loop3A_754, %parallel_loop3A_755] {strides = array<i32>} : memref<12x32x128xf32, #tpu.memory_space<vmem>>, vector<1x1x16xf32>,
      %parallel_loop3A_757 = vector.shape_cast %parallel_loop3A_756 : vector<1x1x16xf32> to vector<16xf32>
      %parallel_loop3A_758 = arith.constant 0 : i32
      %parallel_loop3A_759 = arith.index_cast %parallel_loop3A_758 : i32 to index
      %parallel_loop3A_760 = arith.index_cast %parallel_loop3A_729 : i32 to index
      %parallel_loop3A_761 = arith.constant 16 : index
      %parallel_loop3A_762 = tpu.vector_load %arg9[%parallel_loop3A_759, %parallel_loop3A_760, %parallel_loop3A_761] {strides = array<i32>} : memref<12x32x128xf32, #tpu.memory_space<vmem>>, vector<1x1x16xf32>,
      %parallel_loop3A_763 = vector.shape_cast %parallel_loop3A_762 : vector<1x1x16xf32> to vector<16xf32>
      %parallel_loop3A_764 = arith.mulf %parallel_loop3A_757, %parallel_loop3A_763 : vector<16xf32>
      %parallel_loop3A_765 = arith.addf %parallel_loop3A_731, %parallel_loop3A_764 : vector<16xf32>
      %parallel_loop3A_766 = arith.constant 0 : i32
      %parallel_loop3A_767 = arith.index_cast %parallel_loop3A_766 : i32 to index
      %parallel_loop3A_768 = arith.index_cast %parallel_loop3A_729 : i32 to index
      %parallel_loop3A_769 = arith.constant 32 : index
      %parallel_loop3A_770 = tpu.vector_load %arg8[%parallel_loop3A_767, %parallel_loop3A_768, %parallel_loop3A_769] {strides = array<i32>} : memref<12x32x128xf32, #tpu.memory_space<vmem>>, vector<1x1x16xf32>,
      %parallel_loop3A_771 = vector.shape_cast %parallel_loop3A_770 : vector<1x1x16xf32> to vector<16xf32>
      %parallel_loop3A_772 = arith.constant 0 : i32
      %parallel_loop3A_773 = arith.index_cast %parallel_loop3A_772 : i32 to index
      %parallel_loop3A_774 = arith.index_cast %parallel_loop3A_729 : i32 to index
      %parallel_loop3A_775 = arith.constant 32 : index
      %parallel_loop3A_776 = tpu.vector_load %arg9[%parallel_loop3A_773, %parallel_loop3A_774, %parallel_loop3A_775] {strides = array<i32>} : memref<12x32x128xf32, #tpu.memory_space<vmem>>, vector<1x1x16xf32>,
      %parallel_loop3A_777 = vector.shape_cast %parallel_loop3A_776 : vector<1x1x16xf32> to vector<16xf32>
      %parallel_loop3A_778 = arith.mulf %parallel_loop3A_771, %parallel_loop3A_777 : vector<16xf32>
      %parallel_loop3A_779 = arith.addf %parallel_loop3A_732, %parallel_loop3A_778 : vector<16xf32>
      %parallel_loop3A_780 = arith.constant 0 : i32
      %parallel_loop3A_781 = arith.index_cast %parallel_loop3A_780 : i32 to index
      %parallel_loop3A_782 = arith.index_cast %parallel_loop3A_729 : i32 to index
      %parallel_loop3A_783 = arith.constant 48 : index
      %parallel_loop3A_784 = tpu.vector_load %arg8[%parallel_loop3A_781, %parallel_loop3A_782, %parallel_loop3A_783] {strides = array<i32>} : memref<12x32x128xf32, #tpu.memory_space<vmem>>, vector<1x1x16xf32>,
      %parallel_loop3A_785 = vector.shape_cast %parallel_loop3A_784 : vector<1x1x16xf32> to vector<16xf32>
      %parallel_loop3A_786 = arith.constant 0 : i32
      %parallel_loop3A_787 = arith.index_cast %parallel_loop3A_786 : i32 to index
      %parallel_loop3A_788 = arith.index_cast %parallel_loop3A_729 : i32 to index
      %parallel_loop3A_789 = arith.constant 48 : index
      %parallel_loop3A_790 = tpu.vector_load %arg9[%parallel_loop3A_787, %parallel_loop3A_788, %parallel_loop3A_789] {strides = array<i32>} : memref<12x32x128xf32, #tpu.memory_space<vmem>>, vector<1x1x16xf32>,
      %parallel_loop3A_791 = vector.shape_cast %parallel_loop3A_790 : vector<1x1x16xf32> to vector<16xf32>
      %parallel_loop3A_792 = arith.mulf %parallel_loop3A_785, %parallel_loop3A_791 : vector<16xf32>
      %parallel_loop3A_793 = arith.addf %parallel_loop3A_733, %parallel_loop3A_792 : vector<16xf32>
      %parallel_loop3A_794 = arith.constant 0 : i32
      %parallel_loop3A_795 = arith.index_cast %parallel_loop3A_794 : i32 to index
      %parallel_loop3A_796 = arith.index_cast %parallel_loop3A_729 : i32 to index
      %parallel_loop3A_797 = arith.constant 64 : index
      %parallel_loop3A_798 = tpu.vector_load %arg8[%parallel_loop3A_795, %parallel_loop3A_796, %parallel_loop3A_797] {strides = array<i32>} : memref<12x32x128xf32, #tpu.memory_space<vmem>>, vector<1x1x16xf32>,
      %parallel_loop3A_799 = vector.shape_cast %parallel_loop3A_798 : vector<1x1x16xf32> to vector<16xf32>
      %parallel_loop3A_800 = arith.constant 0 : i32
      %parallel_loop3A_801 = arith.index_cast %parallel_loop3A_800 : i32 to index
      %parallel_loop3A_802 = arith.index_cast %parallel_loop3A_729 : i32 to index
      %parallel_loop3A_803 = arith.constant 64 : index
      %parallel_loop3A_804 = tpu.vector_load %arg9[%parallel_loop3A_801, %parallel_loop3A_802, %parallel_loop3A_803] {strides = array<i32>} : memref<12x32x128xf32, #tpu.memory_space<vmem>>, vector<1x1x16xf32>,
      %parallel_loop3A_805 = vector.shape_cast %parallel_loop3A_804 : vector<1x1x16xf32> to vector<16xf32>
      %parallel_loop3A_806 = arith.mulf %parallel_loop3A_799, %parallel_loop3A_805 : vector<16xf32>
      %parallel_loop3A_807 = arith.addf %parallel_loop3A_734, %parallel_loop3A_806 : vector<16xf32>
      %parallel_loop3A_808 = arith.constant 0 : i32
      %parallel_loop3A_809 = arith.index_cast %parallel_loop3A_808 : i32 to index
      %parallel_loop3A_810 = arith.index_cast %parallel_loop3A_729 : i32 to index
      %parallel_loop3A_811 = arith.constant 80 : index
      %parallel_loop3A_812 = tpu.vector_load %arg8[%parallel_loop3A_809, %parallel_loop3A_810, %parallel_loop3A_811] {strides = array<i32>} : memref<12x32x128xf32, #tpu.memory_space<vmem>>, vector<1x1x16xf32>,
      %parallel_loop3A_813 = vector.shape_cast %parallel_loop3A_812 : vector<1x1x16xf32> to vector<16xf32>
      %parallel_loop3A_814 = arith.constant 0 : i32
      %parallel_loop3A_815 = arith.index_cast %parallel_loop3A_814 : i32 to index
      %parallel_loop3A_816 = arith.index_cast %parallel_loop3A_729 : i32 to index
      %parallel_loop3A_817 = arith.constant 80 : index
      %parallel_loop3A_818 = tpu.vector_load %arg9[%parallel_loop3A_815, %parallel_loop3A_816, %parallel_loop3A_817] {strides = array<i32>} : memref<12x32x128xf32, #tpu.memory_space<vmem>>, vector<1x1x16xf32>,
      %parallel_loop3A_819 = vector.shape_cast %parallel_loop3A_818 : vector<1x1x16xf32> to vector<16xf32>
      %parallel_loop3A_820 = arith.mulf %parallel_loop3A_813, %parallel_loop3A_819 : vector<16xf32>
      %parallel_loop3A_821 = arith.addf %parallel_loop3A_735, %parallel_loop3A_820 : vector<16xf32>
      %parallel_loop3A_822 = arith.constant 0 : i32
      %parallel_loop3A_823 = arith.index_cast %parallel_loop3A_822 : i32 to index
      %parallel_loop3A_824 = arith.index_cast %parallel_loop3A_729 : i32 to index
      %parallel_loop3A_825 = arith.constant 96 : index
      %parallel_loop3A_826 = tpu.vector_load %arg8[%parallel_loop3A_823, %parallel_loop3A_824, %parallel_loop3A_825] {strides = array<i32>} : memref<12x32x128xf32, #tpu.memory_space<vmem>>, vector<1x1x16xf32>,
      %parallel_loop3A_827 = vector.shape_cast %parallel_loop3A_826 : vector<1x1x16xf32> to vector<16xf32>
      %parallel_loop3A_828 = arith.constant 0 : i32
      %parallel_loop3A_829 = arith.index_cast %parallel_loop3A_828 : i32 to index
      %parallel_loop3A_830 = arith.index_cast %parallel_loop3A_729 : i32 to index
      %parallel_loop3A_831 = arith.constant 96 : index
      %parallel_loop3A_832 = tpu.vector_load %arg9[%parallel_loop3A_829, %parallel_loop3A_830, %parallel_loop3A_831] {strides = array<i32>} : memref<12x32x128xf32, #tpu.memory_space<vmem>>, vector<1x1x16xf32>,
      %parallel_loop3A_833 = vector.shape_cast %parallel_loop3A_832 : vector<1x1x16xf32> to vector<16xf32>
      %parallel_loop3A_834 = arith.mulf %parallel_loop3A_827, %parallel_loop3A_833 : vector<16xf32>
      %parallel_loop3A_835 = arith.addf %parallel_loop3A_736, %parallel_loop3A_834 : vector<16xf32>
      %parallel_loop3A_836 = arith.constant 0 : i32
      %parallel_loop3A_837 = arith.index_cast %parallel_loop3A_836 : i32 to index
      %parallel_loop3A_838 = arith.index_cast %parallel_loop3A_729 : i32 to index
      %parallel_loop3A_839 = arith.constant 112 : index
      %parallel_loop3A_840 = tpu.vector_load %arg8[%parallel_loop3A_837, %parallel_loop3A_838, %parallel_loop3A_839] {strides = array<i32>} : memref<12x32x128xf32, #tpu.memory_space<vmem>>, vector<1x1x16xf32>,
      %parallel_loop3A_841 = vector.shape_cast %parallel_loop3A_840 : vector<1x1x16xf32> to vector<16xf32>
      %parallel_loop3A_842 = arith.constant 0 : i32
      %parallel_loop3A_843 = arith.index_cast %parallel_loop3A_842 : i32 to index
      %parallel_loop3A_844 = arith.index_cast %parallel_loop3A_729 : i32 to index
      %parallel_loop3A_845 = arith.constant 112 : index
      %parallel_loop3A_846 = tpu.vector_load %arg9[%parallel_loop3A_843, %parallel_loop3A_844, %parallel_loop3A_845] {strides = array<i32>} : memref<12x32x128xf32, #tpu.memory_space<vmem>>, vector<1x1x16xf32>,
      %parallel_loop3A_847 = vector.shape_cast %parallel_loop3A_846 : vector<1x1x16xf32> to vector<16xf32>
      %parallel_loop3A_848 = arith.mulf %parallel_loop3A_841, %parallel_loop3A_847 : vector<16xf32>
      %parallel_loop3A_849 = arith.addf %parallel_loop3A_737, %parallel_loop3A_848 : vector<16xf32>
      scf.yield %parallel_loop3A_751, %parallel_loop3A_765, %parallel_loop3A_779, %parallel_loop3A_793, %parallel_loop3A_807, %parallel_loop3A_821, %parallel_loop3A_835, %parallel_loop3A_849 : vector<16xf32>, vector<16xf32>, vector<16xf32>, vector<16xf32>, vector<16xf32>, vector<16xf32>, vector<16xf32>, vector<16xf32>
    } {sc.loop_unroll_factor = 4 : i64, sc.parallel_access}
    %dma_start3A_179 = arith.constant 7 : i32
    %dma_start3A_180 = arith.constant 0 : i32
    %dma_start3A_181 = arith.constant 0 : i32
    %dma_start3A_182 = tpu.memref_slice %arg8[%dma_start3A_179, %dma_start3A_180, %dma_start3A_181] : memref<12x32x128xf32, #tpu.memory_space<vmem>> -> memref<1x32x128xf32, #tpu.memory_space<vmem>>
    %dma_start3A_183 = tpu.memref_squeeze %dma_start3A_182 : memref<1x32x128xf32, #tpu.memory_space<vmem>> -> memref<32x128xf32, #tpu.memory_space<vmem>>
    %dma_start3A_184 = arith.constant 224 : i32
    %dma_start3A_185 = tpu.memref_slice %arg6[%dma_start3A_184] : memref<512xi32, #tpu.memory_space<vmem>> -> memref<32xi32, #tpu.memory_space<vmem>>
    %dma_start3A_186 = arith.constant 0 : i32
    %dma_start3A_187 = arith.constant 0 : i32
    %dma_start3A_188 = tpu.memref_slice %arg4[%dma_start3A_186, %dma_start3A_187] : memref<1000000x128xf32, #tpu.memory_space<hbm>> -> memref<1000000x128xf32, #tpu.memory_space<hbm>>
    tpu.enqueue_indirect_dma source(%dma_start3A_188 : memref<1000000x128xf32, #tpu.memory_space<hbm>>) target(%dma_start3A_183 : memref<32x128xf32, #tpu.memory_space<vmem>>) offsets(%dma_start3A_185 : memref<32xi32, #tpu.memory_space<vmem>>) semaphore(%arg18 : memref<!tpu.dma_semaphore, #tpu.memory_space<semaphore_mem>>)
    %dma_start3A_189 = arith.constant 7 : i32
    %dma_start3A_190 = arith.constant 0 : i32
    %dma_start3A_191 = arith.constant 0 : i32
    %dma_start3A_192 = tpu.memref_slice %arg9[%dma_start3A_189, %dma_start3A_190, %dma_start3A_191] : memref<12x32x128xf32, #tpu.memory_space<vmem>> -> memref<1x32x128xf32, #tpu.memory_space<vmem>>
    %dma_start3A_193 = tpu.memref_squeeze %dma_start3A_192 : memref<1x32x128xf32, #tpu.memory_space<vmem>> -> memref<32x128xf32, #tpu.memory_space<vmem>>
    %dma_start3A_194 = arith.constant 224 : i32
    %dma_start3A_195 = tpu.memref_slice %arg7[%dma_start3A_194] : memref<512xi32, #tpu.memory_space<vmem>> -> memref<32xi32, #tpu.memory_space<vmem>>
    %dma_start3A_196 = arith.constant 0 : i32
    %dma_start3A_197 = arith.constant 0 : i32
    %dma_start3A_198 = tpu.memref_slice %arg4[%dma_start3A_196, %dma_start3A_197] : memref<1000000x128xf32, #tpu.memory_space<hbm>> -> memref<1000000x128xf32, #tpu.memory_space<hbm>>
    tpu.enqueue_indirect_dma source(%dma_start3A_198 : memref<1000000x128xf32, #tpu.memory_space<hbm>>) target(%dma_start3A_193 : memref<32x128xf32, #tpu.memory_space<vmem>>) offsets(%dma_start3A_195 : memref<32xi32, #tpu.memory_space<vmem>>) semaphore(%arg30 : memref<!tpu.dma_semaphore, #tpu.memory_space<semaphore_mem>>)
    %dma_wait3A_199 = arith.constant 1 : i32
    %dma_wait3A_200 = arith.constant 0 : i32
    %dma_wait3A_201 = arith.constant 0 : i32
    %dma_wait3A_202 = tpu.memref_slice %arg8[%dma_wait3A_199, %dma_wait3A_200, %dma_wait3A_201] : memref<12x32x128xf32, #tpu.memory_space<vmem>> -> memref<1x32x128xf32, #tpu.memory_space<vmem>>
    %dma_wait3A_203 = tpu.memref_squeeze %dma_wait3A_202 : memref<1x32x128xf32, #tpu.memory_space<vmem>> -> memref<32x128xf32, #tpu.memory_space<vmem>>
    %dma_wait3A_204 = arith.constant 32 : i32
    %dma_wait3A_205 = tpu.memref_slice %arg6[%dma_wait3A_204] : memref<512xi32, #tpu.memory_space<vmem>> -> memref<32xi32, #tpu.memory_space<vmem>>
    %dma_wait3A_206 = arith.constant 0 : i32
    %dma_wait3A_207 = arith.constant 0 : i32
    %dma_wait3A_208 = tpu.memref_slice %arg4[%dma_wait3A_206, %dma_wait3A_207] : memref<1000000x128xf32, #tpu.memory_space<hbm>> -> memref<1000000x128xf32, #tpu.memory_space<hbm>>
    tpu.wait_indirect_dma semaphore(%arg12 : memref<!tpu.dma_semaphore, #tpu.memory_space<semaphore_mem>>) src(%dma_wait3A_208 : memref<1000000x128xf32, #tpu.memory_space<hbm>>) dst(%dma_wait3A_203 : memref<32x128xf32, #tpu.memory_space<vmem>>)
    %dma_wait3A_209 = arith.constant 1 : i32
    %dma_wait3A_210 = arith.constant 0 : i32
    %dma_wait3A_211 = arith.constant 0 : i32
    %dma_wait3A_212 = tpu.memref_slice %arg9[%dma_wait3A_209, %dma_wait3A_210, %dma_wait3A_211] : memref<12x32x128xf32, #tpu.memory_space<vmem>> -> memref<1x32x128xf32, #tpu.memory_space<vmem>>
    %dma_wait3A_213 = tpu.memref_squeeze %dma_wait3A_212 : memref<1x32x128xf32, #tpu.memory_space<vmem>> -> memref<32x128xf32, #tpu.memory_space<vmem>>
    %dma_wait3A_214 = arith.constant 32 : i32
    %dma_wait3A_215 = tpu.memref_slice %arg7[%dma_wait3A_214] : memref<512xi32, #tpu.memory_space<vmem>> -> memref<32xi32, #tpu.memory_space<vmem>>
    %dma_wait3A_216 = arith.constant 0 : i32
    %dma_wait3A_217 = arith.constant 0 : i32
    %dma_wait3A_218 = tpu.memref_slice %arg4[%dma_wait3A_216, %dma_wait3A_217] : memref<1000000x128xf32, #tpu.memory_space<hbm>> -> memref<1000000x128xf32, #tpu.memory_space<hbm>>
    tpu.wait_indirect_dma semaphore(%arg24 : memref<!tpu.dma_semaphore, #tpu.memory_space<semaphore_mem>>) src(%dma_wait3A_218 : memref<1000000x128xf32, #tpu.memory_space<hbm>>) dst(%dma_wait3A_213 : memref<32x128xf32, #tpu.memory_space<vmem>>)
    %parallel_loop3A_219 = arith.constant 0 : i32
    %parallel_loop3A_220 = arith.constant 32 : i32
    %parallel_loop3A_221 = arith.constant 1 : i32
    %parallel_loop3A_222:8 = scf.for %parallel_loop3A_729 = %parallel_loop3A_219 to %parallel_loop3A_220 step %parallel_loop3A_221 iter_args(%parallel_loop3A_730 = %parallel_loop3A_178#0, %parallel_loop3A_731 = %parallel_loop3A_178#1, %parallel_loop3A_732 = %parallel_loop3A_178#2, %parallel_loop3A_733 = %parallel_loop3A_178#3, %parallel_loop3A_734 = %parallel_loop3A_178#4, %parallel_loop3A_735 = %parallel_loop3A_178#5, %parallel_loop3A_736 = %parallel_loop3A_178#6, %parallel_loop3A_737 = %parallel_loop3A_178#7) -> (vector<16xf32>, vector<16xf32>, vector<16xf32>, vector<16xf32>, vector<16xf32>, vector<16xf32>, vector<16xf32>, vector<16xf32>)  : i32 {
      %parallel_loop3A_738 = arith.constant 1 : i32
      %parallel_loop3A_739 = arith.index_cast %parallel_loop3A_738 : i32 to index
      %parallel_loop3A_740 = arith.index_cast %parallel_loop3A_729 : i32 to index
      %parallel_loop3A_741 = arith.constant 0 : index
      %parallel_loop3A_742 = tpu.vector_load %arg8[%parallel_loop3A_739, %parallel_loop3A_740, %parallel_loop3A_741] {strides = array<i32>} : memref<12x32x128xf32, #tpu.memory_space<vmem>>, vector<1x1x16xf32>,
      %parallel_loop3A_743 = vector.shape_cast %parallel_loop3A_742 : vector<1x1x16xf32> to vector<16xf32>
      %parallel_loop3A_744 = arith.constant 1 : i32
      %parallel_loop3A_745 = arith.index_cast %parallel_loop3A_744 : i32 to index
      %parallel_loop3A_746 = arith.index_cast %parallel_loop3A_729 : i32 to index
      %parallel_loop3A_747 = arith.constant 0 : index
      %parallel_loop3A_748 = tpu.vector_load %arg9[%parallel_loop3A_745, %parallel_loop3A_746, %parallel_loop3A_747] {strides = array<i32>} : memref<12x32x128xf32, #tpu.memory_space<vmem>>, vector<1x1x16xf32>,
      %parallel_loop3A_749 = vector.shape_cast %parallel_loop3A_748 : vector<1x1x16xf32> to vector<16xf32>
      %parallel_loop3A_750 = arith.mulf %parallel_loop3A_743, %parallel_loop3A_749 : vector<16xf32>
      %parallel_loop3A_751 = arith.addf %parallel_loop3A_730, %parallel_loop3A_750 : vector<16xf32>
      %parallel_loop3A_752 = arith.constant 1 : i32
      %parallel_loop3A_753 = arith.index_cast %parallel_loop3A_752 : i32 to index
      %parallel_loop3A_754 = arith.index_cast %parallel_loop3A_729 : i32 to index
      %parallel_loop3A_755 = arith.constant 16 : index
      %parallel_loop3A_756 = tpu.vector_load %arg8[%parallel_loop3A_753, %parallel_loop3A_754, %parallel_loop3A_755] {strides = array<i32>} : memref<12x32x128xf32, #tpu.memory_space<vmem>>, vector<1x1x16xf32>,
      %parallel_loop3A_757 = vector.shape_cast %parallel_loop3A_756 : vector<1x1x16xf32> to vector<16xf32>
      %parallel_loop3A_758 = arith.constant 1 : i32
      %parallel_loop3A_759 = arith.index_cast %parallel_loop3A_758 : i32 to index
      %parallel_loop3A_760 = arith.index_cast %parallel_loop3A_729 : i32 to index
      %parallel_loop3A_761 = arith.constant 16 : index
      %parallel_loop3A_762 = tpu.vector_load %arg9[%parallel_loop3A_759, %parallel_loop3A_760, %parallel_loop3A_761] {strides = array<i32>} : memref<12x32x128xf32, #tpu.memory_space<vmem>>, vector<1x1x16xf32>,
      %parallel_loop3A_763 = vector.shape_cast %parallel_loop3A_762 : vector<1x1x16xf32> to vector<16xf32>
      %parallel_loop3A_764 = arith.mulf %parallel_loop3A_757, %parallel_loop3A_763 : vector<16xf32>
      %parallel_loop3A_765 = arith.addf %parallel_loop3A_731, %parallel_loop3A_764 : vector<16xf32>
      %parallel_loop3A_766 = arith.constant 1 : i32
      %parallel_loop3A_767 = arith.index_cast %parallel_loop3A_766 : i32 to index
      %parallel_loop3A_768 = arith.index_cast %parallel_loop3A_729 : i32 to index
      %parallel_loop3A_769 = arith.constant 32 : index
      %parallel_loop3A_770 = tpu.vector_load %arg8[%parallel_loop3A_767, %parallel_loop3A_768, %parallel_loop3A_769] {strides = array<i32>} : memref<12x32x128xf32, #tpu.memory_space<vmem>>, vector<1x1x16xf32>,
      %parallel_loop3A_771 = vector.shape_cast %parallel_loop3A_770 : vector<1x1x16xf32> to vector<16xf32>
      %parallel_loop3A_772 = arith.constant 1 : i32
      %parallel_loop3A_773 = arith.index_cast %parallel_loop3A_772 : i32 to index
      %parallel_loop3A_774 = arith.index_cast %parallel_loop3A_729 : i32 to index
      %parallel_loop3A_775 = arith.constant 32 : index
      %parallel_loop3A_776 = tpu.vector_load %arg9[%parallel_loop3A_773, %parallel_loop3A_774, %parallel_loop3A_775] {strides = array<i32>} : memref<12x32x128xf32, #tpu.memory_space<vmem>>, vector<1x1x16xf32>,
      %parallel_loop3A_777 = vector.shape_cast %parallel_loop3A_776 : vector<1x1x16xf32> to vector<16xf32>
      %parallel_loop3A_778 = arith.mulf %parallel_loop3A_771, %parallel_loop3A_777 : vector<16xf32>
      %parallel_loop3A_779 = arith.addf %parallel_loop3A_732, %parallel_loop3A_778 : vector<16xf32>
      %parallel_loop3A_780 = arith.constant 1 : i32
      %parallel_loop3A_781 = arith.index_cast %parallel_loop3A_780 : i32 to index
      %parallel_loop3A_782 = arith.index_cast %parallel_loop3A_729 : i32 to index
      %parallel_loop3A_783 = arith.constant 48 : index
      %parallel_loop3A_784 = tpu.vector_load %arg8[%parallel_loop3A_781, %parallel_loop3A_782, %parallel_loop3A_783] {strides = array<i32>} : memref<12x32x128xf32, #tpu.memory_space<vmem>>, vector<1x1x16xf32>,
      %parallel_loop3A_785 = vector.shape_cast %parallel_loop3A_784 : vector<1x1x16xf32> to vector<16xf32>
      %parallel_loop3A_786 = arith.constant 1 : i32
      %parallel_loop3A_787 = arith.index_cast %parallel_loop3A_786 : i32 to index
      %parallel_loop3A_788 = arith.index_cast %parallel_loop3A_729 : i32 to index
      %parallel_loop3A_789 = arith.constant 48 : index
      %parallel_loop3A_790 = tpu.vector_load %arg9[%parallel_loop3A_787, %parallel_loop3A_788, %parallel_loop3A_789] {strides = array<i32>} : memref<12x32x128xf32, #tpu.memory_space<vmem>>, vector<1x1x16xf32>,
      %parallel_loop3A_791 = vector.shape_cast %parallel_loop3A_790 : vector<1x1x16xf32> to vector<16xf32>
      %parallel_loop3A_792 = arith.mulf %parallel_loop3A_785, %parallel_loop3A_791 : vector<16xf32>
      %parallel_loop3A_793 = arith.addf %parallel_loop3A_733, %parallel_loop3A_792 : vector<16xf32>
      %parallel_loop3A_794 = arith.constant 1 : i32
      %parallel_loop3A_795 = arith.index_cast %parallel_loop3A_794 : i32 to index
      %parallel_loop3A_796 = arith.index_cast %parallel_loop3A_729 : i32 to index
      %parallel_loop3A_797 = arith.constant 64 : index
      %parallel_loop3A_798 = tpu.vector_load %arg8[%parallel_loop3A_795, %parallel_loop3A_796, %parallel_loop3A_797] {strides = array<i32>} : memref<12x32x128xf32, #tpu.memory_space<vmem>>, vector<1x1x16xf32>,
      %parallel_loop3A_799 = vector.shape_cast %parallel_loop3A_798 : vector<1x1x16xf32> to vector<16xf32>
      %parallel_loop3A_800 = arith.constant 1 : i32
      %parallel_loop3A_801 = arith.index_cast %parallel_loop3A_800 : i32 to index
      %parallel_loop3A_802 = arith.index_cast %parallel_loop3A_729 : i32 to index
      %parallel_loop3A_803 = arith.constant 64 : index
      %parallel_loop3A_804 = tpu.vector_load %arg9[%parallel_loop3A_801, %parallel_loop3A_802, %parallel_loop3A_803] {strides = array<i32>} : memref<12x32x128xf32, #tpu.memory_space<vmem>>, vector<1x1x16xf32>,
      %parallel_loop3A_805 = vector.shape_cast %parallel_loop3A_804 : vector<1x1x16xf32> to vector<16xf32>
      %parallel_loop3A_806 = arith.mulf %parallel_loop3A_799, %parallel_loop3A_805 : vector<16xf32>
      %parallel_loop3A_807 = arith.addf %parallel_loop3A_734, %parallel_loop3A_806 : vector<16xf32>
      %parallel_loop3A_808 = arith.constant 1 : i32
      %parallel_loop3A_809 = arith.index_cast %parallel_loop3A_808 : i32 to index
      %parallel_loop3A_810 = arith.index_cast %parallel_loop3A_729 : i32 to index
      %parallel_loop3A_811 = arith.constant 80 : index
      %parallel_loop3A_812 = tpu.vector_load %arg8[%parallel_loop3A_809, %parallel_loop3A_810, %parallel_loop3A_811] {strides = array<i32>} : memref<12x32x128xf32, #tpu.memory_space<vmem>>, vector<1x1x16xf32>,
      %parallel_loop3A_813 = vector.shape_cast %parallel_loop3A_812 : vector<1x1x16xf32> to vector<16xf32>
      %parallel_loop3A_814 = arith.constant 1 : i32
      %parallel_loop3A_815 = arith.index_cast %parallel_loop3A_814 : i32 to index
      %parallel_loop3A_816 = arith.index_cast %parallel_loop3A_729 : i32 to index
      %parallel_loop3A_817 = arith.constant 80 : index
      %parallel_loop3A_818 = tpu.vector_load %arg9[%parallel_loop3A_815, %parallel_loop3A_816, %parallel_loop3A_817] {strides = array<i32>} : memref<12x32x128xf32, #tpu.memory_space<vmem>>, vector<1x1x16xf32>,
      %parallel_loop3A_819 = vector.shape_cast %parallel_loop3A_818 : vector<1x1x16xf32> to vector<16xf32>
      %parallel_loop3A_820 = arith.mulf %parallel_loop3A_813, %parallel_loop3A_819 : vector<16xf32>
      %parallel_loop3A_821 = arith.addf %parallel_loop3A_735, %parallel_loop3A_820 : vector<16xf32>
      %parallel_loop3A_822 = arith.constant 1 : i32
      %parallel_loop3A_823 = arith.index_cast %parallel_loop3A_822 : i32 to index
      %parallel_loop3A_824 = arith.index_cast %parallel_loop3A_729 : i32 to index
      %parallel_loop3A_825 = arith.constant 96 : index
      %parallel_loop3A_826 = tpu.vector_load %arg8[%parallel_loop3A_823, %parallel_loop3A_824, %parallel_loop3A_825] {strides = array<i32>} : memref<12x32x128xf32, #tpu.memory_space<vmem>>, vector<1x1x16xf32>,
      %parallel_loop3A_827 = vector.shape_cast %parallel_loop3A_826 : vector<1x1x16xf32> to vector<16xf32>
      %parallel_loop3A_828 = arith.constant 1 : i32
      %parallel_loop3A_829 = arith.index_cast %parallel_loop3A_828 : i32 to index
      %parallel_loop3A_830 = arith.index_cast %parallel_loop3A_729 : i32 to index
      %parallel_loop3A_831 = arith.constant 96 : index
      %parallel_loop3A_832 = tpu.vector_load %arg9[%parallel_loop3A_829, %parallel_loop3A_830, %parallel_loop3A_831] {strides = array<i32>} : memref<12x32x128xf32, #tpu.memory_space<vmem>>, vector<1x1x16xf32>,
      %parallel_loop3A_833 = vector.shape_cast %parallel_loop3A_832 : vector<1x1x16xf32> to vector<16xf32>
      %parallel_loop3A_834 = arith.mulf %parallel_loop3A_827, %parallel_loop3A_833 : vector<16xf32>
      %parallel_loop3A_835 = arith.addf %parallel_loop3A_736, %parallel_loop3A_834 : vector<16xf32>
      %parallel_loop3A_836 = arith.constant 1 : i32
      %parallel_loop3A_837 = arith.index_cast %parallel_loop3A_836 : i32 to index
      %parallel_loop3A_838 = arith.index_cast %parallel_loop3A_729 : i32 to index
      %parallel_loop3A_839 = arith.constant 112 : index
      %parallel_loop3A_840 = tpu.vector_load %arg8[%parallel_loop3A_837, %parallel_loop3A_838, %parallel_loop3A_839] {strides = array<i32>} : memref<12x32x128xf32, #tpu.memory_space<vmem>>, vector<1x1x16xf32>,
      %parallel_loop3A_841 = vector.shape_cast %parallel_loop3A_840 : vector<1x1x16xf32> to vector<16xf32>
      %parallel_loop3A_842 = arith.constant 1 : i32
      %parallel_loop3A_843 = arith.index_cast %parallel_loop3A_842 : i32 to index
      %parallel_loop3A_844 = arith.index_cast %parallel_loop3A_729 : i32 to index
      %parallel_loop3A_845 = arith.constant 112 : index
      %parallel_loop3A_846 = tpu.vector_load %arg9[%parallel_loop3A_843, %parallel_loop3A_844, %parallel_loop3A_845] {strides = array<i32>} : memref<12x32x128xf32, #tpu.memory_space<vmem>>, vector<1x1x16xf32>,
      %parallel_loop3A_847 = vector.shape_cast %parallel_loop3A_846 : vector<1x1x16xf32> to vector<16xf32>
      %parallel_loop3A_848 = arith.mulf %parallel_loop3A_841, %parallel_loop3A_847 : vector<16xf32>
      %parallel_loop3A_849 = arith.addf %parallel_loop3A_737, %parallel_loop3A_848 : vector<16xf32>
      scf.yield %parallel_loop3A_751, %parallel_loop3A_765, %parallel_loop3A_779, %parallel_loop3A_793, %parallel_loop3A_807, %parallel_loop3A_821, %parallel_loop3A_835, %parallel_loop3A_849 : vector<16xf32>, vector<16xf32>, vector<16xf32>, vector<16xf32>, vector<16xf32>, vector<16xf32>, vector<16xf32>, vector<16xf32>
    } {sc.loop_unroll_factor = 4 : i64, sc.parallel_access}
    %dma_start3A_223 = arith.constant 8 : i32
    %dma_start3A_224 = arith.constant 0 : i32
    %dma_start3A_225 = arith.constant 0 : i32
    %dma_start3A_226 = tpu.memref_slice %arg8[%dma_start3A_223, %dma_start3A_224, %dma_start3A_225] : memref<12x32x128xf32, #tpu.memory_space<vmem>> -> memref<1x32x128xf32, #tpu.memory_space<vmem>>
    %dma_start3A_227 = tpu.memref_squeeze %dma_start3A_226 : memref<1x32x128xf32, #tpu.memory_space<vmem>> -> memref<32x128xf32, #tpu.memory_space<vmem>>
    %dma_start3A_228 = arith.constant 256 : i32
    %dma_start3A_229 = tpu.memref_slice %arg6[%dma_start3A_228] : memref<512xi32, #tpu.memory_space<vmem>> -> memref<32xi32, #tpu.memory_space<vmem>>
    %dma_start3A_230 = arith.constant 0 : i32
    %dma_start3A_231 = arith.constant 0 : i32
    %dma_start3A_232 = tpu.memref_slice %arg4[%dma_start3A_230, %dma_start3A_231] : memref<1000000x128xf32, #tpu.memory_space<hbm>> -> memref<1000000x128xf32, #tpu.memory_space<hbm>>
    tpu.enqueue_indirect_dma source(%dma_start3A_232 : memref<1000000x128xf32, #tpu.memory_space<hbm>>) target(%dma_start3A_227 : memref<32x128xf32, #tpu.memory_space<vmem>>) offsets(%dma_start3A_229 : memref<32xi32, #tpu.memory_space<vmem>>) semaphore(%arg19 : memref<!tpu.dma_semaphore, #tpu.memory_space<semaphore_mem>>)
    %dma_start3A_233 = arith.constant 8 : i32
    %dma_start3A_234 = arith.constant 0 : i32
    %dma_start3A_235 = arith.constant 0 : i32
    %dma_start3A_236 = tpu.memref_slice %arg9[%dma_start3A_233, %dma_start3A_234, %dma_start3A_235] : memref<12x32x128xf32, #tpu.memory_space<vmem>> -> memref<1x32x128xf32, #tpu.memory_space<vmem>>
    %dma_start3A_237 = tpu.memref_squeeze %dma_start3A_236 : memref<1x32x128xf32, #tpu.memory_space<vmem>> -> memref<32x128xf32, #tpu.memory_space<vmem>>
    %dma_start3A_238 = arith.constant 256 : i32
    %dma_start3A_239 = tpu.memref_slice %arg7[%dma_start3A_238] : memref<512xi32, #tpu.memory_space<vmem>> -> memref<32xi32, #tpu.memory_space<vmem>>
    %dma_start3A_240 = arith.constant 0 : i32
    %dma_start3A_241 = arith.constant 0 : i32
    %dma_start3A_242 = tpu.memref_slice %arg4[%dma_start3A_240, %dma_start3A_241] : memref<1000000x128xf32, #tpu.memory_space<hbm>> -> memref<1000000x128xf32, #tpu.memory_space<hbm>>
    tpu.enqueue_indirect_dma source(%dma_start3A_242 : memref<1000000x128xf32, #tpu.memory_space<hbm>>) target(%dma_start3A_237 : memref<32x128xf32, #tpu.memory_space<vmem>>) offsets(%dma_start3A_239 : memref<32xi32, #tpu.memory_space<vmem>>) semaphore(%arg31 : memref<!tpu.dma_semaphore, #tpu.memory_space<semaphore_mem>>)
    %dma_wait3A_243 = arith.constant 2 : i32
    %dma_wait3A_244 = arith.constant 0 : i32
    %dma_wait3A_245 = arith.constant 0 : i32
    %dma_wait3A_246 = tpu.memref_slice %arg8[%dma_wait3A_243, %dma_wait3A_244, %dma_wait3A_245] : memref<12x32x128xf32, #tpu.memory_space<vmem>> -> memref<1x32x128xf32, #tpu.memory_space<vmem>>
    %dma_wait3A_247 = tpu.memref_squeeze %dma_wait3A_246 : memref<1x32x128xf32, #tpu.memory_space<vmem>> -> memref<32x128xf32, #tpu.memory_space<vmem>>
    %dma_wait3A_248 = arith.constant 64 : i32
    %dma_wait3A_249 = tpu.memref_slice %arg6[%dma_wait3A_248] : memref<512xi32, #tpu.memory_space<vmem>> -> memref<32xi32, #tpu.memory_space<vmem>>
    %dma_wait3A_250 = arith.constant 0 : i32
    %dma_wait3A_251 = arith.constant 0 : i32
    %dma_wait3A_252 = tpu.memref_slice %arg4[%dma_wait3A_250, %dma_wait3A_251] : memref<1000000x128xf32, #tpu.memory_space<hbm>> -> memref<1000000x128xf32, #tpu.memory_space<hbm>>
    tpu.wait_indirect_dma semaphore(%arg13 : memref<!tpu.dma_semaphore, #tpu.memory_space<semaphore_mem>>) src(%dma_wait3A_252 : memref<1000000x128xf32, #tpu.memory_space<hbm>>) dst(%dma_wait3A_247 : memref<32x128xf32, #tpu.memory_space<vmem>>)
    %dma_wait3A_253 = arith.constant 2 : i32
    %dma_wait3A_254 = arith.constant 0 : i32
    %dma_wait3A_255 = arith.constant 0 : i32
    %dma_wait3A_256 = tpu.memref_slice %arg9[%dma_wait3A_253, %dma_wait3A_254, %dma_wait3A_255] : memref<12x32x128xf32, #tpu.memory_space<vmem>> -> memref<1x32x128xf32, #tpu.memory_space<vmem>>
    %dma_wait3A_257 = tpu.memref_squeeze %dma_wait3A_256 : memref<1x32x128xf32, #tpu.memory_space<vmem>> -> memref<32x128xf32, #tpu.memory_space<vmem>>
    %dma_wait3A_258 = arith.constant 64 : i32
    %dma_wait3A_259 = tpu.memref_slice %arg7[%dma_wait3A_258] : memref<512xi32, #tpu.memory_space<vmem>> -> memref<32xi32, #tpu.memory_space<vmem>>
    %dma_wait3A_260 = arith.constant 0 : i32
    %dma_wait3A_261 = arith.constant 0 : i32
    %dma_wait3A_262 = tpu.memref_slice %arg4[%dma_wait3A_260, %dma_wait3A_261] : memref<1000000x128xf32, #tpu.memory_space<hbm>> -> memref<1000000x128xf32, #tpu.memory_space<hbm>>
    tpu.wait_indirect_dma semaphore(%arg25 : memref<!tpu.dma_semaphore, #tpu.memory_space<semaphore_mem>>) src(%dma_wait3A_262 : memref<1000000x128xf32, #tpu.memory_space<hbm>>) dst(%dma_wait3A_257 : memref<32x128xf32, #tpu.memory_space<vmem>>)
    %parallel_loop3A_263 = arith.constant 0 : i32
    %parallel_loop3A_264 = arith.constant 32 : i32
    %parallel_loop3A_265 = arith.constant 1 : i32
    %parallel_loop3A_266:8 = scf.for %parallel_loop3A_729 = %parallel_loop3A_263 to %parallel_loop3A_264 step %parallel_loop3A_265 iter_args(%parallel_loop3A_730 = %parallel_loop3A_222#0, %parallel_loop3A_731 = %parallel_loop3A_222#1, %parallel_loop3A_732 = %parallel_loop3A_222#2, %parallel_loop3A_733 = %parallel_loop3A_222#3, %parallel_loop3A_734 = %parallel_loop3A_222#4, %parallel_loop3A_735 = %parallel_loop3A_222#5, %parallel_loop3A_736 = %parallel_loop3A_222#6, %parallel_loop3A_737 = %parallel_loop3A_222#7) -> (vector<16xf32>, vector<16xf32>, vector<16xf32>, vector<16xf32>, vector<16xf32>, vector<16xf32>, vector<16xf32>, vector<16xf32>)  : i32 {
      %parallel_loop3A_738 = arith.constant 2 : i32
      %parallel_loop3A_739 = arith.index_cast %parallel_loop3A_738 : i32 to index
      %parallel_loop3A_740 = arith.index_cast %parallel_loop3A_729 : i32 to index
      %parallel_loop3A_741 = arith.constant 0 : index
      %parallel_loop3A_742 = tpu.vector_load %arg8[%parallel_loop3A_739, %parallel_loop3A_740, %parallel_loop3A_741] {strides = array<i32>} : memref<12x32x128xf32, #tpu.memory_space<vmem>>, vector<1x1x16xf32>,
      %parallel_loop3A_743 = vector.shape_cast %parallel_loop3A_742 : vector<1x1x16xf32> to vector<16xf32>
      %parallel_loop3A_744 = arith.constant 2 : i32
      %parallel_loop3A_745 = arith.index_cast %parallel_loop3A_744 : i32 to index
      %parallel_loop3A_746 = arith.index_cast %parallel_loop3A_729 : i32 to index
      %parallel_loop3A_747 = arith.constant 0 : index
      %parallel_loop3A_748 = tpu.vector_load %arg9[%parallel_loop3A_745, %parallel_loop3A_746, %parallel_loop3A_747] {strides = array<i32>} : memref<12x32x128xf32, #tpu.memory_space<vmem>>, vector<1x1x16xf32>,
      %parallel_loop3A_749 = vector.shape_cast %parallel_loop3A_748 : vector<1x1x16xf32> to vector<16xf32>
      %parallel_loop3A_750 = arith.mulf %parallel_loop3A_743, %parallel_loop3A_749 : vector<16xf32>
      %parallel_loop3A_751 = arith.addf %parallel_loop3A_730, %parallel_loop3A_750 : vector<16xf32>
      %parallel_loop3A_752 = arith.constant 2 : i32
      %parallel_loop3A_753 = arith.index_cast %parallel_loop3A_752 : i32 to index
      %parallel_loop3A_754 = arith.index_cast %parallel_loop3A_729 : i32 to index
      %parallel_loop3A_755 = arith.constant 16 : index
      %parallel_loop3A_756 = tpu.vector_load %arg8[%parallel_loop3A_753, %parallel_loop3A_754, %parallel_loop3A_755] {strides = array<i32>} : memref<12x32x128xf32, #tpu.memory_space<vmem>>, vector<1x1x16xf32>,
      %parallel_loop3A_757 = vector.shape_cast %parallel_loop3A_756 : vector<1x1x16xf32> to vector<16xf32>
      %parallel_loop3A_758 = arith.constant 2 : i32
      %parallel_loop3A_759 = arith.index_cast %parallel_loop3A_758 : i32 to index
      %parallel_loop3A_760 = arith.index_cast %parallel_loop3A_729 : i32 to index
      %parallel_loop3A_761 = arith.constant 16 : index
      %parallel_loop3A_762 = tpu.vector_load %arg9[%parallel_loop3A_759, %parallel_loop3A_760, %parallel_loop3A_761] {strides = array<i32>} : memref<12x32x128xf32, #tpu.memory_space<vmem>>, vector<1x1x16xf32>,
      %parallel_loop3A_763 = vector.shape_cast %parallel_loop3A_762 : vector<1x1x16xf32> to vector<16xf32>
      %parallel_loop3A_764 = arith.mulf %parallel_loop3A_757, %parallel_loop3A_763 : vector<16xf32>
      %parallel_loop3A_765 = arith.addf %parallel_loop3A_731, %parallel_loop3A_764 : vector<16xf32>
      %parallel_loop3A_766 = arith.constant 2 : i32
      %parallel_loop3A_767 = arith.index_cast %parallel_loop3A_766 : i32 to index
      %parallel_loop3A_768 = arith.index_cast %parallel_loop3A_729 : i32 to index
      %parallel_loop3A_769 = arith.constant 32 : index
      %parallel_loop3A_770 = tpu.vector_load %arg8[%parallel_loop3A_767, %parallel_loop3A_768, %parallel_loop3A_769] {strides = array<i32>} : memref<12x32x128xf32, #tpu.memory_space<vmem>>, vector<1x1x16xf32>,
      %parallel_loop3A_771 = vector.shape_cast %parallel_loop3A_770 : vector<1x1x16xf32> to vector<16xf32>
      %parallel_loop3A_772 = arith.constant 2 : i32
      %parallel_loop3A_773 = arith.index_cast %parallel_loop3A_772 : i32 to index
      %parallel_loop3A_774 = arith.index_cast %parallel_loop3A_729 : i32 to index
      %parallel_loop3A_775 = arith.constant 32 : index
      %parallel_loop3A_776 = tpu.vector_load %arg9[%parallel_loop3A_773, %parallel_loop3A_774, %parallel_loop3A_775] {strides = array<i32>} : memref<12x32x128xf32, #tpu.memory_space<vmem>>, vector<1x1x16xf32>,
      %parallel_loop3A_777 = vector.shape_cast %parallel_loop3A_776 : vector<1x1x16xf32> to vector<16xf32>
      %parallel_loop3A_778 = arith.mulf %parallel_loop3A_771, %parallel_loop3A_777 : vector<16xf32>
      %parallel_loop3A_779 = arith.addf %parallel_loop3A_732, %parallel_loop3A_778 : vector<16xf32>
      %parallel_loop3A_780 = arith.constant 2 : i32
      %parallel_loop3A_781 = arith.index_cast %parallel_loop3A_780 : i32 to index
      %parallel_loop3A_782 = arith.index_cast %parallel_loop3A_729 : i32 to index
      %parallel_loop3A_783 = arith.constant 48 : index
      %parallel_loop3A_784 = tpu.vector_load %arg8[%parallel_loop3A_781, %parallel_loop3A_782, %parallel_loop3A_783] {strides = array<i32>} : memref<12x32x128xf32, #tpu.memory_space<vmem>>, vector<1x1x16xf32>,
      %parallel_loop3A_785 = vector.shape_cast %parallel_loop3A_784 : vector<1x1x16xf32> to vector<16xf32>
      %parallel_loop3A_786 = arith.constant 2 : i32
      %parallel_loop3A_787 = arith.index_cast %parallel_loop3A_786 : i32 to index
      %parallel_loop3A_788 = arith.index_cast %parallel_loop3A_729 : i32 to index
      %parallel_loop3A_789 = arith.constant 48 : index
      %parallel_loop3A_790 = tpu.vector_load %arg9[%parallel_loop3A_787, %parallel_loop3A_788, %parallel_loop3A_789] {strides = array<i32>} : memref<12x32x128xf32, #tpu.memory_space<vmem>>, vector<1x1x16xf32>,
      %parallel_loop3A_791 = vector.shape_cast %parallel_loop3A_790 : vector<1x1x16xf32> to vector<16xf32>
      %parallel_loop3A_792 = arith.mulf %parallel_loop3A_785, %parallel_loop3A_791 : vector<16xf32>
      %parallel_loop3A_793 = arith.addf %parallel_loop3A_733, %parallel_loop3A_792 : vector<16xf32>
      %parallel_loop3A_794 = arith.constant 2 : i32
      %parallel_loop3A_795 = arith.index_cast %parallel_loop3A_794 : i32 to index
      %parallel_loop3A_796 = arith.index_cast %parallel_loop3A_729 : i32 to index
      %parallel_loop3A_797 = arith.constant 64 : index
      %parallel_loop3A_798 = tpu.vector_load %arg8[%parallel_loop3A_795, %parallel_loop3A_796, %parallel_loop3A_797] {strides = array<i32>} : memref<12x32x128xf32, #tpu.memory_space<vmem>>, vector<1x1x16xf32>,
      %parallel_loop3A_799 = vector.shape_cast %parallel_loop3A_798 : vector<1x1x16xf32> to vector<16xf32>
      %parallel_loop3A_800 = arith.constant 2 : i32
      %parallel_loop3A_801 = arith.index_cast %parallel_loop3A_800 : i32 to index
      %parallel_loop3A_802 = arith.index_cast %parallel_loop3A_729 : i32 to index
      %parallel_loop3A_803 = arith.constant 64 : index
      %parallel_loop3A_804 = tpu.vector_load %arg9[%parallel_loop3A_801, %parallel_loop3A_802, %parallel_loop3A_803] {strides = array<i32>} : memref<12x32x128xf32, #tpu.memory_space<vmem>>, vector<1x1x16xf32>,
      %parallel_loop3A_805 = vector.shape_cast %parallel_loop3A_804 : vector<1x1x16xf32> to vector<16xf32>
      %parallel_loop3A_806 = arith.mulf %parallel_loop3A_799, %parallel_loop3A_805 : vector<16xf32>
      %parallel_loop3A_807 = arith.addf %parallel_loop3A_734, %parallel_loop3A_806 : vector<16xf32>
      %parallel_loop3A_808 = arith.constant 2 : i32
      %parallel_loop3A_809 = arith.index_cast %parallel_loop3A_808 : i32 to index
      %parallel_loop3A_810 = arith.index_cast %parallel_loop3A_729 : i32 to index
      %parallel_loop3A_811 = arith.constant 80 : index
      %parallel_loop3A_812 = tpu.vector_load %arg8[%parallel_loop3A_809, %parallel_loop3A_810, %parallel_loop3A_811] {strides = array<i32>} : memref<12x32x128xf32, #tpu.memory_space<vmem>>, vector<1x1x16xf32>,
      %parallel_loop3A_813 = vector.shape_cast %parallel_loop3A_812 : vector<1x1x16xf32> to vector<16xf32>
      %parallel_loop3A_814 = arith.constant 2 : i32
      %parallel_loop3A_815 = arith.index_cast %parallel_loop3A_814 : i32 to index
      %parallel_loop3A_816 = arith.index_cast %parallel_loop3A_729 : i32 to index
      %parallel_loop3A_817 = arith.constant 80 : index
      %parallel_loop3A_818 = tpu.vector_load %arg9[%parallel_loop3A_815, %parallel_loop3A_816, %parallel_loop3A_817] {strides = array<i32>} : memref<12x32x128xf32, #tpu.memory_space<vmem>>, vector<1x1x16xf32>,
      %parallel_loop3A_819 = vector.shape_cast %parallel_loop3A_818 : vector<1x1x16xf32> to vector<16xf32>
      %parallel_loop3A_820 = arith.mulf %parallel_loop3A_813, %parallel_loop3A_819 : vector<16xf32>
      %parallel_loop3A_821 = arith.addf %parallel_loop3A_735, %parallel_loop3A_820 : vector<16xf32>
      %parallel_loop3A_822 = arith.constant 2 : i32
      %parallel_loop3A_823 = arith.index_cast %parallel_loop3A_822 : i32 to index
      %parallel_loop3A_824 = arith.index_cast %parallel_loop3A_729 : i32 to index
      %parallel_loop3A_825 = arith.constant 96 : index
      %parallel_loop3A_826 = tpu.vector_load %arg8[%parallel_loop3A_823, %parallel_loop3A_824, %parallel_loop3A_825] {strides = array<i32>} : memref<12x32x128xf32, #tpu.memory_space<vmem>>, vector<1x1x16xf32>,
      %parallel_loop3A_827 = vector.shape_cast %parallel_loop3A_826 : vector<1x1x16xf32> to vector<16xf32>
      %parallel_loop3A_828 = arith.constant 2 : i32
      %parallel_loop3A_829 = arith.index_cast %parallel_loop3A_828 : i32 to index
      %parallel_loop3A_830 = arith.index_cast %parallel_loop3A_729 : i32 to index
      %parallel_loop3A_831 = arith.constant 96 : index
      %parallel_loop3A_832 = tpu.vector_load %arg9[%parallel_loop3A_829, %parallel_loop3A_830, %parallel_loop3A_831] {strides = array<i32>} : memref<12x32x128xf32, #tpu.memory_space<vmem>>, vector<1x1x16xf32>,
      %parallel_loop3A_833 = vector.shape_cast %parallel_loop3A_832 : vector<1x1x16xf32> to vector<16xf32>
      %parallel_loop3A_834 = arith.mulf %parallel_loop3A_827, %parallel_loop3A_833 : vector<16xf32>
      %parallel_loop3A_835 = arith.addf %parallel_loop3A_736, %parallel_loop3A_834 : vector<16xf32>
      %parallel_loop3A_836 = arith.constant 2 : i32
      %parallel_loop3A_837 = arith.index_cast %parallel_loop3A_836 : i32 to index
      %parallel_loop3A_838 = arith.index_cast %parallel_loop3A_729 : i32 to index
      %parallel_loop3A_839 = arith.constant 112 : index
      %parallel_loop3A_840 = tpu.vector_load %arg8[%parallel_loop3A_837, %parallel_loop3A_838, %parallel_loop3A_839] {strides = array<i32>} : memref<12x32x128xf32, #tpu.memory_space<vmem>>, vector<1x1x16xf32>,
      %parallel_loop3A_841 = vector.shape_cast %parallel_loop3A_840 : vector<1x1x16xf32> to vector<16xf32>
      %parallel_loop3A_842 = arith.constant 2 : i32
      %parallel_loop3A_843 = arith.index_cast %parallel_loop3A_842 : i32 to index
      %parallel_loop3A_844 = arith.index_cast %parallel_loop3A_729 : i32 to index
      %parallel_loop3A_845 = arith.constant 112 : index
      %parallel_loop3A_846 = tpu.vector_load %arg9[%parallel_loop3A_843, %parallel_loop3A_844, %parallel_loop3A_845] {strides = array<i32>} : memref<12x32x128xf32, #tpu.memory_space<vmem>>, vector<1x1x16xf32>,
      %parallel_loop3A_847 = vector.shape_cast %parallel_loop3A_846 : vector<1x1x16xf32> to vector<16xf32>
      %parallel_loop3A_848 = arith.mulf %parallel_loop3A_841, %parallel_loop3A_847 : vector<16xf32>
      %parallel_loop3A_849 = arith.addf %parallel_loop3A_737, %parallel_loop3A_848 : vector<16xf32>
      scf.yield %parallel_loop3A_751, %parallel_loop3A_765, %parallel_loop3A_779, %parallel_loop3A_793, %parallel_loop3A_807, %parallel_loop3A_821, %parallel_loop3A_835, %parallel_loop3A_849 : vector<16xf32>, vector<16xf32>, vector<16xf32>, vector<16xf32>, vector<16xf32>, vector<16xf32>, vector<16xf32>, vector<16xf32>
    } {sc.loop_unroll_factor = 4 : i64, sc.parallel_access}
    %dma_start3A_267 = arith.constant 9 : i32
    %dma_start3A_268 = arith.constant 0 : i32
    %dma_start3A_269 = arith.constant 0 : i32
    %dma_start3A_270 = tpu.memref_slice %arg8[%dma_start3A_267, %dma_start3A_268, %dma_start3A_269] : memref<12x32x128xf32, #tpu.memory_space<vmem>> -> memref<1x32x128xf32, #tpu.memory_space<vmem>>
    %dma_start3A_271 = tpu.memref_squeeze %dma_start3A_270 : memref<1x32x128xf32, #tpu.memory_space<vmem>> -> memref<32x128xf32, #tpu.memory_space<vmem>>
    %dma_start3A_272 = arith.constant 288 : i32
    %dma_start3A_273 = tpu.memref_slice %arg6[%dma_start3A_272] : memref<512xi32, #tpu.memory_space<vmem>> -> memref<32xi32, #tpu.memory_space<vmem>>
    %dma_start3A_274 = arith.constant 0 : i32
    %dma_start3A_275 = arith.constant 0 : i32
    %dma_start3A_276 = tpu.memref_slice %arg4[%dma_start3A_274, %dma_start3A_275] : memref<1000000x128xf32, #tpu.memory_space<hbm>> -> memref<1000000x128xf32, #tpu.memory_space<hbm>>
    tpu.enqueue_indirect_dma source(%dma_start3A_276 : memref<1000000x128xf32, #tpu.memory_space<hbm>>) target(%dma_start3A_271 : memref<32x128xf32, #tpu.memory_space<vmem>>) offsets(%dma_start3A_273 : memref<32xi32, #tpu.memory_space<vmem>>) semaphore(%arg20 : memref<!tpu.dma_semaphore, #tpu.memory_space<semaphore_mem>>)
    %dma_start3A_277 = arith.constant 9 : i32
    %dma_start3A_278 = arith.constant 0 : i32
    %dma_start3A_279 = arith.constant 0 : i32
    %dma_start3A_280 = tpu.memref_slice %arg9[%dma_start3A_277, %dma_start3A_278, %dma_start3A_279] : memref<12x32x128xf32, #tpu.memory_space<vmem>> -> memref<1x32x128xf32, #tpu.memory_space<vmem>>
    %dma_start3A_281 = tpu.memref_squeeze %dma_start3A_280 : memref<1x32x128xf32, #tpu.memory_space<vmem>> -> memref<32x128xf32, #tpu.memory_space<vmem>>
    %dma_start3A_282 = arith.constant 288 : i32
    %dma_start3A_283 = tpu.memref_slice %arg7[%dma_start3A_282] : memref<512xi32, #tpu.memory_space<vmem>> -> memref<32xi32, #tpu.memory_space<vmem>>
    %dma_start3A_284 = arith.constant 0 : i32
    %dma_start3A_285 = arith.constant 0 : i32
    %dma_start3A_286 = tpu.memref_slice %arg4[%dma_start3A_284, %dma_start3A_285] : memref<1000000x128xf32, #tpu.memory_space<hbm>> -> memref<1000000x128xf32, #tpu.memory_space<hbm>>
    tpu.enqueue_indirect_dma source(%dma_start3A_286 : memref<1000000x128xf32, #tpu.memory_space<hbm>>) target(%dma_start3A_281 : memref<32x128xf32, #tpu.memory_space<vmem>>) offsets(%dma_start3A_283 : memref<32xi32, #tpu.memory_space<vmem>>) semaphore(%arg32 : memref<!tpu.dma_semaphore, #tpu.memory_space<semaphore_mem>>)
    %dma_wait3A_287 = arith.constant 3 : i32
    %dma_wait3A_288 = arith.constant 0 : i32
    %dma_wait3A_289 = arith.constant 0 : i32
    %dma_wait3A_290 = tpu.memref_slice %arg8[%dma_wait3A_287, %dma_wait3A_288, %dma_wait3A_289] : memref<12x32x128xf32, #tpu.memory_space<vmem>> -> memref<1x32x128xf32, #tpu.memory_space<vmem>>
    %dma_wait3A_291 = tpu.memref_squeeze %dma_wait3A_290 : memref<1x32x128xf32, #tpu.memory_space<vmem>> -> memref<32x128xf32, #tpu.memory_space<vmem>>
    %dma_wait3A_292 = arith.constant 96 : i32
    %dma_wait3A_293 = tpu.memref_slice %arg6[%dma_wait3A_292] : memref<512xi32, #tpu.memory_space<vmem>> -> memref<32xi32, #tpu.memory_space<vmem>>
    %dma_wait3A_294 = arith.constant 0 : i32
    %dma_wait3A_295 = arith.constant 0 : i32
    %dma_wait3A_296 = tpu.memref_slice %arg4[%dma_wait3A_294, %dma_wait3A_295] : memref<1000000x128xf32, #tpu.memory_space<hbm>> -> memref<1000000x128xf32, #tpu.memory_space<hbm>>
    tpu.wait_indirect_dma semaphore(%arg14 : memref<!tpu.dma_semaphore, #tpu.memory_space<semaphore_mem>>) src(%dma_wait3A_296 : memref<1000000x128xf32, #tpu.memory_space<hbm>>) dst(%dma_wait3A_291 : memref<32x128xf32, #tpu.memory_space<vmem>>)
    %dma_wait3A_297 = arith.constant 3 : i32
    %dma_wait3A_298 = arith.constant 0 : i32
    %dma_wait3A_299 = arith.constant 0 : i32
    %dma_wait3A_300 = tpu.memref_slice %arg9[%dma_wait3A_297, %dma_wait3A_298, %dma_wait3A_299] : memref<12x32x128xf32, #tpu.memory_space<vmem>> -> memref<1x32x128xf32, #tpu.memory_space<vmem>>
    %dma_wait3A_301 = tpu.memref_squeeze %dma_wait3A_300 : memref<1x32x128xf32, #tpu.memory_space<vmem>> -> memref<32x128xf32, #tpu.memory_space<vmem>>
    %dma_wait3A_302 = arith.constant 96 : i32
    %dma_wait3A_303 = tpu.memref_slice %arg7[%dma_wait3A_302] : memref<512xi32, #tpu.memory_space<vmem>> -> memref<32xi32, #tpu.memory_space<vmem>>
    %dma_wait3A_304 = arith.constant 0 : i32
    %dma_wait3A_305 = arith.constant 0 : i32
    %dma_wait3A_306 = tpu.memref_slice %arg4[%dma_wait3A_304, %dma_wait3A_305] : memref<1000000x128xf32, #tpu.memory_space<hbm>> -> memref<1000000x128xf32, #tpu.memory_space<hbm>>
    tpu.wait_indirect_dma semaphore(%arg26 : memref<!tpu.dma_semaphore, #tpu.memory_space<semaphore_mem>>) src(%dma_wait3A_306 : memref<1000000x128xf32, #tpu.memory_space<hbm>>) dst(%dma_wait3A_301 : memref<32x128xf32, #tpu.memory_space<vmem>>)
    %parallel_loop3A_307 = arith.constant 0 : i32
    %parallel_loop3A_308 = arith.constant 32 : i32
    %parallel_loop3A_309 = arith.constant 1 : i32
    %parallel_loop3A_310:8 = scf.for %parallel_loop3A_729 = %parallel_loop3A_307 to %parallel_loop3A_308 step %parallel_loop3A_309 iter_args(%parallel_loop3A_730 = %parallel_loop3A_266#0, %parallel_loop3A_731 = %parallel_loop3A_266#1, %parallel_loop3A_732 = %parallel_loop3A_266#2, %parallel_loop3A_733 = %parallel_loop3A_266#3, %parallel_loop3A_734 = %parallel_loop3A_266#4, %parallel_loop3A_735 = %parallel_loop3A_266#5, %parallel_loop3A_736 = %parallel_loop3A_266#6, %parallel_loop3A_737 = %parallel_loop3A_266#7) -> (vector<16xf32>, vector<16xf32>, vector<16xf32>, vector<16xf32>, vector<16xf32>, vector<16xf32>, vector<16xf32>, vector<16xf32>)  : i32 {
      %parallel_loop3A_738 = arith.constant 3 : i32
      %parallel_loop3A_739 = arith.index_cast %parallel_loop3A_738 : i32 to index
      %parallel_loop3A_740 = arith.index_cast %parallel_loop3A_729 : i32 to index
      %parallel_loop3A_741 = arith.constant 0 : index
      %parallel_loop3A_742 = tpu.vector_load %arg8[%parallel_loop3A_739, %parallel_loop3A_740, %parallel_loop3A_741] {strides = array<i32>} : memref<12x32x128xf32, #tpu.memory_space<vmem>>, vector<1x1x16xf32>,
      %parallel_loop3A_743 = vector.shape_cast %parallel_loop3A_742 : vector<1x1x16xf32> to vector<16xf32>
      %parallel_loop3A_744 = arith.constant 3 : i32
      %parallel_loop3A_745 = arith.index_cast %parallel_loop3A_744 : i32 to index
      %parallel_loop3A_746 = arith.index_cast %parallel_loop3A_729 : i32 to index
      %parallel_loop3A_747 = arith.constant 0 : index
      %parallel_loop3A_748 = tpu.vector_load %arg9[%parallel_loop3A_745, %parallel_loop3A_746, %parallel_loop3A_747] {strides = array<i32>} : memref<12x32x128xf32, #tpu.memory_space<vmem>>, vector<1x1x16xf32>,
      %parallel_loop3A_749 = vector.shape_cast %parallel_loop3A_748 : vector<1x1x16xf32> to vector<16xf32>
      %parallel_loop3A_750 = arith.mulf %parallel_loop3A_743, %parallel_loop3A_749 : vector<16xf32>
      %parallel_loop3A_751 = arith.addf %parallel_loop3A_730, %parallel_loop3A_750 : vector<16xf32>
      %parallel_loop3A_752 = arith.constant 3 : i32
      %parallel_loop3A_753 = arith.index_cast %parallel_loop3A_752 : i32 to index
      %parallel_loop3A_754 = arith.index_cast %parallel_loop3A_729 : i32 to index
      %parallel_loop3A_755 = arith.constant 16 : index
      %parallel_loop3A_756 = tpu.vector_load %arg8[%parallel_loop3A_753, %parallel_loop3A_754, %parallel_loop3A_755] {strides = array<i32>} : memref<12x32x128xf32, #tpu.memory_space<vmem>>, vector<1x1x16xf32>,
      %parallel_loop3A_757 = vector.shape_cast %parallel_loop3A_756 : vector<1x1x16xf32> to vector<16xf32>
      %parallel_loop3A_758 = arith.constant 3 : i32
      %parallel_loop3A_759 = arith.index_cast %parallel_loop3A_758 : i32 to index
      %parallel_loop3A_760 = arith.index_cast %parallel_loop3A_729 : i32 to index
      %parallel_loop3A_761 = arith.constant 16 : index
      %parallel_loop3A_762 = tpu.vector_load %arg9[%parallel_loop3A_759, %parallel_loop3A_760, %parallel_loop3A_761] {strides = array<i32>} : memref<12x32x128xf32, #tpu.memory_space<vmem>>, vector<1x1x16xf32>,
      %parallel_loop3A_763 = vector.shape_cast %parallel_loop3A_762 : vector<1x1x16xf32> to vector<16xf32>
      %parallel_loop3A_764 = arith.mulf %parallel_loop3A_757, %parallel_loop3A_763 : vector<16xf32>
      %parallel_loop3A_765 = arith.addf %parallel_loop3A_731, %parallel_loop3A_764 : vector<16xf32>
      %parallel_loop3A_766 = arith.constant 3 : i32
      %parallel_loop3A_767 = arith.index_cast %parallel_loop3A_766 : i32 to index
      %parallel_loop3A_768 = arith.index_cast %parallel_loop3A_729 : i32 to index
      %parallel_loop3A_769 = arith.constant 32 : index
      %parallel_loop3A_770 = tpu.vector_load %arg8[%parallel_loop3A_767, %parallel_loop3A_768, %parallel_loop3A_769] {strides = array<i32>} : memref<12x32x128xf32, #tpu.memory_space<vmem>>, vector<1x1x16xf32>,
      %parallel_loop3A_771 = vector.shape_cast %parallel_loop3A_770 : vector<1x1x16xf32> to vector<16xf32>
      %parallel_loop3A_772 = arith.constant 3 : i32
      %parallel_loop3A_773 = arith.index_cast %parallel_loop3A_772 : i32 to index
      %parallel_loop3A_774 = arith.index_cast %parallel_loop3A_729 : i32 to index
      %parallel_loop3A_775 = arith.constant 32 : index
      %parallel_loop3A_776 = tpu.vector_load %arg9[%parallel_loop3A_773, %parallel_loop3A_774, %parallel_loop3A_775] {strides = array<i32>} : memref<12x32x128xf32, #tpu.memory_space<vmem>>, vector<1x1x16xf32>,
      %parallel_loop3A_777 = vector.shape_cast %parallel_loop3A_776 : vector<1x1x16xf32> to vector<16xf32>
      %parallel_loop3A_778 = arith.mulf %parallel_loop3A_771, %parallel_loop3A_777 : vector<16xf32>
      %parallel_loop3A_779 = arith.addf %parallel_loop3A_732, %parallel_loop3A_778 : vector<16xf32>
      %parallel_loop3A_780 = arith.constant 3 : i32
      %parallel_loop3A_781 = arith.index_cast %parallel_loop3A_780 : i32 to index
      %parallel_loop3A_782 = arith.index_cast %parallel_loop3A_729 : i32 to index
      %parallel_loop3A_783 = arith.constant 48 : index
      %parallel_loop3A_784 = tpu.vector_load %arg8[%parallel_loop3A_781, %parallel_loop3A_782, %parallel_loop3A_783] {strides = array<i32>} : memref<12x32x128xf32, #tpu.memory_space<vmem>>, vector<1x1x16xf32>,
      %parallel_loop3A_785 = vector.shape_cast %parallel_loop3A_784 : vector<1x1x16xf32> to vector<16xf32>
      %parallel_loop3A_786 = arith.constant 3 : i32
      %parallel_loop3A_787 = arith.index_cast %parallel_loop3A_786 : i32 to index
      %parallel_loop3A_788 = arith.index_cast %parallel_loop3A_729 : i32 to index
      %parallel_loop3A_789 = arith.constant 48 : index
      %parallel_loop3A_790 = tpu.vector_load %arg9[%parallel_loop3A_787, %parallel_loop3A_788, %parallel_loop3A_789] {strides = array<i32>} : memref<12x32x128xf32, #tpu.memory_space<vmem>>, vector<1x1x16xf32>,
      %parallel_loop3A_791 = vector.shape_cast %parallel_loop3A_790 : vector<1x1x16xf32> to vector<16xf32>
      %parallel_loop3A_792 = arith.mulf %parallel_loop3A_785, %parallel_loop3A_791 : vector<16xf32>
      %parallel_loop3A_793 = arith.addf %parallel_loop3A_733, %parallel_loop3A_792 : vector<16xf32>
      %parallel_loop3A_794 = arith.constant 3 : i32
      %parallel_loop3A_795 = arith.index_cast %parallel_loop3A_794 : i32 to index
      %parallel_loop3A_796 = arith.index_cast %parallel_loop3A_729 : i32 to index
      %parallel_loop3A_797 = arith.constant 64 : index
      %parallel_loop3A_798 = tpu.vector_load %arg8[%parallel_loop3A_795, %parallel_loop3A_796, %parallel_loop3A_797] {strides = array<i32>} : memref<12x32x128xf32, #tpu.memory_space<vmem>>, vector<1x1x16xf32>,
      %parallel_loop3A_799 = vector.shape_cast %parallel_loop3A_798 : vector<1x1x16xf32> to vector<16xf32>
      %parallel_loop3A_800 = arith.constant 3 : i32
      %parallel_loop3A_801 = arith.index_cast %parallel_loop3A_800 : i32 to index
      %parallel_loop3A_802 = arith.index_cast %parallel_loop3A_729 : i32 to index
      %parallel_loop3A_803 = arith.constant 64 : index
      %parallel_loop3A_804 = tpu.vector_load %arg9[%parallel_loop3A_801, %parallel_loop3A_802, %parallel_loop3A_803] {strides = array<i32>} : memref<12x32x128xf32, #tpu.memory_space<vmem>>, vector<1x1x16xf32>,
      %parallel_loop3A_805 = vector.shape_cast %parallel_loop3A_804 : vector<1x1x16xf32> to vector<16xf32>
      %parallel_loop3A_806 = arith.mulf %parallel_loop3A_799, %parallel_loop3A_805 : vector<16xf32>
      %parallel_loop3A_807 = arith.addf %parallel_loop3A_734, %parallel_loop3A_806 : vector<16xf32>
      %parallel_loop3A_808 = arith.constant 3 : i32
      %parallel_loop3A_809 = arith.index_cast %parallel_loop3A_808 : i32 to index
      %parallel_loop3A_810 = arith.index_cast %parallel_loop3A_729 : i32 to index
      %parallel_loop3A_811 = arith.constant 80 : index
      %parallel_loop3A_812 = tpu.vector_load %arg8[%parallel_loop3A_809, %parallel_loop3A_810, %parallel_loop3A_811] {strides = array<i32>} : memref<12x32x128xf32, #tpu.memory_space<vmem>>, vector<1x1x16xf32>,
      %parallel_loop3A_813 = vector.shape_cast %parallel_loop3A_812 : vector<1x1x16xf32> to vector<16xf32>
      %parallel_loop3A_814 = arith.constant 3 : i32
      %parallel_loop3A_815 = arith.index_cast %parallel_loop3A_814 : i32 to index
      %parallel_loop3A_816 = arith.index_cast %parallel_loop3A_729 : i32 to index
      %parallel_loop3A_817 = arith.constant 80 : index
      %parallel_loop3A_818 = tpu.vector_load %arg9[%parallel_loop3A_815, %parallel_loop3A_816, %parallel_loop3A_817] {strides = array<i32>} : memref<12x32x128xf32, #tpu.memory_space<vmem>>, vector<1x1x16xf32>,
      %parallel_loop3A_819 = vector.shape_cast %parallel_loop3A_818 : vector<1x1x16xf32> to vector<16xf32>
      %parallel_loop3A_820 = arith.mulf %parallel_loop3A_813, %parallel_loop3A_819 : vector<16xf32>
      %parallel_loop3A_821 = arith.addf %parallel_loop3A_735, %parallel_loop3A_820 : vector<16xf32>
      %parallel_loop3A_822 = arith.constant 3 : i32
      %parallel_loop3A_823 = arith.index_cast %parallel_loop3A_822 : i32 to index
      %parallel_loop3A_824 = arith.index_cast %parallel_loop3A_729 : i32 to index
      %parallel_loop3A_825 = arith.constant 96 : index
      %parallel_loop3A_826 = tpu.vector_load %arg8[%parallel_loop3A_823, %parallel_loop3A_824, %parallel_loop3A_825] {strides = array<i32>} : memref<12x32x128xf32, #tpu.memory_space<vmem>>, vector<1x1x16xf32>,
      %parallel_loop3A_827 = vector.shape_cast %parallel_loop3A_826 : vector<1x1x16xf32> to vector<16xf32>
      %parallel_loop3A_828 = arith.constant 3 : i32
      %parallel_loop3A_829 = arith.index_cast %parallel_loop3A_828 : i32 to index
      %parallel_loop3A_830 = arith.index_cast %parallel_loop3A_729 : i32 to index
      %parallel_loop3A_831 = arith.constant 96 : index
      %parallel_loop3A_832 = tpu.vector_load %arg9[%parallel_loop3A_829, %parallel_loop3A_830, %parallel_loop3A_831] {strides = array<i32>} : memref<12x32x128xf32, #tpu.memory_space<vmem>>, vector<1x1x16xf32>,
      %parallel_loop3A_833 = vector.shape_cast %parallel_loop3A_832 : vector<1x1x16xf32> to vector<16xf32>
      %parallel_loop3A_834 = arith.mulf %parallel_loop3A_827, %parallel_loop3A_833 : vector<16xf32>
      %parallel_loop3A_835 = arith.addf %parallel_loop3A_736, %parallel_loop3A_834 : vector<16xf32>
      %parallel_loop3A_836 = arith.constant 3 : i32
      %parallel_loop3A_837 = arith.index_cast %parallel_loop3A_836 : i32 to index
      %parallel_loop3A_838 = arith.index_cast %parallel_loop3A_729 : i32 to index
      %parallel_loop3A_839 = arith.constant 112 : index
      %parallel_loop3A_840 = tpu.vector_load %arg8[%parallel_loop3A_837, %parallel_loop3A_838, %parallel_loop3A_839] {strides = array<i32>} : memref<12x32x128xf32, #tpu.memory_space<vmem>>, vector<1x1x16xf32>,
      %parallel_loop3A_841 = vector.shape_cast %parallel_loop3A_840 : vector<1x1x16xf32> to vector<16xf32>
      %parallel_loop3A_842 = arith.constant 3 : i32
      %parallel_loop3A_843 = arith.index_cast %parallel_loop3A_842 : i32 to index
      %parallel_loop3A_844 = arith.index_cast %parallel_loop3A_729 : i32 to index
      %parallel_loop3A_845 = arith.constant 112 : index
      %parallel_loop3A_846 = tpu.vector_load %arg9[%parallel_loop3A_843, %parallel_loop3A_844, %parallel_loop3A_845] {strides = array<i32>} : memref<12x32x128xf32, #tpu.memory_space<vmem>>, vector<1x1x16xf32>,
      %parallel_loop3A_847 = vector.shape_cast %parallel_loop3A_846 : vector<1x1x16xf32> to vector<16xf32>
      %parallel_loop3A_848 = arith.mulf %parallel_loop3A_841, %parallel_loop3A_847 : vector<16xf32>
      %parallel_loop3A_849 = arith.addf %parallel_loop3A_737, %parallel_loop3A_848 : vector<16xf32>
      scf.yield %parallel_loop3A_751, %parallel_loop3A_765, %parallel_loop3A_779, %parallel_loop3A_793, %parallel_loop3A_807, %parallel_loop3A_821, %parallel_loop3A_835, %parallel_loop3A_849 : vector<16xf32>, vector<16xf32>, vector<16xf32>, vector<16xf32>, vector<16xf32>, vector<16xf32>, vector<16xf32>, vector<16xf32>
    } {sc.loop_unroll_factor = 4 : i64, sc.parallel_access}
    %dma_start3A_311 = arith.constant 10 : i32
    %dma_start3A_312 = arith.constant 0 : i32
    %dma_start3A_313 = arith.constant 0 : i32
    %dma_start3A_314 = tpu.memref_slice %arg8[%dma_start3A_311, %dma_start3A_312, %dma_start3A_313] : memref<12x32x128xf32, #tpu.memory_space<vmem>> -> memref<1x32x128xf32, #tpu.memory_space<vmem>>
    %dma_start3A_315 = tpu.memref_squeeze %dma_start3A_314 : memref<1x32x128xf32, #tpu.memory_space<vmem>> -> memref<32x128xf32, #tpu.memory_space<vmem>>
    %dma_start3A_316 = arith.constant 320 : i32
    %dma_start3A_317 = tpu.memref_slice %arg6[%dma_start3A_316] : memref<512xi32, #tpu.memory_space<vmem>> -> memref<32xi32, #tpu.memory_space<vmem>>
    %dma_start3A_318 = arith.constant 0 : i32
    %dma_start3A_319 = arith.constant 0 : i32
    %dma_start3A_320 = tpu.memref_slice %arg4[%dma_start3A_318, %dma_start3A_319] : memref<1000000x128xf32, #tpu.memory_space<hbm>> -> memref<1000000x128xf32, #tpu.memory_space<hbm>>
    tpu.enqueue_indirect_dma source(%dma_start3A_320 : memref<1000000x128xf32, #tpu.memory_space<hbm>>) target(%dma_start3A_315 : memref<32x128xf32, #tpu.memory_space<vmem>>) offsets(%dma_start3A_317 : memref<32xi32, #tpu.memory_space<vmem>>) semaphore(%arg21 : memref<!tpu.dma_semaphore, #tpu.memory_space<semaphore_mem>>)
    %dma_start3A_321 = arith.constant 10 : i32
    %dma_start3A_322 = arith.constant 0 : i32
    %dma_start3A_323 = arith.constant 0 : i32
    %dma_start3A_324 = tpu.memref_slice %arg9[%dma_start3A_321, %dma_start3A_322, %dma_start3A_323] : memref<12x32x128xf32, #tpu.memory_space<vmem>> -> memref<1x32x128xf32, #tpu.memory_space<vmem>>
    %dma_start3A_325 = tpu.memref_squeeze %dma_start3A_324 : memref<1x32x128xf32, #tpu.memory_space<vmem>> -> memref<32x128xf32, #tpu.memory_space<vmem>>
    %dma_start3A_326 = arith.constant 320 : i32
    %dma_start3A_327 = tpu.memref_slice %arg7[%dma_start3A_326] : memref<512xi32, #tpu.memory_space<vmem>> -> memref<32xi32, #tpu.memory_space<vmem>>
    %dma_start3A_328 = arith.constant 0 : i32
    %dma_start3A_329 = arith.constant 0 : i32
    %dma_start3A_330 = tpu.memref_slice %arg4[%dma_start3A_328, %dma_start3A_329] : memref<1000000x128xf32, #tpu.memory_space<hbm>> -> memref<1000000x128xf32, #tpu.memory_space<hbm>>
    tpu.enqueue_indirect_dma source(%dma_start3A_330 : memref<1000000x128xf32, #tpu.memory_space<hbm>>) target(%dma_start3A_325 : memref<32x128xf32, #tpu.memory_space<vmem>>) offsets(%dma_start3A_327 : memref<32xi32, #tpu.memory_space<vmem>>) semaphore(%arg33 : memref<!tpu.dma_semaphore, #tpu.memory_space<semaphore_mem>>)
    %dma_wait3A_331 = arith.constant 4 : i32
    %dma_wait3A_332 = arith.constant 0 : i32
    %dma_wait3A_333 = arith.constant 0 : i32
    %dma_wait3A_334 = tpu.memref_slice %arg8[%dma_wait3A_331, %dma_wait3A_332, %dma_wait3A_333] : memref<12x32x128xf32, #tpu.memory_space<vmem>> -> memref<1x32x128xf32, #tpu.memory_space<vmem>>
    %dma_wait3A_335 = tpu.memref_squeeze %dma_wait3A_334 : memref<1x32x128xf32, #tpu.memory_space<vmem>> -> memref<32x128xf32, #tpu.memory_space<vmem>>
    %dma_wait3A_336 = arith.constant 128 : i32
    %dma_wait3A_337 = tpu.memref_slice %arg6[%dma_wait3A_336] : memref<512xi32, #tpu.memory_space<vmem>> -> memref<32xi32, #tpu.memory_space<vmem>>
    %dma_wait3A_338 = arith.constant 0 : i32
    %dma_wait3A_339 = arith.constant 0 : i32
    %dma_wait3A_340 = tpu.memref_slice %arg4[%dma_wait3A_338, %dma_wait3A_339] : memref<1000000x128xf32, #tpu.memory_space<hbm>> -> memref<1000000x128xf32, #tpu.memory_space<hbm>>
    tpu.wait_indirect_dma semaphore(%arg15 : memref<!tpu.dma_semaphore, #tpu.memory_space<semaphore_mem>>) src(%dma_wait3A_340 : memref<1000000x128xf32, #tpu.memory_space<hbm>>) dst(%dma_wait3A_335 : memref<32x128xf32, #tpu.memory_space<vmem>>)
    %dma_wait3A_341 = arith.constant 4 : i32
    %dma_wait3A_342 = arith.constant 0 : i32
    %dma_wait3A_343 = arith.constant 0 : i32
    %dma_wait3A_344 = tpu.memref_slice %arg9[%dma_wait3A_341, %dma_wait3A_342, %dma_wait3A_343] : memref<12x32x128xf32, #tpu.memory_space<vmem>> -> memref<1x32x128xf32, #tpu.memory_space<vmem>>
    %dma_wait3A_345 = tpu.memref_squeeze %dma_wait3A_344 : memref<1x32x128xf32, #tpu.memory_space<vmem>> -> memref<32x128xf32, #tpu.memory_space<vmem>>
    %dma_wait3A_346 = arith.constant 128 : i32
    %dma_wait3A_347 = tpu.memref_slice %arg7[%dma_wait3A_346] : memref<512xi32, #tpu.memory_space<vmem>> -> memref<32xi32, #tpu.memory_space<vmem>>
    %dma_wait3A_348 = arith.constant 0 : i32
    %dma_wait3A_349 = arith.constant 0 : i32
    %dma_wait3A_350 = tpu.memref_slice %arg4[%dma_wait3A_348, %dma_wait3A_349] : memref<1000000x128xf32, #tpu.memory_space<hbm>> -> memref<1000000x128xf32, #tpu.memory_space<hbm>>
    tpu.wait_indirect_dma semaphore(%arg27 : memref<!tpu.dma_semaphore, #tpu.memory_space<semaphore_mem>>) src(%dma_wait3A_350 : memref<1000000x128xf32, #tpu.memory_space<hbm>>) dst(%dma_wait3A_345 : memref<32x128xf32, #tpu.memory_space<vmem>>)
    %parallel_loop3A_351 = arith.constant 0 : i32
    %parallel_loop3A_352 = arith.constant 32 : i32
    %parallel_loop3A_353 = arith.constant 1 : i32
    %parallel_loop3A_354:8 = scf.for %parallel_loop3A_729 = %parallel_loop3A_351 to %parallel_loop3A_352 step %parallel_loop3A_353 iter_args(%parallel_loop3A_730 = %parallel_loop3A_310#0, %parallel_loop3A_731 = %parallel_loop3A_310#1, %parallel_loop3A_732 = %parallel_loop3A_310#2, %parallel_loop3A_733 = %parallel_loop3A_310#3, %parallel_loop3A_734 = %parallel_loop3A_310#4, %parallel_loop3A_735 = %parallel_loop3A_310#5, %parallel_loop3A_736 = %parallel_loop3A_310#6, %parallel_loop3A_737 = %parallel_loop3A_310#7) -> (vector<16xf32>, vector<16xf32>, vector<16xf32>, vector<16xf32>, vector<16xf32>, vector<16xf32>, vector<16xf32>, vector<16xf32>)  : i32 {
      %parallel_loop3A_738 = arith.constant 4 : i32
      %parallel_loop3A_739 = arith.index_cast %parallel_loop3A_738 : i32 to index
      %parallel_loop3A_740 = arith.index_cast %parallel_loop3A_729 : i32 to index
      %parallel_loop3A_741 = arith.constant 0 : index
      %parallel_loop3A_742 = tpu.vector_load %arg8[%parallel_loop3A_739, %parallel_loop3A_740, %parallel_loop3A_741] {strides = array<i32>} : memref<12x32x128xf32, #tpu.memory_space<vmem>>, vector<1x1x16xf32>,
      %parallel_loop3A_743 = vector.shape_cast %parallel_loop3A_742 : vector<1x1x16xf32> to vector<16xf32>
      %parallel_loop3A_744 = arith.constant 4 : i32
      %parallel_loop3A_745 = arith.index_cast %parallel_loop3A_744 : i32 to index
      %parallel_loop3A_746 = arith.index_cast %parallel_loop3A_729 : i32 to index
      %parallel_loop3A_747 = arith.constant 0 : index
      %parallel_loop3A_748 = tpu.vector_load %arg9[%parallel_loop3A_745, %parallel_loop3A_746, %parallel_loop3A_747] {strides = array<i32>} : memref<12x32x128xf32, #tpu.memory_space<vmem>>, vector<1x1x16xf32>,
      %parallel_loop3A_749 = vector.shape_cast %parallel_loop3A_748 : vector<1x1x16xf32> to vector<16xf32>
      %parallel_loop3A_750 = arith.mulf %parallel_loop3A_743, %parallel_loop3A_749 : vector<16xf32>
      %parallel_loop3A_751 = arith.addf %parallel_loop3A_730, %parallel_loop3A_750 : vector<16xf32>
      %parallel_loop3A_752 = arith.constant 4 : i32
      %parallel_loop3A_753 = arith.index_cast %parallel_loop3A_752 : i32 to index
      %parallel_loop3A_754 = arith.index_cast %parallel_loop3A_729 : i32 to index
      %parallel_loop3A_755 = arith.constant 16 : index
      %parallel_loop3A_756 = tpu.vector_load %arg8[%parallel_loop3A_753, %parallel_loop3A_754, %parallel_loop3A_755] {strides = array<i32>} : memref<12x32x128xf32, #tpu.memory_space<vmem>>, vector<1x1x16xf32>,
      %parallel_loop3A_757 = vector.shape_cast %parallel_loop3A_756 : vector<1x1x16xf32> to vector<16xf32>
      %parallel_loop3A_758 = arith.constant 4 : i32
      %parallel_loop3A_759 = arith.index_cast %parallel_loop3A_758 : i32 to index
      %parallel_loop3A_760 = arith.index_cast %parallel_loop3A_729 : i32 to index
      %parallel_loop3A_761 = arith.constant 16 : index
      %parallel_loop3A_762 = tpu.vector_load %arg9[%parallel_loop3A_759, %parallel_loop3A_760, %parallel_loop3A_761] {strides = array<i32>} : memref<12x32x128xf32, #tpu.memory_space<vmem>>, vector<1x1x16xf32>,
      %parallel_loop3A_763 = vector.shape_cast %parallel_loop3A_762 : vector<1x1x16xf32> to vector<16xf32>
      %parallel_loop3A_764 = arith.mulf %parallel_loop3A_757, %parallel_loop3A_763 : vector<16xf32>
      %parallel_loop3A_765 = arith.addf %parallel_loop3A_731, %parallel_loop3A_764 : vector<16xf32>
      %parallel_loop3A_766 = arith.constant 4 : i32
      %parallel_loop3A_767 = arith.index_cast %parallel_loop3A_766 : i32 to index
      %parallel_loop3A_768 = arith.index_cast %parallel_loop3A_729 : i32 to index
      %parallel_loop3A_769 = arith.constant 32 : index
      %parallel_loop3A_770 = tpu.vector_load %arg8[%parallel_loop3A_767, %parallel_loop3A_768, %parallel_loop3A_769] {strides = array<i32>} : memref<12x32x128xf32, #tpu.memory_space<vmem>>, vector<1x1x16xf32>,
      %parallel_loop3A_771 = vector.shape_cast %parallel_loop3A_770 : vector<1x1x16xf32> to vector<16xf32>
      %parallel_loop3A_772 = arith.constant 4 : i32
      %parallel_loop3A_773 = arith.index_cast %parallel_loop3A_772 : i32 to index
      %parallel_loop3A_774 = arith.index_cast %parallel_loop3A_729 : i32 to index
      %parallel_loop3A_775 = arith.constant 32 : index
      %parallel_loop3A_776 = tpu.vector_load %arg9[%parallel_loop3A_773, %parallel_loop3A_774, %parallel_loop3A_775] {strides = array<i32>} : memref<12x32x128xf32, #tpu.memory_space<vmem>>, vector<1x1x16xf32>,
      %parallel_loop3A_777 = vector.shape_cast %parallel_loop3A_776 : vector<1x1x16xf32> to vector<16xf32>
      %parallel_loop3A_778 = arith.mulf %parallel_loop3A_771, %parallel_loop3A_777 : vector<16xf32>
      %parallel_loop3A_779 = arith.addf %parallel_loop3A_732, %parallel_loop3A_778 : vector<16xf32>
      %parallel_loop3A_780 = arith.constant 4 : i32
      %parallel_loop3A_781 = arith.index_cast %parallel_loop3A_780 : i32 to index
      %parallel_loop3A_782 = arith.index_cast %parallel_loop3A_729 : i32 to index
      %parallel_loop3A_783 = arith.constant 48 : index
      %parallel_loop3A_784 = tpu.vector_load %arg8[%parallel_loop3A_781, %parallel_loop3A_782, %parallel_loop3A_783] {strides = array<i32>} : memref<12x32x128xf32, #tpu.memory_space<vmem>>, vector<1x1x16xf32>,
      %parallel_loop3A_785 = vector.shape_cast %parallel_loop3A_784 : vector<1x1x16xf32> to vector<16xf32>
      %parallel_loop3A_786 = arith.constant 4 : i32
      %parallel_loop3A_787 = arith.index_cast %parallel_loop3A_786 : i32 to index
      %parallel_loop3A_788 = arith.index_cast %parallel_loop3A_729 : i32 to index
      %parallel_loop3A_789 = arith.constant 48 : index
      %parallel_loop3A_790 = tpu.vector_load %arg9[%parallel_loop3A_787, %parallel_loop3A_788, %parallel_loop3A_789] {strides = array<i32>} : memref<12x32x128xf32, #tpu.memory_space<vmem>>, vector<1x1x16xf32>,
      %parallel_loop3A_791 = vector.shape_cast %parallel_loop3A_790 : vector<1x1x16xf32> to vector<16xf32>
      %parallel_loop3A_792 = arith.mulf %parallel_loop3A_785, %parallel_loop3A_791 : vector<16xf32>
      %parallel_loop3A_793 = arith.addf %parallel_loop3A_733, %parallel_loop3A_792 : vector<16xf32>
      %parallel_loop3A_794 = arith.constant 4 : i32
      %parallel_loop3A_795 = arith.index_cast %parallel_loop3A_794 : i32 to index
      %parallel_loop3A_796 = arith.index_cast %parallel_loop3A_729 : i32 to index
      %parallel_loop3A_797 = arith.constant 64 : index
      %parallel_loop3A_798 = tpu.vector_load %arg8[%parallel_loop3A_795, %parallel_loop3A_796, %parallel_loop3A_797] {strides = array<i32>} : memref<12x32x128xf32, #tpu.memory_space<vmem>>, vector<1x1x16xf32>,
      %parallel_loop3A_799 = vector.shape_cast %parallel_loop3A_798 : vector<1x1x16xf32> to vector<16xf32>
      %parallel_loop3A_800 = arith.constant 4 : i32
      %parallel_loop3A_801 = arith.index_cast %parallel_loop3A_800 : i32 to index
      %parallel_loop3A_802 = arith.index_cast %parallel_loop3A_729 : i32 to index
      %parallel_loop3A_803 = arith.constant 64 : index
      %parallel_loop3A_804 = tpu.vector_load %arg9[%parallel_loop3A_801, %parallel_loop3A_802, %parallel_loop3A_803] {strides = array<i32>} : memref<12x32x128xf32, #tpu.memory_space<vmem>>, vector<1x1x16xf32>,
      %parallel_loop3A_805 = vector.shape_cast %parallel_loop3A_804 : vector<1x1x16xf32> to vector<16xf32>
      %parallel_loop3A_806 = arith.mulf %parallel_loop3A_799, %parallel_loop3A_805 : vector<16xf32>
      %parallel_loop3A_807 = arith.addf %parallel_loop3A_734, %parallel_loop3A_806 : vector<16xf32>
      %parallel_loop3A_808 = arith.constant 4 : i32
      %parallel_loop3A_809 = arith.index_cast %parallel_loop3A_808 : i32 to index
      %parallel_loop3A_810 = arith.index_cast %parallel_loop3A_729 : i32 to index
      %parallel_loop3A_811 = arith.constant 80 : index
      %parallel_loop3A_812 = tpu.vector_load %arg8[%parallel_loop3A_809, %parallel_loop3A_810, %parallel_loop3A_811] {strides = array<i32>} : memref<12x32x128xf32, #tpu.memory_space<vmem>>, vector<1x1x16xf32>,
      %parallel_loop3A_813 = vector.shape_cast %parallel_loop3A_812 : vector<1x1x16xf32> to vector<16xf32>
      %parallel_loop3A_814 = arith.constant 4 : i32
      %parallel_loop3A_815 = arith.index_cast %parallel_loop3A_814 : i32 to index
      %parallel_loop3A_816 = arith.index_cast %parallel_loop3A_729 : i32 to index
      %parallel_loop3A_817 = arith.constant 80 : index
      %parallel_loop3A_818 = tpu.vector_load %arg9[%parallel_loop3A_815, %parallel_loop3A_816, %parallel_loop3A_817] {strides = array<i32>} : memref<12x32x128xf32, #tpu.memory_space<vmem>>, vector<1x1x16xf32>,
      %parallel_loop3A_819 = vector.shape_cast %parallel_loop3A_818 : vector<1x1x16xf32> to vector<16xf32>
      %parallel_loop3A_820 = arith.mulf %parallel_loop3A_813, %parallel_loop3A_819 : vector<16xf32>
      %parallel_loop3A_821 = arith.addf %parallel_loop3A_735, %parallel_loop3A_820 : vector<16xf32>
      %parallel_loop3A_822 = arith.constant 4 : i32
      %parallel_loop3A_823 = arith.index_cast %parallel_loop3A_822 : i32 to index
      %parallel_loop3A_824 = arith.index_cast %parallel_loop3A_729 : i32 to index
      %parallel_loop3A_825 = arith.constant 96 : index
      %parallel_loop3A_826 = tpu.vector_load %arg8[%parallel_loop3A_823, %parallel_loop3A_824, %parallel_loop3A_825] {strides = array<i32>} : memref<12x32x128xf32, #tpu.memory_space<vmem>>, vector<1x1x16xf32>,
      %parallel_loop3A_827 = vector.shape_cast %parallel_loop3A_826 : vector<1x1x16xf32> to vector<16xf32>
      %parallel_loop3A_828 = arith.constant 4 : i32
      %parallel_loop3A_829 = arith.index_cast %parallel_loop3A_828 : i32 to index
      %parallel_loop3A_830 = arith.index_cast %parallel_loop3A_729 : i32 to index
      %parallel_loop3A_831 = arith.constant 96 : index
      %parallel_loop3A_832 = tpu.vector_load %arg9[%parallel_loop3A_829, %parallel_loop3A_830, %parallel_loop3A_831] {strides = array<i32>} : memref<12x32x128xf32, #tpu.memory_space<vmem>>, vector<1x1x16xf32>,
      %parallel_loop3A_833 = vector.shape_cast %parallel_loop3A_832 : vector<1x1x16xf32> to vector<16xf32>
      %parallel_loop3A_834 = arith.mulf %parallel_loop3A_827, %parallel_loop3A_833 : vector<16xf32>
      %parallel_loop3A_835 = arith.addf %parallel_loop3A_736, %parallel_loop3A_834 : vector<16xf32>
      %parallel_loop3A_836 = arith.constant 4 : i32
      %parallel_loop3A_837 = arith.index_cast %parallel_loop3A_836 : i32 to index
      %parallel_loop3A_838 = arith.index_cast %parallel_loop3A_729 : i32 to index
      %parallel_loop3A_839 = arith.constant 112 : index
      %parallel_loop3A_840 = tpu.vector_load %arg8[%parallel_loop3A_837, %parallel_loop3A_838, %parallel_loop3A_839] {strides = array<i32>} : memref<12x32x128xf32, #tpu.memory_space<vmem>>, vector<1x1x16xf32>,
      %parallel_loop3A_841 = vector.shape_cast %parallel_loop3A_840 : vector<1x1x16xf32> to vector<16xf32>
      %parallel_loop3A_842 = arith.constant 4 : i32
      %parallel_loop3A_843 = arith.index_cast %parallel_loop3A_842 : i32 to index
      %parallel_loop3A_844 = arith.index_cast %parallel_loop3A_729 : i32 to index
      %parallel_loop3A_845 = arith.constant 112 : index
      %parallel_loop3A_846 = tpu.vector_load %arg9[%parallel_loop3A_843, %parallel_loop3A_844, %parallel_loop3A_845] {strides = array<i32>} : memref<12x32x128xf32, #tpu.memory_space<vmem>>, vector<1x1x16xf32>,
      %parallel_loop3A_847 = vector.shape_cast %parallel_loop3A_846 : vector<1x1x16xf32> to vector<16xf32>
      %parallel_loop3A_848 = arith.mulf %parallel_loop3A_841, %parallel_loop3A_847 : vector<16xf32>
      %parallel_loop3A_849 = arith.addf %parallel_loop3A_737, %parallel_loop3A_848 : vector<16xf32>
      scf.yield %parallel_loop3A_751, %parallel_loop3A_765, %parallel_loop3A_779, %parallel_loop3A_793, %parallel_loop3A_807, %parallel_loop3A_821, %parallel_loop3A_835, %parallel_loop3A_849 : vector<16xf32>, vector<16xf32>, vector<16xf32>, vector<16xf32>, vector<16xf32>, vector<16xf32>, vector<16xf32>, vector<16xf32>
    } {sc.loop_unroll_factor = 4 : i64, sc.parallel_access}
    %dma_start3A_355 = arith.constant 11 : i32
    %dma_start3A_356 = arith.constant 0 : i32
    %dma_start3A_357 = arith.constant 0 : i32
    %dma_start3A_358 = tpu.memref_slice %arg8[%dma_start3A_355, %dma_start3A_356, %dma_start3A_357] : memref<12x32x128xf32, #tpu.memory_space<vmem>> -> memref<1x32x128xf32, #tpu.memory_space<vmem>>
    %dma_start3A_359 = tpu.memref_squeeze %dma_start3A_358 : memref<1x32x128xf32, #tpu.memory_space<vmem>> -> memref<32x128xf32, #tpu.memory_space<vmem>>
    %dma_start3A_360 = arith.constant 352 : i32
    %dma_start3A_361 = tpu.memref_slice %arg6[%dma_start3A_360] : memref<512xi32, #tpu.memory_space<vmem>> -> memref<32xi32, #tpu.memory_space<vmem>>
    %dma_start3A_362 = arith.constant 0 : i32
    %dma_start3A_363 = arith.constant 0 : i32
    %dma_start3A_364 = tpu.memref_slice %arg4[%dma_start3A_362, %dma_start3A_363] : memref<1000000x128xf32, #tpu.memory_space<hbm>> -> memref<1000000x128xf32, #tpu.memory_space<hbm>>
    tpu.enqueue_indirect_dma source(%dma_start3A_364 : memref<1000000x128xf32, #tpu.memory_space<hbm>>) target(%dma_start3A_359 : memref<32x128xf32, #tpu.memory_space<vmem>>) offsets(%dma_start3A_361 : memref<32xi32, #tpu.memory_space<vmem>>) semaphore(%arg22 : memref<!tpu.dma_semaphore, #tpu.memory_space<semaphore_mem>>)
    %dma_start3A_365 = arith.constant 11 : i32
    %dma_start3A_366 = arith.constant 0 : i32
    %dma_start3A_367 = arith.constant 0 : i32
    %dma_start3A_368 = tpu.memref_slice %arg9[%dma_start3A_365, %dma_start3A_366, %dma_start3A_367] : memref<12x32x128xf32, #tpu.memory_space<vmem>> -> memref<1x32x128xf32, #tpu.memory_space<vmem>>
    %dma_start3A_369 = tpu.memref_squeeze %dma_start3A_368 : memref<1x32x128xf32, #tpu.memory_space<vmem>> -> memref<32x128xf32, #tpu.memory_space<vmem>>
    %dma_start3A_370 = arith.constant 352 : i32
    %dma_start3A_371 = tpu.memref_slice %arg7[%dma_start3A_370] : memref<512xi32, #tpu.memory_space<vmem>> -> memref<32xi32, #tpu.memory_space<vmem>>
    %dma_start3A_372 = arith.constant 0 : i32
    %dma_start3A_373 = arith.constant 0 : i32
    %dma_start3A_374 = tpu.memref_slice %arg4[%dma_start3A_372, %dma_start3A_373] : memref<1000000x128xf32, #tpu.memory_space<hbm>> -> memref<1000000x128xf32, #tpu.memory_space<hbm>>
    tpu.enqueue_indirect_dma source(%dma_start3A_374 : memref<1000000x128xf32, #tpu.memory_space<hbm>>) target(%dma_start3A_369 : memref<32x128xf32, #tpu.memory_space<vmem>>) offsets(%dma_start3A_371 : memref<32xi32, #tpu.memory_space<vmem>>) semaphore(%arg34 : memref<!tpu.dma_semaphore, #tpu.memory_space<semaphore_mem>>)
    %dma_wait3A_375 = arith.constant 5 : i32
    %dma_wait3A_376 = arith.constant 0 : i32
    %dma_wait3A_377 = arith.constant 0 : i32
    %dma_wait3A_378 = tpu.memref_slice %arg8[%dma_wait3A_375, %dma_wait3A_376, %dma_wait3A_377] : memref<12x32x128xf32, #tpu.memory_space<vmem>> -> memref<1x32x128xf32, #tpu.memory_space<vmem>>
    %dma_wait3A_379 = tpu.memref_squeeze %dma_wait3A_378 : memref<1x32x128xf32, #tpu.memory_space<vmem>> -> memref<32x128xf32, #tpu.memory_space<vmem>>
    %dma_wait3A_380 = arith.constant 160 : i32
    %dma_wait3A_381 = tpu.memref_slice %arg6[%dma_wait3A_380] : memref<512xi32, #tpu.memory_space<vmem>> -> memref<32xi32, #tpu.memory_space<vmem>>
    %dma_wait3A_382 = arith.constant 0 : i32
    %dma_wait3A_383 = arith.constant 0 : i32
    %dma_wait3A_384 = tpu.memref_slice %arg4[%dma_wait3A_382, %dma_wait3A_383] : memref<1000000x128xf32, #tpu.memory_space<hbm>> -> memref<1000000x128xf32, #tpu.memory_space<hbm>>
    tpu.wait_indirect_dma semaphore(%arg16 : memref<!tpu.dma_semaphore, #tpu.memory_space<semaphore_mem>>) src(%dma_wait3A_384 : memref<1000000x128xf32, #tpu.memory_space<hbm>>) dst(%dma_wait3A_379 : memref<32x128xf32, #tpu.memory_space<vmem>>)
    %dma_wait3A_385 = arith.constant 5 : i32
    %dma_wait3A_386 = arith.constant 0 : i32
    %dma_wait3A_387 = arith.constant 0 : i32
    %dma_wait3A_388 = tpu.memref_slice %arg9[%dma_wait3A_385, %dma_wait3A_386, %dma_wait3A_387] : memref<12x32x128xf32, #tpu.memory_space<vmem>> -> memref<1x32x128xf32, #tpu.memory_space<vmem>>
    %dma_wait3A_389 = tpu.memref_squeeze %dma_wait3A_388 : memref<1x32x128xf32, #tpu.memory_space<vmem>> -> memref<32x128xf32, #tpu.memory_space<vmem>>
    %dma_wait3A_390 = arith.constant 160 : i32
    %dma_wait3A_391 = tpu.memref_slice %arg7[%dma_wait3A_390] : memref<512xi32, #tpu.memory_space<vmem>> -> memref<32xi32, #tpu.memory_space<vmem>>
    %dma_wait3A_392 = arith.constant 0 : i32
    %dma_wait3A_393 = arith.constant 0 : i32
    %dma_wait3A_394 = tpu.memref_slice %arg4[%dma_wait3A_392, %dma_wait3A_393] : memref<1000000x128xf32, #tpu.memory_space<hbm>> -> memref<1000000x128xf32, #tpu.memory_space<hbm>>
    tpu.wait_indirect_dma semaphore(%arg28 : memref<!tpu.dma_semaphore, #tpu.memory_space<semaphore_mem>>) src(%dma_wait3A_394 : memref<1000000x128xf32, #tpu.memory_space<hbm>>) dst(%dma_wait3A_389 : memref<32x128xf32, #tpu.memory_space<vmem>>)
    %parallel_loop3A_395 = arith.constant 0 : i32
    %parallel_loop3A_396 = arith.constant 32 : i32
    %parallel_loop3A_397 = arith.constant 1 : i32
    %parallel_loop3A_398:8 = scf.for %parallel_loop3A_729 = %parallel_loop3A_395 to %parallel_loop3A_396 step %parallel_loop3A_397 iter_args(%parallel_loop3A_730 = %parallel_loop3A_354#0, %parallel_loop3A_731 = %parallel_loop3A_354#1, %parallel_loop3A_732 = %parallel_loop3A_354#2, %parallel_loop3A_733 = %parallel_loop3A_354#3, %parallel_loop3A_734 = %parallel_loop3A_354#4, %parallel_loop3A_735 = %parallel_loop3A_354#5, %parallel_loop3A_736 = %parallel_loop3A_354#6, %parallel_loop3A_737 = %parallel_loop3A_354#7) -> (vector<16xf32>, vector<16xf32>, vector<16xf32>, vector<16xf32>, vector<16xf32>, vector<16xf32>, vector<16xf32>, vector<16xf32>)  : i32 {
      %parallel_loop3A_738 = arith.constant 5 : i32
      %parallel_loop3A_739 = arith.index_cast %parallel_loop3A_738 : i32 to index
      %parallel_loop3A_740 = arith.index_cast %parallel_loop3A_729 : i32 to index
      %parallel_loop3A_741 = arith.constant 0 : index
      %parallel_loop3A_742 = tpu.vector_load %arg8[%parallel_loop3A_739, %parallel_loop3A_740, %parallel_loop3A_741] {strides = array<i32>} : memref<12x32x128xf32, #tpu.memory_space<vmem>>, vector<1x1x16xf32>,
      %parallel_loop3A_743 = vector.shape_cast %parallel_loop3A_742 : vector<1x1x16xf32> to vector<16xf32>
      %parallel_loop3A_744 = arith.constant 5 : i32
      %parallel_loop3A_745 = arith.index_cast %parallel_loop3A_744 : i32 to index
      %parallel_loop3A_746 = arith.index_cast %parallel_loop3A_729 : i32 to index
      %parallel_loop3A_747 = arith.constant 0 : index
      %parallel_loop3A_748 = tpu.vector_load %arg9[%parallel_loop3A_745, %parallel_loop3A_746, %parallel_loop3A_747] {strides = array<i32>} : memref<12x32x128xf32, #tpu.memory_space<vmem>>, vector<1x1x16xf32>,
      %parallel_loop3A_749 = vector.shape_cast %parallel_loop3A_748 : vector<1x1x16xf32> to vector<16xf32>
      %parallel_loop3A_750 = arith.mulf %parallel_loop3A_743, %parallel_loop3A_749 : vector<16xf32>
      %parallel_loop3A_751 = arith.addf %parallel_loop3A_730, %parallel_loop3A_750 : vector<16xf32>
      %parallel_loop3A_752 = arith.constant 5 : i32
      %parallel_loop3A_753 = arith.index_cast %parallel_loop3A_752 : i32 to index
      %parallel_loop3A_754 = arith.index_cast %parallel_loop3A_729 : i32 to index
      %parallel_loop3A_755 = arith.constant 16 : index
      %parallel_loop3A_756 = tpu.vector_load %arg8[%parallel_loop3A_753, %parallel_loop3A_754, %parallel_loop3A_755] {strides = array<i32>} : memref<12x32x128xf32, #tpu.memory_space<vmem>>, vector<1x1x16xf32>,
      %parallel_loop3A_757 = vector.shape_cast %parallel_loop3A_756 : vector<1x1x16xf32> to vector<16xf32>
      %parallel_loop3A_758 = arith.constant 5 : i32
      %parallel_loop3A_759 = arith.index_cast %parallel_loop3A_758 : i32 to index
      %parallel_loop3A_760 = arith.index_cast %parallel_loop3A_729 : i32 to index
      %parallel_loop3A_761 = arith.constant 16 : index
      %parallel_loop3A_762 = tpu.vector_load %arg9[%parallel_loop3A_759, %parallel_loop3A_760, %parallel_loop3A_761] {strides = array<i32>} : memref<12x32x128xf32, #tpu.memory_space<vmem>>, vector<1x1x16xf32>,
      %parallel_loop3A_763 = vector.shape_cast %parallel_loop3A_762 : vector<1x1x16xf32> to vector<16xf32>
      %parallel_loop3A_764 = arith.mulf %parallel_loop3A_757, %parallel_loop3A_763 : vector<16xf32>
      %parallel_loop3A_765 = arith.addf %parallel_loop3A_731, %parallel_loop3A_764 : vector<16xf32>
      %parallel_loop3A_766 = arith.constant 5 : i32
      %parallel_loop3A_767 = arith.index_cast %parallel_loop3A_766 : i32 to index
      %parallel_loop3A_768 = arith.index_cast %parallel_loop3A_729 : i32 to index
      %parallel_loop3A_769 = arith.constant 32 : index
      %parallel_loop3A_770 = tpu.vector_load %arg8[%parallel_loop3A_767, %parallel_loop3A_768, %parallel_loop3A_769] {strides = array<i32>} : memref<12x32x128xf32, #tpu.memory_space<vmem>>, vector<1x1x16xf32>,
      %parallel_loop3A_771 = vector.shape_cast %parallel_loop3A_770 : vector<1x1x16xf32> to vector<16xf32>
      %parallel_loop3A_772 = arith.constant 5 : i32
      %parallel_loop3A_773 = arith.index_cast %parallel_loop3A_772 : i32 to index
      %parallel_loop3A_774 = arith.index_cast %parallel_loop3A_729 : i32 to index
      %parallel_loop3A_775 = arith.constant 32 : index
      %parallel_loop3A_776 = tpu.vector_load %arg9[%parallel_loop3A_773, %parallel_loop3A_774, %parallel_loop3A_775] {strides = array<i32>} : memref<12x32x128xf32, #tpu.memory_space<vmem>>, vector<1x1x16xf32>,
      %parallel_loop3A_777 = vector.shape_cast %parallel_loop3A_776 : vector<1x1x16xf32> to vector<16xf32>
      %parallel_loop3A_778 = arith.mulf %parallel_loop3A_771, %parallel_loop3A_777 : vector<16xf32>
      %parallel_loop3A_779 = arith.addf %parallel_loop3A_732, %parallel_loop3A_778 : vector<16xf32>
      %parallel_loop3A_780 = arith.constant 5 : i32
      %parallel_loop3A_781 = arith.index_cast %parallel_loop3A_780 : i32 to index
      %parallel_loop3A_782 = arith.index_cast %parallel_loop3A_729 : i32 to index
      %parallel_loop3A_783 = arith.constant 48 : index
      %parallel_loop3A_784 = tpu.vector_load %arg8[%parallel_loop3A_781, %parallel_loop3A_782, %parallel_loop3A_783] {strides = array<i32>} : memref<12x32x128xf32, #tpu.memory_space<vmem>>, vector<1x1x16xf32>,
      %parallel_loop3A_785 = vector.shape_cast %parallel_loop3A_784 : vector<1x1x16xf32> to vector<16xf32>
      %parallel_loop3A_786 = arith.constant 5 : i32
      %parallel_loop3A_787 = arith.index_cast %parallel_loop3A_786 : i32 to index
      %parallel_loop3A_788 = arith.index_cast %parallel_loop3A_729 : i32 to index
      %parallel_loop3A_789 = arith.constant 48 : index
      %parallel_loop3A_790 = tpu.vector_load %arg9[%parallel_loop3A_787, %parallel_loop3A_788, %parallel_loop3A_789] {strides = array<i32>} : memref<12x32x128xf32, #tpu.memory_space<vmem>>, vector<1x1x16xf32>,
      %parallel_loop3A_791 = vector.shape_cast %parallel_loop3A_790 : vector<1x1x16xf32> to vector<16xf32>
      %parallel_loop3A_792 = arith.mulf %parallel_loop3A_785, %parallel_loop3A_791 : vector<16xf32>
      %parallel_loop3A_793 = arith.addf %parallel_loop3A_733, %parallel_loop3A_792 : vector<16xf32>
      %parallel_loop3A_794 = arith.constant 5 : i32
      %parallel_loop3A_795 = arith.index_cast %parallel_loop3A_794 : i32 to index
      %parallel_loop3A_796 = arith.index_cast %parallel_loop3A_729 : i32 to index
      %parallel_loop3A_797 = arith.constant 64 : index
      %parallel_loop3A_798 = tpu.vector_load %arg8[%parallel_loop3A_795, %parallel_loop3A_796, %parallel_loop3A_797] {strides = array<i32>} : memref<12x32x128xf32, #tpu.memory_space<vmem>>, vector<1x1x16xf32>,
      %parallel_loop3A_799 = vector.shape_cast %parallel_loop3A_798 : vector<1x1x16xf32> to vector<16xf32>
      %parallel_loop3A_800 = arith.constant 5 : i32
      %parallel_loop3A_801 = arith.index_cast %parallel_loop3A_800 : i32 to index
      %parallel_loop3A_802 = arith.index_cast %parallel_loop3A_729 : i32 to index
      %parallel_loop3A_803 = arith.constant 64 : index
      %parallel_loop3A_804 = tpu.vector_load %arg9[%parallel_loop3A_801, %parallel_loop3A_802, %parallel_loop3A_803] {strides = array<i32>} : memref<12x32x128xf32, #tpu.memory_space<vmem>>, vector<1x1x16xf32>,
      %parallel_loop3A_805 = vector.shape_cast %parallel_loop3A_804 : vector<1x1x16xf32> to vector<16xf32>
      %parallel_loop3A_806 = arith.mulf %parallel_loop3A_799, %parallel_loop3A_805 : vector<16xf32>
      %parallel_loop3A_807 = arith.addf %parallel_loop3A_734, %parallel_loop3A_806 : vector<16xf32>
      %parallel_loop3A_808 = arith.constant 5 : i32
      %parallel_loop3A_809 = arith.index_cast %parallel_loop3A_808 : i32 to index
      %parallel_loop3A_810 = arith.index_cast %parallel_loop3A_729 : i32 to index
      %parallel_loop3A_811 = arith.constant 80 : index
      %parallel_loop3A_812 = tpu.vector_load %arg8[%parallel_loop3A_809, %parallel_loop3A_810, %parallel_loop3A_811] {strides = array<i32>} : memref<12x32x128xf32, #tpu.memory_space<vmem>>, vector<1x1x16xf32>,
      %parallel_loop3A_813 = vector.shape_cast %parallel_loop3A_812 : vector<1x1x16xf32> to vector<16xf32>
      %parallel_loop3A_814 = arith.constant 5 : i32
      %parallel_loop3A_815 = arith.index_cast %parallel_loop3A_814 : i32 to index
      %parallel_loop3A_816 = arith.index_cast %parallel_loop3A_729 : i32 to index
      %parallel_loop3A_817 = arith.constant 80 : index
      %parallel_loop3A_818 = tpu.vector_load %arg9[%parallel_loop3A_815, %parallel_loop3A_816, %parallel_loop3A_817] {strides = array<i32>} : memref<12x32x128xf32, #tpu.memory_space<vmem>>, vector<1x1x16xf32>,
      %parallel_loop3A_819 = vector.shape_cast %parallel_loop3A_818 : vector<1x1x16xf32> to vector<16xf32>
      %parallel_loop3A_820 = arith.mulf %parallel_loop3A_813, %parallel_loop3A_819 : vector<16xf32>
      %parallel_loop3A_821 = arith.addf %parallel_loop3A_735, %parallel_loop3A_820 : vector<16xf32>
      %parallel_loop3A_822 = arith.constant 5 : i32
      %parallel_loop3A_823 = arith.index_cast %parallel_loop3A_822 : i32 to index
      %parallel_loop3A_824 = arith.index_cast %parallel_loop3A_729 : i32 to index
      %parallel_loop3A_825 = arith.constant 96 : index
      %parallel_loop3A_826 = tpu.vector_load %arg8[%parallel_loop3A_823, %parallel_loop3A_824, %parallel_loop3A_825] {strides = array<i32>} : memref<12x32x128xf32, #tpu.memory_space<vmem>>, vector<1x1x16xf32>,
      %parallel_loop3A_827 = vector.shape_cast %parallel_loop3A_826 : vector<1x1x16xf32> to vector<16xf32>
      %parallel_loop3A_828 = arith.constant 5 : i32
      %parallel_loop3A_829 = arith.index_cast %parallel_loop3A_828 : i32 to index
      %parallel_loop3A_830 = arith.index_cast %parallel_loop3A_729 : i32 to index
      %parallel_loop3A_831 = arith.constant 96 : index
      %parallel_loop3A_832 = tpu.vector_load %arg9[%parallel_loop3A_829, %parallel_loop3A_830, %parallel_loop3A_831] {strides = array<i32>} : memref<12x32x128xf32, #tpu.memory_space<vmem>>, vector<1x1x16xf32>,
      %parallel_loop3A_833 = vector.shape_cast %parallel_loop3A_832 : vector<1x1x16xf32> to vector<16xf32>
      %parallel_loop3A_834 = arith.mulf %parallel_loop3A_827, %parallel_loop3A_833 : vector<16xf32>
      %parallel_loop3A_835 = arith.addf %parallel_loop3A_736, %parallel_loop3A_834 : vector<16xf32>
      %parallel_loop3A_836 = arith.constant 5 : i32
      %parallel_loop3A_837 = arith.index_cast %parallel_loop3A_836 : i32 to index
      %parallel_loop3A_838 = arith.index_cast %parallel_loop3A_729 : i32 to index
      %parallel_loop3A_839 = arith.constant 112 : index
      %parallel_loop3A_840 = tpu.vector_load %arg8[%parallel_loop3A_837, %parallel_loop3A_838, %parallel_loop3A_839] {strides = array<i32>} : memref<12x32x128xf32, #tpu.memory_space<vmem>>, vector<1x1x16xf32>,
      %parallel_loop3A_841 = vector.shape_cast %parallel_loop3A_840 : vector<1x1x16xf32> to vector<16xf32>
      %parallel_loop3A_842 = arith.constant 5 : i32
      %parallel_loop3A_843 = arith.index_cast %parallel_loop3A_842 : i32 to index
      %parallel_loop3A_844 = arith.index_cast %parallel_loop3A_729 : i32 to index
      %parallel_loop3A_845 = arith.constant 112 : index
      %parallel_loop3A_846 = tpu.vector_load %arg9[%parallel_loop3A_843, %parallel_loop3A_844, %parallel_loop3A_845] {strides = array<i32>} : memref<12x32x128xf32, #tpu.memory_space<vmem>>, vector<1x1x16xf32>,
      %parallel_loop3A_847 = vector.shape_cast %parallel_loop3A_846 : vector<1x1x16xf32> to vector<16xf32>
      %parallel_loop3A_848 = arith.mulf %parallel_loop3A_841, %parallel_loop3A_847 : vector<16xf32>
      %parallel_loop3A_849 = arith.addf %parallel_loop3A_737, %parallel_loop3A_848 : vector<16xf32>
      scf.yield %parallel_loop3A_751, %parallel_loop3A_765, %parallel_loop3A_779, %parallel_loop3A_793, %parallel_loop3A_807, %parallel_loop3A_821, %parallel_loop3A_835, %parallel_loop3A_849 : vector<16xf32>, vector<16xf32>, vector<16xf32>, vector<16xf32>, vector<16xf32>, vector<16xf32>, vector<16xf32>, vector<16xf32>
    } {sc.loop_unroll_factor = 4 : i64, sc.parallel_access}
    %dma_start3A_399 = arith.constant 0 : i32
    %dma_start3A_400 = arith.constant 0 : i32
    %dma_start3A_401 = arith.constant 0 : i32
    %dma_start3A_402 = tpu.memref_slice %arg8[%dma_start3A_399, %dma_start3A_400, %dma_start3A_401] : memref<12x32x128xf32, #tpu.memory_space<vmem>> -> memref<1x32x128xf32, #tpu.memory_space<vmem>>
    %dma_start3A_403 = tpu.memref_squeeze %dma_start3A_402 : memref<1x32x128xf32, #tpu.memory_space<vmem>> -> memref<32x128xf32, #tpu.memory_space<vmem>>
    %dma_start3A_404 = arith.constant 384 : i32
    %dma_start3A_405 = tpu.memref_slice %arg6[%dma_start3A_404] : memref<512xi32, #tpu.memory_space<vmem>> -> memref<32xi32, #tpu.memory_space<vmem>>
    %dma_start3A_406 = arith.constant 0 : i32
    %dma_start3A_407 = arith.constant 0 : i32
    %dma_start3A_408 = tpu.memref_slice %arg4[%dma_start3A_406, %dma_start3A_407] : memref<1000000x128xf32, #tpu.memory_space<hbm>> -> memref<1000000x128xf32, #tpu.memory_space<hbm>>
    tpu.enqueue_indirect_dma source(%dma_start3A_408 : memref<1000000x128xf32, #tpu.memory_space<hbm>>) target(%dma_start3A_403 : memref<32x128xf32, #tpu.memory_space<vmem>>) offsets(%dma_start3A_405 : memref<32xi32, #tpu.memory_space<vmem>>) semaphore(%arg11 : memref<!tpu.dma_semaphore, #tpu.memory_space<semaphore_mem>>)
    %dma_start3A_409 = arith.constant 0 : i32
    %dma_start3A_410 = arith.constant 0 : i32
    %dma_start3A_411 = arith.constant 0 : i32
    %dma_start3A_412 = tpu.memref_slice %arg9[%dma_start3A_409, %dma_start3A_410, %dma_start3A_411] : memref<12x32x128xf32, #tpu.memory_space<vmem>> -> memref<1x32x128xf32, #tpu.memory_space<vmem>>
    %dma_start3A_413 = tpu.memref_squeeze %dma_start3A_412 : memref<1x32x128xf32, #tpu.memory_space<vmem>> -> memref<32x128xf32, #tpu.memory_space<vmem>>
    %dma_start3A_414 = arith.constant 384 : i32
    %dma_start3A_415 = tpu.memref_slice %arg7[%dma_start3A_414] : memref<512xi32, #tpu.memory_space<vmem>> -> memref<32xi32, #tpu.memory_space<vmem>>
    %dma_start3A_416 = arith.constant 0 : i32
    %dma_start3A_417 = arith.constant 0 : i32
    %dma_start3A_418 = tpu.memref_slice %arg4[%dma_start3A_416, %dma_start3A_417] : memref<1000000x128xf32, #tpu.memory_space<hbm>> -> memref<1000000x128xf32, #tpu.memory_space<hbm>>
    tpu.enqueue_indirect_dma source(%dma_start3A_418 : memref<1000000x128xf32, #tpu.memory_space<hbm>>) target(%dma_start3A_413 : memref<32x128xf32, #tpu.memory_space<vmem>>) offsets(%dma_start3A_415 : memref<32xi32, #tpu.memory_space<vmem>>) semaphore(%arg23 : memref<!tpu.dma_semaphore, #tpu.memory_space<semaphore_mem>>)
    %dma_wait3A_419 = arith.constant 6 : i32
    %dma_wait3A_420 = arith.constant 0 : i32
    %dma_wait3A_421 = arith.constant 0 : i32
    %dma_wait3A_422 = tpu.memref_slice %arg8[%dma_wait3A_419, %dma_wait3A_420, %dma_wait3A_421] : memref<12x32x128xf32, #tpu.memory_space<vmem>> -> memref<1x32x128xf32, #tpu.memory_space<vmem>>
    %dma_wait3A_423 = tpu.memref_squeeze %dma_wait3A_422 : memref<1x32x128xf32, #tpu.memory_space<vmem>> -> memref<32x128xf32, #tpu.memory_space<vmem>>
    %dma_wait3A_424 = arith.constant 192 : i32
    %dma_wait3A_425 = tpu.memref_slice %arg6[%dma_wait3A_424] : memref<512xi32, #tpu.memory_space<vmem>> -> memref<32xi32, #tpu.memory_space<vmem>>
    %dma_wait3A_426 = arith.constant 0 : i32
    %dma_wait3A_427 = arith.constant 0 : i32
    %dma_wait3A_428 = tpu.memref_slice %arg4[%dma_wait3A_426, %dma_wait3A_427] : memref<1000000x128xf32, #tpu.memory_space<hbm>> -> memref<1000000x128xf32, #tpu.memory_space<hbm>>
    tpu.wait_indirect_dma semaphore(%arg17 : memref<!tpu.dma_semaphore, #tpu.memory_space<semaphore_mem>>) src(%dma_wait3A_428 : memref<1000000x128xf32, #tpu.memory_space<hbm>>) dst(%dma_wait3A_423 : memref<32x128xf32, #tpu.memory_space<vmem>>)
    %dma_wait3A_429 = arith.constant 6 : i32
    %dma_wait3A_430 = arith.constant 0 : i32
    %dma_wait3A_431 = arith.constant 0 : i32
    %dma_wait3A_432 = tpu.memref_slice %arg9[%dma_wait3A_429, %dma_wait3A_430, %dma_wait3A_431] : memref<12x32x128xf32, #tpu.memory_space<vmem>> -> memref<1x32x128xf32, #tpu.memory_space<vmem>>
    %dma_wait3A_433 = tpu.memref_squeeze %dma_wait3A_432 : memref<1x32x128xf32, #tpu.memory_space<vmem>> -> memref<32x128xf32, #tpu.memory_space<vmem>>
    %dma_wait3A_434 = arith.constant 192 : i32
    %dma_wait3A_435 = tpu.memref_slice %arg7[%dma_wait3A_434] : memref<512xi32, #tpu.memory_space<vmem>> -> memref<32xi32, #tpu.memory_space<vmem>>
    %dma_wait3A_436 = arith.constant 0 : i32
    %dma_wait3A_437 = arith.constant 0 : i32
    %dma_wait3A_438 = tpu.memref_slice %arg4[%dma_wait3A_436, %dma_wait3A_437] : memref<1000000x128xf32, #tpu.memory_space<hbm>> -> memref<1000000x128xf32, #tpu.memory_space<hbm>>
    tpu.wait_indirect_dma semaphore(%arg29 : memref<!tpu.dma_semaphore, #tpu.memory_space<semaphore_mem>>) src(%dma_wait3A_438 : memref<1000000x128xf32, #tpu.memory_space<hbm>>) dst(%dma_wait3A_433 : memref<32x128xf32, #tpu.memory_space<vmem>>)
    %parallel_loop3A_439 = arith.constant 0 : i32
    %parallel_loop3A_440 = arith.constant 32 : i32
    %parallel_loop3A_441 = arith.constant 1 : i32
    %parallel_loop3A_442:8 = scf.for %parallel_loop3A_729 = %parallel_loop3A_439 to %parallel_loop3A_440 step %parallel_loop3A_441 iter_args(%parallel_loop3A_730 = %parallel_loop3A_398#0, %parallel_loop3A_731 = %parallel_loop3A_398#1, %parallel_loop3A_732 = %parallel_loop3A_398#2, %parallel_loop3A_733 = %parallel_loop3A_398#3, %parallel_loop3A_734 = %parallel_loop3A_398#4, %parallel_loop3A_735 = %parallel_loop3A_398#5, %parallel_loop3A_736 = %parallel_loop3A_398#6, %parallel_loop3A_737 = %parallel_loop3A_398#7) -> (vector<16xf32>, vector<16xf32>, vector<16xf32>, vector<16xf32>, vector<16xf32>, vector<16xf32>, vector<16xf32>, vector<16xf32>)  : i32 {
      %parallel_loop3A_738 = arith.constant 6 : i32
      %parallel_loop3A_739 = arith.index_cast %parallel_loop3A_738 : i32 to index
      %parallel_loop3A_740 = arith.index_cast %parallel_loop3A_729 : i32 to index
      %parallel_loop3A_741 = arith.constant 0 : index
      %parallel_loop3A_742 = tpu.vector_load %arg8[%parallel_loop3A_739, %parallel_loop3A_740, %parallel_loop3A_741] {strides = array<i32>} : memref<12x32x128xf32, #tpu.memory_space<vmem>>, vector<1x1x16xf32>,
      %parallel_loop3A_743 = vector.shape_cast %parallel_loop3A_742 : vector<1x1x16xf32> to vector<16xf32>
      %parallel_loop3A_744 = arith.constant 6 : i32
      %parallel_loop3A_745 = arith.index_cast %parallel_loop3A_744 : i32 to index
      %parallel_loop3A_746 = arith.index_cast %parallel_loop3A_729 : i32 to index
      %parallel_loop3A_747 = arith.constant 0 : index
      %parallel_loop3A_748 = tpu.vector_load %arg9[%parallel_loop3A_745, %parallel_loop3A_746, %parallel_loop3A_747] {strides = array<i32>} : memref<12x32x128xf32, #tpu.memory_space<vmem>>, vector<1x1x16xf32>,
      %parallel_loop3A_749 = vector.shape_cast %parallel_loop3A_748 : vector<1x1x16xf32> to vector<16xf32>
      %parallel_loop3A_750 = arith.mulf %parallel_loop3A_743, %parallel_loop3A_749 : vector<16xf32>
      %parallel_loop3A_751 = arith.addf %parallel_loop3A_730, %parallel_loop3A_750 : vector<16xf32>
      %parallel_loop3A_752 = arith.constant 6 : i32
      %parallel_loop3A_753 = arith.index_cast %parallel_loop3A_752 : i32 to index
      %parallel_loop3A_754 = arith.index_cast %parallel_loop3A_729 : i32 to index
      %parallel_loop3A_755 = arith.constant 16 : index
      %parallel_loop3A_756 = tpu.vector_load %arg8[%parallel_loop3A_753, %parallel_loop3A_754, %parallel_loop3A_755] {strides = array<i32>} : memref<12x32x128xf32, #tpu.memory_space<vmem>>, vector<1x1x16xf32>,
      %parallel_loop3A_757 = vector.shape_cast %parallel_loop3A_756 : vector<1x1x16xf32> to vector<16xf32>
      %parallel_loop3A_758 = arith.constant 6 : i32
      %parallel_loop3A_759 = arith.index_cast %parallel_loop3A_758 : i32 to index
      %parallel_loop3A_760 = arith.index_cast %parallel_loop3A_729 : i32 to index
      %parallel_loop3A_761 = arith.constant 16 : index
      %parallel_loop3A_762 = tpu.vector_load %arg9[%parallel_loop3A_759, %parallel_loop3A_760, %parallel_loop3A_761] {strides = array<i32>} : memref<12x32x128xf32, #tpu.memory_space<vmem>>, vector<1x1x16xf32>,
      %parallel_loop3A_763 = vector.shape_cast %parallel_loop3A_762 : vector<1x1x16xf32> to vector<16xf32>
      %parallel_loop3A_764 = arith.mulf %parallel_loop3A_757, %parallel_loop3A_763 : vector<16xf32>
      %parallel_loop3A_765 = arith.addf %parallel_loop3A_731, %parallel_loop3A_764 : vector<16xf32>
      %parallel_loop3A_766 = arith.constant 6 : i32
      %parallel_loop3A_767 = arith.index_cast %parallel_loop3A_766 : i32 to index
      %parallel_loop3A_768 = arith.index_cast %parallel_loop3A_729 : i32 to index
      %parallel_loop3A_769 = arith.constant 32 : index
      %parallel_loop3A_770 = tpu.vector_load %arg8[%parallel_loop3A_767, %parallel_loop3A_768, %parallel_loop3A_769] {strides = array<i32>} : memref<12x32x128xf32, #tpu.memory_space<vmem>>, vector<1x1x16xf32>,
      %parallel_loop3A_771 = vector.shape_cast %parallel_loop3A_770 : vector<1x1x16xf32> to vector<16xf32>
      %parallel_loop3A_772 = arith.constant 6 : i32
      %parallel_loop3A_773 = arith.index_cast %parallel_loop3A_772 : i32 to index
      %parallel_loop3A_774 = arith.index_cast %parallel_loop3A_729 : i32 to index
      %parallel_loop3A_775 = arith.constant 32 : index
      %parallel_loop3A_776 = tpu.vector_load %arg9[%parallel_loop3A_773, %parallel_loop3A_774, %parallel_loop3A_775] {strides = array<i32>} : memref<12x32x128xf32, #tpu.memory_space<vmem>>, vector<1x1x16xf32>,
      %parallel_loop3A_777 = vector.shape_cast %parallel_loop3A_776 : vector<1x1x16xf32> to vector<16xf32>
      %parallel_loop3A_778 = arith.mulf %parallel_loop3A_771, %parallel_loop3A_777 : vector<16xf32>
      %parallel_loop3A_779 = arith.addf %parallel_loop3A_732, %parallel_loop3A_778 : vector<16xf32>
      %parallel_loop3A_780 = arith.constant 6 : i32
      %parallel_loop3A_781 = arith.index_cast %parallel_loop3A_780 : i32 to index
      %parallel_loop3A_782 = arith.index_cast %parallel_loop3A_729 : i32 to index
      %parallel_loop3A_783 = arith.constant 48 : index
      %parallel_loop3A_784 = tpu.vector_load %arg8[%parallel_loop3A_781, %parallel_loop3A_782, %parallel_loop3A_783] {strides = array<i32>} : memref<12x32x128xf32, #tpu.memory_space<vmem>>, vector<1x1x16xf32>,
      %parallel_loop3A_785 = vector.shape_cast %parallel_loop3A_784 : vector<1x1x16xf32> to vector<16xf32>
      %parallel_loop3A_786 = arith.constant 6 : i32
      %parallel_loop3A_787 = arith.index_cast %parallel_loop3A_786 : i32 to index
      %parallel_loop3A_788 = arith.index_cast %parallel_loop3A_729 : i32 to index
      %parallel_loop3A_789 = arith.constant 48 : index
      %parallel_loop3A_790 = tpu.vector_load %arg9[%parallel_loop3A_787, %parallel_loop3A_788, %parallel_loop3A_789] {strides = array<i32>} : memref<12x32x128xf32, #tpu.memory_space<vmem>>, vector<1x1x16xf32>,
      %parallel_loop3A_791 = vector.shape_cast %parallel_loop3A_790 : vector<1x1x16xf32> to vector<16xf32>
      %parallel_loop3A_792 = arith.mulf %parallel_loop3A_785, %parallel_loop3A_791 : vector<16xf32>
      %parallel_loop3A_793 = arith.addf %parallel_loop3A_733, %parallel_loop3A_792 : vector<16xf32>
      %parallel_loop3A_794 = arith.constant 6 : i32
      %parallel_loop3A_795 = arith.index_cast %parallel_loop3A_794 : i32 to index
      %parallel_loop3A_796 = arith.index_cast %parallel_loop3A_729 : i32 to index
      %parallel_loop3A_797 = arith.constant 64 : index
      %parallel_loop3A_798 = tpu.vector_load %arg8[%parallel_loop3A_795, %parallel_loop3A_796, %parallel_loop3A_797] {strides = array<i32>} : memref<12x32x128xf32, #tpu.memory_space<vmem>>, vector<1x1x16xf32>,
      %parallel_loop3A_799 = vector.shape_cast %parallel_loop3A_798 : vector<1x1x16xf32> to vector<16xf32>
      %parallel_loop3A_800 = arith.constant 6 : i32
      %parallel_loop3A_801 = arith.index_cast %parallel_loop3A_800 : i32 to index
      %parallel_loop3A_802 = arith.index_cast %parallel_loop3A_729 : i32 to index
      %parallel_loop3A_803 = arith.constant 64 : index
      %parallel_loop3A_804 = tpu.vector_load %arg9[%parallel_loop3A_801, %parallel_loop3A_802, %parallel_loop3A_803] {strides = array<i32>} : memref<12x32x128xf32, #tpu.memory_space<vmem>>, vector<1x1x16xf32>,
      %parallel_loop3A_805 = vector.shape_cast %parallel_loop3A_804 : vector<1x1x16xf32> to vector<16xf32>
      %parallel_loop3A_806 = arith.mulf %parallel_loop3A_799, %parallel_loop3A_805 : vector<16xf32>
      %parallel_loop3A_807 = arith.addf %parallel_loop3A_734, %parallel_loop3A_806 : vector<16xf32>
      %parallel_loop3A_808 = arith.constant 6 : i32
      %parallel_loop3A_809 = arith.index_cast %parallel_loop3A_808 : i32 to index
      %parallel_loop3A_810 = arith.index_cast %parallel_loop3A_729 : i32 to index
      %parallel_loop3A_811 = arith.constant 80 : index
      %parallel_loop3A_812 = tpu.vector_load %arg8[%parallel_loop3A_809, %parallel_loop3A_810, %parallel_loop3A_811] {strides = array<i32>} : memref<12x32x128xf32, #tpu.memory_space<vmem>>, vector<1x1x16xf32>,
      %parallel_loop3A_813 = vector.shape_cast %parallel_loop3A_812 : vector<1x1x16xf32> to vector<16xf32>
      %parallel_loop3A_814 = arith.constant 6 : i32
      %parallel_loop3A_815 = arith.index_cast %parallel_loop3A_814 : i32 to index
      %parallel_loop3A_816 = arith.index_cast %parallel_loop3A_729 : i32 to index
      %parallel_loop3A_817 = arith.constant 80 : index
      %parallel_loop3A_818 = tpu.vector_load %arg9[%parallel_loop3A_815, %parallel_loop3A_816, %parallel_loop3A_817] {strides = array<i32>} : memref<12x32x128xf32, #tpu.memory_space<vmem>>, vector<1x1x16xf32>,
      %parallel_loop3A_819 = vector.shape_cast %parallel_loop3A_818 : vector<1x1x16xf32> to vector<16xf32>
      %parallel_loop3A_820 = arith.mulf %parallel_loop3A_813, %parallel_loop3A_819 : vector<16xf32>
      %parallel_loop3A_821 = arith.addf %parallel_loop3A_735, %parallel_loop3A_820 : vector<16xf32>
      %parallel_loop3A_822 = arith.constant 6 : i32
      %parallel_loop3A_823 = arith.index_cast %parallel_loop3A_822 : i32 to index
      %parallel_loop3A_824 = arith.index_cast %parallel_loop3A_729 : i32 to index
      %parallel_loop3A_825 = arith.constant 96 : index
      %parallel_loop3A_826 = tpu.vector_load %arg8[%parallel_loop3A_823, %parallel_loop3A_824, %parallel_loop3A_825] {strides = array<i32>} : memref<12x32x128xf32, #tpu.memory_space<vmem>>, vector<1x1x16xf32>,
      %parallel_loop3A_827 = vector.shape_cast %parallel_loop3A_826 : vector<1x1x16xf32> to vector<16xf32>
      %parallel_loop3A_828 = arith.constant 6 : i32
      %parallel_loop3A_829 = arith.index_cast %parallel_loop3A_828 : i32 to index
      %parallel_loop3A_830 = arith.index_cast %parallel_loop3A_729 : i32 to index
      %parallel_loop3A_831 = arith.constant 96 : index
      %parallel_loop3A_832 = tpu.vector_load %arg9[%parallel_loop3A_829, %parallel_loop3A_830, %parallel_loop3A_831] {strides = array<i32>} : memref<12x32x128xf32, #tpu.memory_space<vmem>>, vector<1x1x16xf32>,
      %parallel_loop3A_833 = vector.shape_cast %parallel_loop3A_832 : vector<1x1x16xf32> to vector<16xf32>
      %parallel_loop3A_834 = arith.mulf %parallel_loop3A_827, %parallel_loop3A_833 : vector<16xf32>
      %parallel_loop3A_835 = arith.addf %parallel_loop3A_736, %parallel_loop3A_834 : vector<16xf32>
      %parallel_loop3A_836 = arith.constant 6 : i32
      %parallel_loop3A_837 = arith.index_cast %parallel_loop3A_836 : i32 to index
      %parallel_loop3A_838 = arith.index_cast %parallel_loop3A_729 : i32 to index
      %parallel_loop3A_839 = arith.constant 112 : index
      %parallel_loop3A_840 = tpu.vector_load %arg8[%parallel_loop3A_837, %parallel_loop3A_838, %parallel_loop3A_839] {strides = array<i32>} : memref<12x32x128xf32, #tpu.memory_space<vmem>>, vector<1x1x16xf32>,
      %parallel_loop3A_841 = vector.shape_cast %parallel_loop3A_840 : vector<1x1x16xf32> to vector<16xf32>
      %parallel_loop3A_842 = arith.constant 6 : i32
      %parallel_loop3A_843 = arith.index_cast %parallel_loop3A_842 : i32 to index
      %parallel_loop3A_844 = arith.index_cast %parallel_loop3A_729 : i32 to index
      %parallel_loop3A_845 = arith.constant 112 : index
      %parallel_loop3A_846 = tpu.vector_load %arg9[%parallel_loop3A_843, %parallel_loop3A_844, %parallel_loop3A_845] {strides = array<i32>} : memref<12x32x128xf32, #tpu.memory_space<vmem>>, vector<1x1x16xf32>,
      %parallel_loop3A_847 = vector.shape_cast %parallel_loop3A_846 : vector<1x1x16xf32> to vector<16xf32>
      %parallel_loop3A_848 = arith.mulf %parallel_loop3A_841, %parallel_loop3A_847 : vector<16xf32>
      %parallel_loop3A_849 = arith.addf %parallel_loop3A_737, %parallel_loop3A_848 : vector<16xf32>
      scf.yield %parallel_loop3A_751, %parallel_loop3A_765, %parallel_loop3A_779, %parallel_loop3A_793, %parallel_loop3A_807, %parallel_loop3A_821, %parallel_loop3A_835, %parallel_loop3A_849 : vector<16xf32>, vector<16xf32>, vector<16xf32>, vector<16xf32>, vector<16xf32>, vector<16xf32>, vector<16xf32>, vector<16xf32>
    } {sc.loop_unroll_factor = 4 : i64, sc.parallel_access}
    %dma_start3A_443 = arith.constant 1 : i32
    %dma_start3A_444 = arith.constant 0 : i32
    %dma_start3A_445 = arith.constant 0 : i32
    %dma_start3A_446 = tpu.memref_slice %arg8[%dma_start3A_443, %dma_start3A_444, %dma_start3A_445] : memref<12x32x128xf32, #tpu.memory_space<vmem>> -> memref<1x32x128xf32, #tpu.memory_space<vmem>>
    %dma_start3A_447 = tpu.memref_squeeze %dma_start3A_446 : memref<1x32x128xf32, #tpu.memory_space<vmem>> -> memref<32x128xf32, #tpu.memory_space<vmem>>
    %dma_start3A_448 = arith.constant 416 : i32
    %dma_start3A_449 = tpu.memref_slice %arg6[%dma_start3A_448] : memref<512xi32, #tpu.memory_space<vmem>> -> memref<32xi32, #tpu.memory_space<vmem>>
    %dma_start3A_450 = arith.constant 0 : i32
    %dma_start3A_451 = arith.constant 0 : i32
    %dma_start3A_452 = tpu.memref_slice %arg4[%dma_start3A_450, %dma_start3A_451] : memref<1000000x128xf32, #tpu.memory_space<hbm>> -> memref<1000000x128xf32, #tpu.memory_space<hbm>>
    tpu.enqueue_indirect_dma source(%dma_start3A_452 : memref<1000000x128xf32, #tpu.memory_space<hbm>>) target(%dma_start3A_447 : memref<32x128xf32, #tpu.memory_space<vmem>>) offsets(%dma_start3A_449 : memref<32xi32, #tpu.memory_space<vmem>>) semaphore(%arg12 : memref<!tpu.dma_semaphore, #tpu.memory_space<semaphore_mem>>)
    %dma_start3A_453 = arith.constant 1 : i32
    %dma_start3A_454 = arith.constant 0 : i32
    %dma_start3A_455 = arith.constant 0 : i32
    %dma_start3A_456 = tpu.memref_slice %arg9[%dma_start3A_453, %dma_start3A_454, %dma_start3A_455] : memref<12x32x128xf32, #tpu.memory_space<vmem>> -> memref<1x32x128xf32, #tpu.memory_space<vmem>>
    %dma_start3A_457 = tpu.memref_squeeze %dma_start3A_456 : memref<1x32x128xf32, #tpu.memory_space<vmem>> -> memref<32x128xf32, #tpu.memory_space<vmem>>
    %dma_start3A_458 = arith.constant 416 : i32
    %dma_start3A_459 = tpu.memref_slice %arg7[%dma_start3A_458] : memref<512xi32, #tpu.memory_space<vmem>> -> memref<32xi32, #tpu.memory_space<vmem>>
    %dma_start3A_460 = arith.constant 0 : i32
    %dma_start3A_461 = arith.constant 0 : i32
    %dma_start3A_462 = tpu.memref_slice %arg4[%dma_start3A_460, %dma_start3A_461] : memref<1000000x128xf32, #tpu.memory_space<hbm>> -> memref<1000000x128xf32, #tpu.memory_space<hbm>>
    tpu.enqueue_indirect_dma source(%dma_start3A_462 : memref<1000000x128xf32, #tpu.memory_space<hbm>>) target(%dma_start3A_457 : memref<32x128xf32, #tpu.memory_space<vmem>>) offsets(%dma_start3A_459 : memref<32xi32, #tpu.memory_space<vmem>>) semaphore(%arg24 : memref<!tpu.dma_semaphore, #tpu.memory_space<semaphore_mem>>)
    %dma_wait3A_463 = arith.constant 7 : i32
    %dma_wait3A_464 = arith.constant 0 : i32
    %dma_wait3A_465 = arith.constant 0 : i32
    %dma_wait3A_466 = tpu.memref_slice %arg8[%dma_wait3A_463, %dma_wait3A_464, %dma_wait3A_465] : memref<12x32x128xf32, #tpu.memory_space<vmem>> -> memref<1x32x128xf32, #tpu.memory_space<vmem>>
    %dma_wait3A_467 = tpu.memref_squeeze %dma_wait3A_466 : memref<1x32x128xf32, #tpu.memory_space<vmem>> -> memref<32x128xf32, #tpu.memory_space<vmem>>
    %dma_wait3A_468 = arith.constant 224 : i32
    %dma_wait3A_469 = tpu.memref_slice %arg6[%dma_wait3A_468] : memref<512xi32, #tpu.memory_space<vmem>> -> memref<32xi32, #tpu.memory_space<vmem>>
    %dma_wait3A_470 = arith.constant 0 : i32
    %dma_wait3A_471 = arith.constant 0 : i32
    %dma_wait3A_472 = tpu.memref_slice %arg4[%dma_wait3A_470, %dma_wait3A_471] : memref<1000000x128xf32, #tpu.memory_space<hbm>> -> memref<1000000x128xf32, #tpu.memory_space<hbm>>
    tpu.wait_indirect_dma semaphore(%arg18 : memref<!tpu.dma_semaphore, #tpu.memory_space<semaphore_mem>>) src(%dma_wait3A_472 : memref<1000000x128xf32, #tpu.memory_space<hbm>>) dst(%dma_wait3A_467 : memref<32x128xf32, #tpu.memory_space<vmem>>)
    %dma_wait3A_473 = arith.constant 7 : i32
    %dma_wait3A_474 = arith.constant 0 : i32
    %dma_wait3A_475 = arith.constant 0 : i32
    %dma_wait3A_476 = tpu.memref_slice %arg9[%dma_wait3A_473, %dma_wait3A_474, %dma_wait3A_475] : memref<12x32x128xf32, #tpu.memory_space<vmem>> -> memref<1x32x128xf32, #tpu.memory_space<vmem>>
    %dma_wait3A_477 = tpu.memref_squeeze %dma_wait3A_476 : memref<1x32x128xf32, #tpu.memory_space<vmem>> -> memref<32x128xf32, #tpu.memory_space<vmem>>
    %dma_wait3A_478 = arith.constant 224 : i32
    %dma_wait3A_479 = tpu.memref_slice %arg7[%dma_wait3A_478] : memref<512xi32, #tpu.memory_space<vmem>> -> memref<32xi32, #tpu.memory_space<vmem>>
    %dma_wait3A_480 = arith.constant 0 : i32
    %dma_wait3A_481 = arith.constant 0 : i32
    %dma_wait3A_482 = tpu.memref_slice %arg4[%dma_wait3A_480, %dma_wait3A_481] : memref<1000000x128xf32, #tpu.memory_space<hbm>> -> memref<1000000x128xf32, #tpu.memory_space<hbm>>
    tpu.wait_indirect_dma semaphore(%arg30 : memref<!tpu.dma_semaphore, #tpu.memory_space<semaphore_mem>>) src(%dma_wait3A_482 : memref<1000000x128xf32, #tpu.memory_space<hbm>>) dst(%dma_wait3A_477 : memref<32x128xf32, #tpu.memory_space<vmem>>)
    %parallel_loop3A_483 = arith.constant 0 : i32
    %parallel_loop3A_484 = arith.constant 32 : i32
    %parallel_loop3A_485 = arith.constant 1 : i32
    %parallel_loop3A_486:8 = scf.for %parallel_loop3A_729 = %parallel_loop3A_483 to %parallel_loop3A_484 step %parallel_loop3A_485 iter_args(%parallel_loop3A_730 = %parallel_loop3A_442#0, %parallel_loop3A_731 = %parallel_loop3A_442#1, %parallel_loop3A_732 = %parallel_loop3A_442#2, %parallel_loop3A_733 = %parallel_loop3A_442#3, %parallel_loop3A_734 = %parallel_loop3A_442#4, %parallel_loop3A_735 = %parallel_loop3A_442#5, %parallel_loop3A_736 = %parallel_loop3A_442#6, %parallel_loop3A_737 = %parallel_loop3A_442#7) -> (vector<16xf32>, vector<16xf32>, vector<16xf32>, vector<16xf32>, vector<16xf32>, vector<16xf32>, vector<16xf32>, vector<16xf32>)  : i32 {
      %parallel_loop3A_738 = arith.constant 7 : i32
      %parallel_loop3A_739 = arith.index_cast %parallel_loop3A_738 : i32 to index
      %parallel_loop3A_740 = arith.index_cast %parallel_loop3A_729 : i32 to index
      %parallel_loop3A_741 = arith.constant 0 : index
      %parallel_loop3A_742 = tpu.vector_load %arg8[%parallel_loop3A_739, %parallel_loop3A_740, %parallel_loop3A_741] {strides = array<i32>} : memref<12x32x128xf32, #tpu.memory_space<vmem>>, vector<1x1x16xf32>,
      %parallel_loop3A_743 = vector.shape_cast %parallel_loop3A_742 : vector<1x1x16xf32> to vector<16xf32>
      %parallel_loop3A_744 = arith.constant 7 : i32
      %parallel_loop3A_745 = arith.index_cast %parallel_loop3A_744 : i32 to index
      %parallel_loop3A_746 = arith.index_cast %parallel_loop3A_729 : i32 to index
      %parallel_loop3A_747 = arith.constant 0 : index
      %parallel_loop3A_748 = tpu.vector_load %arg9[%parallel_loop3A_745, %parallel_loop3A_746, %parallel_loop3A_747] {strides = array<i32>} : memref<12x32x128xf32, #tpu.memory_space<vmem>>, vector<1x1x16xf32>,
      %parallel_loop3A_749 = vector.shape_cast %parallel_loop3A_748 : vector<1x1x16xf32> to vector<16xf32>
      %parallel_loop3A_750 = arith.mulf %parallel_loop3A_743, %parallel_loop3A_749 : vector<16xf32>
      %parallel_loop3A_751 = arith.addf %parallel_loop3A_730, %parallel_loop3A_750 : vector<16xf32>
      %parallel_loop3A_752 = arith.constant 7 : i32
      %parallel_loop3A_753 = arith.index_cast %parallel_loop3A_752 : i32 to index
      %parallel_loop3A_754 = arith.index_cast %parallel_loop3A_729 : i32 to index
      %parallel_loop3A_755 = arith.constant 16 : index
      %parallel_loop3A_756 = tpu.vector_load %arg8[%parallel_loop3A_753, %parallel_loop3A_754, %parallel_loop3A_755] {strides = array<i32>} : memref<12x32x128xf32, #tpu.memory_space<vmem>>, vector<1x1x16xf32>,
      %parallel_loop3A_757 = vector.shape_cast %parallel_loop3A_756 : vector<1x1x16xf32> to vector<16xf32>
      %parallel_loop3A_758 = arith.constant 7 : i32
      %parallel_loop3A_759 = arith.index_cast %parallel_loop3A_758 : i32 to index
      %parallel_loop3A_760 = arith.index_cast %parallel_loop3A_729 : i32 to index
      %parallel_loop3A_761 = arith.constant 16 : index
      %parallel_loop3A_762 = tpu.vector_load %arg9[%parallel_loop3A_759, %parallel_loop3A_760, %parallel_loop3A_761] {strides = array<i32>} : memref<12x32x128xf32, #tpu.memory_space<vmem>>, vector<1x1x16xf32>,
      %parallel_loop3A_763 = vector.shape_cast %parallel_loop3A_762 : vector<1x1x16xf32> to vector<16xf32>
      %parallel_loop3A_764 = arith.mulf %parallel_loop3A_757, %parallel_loop3A_763 : vector<16xf32>
      %parallel_loop3A_765 = arith.addf %parallel_loop3A_731, %parallel_loop3A_764 : vector<16xf32>
      %parallel_loop3A_766 = arith.constant 7 : i32
      %parallel_loop3A_767 = arith.index_cast %parallel_loop3A_766 : i32 to index
      %parallel_loop3A_768 = arith.index_cast %parallel_loop3A_729 : i32 to index
      %parallel_loop3A_769 = arith.constant 32 : index
      %parallel_loop3A_770 = tpu.vector_load %arg8[%parallel_loop3A_767, %parallel_loop3A_768, %parallel_loop3A_769] {strides = array<i32>} : memref<12x32x128xf32, #tpu.memory_space<vmem>>, vector<1x1x16xf32>,
      %parallel_loop3A_771 = vector.shape_cast %parallel_loop3A_770 : vector<1x1x16xf32> to vector<16xf32>
      %parallel_loop3A_772 = arith.constant 7 : i32
      %parallel_loop3A_773 = arith.index_cast %parallel_loop3A_772 : i32 to index
      %parallel_loop3A_774 = arith.index_cast %parallel_loop3A_729 : i32 to index
      %parallel_loop3A_775 = arith.constant 32 : index
      %parallel_loop3A_776 = tpu.vector_load %arg9[%parallel_loop3A_773, %parallel_loop3A_774, %parallel_loop3A_775] {strides = array<i32>} : memref<12x32x128xf32, #tpu.memory_space<vmem>>, vector<1x1x16xf32>,
      %parallel_loop3A_777 = vector.shape_cast %parallel_loop3A_776 : vector<1x1x16xf32> to vector<16xf32>
      %parallel_loop3A_778 = arith.mulf %parallel_loop3A_771, %parallel_loop3A_777 : vector<16xf32>
      %parallel_loop3A_779 = arith.addf %parallel_loop3A_732, %parallel_loop3A_778 : vector<16xf32>
      %parallel_loop3A_780 = arith.constant 7 : i32
      %parallel_loop3A_781 = arith.index_cast %parallel_loop3A_780 : i32 to index
      %parallel_loop3A_782 = arith.index_cast %parallel_loop3A_729 : i32 to index
      %parallel_loop3A_783 = arith.constant 48 : index
      %parallel_loop3A_784 = tpu.vector_load %arg8[%parallel_loop3A_781, %parallel_loop3A_782, %parallel_loop3A_783] {strides = array<i32>} : memref<12x32x128xf32, #tpu.memory_space<vmem>>, vector<1x1x16xf32>,
      %parallel_loop3A_785 = vector.shape_cast %parallel_loop3A_784 : vector<1x1x16xf32> to vector<16xf32>
      %parallel_loop3A_786 = arith.constant 7 : i32
      %parallel_loop3A_787 = arith.index_cast %parallel_loop3A_786 : i32 to index
      %parallel_loop3A_788 = arith.index_cast %parallel_loop3A_729 : i32 to index
      %parallel_loop3A_789 = arith.constant 48 : index
      %parallel_loop3A_790 = tpu.vector_load %arg9[%parallel_loop3A_787, %parallel_loop3A_788, %parallel_loop3A_789] {strides = array<i32>} : memref<12x32x128xf32, #tpu.memory_space<vmem>>, vector<1x1x16xf32>,
      %parallel_loop3A_791 = vector.shape_cast %parallel_loop3A_790 : vector<1x1x16xf32> to vector<16xf32>
      %parallel_loop3A_792 = arith.mulf %parallel_loop3A_785, %parallel_loop3A_791 : vector<16xf32>
      %parallel_loop3A_793 = arith.addf %parallel_loop3A_733, %parallel_loop3A_792 : vector<16xf32>
      %parallel_loop3A_794 = arith.constant 7 : i32
      %parallel_loop3A_795 = arith.index_cast %parallel_loop3A_794 : i32 to index
      %parallel_loop3A_796 = arith.index_cast %parallel_loop3A_729 : i32 to index
      %parallel_loop3A_797 = arith.constant 64 : index
      %parallel_loop3A_798 = tpu.vector_load %arg8[%parallel_loop3A_795, %parallel_loop3A_796, %parallel_loop3A_797] {strides = array<i32>} : memref<12x32x128xf32, #tpu.memory_space<vmem>>, vector<1x1x16xf32>,
      %parallel_loop3A_799 = vector.shape_cast %parallel_loop3A_798 : vector<1x1x16xf32> to vector<16xf32>
      %parallel_loop3A_800 = arith.constant 7 : i32
      %parallel_loop3A_801 = arith.index_cast %parallel_loop3A_800 : i32 to index
      %parallel_loop3A_802 = arith.index_cast %parallel_loop3A_729 : i32 to index
      %parallel_loop3A_803 = arith.constant 64 : index
      %parallel_loop3A_804 = tpu.vector_load %arg9[%parallel_loop3A_801, %parallel_loop3A_802, %parallel_loop3A_803] {strides = array<i32>} : memref<12x32x128xf32, #tpu.memory_space<vmem>>, vector<1x1x16xf32>,
      %parallel_loop3A_805 = vector.shape_cast %parallel_loop3A_804 : vector<1x1x16xf32> to vector<16xf32>
      %parallel_loop3A_806 = arith.mulf %parallel_loop3A_799, %parallel_loop3A_805 : vector<16xf32>
      %parallel_loop3A_807 = arith.addf %parallel_loop3A_734, %parallel_loop3A_806 : vector<16xf32>
      %parallel_loop3A_808 = arith.constant 7 : i32
      %parallel_loop3A_809 = arith.index_cast %parallel_loop3A_808 : i32 to index
      %parallel_loop3A_810 = arith.index_cast %parallel_loop3A_729 : i32 to index
      %parallel_loop3A_811 = arith.constant 80 : index
      %parallel_loop3A_812 = tpu.vector_load %arg8[%parallel_loop3A_809, %parallel_loop3A_810, %parallel_loop3A_811] {strides = array<i32>} : memref<12x32x128xf32, #tpu.memory_space<vmem>>, vector<1x1x16xf32>,
      %parallel_loop3A_813 = vector.shape_cast %parallel_loop3A_812 : vector<1x1x16xf32> to vector<16xf32>
      %parallel_loop3A_814 = arith.constant 7 : i32
      %parallel_loop3A_815 = arith.index_cast %parallel_loop3A_814 : i32 to index
      %parallel_loop3A_816 = arith.index_cast %parallel_loop3A_729 : i32 to index
      %parallel_loop3A_817 = arith.constant 80 : index
      %parallel_loop3A_818 = tpu.vector_load %arg9[%parallel_loop3A_815, %parallel_loop3A_816, %parallel_loop3A_817] {strides = array<i32>} : memref<12x32x128xf32, #tpu.memory_space<vmem>>, vector<1x1x16xf32>,
      %parallel_loop3A_819 = vector.shape_cast %parallel_loop3A_818 : vector<1x1x16xf32> to vector<16xf32>
      %parallel_loop3A_820 = arith.mulf %parallel_loop3A_813, %parallel_loop3A_819 : vector<16xf32>
      %parallel_loop3A_821 = arith.addf %parallel_loop3A_735, %parallel_loop3A_820 : vector<16xf32>
      %parallel_loop3A_822 = arith.constant 7 : i32
      %parallel_loop3A_823 = arith.index_cast %parallel_loop3A_822 : i32 to index
      %parallel_loop3A_824 = arith.index_cast %parallel_loop3A_729 : i32 to index
      %parallel_loop3A_825 = arith.constant 96 : index
      %parallel_loop3A_826 = tpu.vector_load %arg8[%parallel_loop3A_823, %parallel_loop3A_824, %parallel_loop3A_825] {strides = array<i32>} : memref<12x32x128xf32, #tpu.memory_space<vmem>>, vector<1x1x16xf32>,
      %parallel_loop3A_827 = vector.shape_cast %parallel_loop3A_826 : vector<1x1x16xf32> to vector<16xf32>
      %parallel_loop3A_828 = arith.constant 7 : i32
      %parallel_loop3A_829 = arith.index_cast %parallel_loop3A_828 : i32 to index
      %parallel_loop3A_830 = arith.index_cast %parallel_loop3A_729 : i32 to index
      %parallel_loop3A_831 = arith.constant 96 : index
      %parallel_loop3A_832 = tpu.vector_load %arg9[%parallel_loop3A_829, %parallel_loop3A_830, %parallel_loop3A_831] {strides = array<i32>} : memref<12x32x128xf32, #tpu.memory_space<vmem>>, vector<1x1x16xf32>,
      %parallel_loop3A_833 = vector.shape_cast %parallel_loop3A_832 : vector<1x1x16xf32> to vector<16xf32>
      %parallel_loop3A_834 = arith.mulf %parallel_loop3A_827, %parallel_loop3A_833 : vector<16xf32>
      %parallel_loop3A_835 = arith.addf %parallel_loop3A_736, %parallel_loop3A_834 : vector<16xf32>
      %parallel_loop3A_836 = arith.constant 7 : i32
      %parallel_loop3A_837 = arith.index_cast %parallel_loop3A_836 : i32 to index
      %parallel_loop3A_838 = arith.index_cast %parallel_loop3A_729 : i32 to index
      %parallel_loop3A_839 = arith.constant 112 : index
      %parallel_loop3A_840 = tpu.vector_load %arg8[%parallel_loop3A_837, %parallel_loop3A_838, %parallel_loop3A_839] {strides = array<i32>} : memref<12x32x128xf32, #tpu.memory_space<vmem>>, vector<1x1x16xf32>,
      %parallel_loop3A_841 = vector.shape_cast %parallel_loop3A_840 : vector<1x1x16xf32> to vector<16xf32>
      %parallel_loop3A_842 = arith.constant 7 : i32
      %parallel_loop3A_843 = arith.index_cast %parallel_loop3A_842 : i32 to index
      %parallel_loop3A_844 = arith.index_cast %parallel_loop3A_729 : i32 to index
      %parallel_loop3A_845 = arith.constant 112 : index
      %parallel_loop3A_846 = tpu.vector_load %arg9[%parallel_loop3A_843, %parallel_loop3A_844, %parallel_loop3A_845] {strides = array<i32>} : memref<12x32x128xf32, #tpu.memory_space<vmem>>, vector<1x1x16xf32>,
      %parallel_loop3A_847 = vector.shape_cast %parallel_loop3A_846 : vector<1x1x16xf32> to vector<16xf32>
      %parallel_loop3A_848 = arith.mulf %parallel_loop3A_841, %parallel_loop3A_847 : vector<16xf32>
      %parallel_loop3A_849 = arith.addf %parallel_loop3A_737, %parallel_loop3A_848 : vector<16xf32>
      scf.yield %parallel_loop3A_751, %parallel_loop3A_765, %parallel_loop3A_779, %parallel_loop3A_793, %parallel_loop3A_807, %parallel_loop3A_821, %parallel_loop3A_835, %parallel_loop3A_849 : vector<16xf32>, vector<16xf32>, vector<16xf32>, vector<16xf32>, vector<16xf32>, vector<16xf32>, vector<16xf32>, vector<16xf32>
    } {sc.loop_unroll_factor = 4 : i64, sc.parallel_access}
    %dma_start3A_487 = arith.constant 2 : i32
    %dma_start3A_488 = arith.constant 0 : i32
    %dma_start3A_489 = arith.constant 0 : i32
    %dma_start3A_490 = tpu.memref_slice %arg8[%dma_start3A_487, %dma_start3A_488, %dma_start3A_489] : memref<12x32x128xf32, #tpu.memory_space<vmem>> -> memref<1x32x128xf32, #tpu.memory_space<vmem>>
    %dma_start3A_491 = tpu.memref_squeeze %dma_start3A_490 : memref<1x32x128xf32, #tpu.memory_space<vmem>> -> memref<32x128xf32, #tpu.memory_space<vmem>>
    %dma_start3A_492 = arith.constant 448 : i32
    %dma_start3A_493 = tpu.memref_slice %arg6[%dma_start3A_492] : memref<512xi32, #tpu.memory_space<vmem>> -> memref<32xi32, #tpu.memory_space<vmem>>
    %dma_start3A_494 = arith.constant 0 : i32
    %dma_start3A_495 = arith.constant 0 : i32
    %dma_start3A_496 = tpu.memref_slice %arg4[%dma_start3A_494, %dma_start3A_495] : memref<1000000x128xf32, #tpu.memory_space<hbm>> -> memref<1000000x128xf32, #tpu.memory_space<hbm>>
    tpu.enqueue_indirect_dma source(%dma_start3A_496 : memref<1000000x128xf32, #tpu.memory_space<hbm>>) target(%dma_start3A_491 : memref<32x128xf32, #tpu.memory_space<vmem>>) offsets(%dma_start3A_493 : memref<32xi32, #tpu.memory_space<vmem>>) semaphore(%arg13 : memref<!tpu.dma_semaphore, #tpu.memory_space<semaphore_mem>>)
    %dma_start3A_497 = arith.constant 2 : i32
    %dma_start3A_498 = arith.constant 0 : i32
    %dma_start3A_499 = arith.constant 0 : i32
    %dma_start3A_500 = tpu.memref_slice %arg9[%dma_start3A_497, %dma_start3A_498, %dma_start3A_499] : memref<12x32x128xf32, #tpu.memory_space<vmem>> -> memref<1x32x128xf32, #tpu.memory_space<vmem>>
    %dma_start3A_501 = tpu.memref_squeeze %dma_start3A_500 : memref<1x32x128xf32, #tpu.memory_space<vmem>> -> memref<32x128xf32, #tpu.memory_space<vmem>>
    %dma_start3A_502 = arith.constant 448 : i32
    %dma_start3A_503 = tpu.memref_slice %arg7[%dma_start3A_502] : memref<512xi32, #tpu.memory_space<vmem>> -> memref<32xi32, #tpu.memory_space<vmem>>
    %dma_start3A_504 = arith.constant 0 : i32
    %dma_start3A_505 = arith.constant 0 : i32
    %dma_start3A_506 = tpu.memref_slice %arg4[%dma_start3A_504, %dma_start3A_505] : memref<1000000x128xf32, #tpu.memory_space<hbm>> -> memref<1000000x128xf32, #tpu.memory_space<hbm>>
    tpu.enqueue_indirect_dma source(%dma_start3A_506 : memref<1000000x128xf32, #tpu.memory_space<hbm>>) target(%dma_start3A_501 : memref<32x128xf32, #tpu.memory_space<vmem>>) offsets(%dma_start3A_503 : memref<32xi32, #tpu.memory_space<vmem>>) semaphore(%arg25 : memref<!tpu.dma_semaphore, #tpu.memory_space<semaphore_mem>>)
    %dma_wait3A_507 = arith.constant 8 : i32
    %dma_wait3A_508 = arith.constant 0 : i32
    %dma_wait3A_509 = arith.constant 0 : i32
    %dma_wait3A_510 = tpu.memref_slice %arg8[%dma_wait3A_507, %dma_wait3A_508, %dma_wait3A_509] : memref<12x32x128xf32, #tpu.memory_space<vmem>> -> memref<1x32x128xf32, #tpu.memory_space<vmem>>
    %dma_wait3A_511 = tpu.memref_squeeze %dma_wait3A_510 : memref<1x32x128xf32, #tpu.memory_space<vmem>> -> memref<32x128xf32, #tpu.memory_space<vmem>>
    %dma_wait3A_512 = arith.constant 256 : i32
    %dma_wait3A_513 = tpu.memref_slice %arg6[%dma_wait3A_512] : memref<512xi32, #tpu.memory_space<vmem>> -> memref<32xi32, #tpu.memory_space<vmem>>
    %dma_wait3A_514 = arith.constant 0 : i32
    %dma_wait3A_515 = arith.constant 0 : i32
    %dma_wait3A_516 = tpu.memref_slice %arg4[%dma_wait3A_514, %dma_wait3A_515] : memref<1000000x128xf32, #tpu.memory_space<hbm>> -> memref<1000000x128xf32, #tpu.memory_space<hbm>>
    tpu.wait_indirect_dma semaphore(%arg19 : memref<!tpu.dma_semaphore, #tpu.memory_space<semaphore_mem>>) src(%dma_wait3A_516 : memref<1000000x128xf32, #tpu.memory_space<hbm>>) dst(%dma_wait3A_511 : memref<32x128xf32, #tpu.memory_space<vmem>>)
    %dma_wait3A_517 = arith.constant 8 : i32
    %dma_wait3A_518 = arith.constant 0 : i32
    %dma_wait3A_519 = arith.constant 0 : i32
    %dma_wait3A_520 = tpu.memref_slice %arg9[%dma_wait3A_517, %dma_wait3A_518, %dma_wait3A_519] : memref<12x32x128xf32, #tpu.memory_space<vmem>> -> memref<1x32x128xf32, #tpu.memory_space<vmem>>
    %dma_wait3A_521 = tpu.memref_squeeze %dma_wait3A_520 : memref<1x32x128xf32, #tpu.memory_space<vmem>> -> memref<32x128xf32, #tpu.memory_space<vmem>>
    %dma_wait3A_522 = arith.constant 256 : i32
    %dma_wait3A_523 = tpu.memref_slice %arg7[%dma_wait3A_522] : memref<512xi32, #tpu.memory_space<vmem>> -> memref<32xi32, #tpu.memory_space<vmem>>
    %dma_wait3A_524 = arith.constant 0 : i32
    %dma_wait3A_525 = arith.constant 0 : i32
    %dma_wait3A_526 = tpu.memref_slice %arg4[%dma_wait3A_524, %dma_wait3A_525] : memref<1000000x128xf32, #tpu.memory_space<hbm>> -> memref<1000000x128xf32, #tpu.memory_space<hbm>>
    tpu.wait_indirect_dma semaphore(%arg31 : memref<!tpu.dma_semaphore, #tpu.memory_space<semaphore_mem>>) src(%dma_wait3A_526 : memref<1000000x128xf32, #tpu.memory_space<hbm>>) dst(%dma_wait3A_521 : memref<32x128xf32, #tpu.memory_space<vmem>>)
    %parallel_loop3A_527 = arith.constant 0 : i32
    %parallel_loop3A_528 = arith.constant 32 : i32
    %parallel_loop3A_529 = arith.constant 1 : i32
    %parallel_loop3A_530:8 = scf.for %parallel_loop3A_729 = %parallel_loop3A_527 to %parallel_loop3A_528 step %parallel_loop3A_529 iter_args(%parallel_loop3A_730 = %parallel_loop3A_486#0, %parallel_loop3A_731 = %parallel_loop3A_486#1, %parallel_loop3A_732 = %parallel_loop3A_486#2, %parallel_loop3A_733 = %parallel_loop3A_486#3, %parallel_loop3A_734 = %parallel_loop3A_486#4, %parallel_loop3A_735 = %parallel_loop3A_486#5, %parallel_loop3A_736 = %parallel_loop3A_486#6, %parallel_loop3A_737 = %parallel_loop3A_486#7) -> (vector<16xf32>, vector<16xf32>, vector<16xf32>, vector<16xf32>, vector<16xf32>, vector<16xf32>, vector<16xf32>, vector<16xf32>)  : i32 {
      %parallel_loop3A_738 = arith.constant 8 : i32
      %parallel_loop3A_739 = arith.index_cast %parallel_loop3A_738 : i32 to index
      %parallel_loop3A_740 = arith.index_cast %parallel_loop3A_729 : i32 to index
      %parallel_loop3A_741 = arith.constant 0 : index
      %parallel_loop3A_742 = tpu.vector_load %arg8[%parallel_loop3A_739, %parallel_loop3A_740, %parallel_loop3A_741] {strides = array<i32>} : memref<12x32x128xf32, #tpu.memory_space<vmem>>, vector<1x1x16xf32>,
      %parallel_loop3A_743 = vector.shape_cast %parallel_loop3A_742 : vector<1x1x16xf32> to vector<16xf32>
      %parallel_loop3A_744 = arith.constant 8 : i32
      %parallel_loop3A_745 = arith.index_cast %parallel_loop3A_744 : i32 to index
      %parallel_loop3A_746 = arith.index_cast %parallel_loop3A_729 : i32 to index
      %parallel_loop3A_747 = arith.constant 0 : index
      %parallel_loop3A_748 = tpu.vector_load %arg9[%parallel_loop3A_745, %parallel_loop3A_746, %parallel_loop3A_747] {strides = array<i32>} : memref<12x32x128xf32, #tpu.memory_space<vmem>>, vector<1x1x16xf32>,
      %parallel_loop3A_749 = vector.shape_cast %parallel_loop3A_748 : vector<1x1x16xf32> to vector<16xf32>
      %parallel_loop3A_750 = arith.mulf %parallel_loop3A_743, %parallel_loop3A_749 : vector<16xf32>
      %parallel_loop3A_751 = arith.addf %parallel_loop3A_730, %parallel_loop3A_750 : vector<16xf32>
      %parallel_loop3A_752 = arith.constant 8 : i32
      %parallel_loop3A_753 = arith.index_cast %parallel_loop3A_752 : i32 to index
      %parallel_loop3A_754 = arith.index_cast %parallel_loop3A_729 : i32 to index
      %parallel_loop3A_755 = arith.constant 16 : index
      %parallel_loop3A_756 = tpu.vector_load %arg8[%parallel_loop3A_753, %parallel_loop3A_754, %parallel_loop3A_755] {strides = array<i32>} : memref<12x32x128xf32, #tpu.memory_space<vmem>>, vector<1x1x16xf32>,
      %parallel_loop3A_757 = vector.shape_cast %parallel_loop3A_756 : vector<1x1x16xf32> to vector<16xf32>
      %parallel_loop3A_758 = arith.constant 8 : i32
      %parallel_loop3A_759 = arith.index_cast %parallel_loop3A_758 : i32 to index
      %parallel_loop3A_760 = arith.index_cast %parallel_loop3A_729 : i32 to index
      %parallel_loop3A_761 = arith.constant 16 : index
      %parallel_loop3A_762 = tpu.vector_load %arg9[%parallel_loop3A_759, %parallel_loop3A_760, %parallel_loop3A_761] {strides = array<i32>} : memref<12x32x128xf32, #tpu.memory_space<vmem>>, vector<1x1x16xf32>,
      %parallel_loop3A_763 = vector.shape_cast %parallel_loop3A_762 : vector<1x1x16xf32> to vector<16xf32>
      %parallel_loop3A_764 = arith.mulf %parallel_loop3A_757, %parallel_loop3A_763 : vector<16xf32>
      %parallel_loop3A_765 = arith.addf %parallel_loop3A_731, %parallel_loop3A_764 : vector<16xf32>
      %parallel_loop3A_766 = arith.constant 8 : i32
      %parallel_loop3A_767 = arith.index_cast %parallel_loop3A_766 : i32 to index
      %parallel_loop3A_768 = arith.index_cast %parallel_loop3A_729 : i32 to index
      %parallel_loop3A_769 = arith.constant 32 : index
      %parallel_loop3A_770 = tpu.vector_load %arg8[%parallel_loop3A_767, %parallel_loop3A_768, %parallel_loop3A_769] {strides = array<i32>} : memref<12x32x128xf32, #tpu.memory_space<vmem>>, vector<1x1x16xf32>,
      %parallel_loop3A_771 = vector.shape_cast %parallel_loop3A_770 : vector<1x1x16xf32> to vector<16xf32>
      %parallel_loop3A_772 = arith.constant 8 : i32
      %parallel_loop3A_773 = arith.index_cast %parallel_loop3A_772 : i32 to index
      %parallel_loop3A_774 = arith.index_cast %parallel_loop3A_729 : i32 to index
      %parallel_loop3A_775 = arith.constant 32 : index
      %parallel_loop3A_776 = tpu.vector_load %arg9[%parallel_loop3A_773, %parallel_loop3A_774, %parallel_loop3A_775] {strides = array<i32>} : memref<12x32x128xf32, #tpu.memory_space<vmem>>, vector<1x1x16xf32>,
      %parallel_loop3A_777 = vector.shape_cast %parallel_loop3A_776 : vector<1x1x16xf32> to vector<16xf32>
      %parallel_loop3A_778 = arith.mulf %parallel_loop3A_771, %parallel_loop3A_777 : vector<16xf32>
      %parallel_loop3A_779 = arith.addf %parallel_loop3A_732, %parallel_loop3A_778 : vector<16xf32>
      %parallel_loop3A_780 = arith.constant 8 : i32
      %parallel_loop3A_781 = arith.index_cast %parallel_loop3A_780 : i32 to index
      %parallel_loop3A_782 = arith.index_cast %parallel_loop3A_729 : i32 to index
      %parallel_loop3A_783 = arith.constant 48 : index
      %parallel_loop3A_784 = tpu.vector_load %arg8[%parallel_loop3A_781, %parallel_loop3A_782, %parallel_loop3A_783] {strides = array<i32>} : memref<12x32x128xf32, #tpu.memory_space<vmem>>, vector<1x1x16xf32>,
      %parallel_loop3A_785 = vector.shape_cast %parallel_loop3A_784 : vector<1x1x16xf32> to vector<16xf32>
      %parallel_loop3A_786 = arith.constant 8 : i32
      %parallel_loop3A_787 = arith.index_cast %parallel_loop3A_786 : i32 to index
      %parallel_loop3A_788 = arith.index_cast %parallel_loop3A_729 : i32 to index
      %parallel_loop3A_789 = arith.constant 48 : index
      %parallel_loop3A_790 = tpu.vector_load %arg9[%parallel_loop3A_787, %parallel_loop3A_788, %parallel_loop3A_789] {strides = array<i32>} : memref<12x32x128xf32, #tpu.memory_space<vmem>>, vector<1x1x16xf32>,
      %parallel_loop3A_791 = vector.shape_cast %parallel_loop3A_790 : vector<1x1x16xf32> to vector<16xf32>
      %parallel_loop3A_792 = arith.mulf %parallel_loop3A_785, %parallel_loop3A_791 : vector<16xf32>
      %parallel_loop3A_793 = arith.addf %parallel_loop3A_733, %parallel_loop3A_792 : vector<16xf32>
      %parallel_loop3A_794 = arith.constant 8 : i32
      %parallel_loop3A_795 = arith.index_cast %parallel_loop3A_794 : i32 to index
      %parallel_loop3A_796 = arith.index_cast %parallel_loop3A_729 : i32 to index
      %parallel_loop3A_797 = arith.constant 64 : index
      %parallel_loop3A_798 = tpu.vector_load %arg8[%parallel_loop3A_795, %parallel_loop3A_796, %parallel_loop3A_797] {strides = array<i32>} : memref<12x32x128xf32, #tpu.memory_space<vmem>>, vector<1x1x16xf32>,
      %parallel_loop3A_799 = vector.shape_cast %parallel_loop3A_798 : vector<1x1x16xf32> to vector<16xf32>
      %parallel_loop3A_800 = arith.constant 8 : i32
      %parallel_loop3A_801 = arith.index_cast %parallel_loop3A_800 : i32 to index
      %parallel_loop3A_802 = arith.index_cast %parallel_loop3A_729 : i32 to index
      %parallel_loop3A_803 = arith.constant 64 : index
      %parallel_loop3A_804 = tpu.vector_load %arg9[%parallel_loop3A_801, %parallel_loop3A_802, %parallel_loop3A_803] {strides = array<i32>} : memref<12x32x128xf32, #tpu.memory_space<vmem>>, vector<1x1x16xf32>,
      %parallel_loop3A_805 = vector.shape_cast %parallel_loop3A_804 : vector<1x1x16xf32> to vector<16xf32>
      %parallel_loop3A_806 = arith.mulf %parallel_loop3A_799, %parallel_loop3A_805 : vector<16xf32>
      %parallel_loop3A_807 = arith.addf %parallel_loop3A_734, %parallel_loop3A_806 : vector<16xf32>
      %parallel_loop3A_808 = arith.constant 8 : i32
      %parallel_loop3A_809 = arith.index_cast %parallel_loop3A_808 : i32 to index
      %parallel_loop3A_810 = arith.index_cast %parallel_loop3A_729 : i32 to index
      %parallel_loop3A_811 = arith.constant 80 : index
      %parallel_loop3A_812 = tpu.vector_load %arg8[%parallel_loop3A_809, %parallel_loop3A_810, %parallel_loop3A_811] {strides = array<i32>} : memref<12x32x128xf32, #tpu.memory_space<vmem>>, vector<1x1x16xf32>,
      %parallel_loop3A_813 = vector.shape_cast %parallel_loop3A_812 : vector<1x1x16xf32> to vector<16xf32>
      %parallel_loop3A_814 = arith.constant 8 : i32
      %parallel_loop3A_815 = arith.index_cast %parallel_loop3A_814 : i32 to index
      %parallel_loop3A_816 = arith.index_cast %parallel_loop3A_729 : i32 to index
      %parallel_loop3A_817 = arith.constant 80 : index
      %parallel_loop3A_818 = tpu.vector_load %arg9[%parallel_loop3A_815, %parallel_loop3A_816, %parallel_loop3A_817] {strides = array<i32>} : memref<12x32x128xf32, #tpu.memory_space<vmem>>, vector<1x1x16xf32>,
      %parallel_loop3A_819 = vector.shape_cast %parallel_loop3A_818 : vector<1x1x16xf32> to vector<16xf32>
      %parallel_loop3A_820 = arith.mulf %parallel_loop3A_813, %parallel_loop3A_819 : vector<16xf32>
      %parallel_loop3A_821 = arith.addf %parallel_loop3A_735, %parallel_loop3A_820 : vector<16xf32>
      %parallel_loop3A_822 = arith.constant 8 : i32
      %parallel_loop3A_823 = arith.index_cast %parallel_loop3A_822 : i32 to index
      %parallel_loop3A_824 = arith.index_cast %parallel_loop3A_729 : i32 to index
      %parallel_loop3A_825 = arith.constant 96 : index
      %parallel_loop3A_826 = tpu.vector_load %arg8[%parallel_loop3A_823, %parallel_loop3A_824, %parallel_loop3A_825] {strides = array<i32>} : memref<12x32x128xf32, #tpu.memory_space<vmem>>, vector<1x1x16xf32>,
      %parallel_loop3A_827 = vector.shape_cast %parallel_loop3A_826 : vector<1x1x16xf32> to vector<16xf32>
      %parallel_loop3A_828 = arith.constant 8 : i32
      %parallel_loop3A_829 = arith.index_cast %parallel_loop3A_828 : i32 to index
      %parallel_loop3A_830 = arith.index_cast %parallel_loop3A_729 : i32 to index
      %parallel_loop3A_831 = arith.constant 96 : index
      %parallel_loop3A_832 = tpu.vector_load %arg9[%parallel_loop3A_829, %parallel_loop3A_830, %parallel_loop3A_831] {strides = array<i32>} : memref<12x32x128xf32, #tpu.memory_space<vmem>>, vector<1x1x16xf32>,
      %parallel_loop3A_833 = vector.shape_cast %parallel_loop3A_832 : vector<1x1x16xf32> to vector<16xf32>
      %parallel_loop3A_834 = arith.mulf %parallel_loop3A_827, %parallel_loop3A_833 : vector<16xf32>
      %parallel_loop3A_835 = arith.addf %parallel_loop3A_736, %parallel_loop3A_834 : vector<16xf32>
      %parallel_loop3A_836 = arith.constant 8 : i32
      %parallel_loop3A_837 = arith.index_cast %parallel_loop3A_836 : i32 to index
      %parallel_loop3A_838 = arith.index_cast %parallel_loop3A_729 : i32 to index
      %parallel_loop3A_839 = arith.constant 112 : index
      %parallel_loop3A_840 = tpu.vector_load %arg8[%parallel_loop3A_837, %parallel_loop3A_838, %parallel_loop3A_839] {strides = array<i32>} : memref<12x32x128xf32, #tpu.memory_space<vmem>>, vector<1x1x16xf32>,
      %parallel_loop3A_841 = vector.shape_cast %parallel_loop3A_840 : vector<1x1x16xf32> to vector<16xf32>
      %parallel_loop3A_842 = arith.constant 8 : i32
      %parallel_loop3A_843 = arith.index_cast %parallel_loop3A_842 : i32 to index
      %parallel_loop3A_844 = arith.index_cast %parallel_loop3A_729 : i32 to index
      %parallel_loop3A_845 = arith.constant 112 : index
      %parallel_loop3A_846 = tpu.vector_load %arg9[%parallel_loop3A_843, %parallel_loop3A_844, %parallel_loop3A_845] {strides = array<i32>} : memref<12x32x128xf32, #tpu.memory_space<vmem>>, vector<1x1x16xf32>,
      %parallel_loop3A_847 = vector.shape_cast %parallel_loop3A_846 : vector<1x1x16xf32> to vector<16xf32>
      %parallel_loop3A_848 = arith.mulf %parallel_loop3A_841, %parallel_loop3A_847 : vector<16xf32>
      %parallel_loop3A_849 = arith.addf %parallel_loop3A_737, %parallel_loop3A_848 : vector<16xf32>
      scf.yield %parallel_loop3A_751, %parallel_loop3A_765, %parallel_loop3A_779, %parallel_loop3A_793, %parallel_loop3A_807, %parallel_loop3A_821, %parallel_loop3A_835, %parallel_loop3A_849 : vector<16xf32>, vector<16xf32>, vector<16xf32>, vector<16xf32>, vector<16xf32>, vector<16xf32>, vector<16xf32>, vector<16xf32>
    } {sc.loop_unroll_factor = 4 : i64, sc.parallel_access}
    %dma_start3A_531 = arith.constant 3 : i32
    %dma_start3A_532 = arith.constant 0 : i32
    %dma_start3A_533 = arith.constant 0 : i32
    %dma_start3A_534 = tpu.memref_slice %arg8[%dma_start3A_531, %dma_start3A_532, %dma_start3A_533] : memref<12x32x128xf32, #tpu.memory_space<vmem>> -> memref<1x32x128xf32, #tpu.memory_space<vmem>>
    %dma_start3A_535 = tpu.memref_squeeze %dma_start3A_534 : memref<1x32x128xf32, #tpu.memory_space<vmem>> -> memref<32x128xf32, #tpu.memory_space<vmem>>
    %dma_start3A_536 = arith.constant 480 : i32
    %dma_start3A_537 = tpu.memref_slice %arg6[%dma_start3A_536] : memref<512xi32, #tpu.memory_space<vmem>> -> memref<32xi32, #tpu.memory_space<vmem>>
    %dma_start3A_538 = arith.constant 0 : i32
    %dma_start3A_539 = arith.constant 0 : i32
    %dma_start3A_540 = tpu.memref_slice %arg4[%dma_start3A_538, %dma_start3A_539] : memref<1000000x128xf32, #tpu.memory_space<hbm>> -> memref<1000000x128xf32, #tpu.memory_space<hbm>>
    tpu.enqueue_indirect_dma source(%dma_start3A_540 : memref<1000000x128xf32, #tpu.memory_space<hbm>>) target(%dma_start3A_535 : memref<32x128xf32, #tpu.memory_space<vmem>>) offsets(%dma_start3A_537 : memref<32xi32, #tpu.memory_space<vmem>>) semaphore(%arg14 : memref<!tpu.dma_semaphore, #tpu.memory_space<semaphore_mem>>)
    %dma_start3A_541 = arith.constant 3 : i32
    %dma_start3A_542 = arith.constant 0 : i32
    %dma_start3A_543 = arith.constant 0 : i32
    %dma_start3A_544 = tpu.memref_slice %arg9[%dma_start3A_541, %dma_start3A_542, %dma_start3A_543] : memref<12x32x128xf32, #tpu.memory_space<vmem>> -> memref<1x32x128xf32, #tpu.memory_space<vmem>>
    %dma_start3A_545 = tpu.memref_squeeze %dma_start3A_544 : memref<1x32x128xf32, #tpu.memory_space<vmem>> -> memref<32x128xf32, #tpu.memory_space<vmem>>
    %dma_start3A_546 = arith.constant 480 : i32
    %dma_start3A_547 = tpu.memref_slice %arg7[%dma_start3A_546] : memref<512xi32, #tpu.memory_space<vmem>> -> memref<32xi32, #tpu.memory_space<vmem>>
    %dma_start3A_548 = arith.constant 0 : i32
    %dma_start3A_549 = arith.constant 0 : i32
    %dma_start3A_550 = tpu.memref_slice %arg4[%dma_start3A_548, %dma_start3A_549] : memref<1000000x128xf32, #tpu.memory_space<hbm>> -> memref<1000000x128xf32, #tpu.memory_space<hbm>>
    tpu.enqueue_indirect_dma source(%dma_start3A_550 : memref<1000000x128xf32, #tpu.memory_space<hbm>>) target(%dma_start3A_545 : memref<32x128xf32, #tpu.memory_space<vmem>>) offsets(%dma_start3A_547 : memref<32xi32, #tpu.memory_space<vmem>>) semaphore(%arg26 : memref<!tpu.dma_semaphore, #tpu.memory_space<semaphore_mem>>)
    %dma_wait3A_551 = arith.constant 9 : i32
    %dma_wait3A_552 = arith.constant 0 : i32
    %dma_wait3A_553 = arith.constant 0 : i32
    %dma_wait3A_554 = tpu.memref_slice %arg8[%dma_wait3A_551, %dma_wait3A_552, %dma_wait3A_553] : memref<12x32x128xf32, #tpu.memory_space<vmem>> -> memref<1x32x128xf32, #tpu.memory_space<vmem>>
    %dma_wait3A_555 = tpu.memref_squeeze %dma_wait3A_554 : memref<1x32x128xf32, #tpu.memory_space<vmem>> -> memref<32x128xf32, #tpu.memory_space<vmem>>
    %dma_wait3A_556 = arith.constant 288 : i32
    %dma_wait3A_557 = tpu.memref_slice %arg6[%dma_wait3A_556] : memref<512xi32, #tpu.memory_space<vmem>> -> memref<32xi32, #tpu.memory_space<vmem>>
    %dma_wait3A_558 = arith.constant 0 : i32
    %dma_wait3A_559 = arith.constant 0 : i32
    %dma_wait3A_560 = tpu.memref_slice %arg4[%dma_wait3A_558, %dma_wait3A_559] : memref<1000000x128xf32, #tpu.memory_space<hbm>> -> memref<1000000x128xf32, #tpu.memory_space<hbm>>
    tpu.wait_indirect_dma semaphore(%arg20 : memref<!tpu.dma_semaphore, #tpu.memory_space<semaphore_mem>>) src(%dma_wait3A_560 : memref<1000000x128xf32, #tpu.memory_space<hbm>>) dst(%dma_wait3A_555 : memref<32x128xf32, #tpu.memory_space<vmem>>)
    %dma_wait3A_561 = arith.constant 9 : i32
    %dma_wait3A_562 = arith.constant 0 : i32
    %dma_wait3A_563 = arith.constant 0 : i32
    %dma_wait3A_564 = tpu.memref_slice %arg9[%dma_wait3A_561, %dma_wait3A_562, %dma_wait3A_563] : memref<12x32x128xf32, #tpu.memory_space<vmem>> -> memref<1x32x128xf32, #tpu.memory_space<vmem>>
    %dma_wait3A_565 = tpu.memref_squeeze %dma_wait3A_564 : memref<1x32x128xf32, #tpu.memory_space<vmem>> -> memref<32x128xf32, #tpu.memory_space<vmem>>
    %dma_wait3A_566 = arith.constant 288 : i32
    %dma_wait3A_567 = tpu.memref_slice %arg7[%dma_wait3A_566] : memref<512xi32, #tpu.memory_space<vmem>> -> memref<32xi32, #tpu.memory_space<vmem>>
    %dma_wait3A_568 = arith.constant 0 : i32
    %dma_wait3A_569 = arith.constant 0 : i32
    %dma_wait3A_570 = tpu.memref_slice %arg4[%dma_wait3A_568, %dma_wait3A_569] : memref<1000000x128xf32, #tpu.memory_space<hbm>> -> memref<1000000x128xf32, #tpu.memory_space<hbm>>
    tpu.wait_indirect_dma semaphore(%arg32 : memref<!tpu.dma_semaphore, #tpu.memory_space<semaphore_mem>>) src(%dma_wait3A_570 : memref<1000000x128xf32, #tpu.memory_space<hbm>>) dst(%dma_wait3A_565 : memref<32x128xf32, #tpu.memory_space<vmem>>)
    %parallel_loop3A_571 = arith.constant 0 : i32
    %parallel_loop3A_572 = arith.constant 32 : i32
    %parallel_loop3A_573 = arith.constant 1 : i32
    %parallel_loop3A_574:8 = scf.for %parallel_loop3A_729 = %parallel_loop3A_571 to %parallel_loop3A_572 step %parallel_loop3A_573 iter_args(%parallel_loop3A_730 = %parallel_loop3A_530#0, %parallel_loop3A_731 = %parallel_loop3A_530#1, %parallel_loop3A_732 = %parallel_loop3A_530#2, %parallel_loop3A_733 = %parallel_loop3A_530#3, %parallel_loop3A_734 = %parallel_loop3A_530#4, %parallel_loop3A_735 = %parallel_loop3A_530#5, %parallel_loop3A_736 = %parallel_loop3A_530#6, %parallel_loop3A_737 = %parallel_loop3A_530#7) -> (vector<16xf32>, vector<16xf32>, vector<16xf32>, vector<16xf32>, vector<16xf32>, vector<16xf32>, vector<16xf32>, vector<16xf32>)  : i32 {
      %parallel_loop3A_738 = arith.constant 9 : i32
      %parallel_loop3A_739 = arith.index_cast %parallel_loop3A_738 : i32 to index
      %parallel_loop3A_740 = arith.index_cast %parallel_loop3A_729 : i32 to index
      %parallel_loop3A_741 = arith.constant 0 : index
      %parallel_loop3A_742 = tpu.vector_load %arg8[%parallel_loop3A_739, %parallel_loop3A_740, %parallel_loop3A_741] {strides = array<i32>} : memref<12x32x128xf32, #tpu.memory_space<vmem>>, vector<1x1x16xf32>,
      %parallel_loop3A_743 = vector.shape_cast %parallel_loop3A_742 : vector<1x1x16xf32> to vector<16xf32>
      %parallel_loop3A_744 = arith.constant 9 : i32
      %parallel_loop3A_745 = arith.index_cast %parallel_loop3A_744 : i32 to index
      %parallel_loop3A_746 = arith.index_cast %parallel_loop3A_729 : i32 to index
      %parallel_loop3A_747 = arith.constant 0 : index
      %parallel_loop3A_748 = tpu.vector_load %arg9[%parallel_loop3A_745, %parallel_loop3A_746, %parallel_loop3A_747] {strides = array<i32>} : memref<12x32x128xf32, #tpu.memory_space<vmem>>, vector<1x1x16xf32>,
      %parallel_loop3A_749 = vector.shape_cast %parallel_loop3A_748 : vector<1x1x16xf32> to vector<16xf32>
      %parallel_loop3A_750 = arith.mulf %parallel_loop3A_743, %parallel_loop3A_749 : vector<16xf32>
      %parallel_loop3A_751 = arith.addf %parallel_loop3A_730, %parallel_loop3A_750 : vector<16xf32>
      %parallel_loop3A_752 = arith.constant 9 : i32
      %parallel_loop3A_753 = arith.index_cast %parallel_loop3A_752 : i32 to index
      %parallel_loop3A_754 = arith.index_cast %parallel_loop3A_729 : i32 to index
      %parallel_loop3A_755 = arith.constant 16 : index
      %parallel_loop3A_756 = tpu.vector_load %arg8[%parallel_loop3A_753, %parallel_loop3A_754, %parallel_loop3A_755] {strides = array<i32>} : memref<12x32x128xf32, #tpu.memory_space<vmem>>, vector<1x1x16xf32>,
      %parallel_loop3A_757 = vector.shape_cast %parallel_loop3A_756 : vector<1x1x16xf32> to vector<16xf32>
      %parallel_loop3A_758 = arith.constant 9 : i32
      %parallel_loop3A_759 = arith.index_cast %parallel_loop3A_758 : i32 to index
      %parallel_loop3A_760 = arith.index_cast %parallel_loop3A_729 : i32 to index
      %parallel_loop3A_761 = arith.constant 16 : index
      %parallel_loop3A_762 = tpu.vector_load %arg9[%parallel_loop3A_759, %parallel_loop3A_760, %parallel_loop3A_761] {strides = array<i32>} : memref<12x32x128xf32, #tpu.memory_space<vmem>>, vector<1x1x16xf32>,
      %parallel_loop3A_763 = vector.shape_cast %parallel_loop3A_762 : vector<1x1x16xf32> to vector<16xf32>
      %parallel_loop3A_764 = arith.mulf %parallel_loop3A_757, %parallel_loop3A_763 : vector<16xf32>
      %parallel_loop3A_765 = arith.addf %parallel_loop3A_731, %parallel_loop3A_764 : vector<16xf32>
      %parallel_loop3A_766 = arith.constant 9 : i32
      %parallel_loop3A_767 = arith.index_cast %parallel_loop3A_766 : i32 to index
      %parallel_loop3A_768 = arith.index_cast %parallel_loop3A_729 : i32 to index
      %parallel_loop3A_769 = arith.constant 32 : index
      %parallel_loop3A_770 = tpu.vector_load %arg8[%parallel_loop3A_767, %parallel_loop3A_768, %parallel_loop3A_769] {strides = array<i32>} : memref<12x32x128xf32, #tpu.memory_space<vmem>>, vector<1x1x16xf32>,
      %parallel_loop3A_771 = vector.shape_cast %parallel_loop3A_770 : vector<1x1x16xf32> to vector<16xf32>
      %parallel_loop3A_772 = arith.constant 9 : i32
      %parallel_loop3A_773 = arith.index_cast %parallel_loop3A_772 : i32 to index
      %parallel_loop3A_774 = arith.index_cast %parallel_loop3A_729 : i32 to index
      %parallel_loop3A_775 = arith.constant 32 : index
      %parallel_loop3A_776 = tpu.vector_load %arg9[%parallel_loop3A_773, %parallel_loop3A_774, %parallel_loop3A_775] {strides = array<i32>} : memref<12x32x128xf32, #tpu.memory_space<vmem>>, vector<1x1x16xf32>,
      %parallel_loop3A_777 = vector.shape_cast %parallel_loop3A_776 : vector<1x1x16xf32> to vector<16xf32>
      %parallel_loop3A_778 = arith.mulf %parallel_loop3A_771, %parallel_loop3A_777 : vector<16xf32>
      %parallel_loop3A_779 = arith.addf %parallel_loop3A_732, %parallel_loop3A_778 : vector<16xf32>
      %parallel_loop3A_780 = arith.constant 9 : i32
      %parallel_loop3A_781 = arith.index_cast %parallel_loop3A_780 : i32 to index
      %parallel_loop3A_782 = arith.index_cast %parallel_loop3A_729 : i32 to index
      %parallel_loop3A_783 = arith.constant 48 : index
      %parallel_loop3A_784 = tpu.vector_load %arg8[%parallel_loop3A_781, %parallel_loop3A_782, %parallel_loop3A_783] {strides = array<i32>} : memref<12x32x128xf32, #tpu.memory_space<vmem>>, vector<1x1x16xf32>,
      %parallel_loop3A_785 = vector.shape_cast %parallel_loop3A_784 : vector<1x1x16xf32> to vector<16xf32>
      %parallel_loop3A_786 = arith.constant 9 : i32
      %parallel_loop3A_787 = arith.index_cast %parallel_loop3A_786 : i32 to index
      %parallel_loop3A_788 = arith.index_cast %parallel_loop3A_729 : i32 to index
      %parallel_loop3A_789 = arith.constant 48 : index
      %parallel_loop3A_790 = tpu.vector_load %arg9[%parallel_loop3A_787, %parallel_loop3A_788, %parallel_loop3A_789] {strides = array<i32>} : memref<12x32x128xf32, #tpu.memory_space<vmem>>, vector<1x1x16xf32>,
      %parallel_loop3A_791 = vector.shape_cast %parallel_loop3A_790 : vector<1x1x16xf32> to vector<16xf32>
      %parallel_loop3A_792 = arith.mulf %parallel_loop3A_785, %parallel_loop3A_791 : vector<16xf32>
      %parallel_loop3A_793 = arith.addf %parallel_loop3A_733, %parallel_loop3A_792 : vector<16xf32>
      %parallel_loop3A_794 = arith.constant 9 : i32
      %parallel_loop3A_795 = arith.index_cast %parallel_loop3A_794 : i32 to index
      %parallel_loop3A_796 = arith.index_cast %parallel_loop3A_729 : i32 to index
      %parallel_loop3A_797 = arith.constant 64 : index
      %parallel_loop3A_798 = tpu.vector_load %arg8[%parallel_loop3A_795, %parallel_loop3A_796, %parallel_loop3A_797] {strides = array<i32>} : memref<12x32x128xf32, #tpu.memory_space<vmem>>, vector<1x1x16xf32>,
      %parallel_loop3A_799 = vector.shape_cast %parallel_loop3A_798 : vector<1x1x16xf32> to vector<16xf32>
      %parallel_loop3A_800 = arith.constant 9 : i32
      %parallel_loop3A_801 = arith.index_cast %parallel_loop3A_800 : i32 to index
      %parallel_loop3A_802 = arith.index_cast %parallel_loop3A_729 : i32 to index
      %parallel_loop3A_803 = arith.constant 64 : index
      %parallel_loop3A_804 = tpu.vector_load %arg9[%parallel_loop3A_801, %parallel_loop3A_802, %parallel_loop3A_803] {strides = array<i32>} : memref<12x32x128xf32, #tpu.memory_space<vmem>>, vector<1x1x16xf32>,
      %parallel_loop3A_805 = vector.shape_cast %parallel_loop3A_804 : vector<1x1x16xf32> to vector<16xf32>
      %parallel_loop3A_806 = arith.mulf %parallel_loop3A_799, %parallel_loop3A_805 : vector<16xf32>
      %parallel_loop3A_807 = arith.addf %parallel_loop3A_734, %parallel_loop3A_806 : vector<16xf32>
      %parallel_loop3A_808 = arith.constant 9 : i32
      %parallel_loop3A_809 = arith.index_cast %parallel_loop3A_808 : i32 to index
      %parallel_loop3A_810 = arith.index_cast %parallel_loop3A_729 : i32 to index
      %parallel_loop3A_811 = arith.constant 80 : index
      %parallel_loop3A_812 = tpu.vector_load %arg8[%parallel_loop3A_809, %parallel_loop3A_810, %parallel_loop3A_811] {strides = array<i32>} : memref<12x32x128xf32, #tpu.memory_space<vmem>>, vector<1x1x16xf32>,
      %parallel_loop3A_813 = vector.shape_cast %parallel_loop3A_812 : vector<1x1x16xf32> to vector<16xf32>
      %parallel_loop3A_814 = arith.constant 9 : i32
      %parallel_loop3A_815 = arith.index_cast %parallel_loop3A_814 : i32 to index
      %parallel_loop3A_816 = arith.index_cast %parallel_loop3A_729 : i32 to index
      %parallel_loop3A_817 = arith.constant 80 : index
      %parallel_loop3A_818 = tpu.vector_load %arg9[%parallel_loop3A_815, %parallel_loop3A_816, %parallel_loop3A_817] {strides = array<i32>} : memref<12x32x128xf32, #tpu.memory_space<vmem>>, vector<1x1x16xf32>,
      %parallel_loop3A_819 = vector.shape_cast %parallel_loop3A_818 : vector<1x1x16xf32> to vector<16xf32>
      %parallel_loop3A_820 = arith.mulf %parallel_loop3A_813, %parallel_loop3A_819 : vector<16xf32>
      %parallel_loop3A_821 = arith.addf %parallel_loop3A_735, %parallel_loop3A_820 : vector<16xf32>
      %parallel_loop3A_822 = arith.constant 9 : i32
      %parallel_loop3A_823 = arith.index_cast %parallel_loop3A_822 : i32 to index
      %parallel_loop3A_824 = arith.index_cast %parallel_loop3A_729 : i32 to index
      %parallel_loop3A_825 = arith.constant 96 : index
      %parallel_loop3A_826 = tpu.vector_load %arg8[%parallel_loop3A_823, %parallel_loop3A_824, %parallel_loop3A_825] {strides = array<i32>} : memref<12x32x128xf32, #tpu.memory_space<vmem>>, vector<1x1x16xf32>,
      %parallel_loop3A_827 = vector.shape_cast %parallel_loop3A_826 : vector<1x1x16xf32> to vector<16xf32>
      %parallel_loop3A_828 = arith.constant 9 : i32
      %parallel_loop3A_829 = arith.index_cast %parallel_loop3A_828 : i32 to index
      %parallel_loop3A_830 = arith.index_cast %parallel_loop3A_729 : i32 to index
      %parallel_loop3A_831 = arith.constant 96 : index
      %parallel_loop3A_832 = tpu.vector_load %arg9[%parallel_loop3A_829, %parallel_loop3A_830, %parallel_loop3A_831] {strides = array<i32>} : memref<12x32x128xf32, #tpu.memory_space<vmem>>, vector<1x1x16xf32>,
      %parallel_loop3A_833 = vector.shape_cast %parallel_loop3A_832 : vector<1x1x16xf32> to vector<16xf32>
      %parallel_loop3A_834 = arith.mulf %parallel_loop3A_827, %parallel_loop3A_833 : vector<16xf32>
      %parallel_loop3A_835 = arith.addf %parallel_loop3A_736, %parallel_loop3A_834 : vector<16xf32>
      %parallel_loop3A_836 = arith.constant 9 : i32
      %parallel_loop3A_837 = arith.index_cast %parallel_loop3A_836 : i32 to index
      %parallel_loop3A_838 = arith.index_cast %parallel_loop3A_729 : i32 to index
      %parallel_loop3A_839 = arith.constant 112 : index
      %parallel_loop3A_840 = tpu.vector_load %arg8[%parallel_loop3A_837, %parallel_loop3A_838, %parallel_loop3A_839] {strides = array<i32>} : memref<12x32x128xf32, #tpu.memory_space<vmem>>, vector<1x1x16xf32>,
      %parallel_loop3A_841 = vector.shape_cast %parallel_loop3A_840 : vector<1x1x16xf32> to vector<16xf32>
      %parallel_loop3A_842 = arith.constant 9 : i32
      %parallel_loop3A_843 = arith.index_cast %parallel_loop3A_842 : i32 to index
      %parallel_loop3A_844 = arith.index_cast %parallel_loop3A_729 : i32 to index
      %parallel_loop3A_845 = arith.constant 112 : index
      %parallel_loop3A_846 = tpu.vector_load %arg9[%parallel_loop3A_843, %parallel_loop3A_844, %parallel_loop3A_845] {strides = array<i32>} : memref<12x32x128xf32, #tpu.memory_space<vmem>>, vector<1x1x16xf32>,
      %parallel_loop3A_847 = vector.shape_cast %parallel_loop3A_846 : vector<1x1x16xf32> to vector<16xf32>
      %parallel_loop3A_848 = arith.mulf %parallel_loop3A_841, %parallel_loop3A_847 : vector<16xf32>
      %parallel_loop3A_849 = arith.addf %parallel_loop3A_737, %parallel_loop3A_848 : vector<16xf32>
      scf.yield %parallel_loop3A_751, %parallel_loop3A_765, %parallel_loop3A_779, %parallel_loop3A_793, %parallel_loop3A_807, %parallel_loop3A_821, %parallel_loop3A_835, %parallel_loop3A_849 : vector<16xf32>, vector<16xf32>, vector<16xf32>, vector<16xf32>, vector<16xf32>, vector<16xf32>, vector<16xf32>, vector<16xf32>
    } {sc.loop_unroll_factor = 4 : i64, sc.parallel_access}
    %dma_wait3A_575 = arith.constant 10 : i32
    %dma_wait3A_576 = arith.constant 0 : i32
    %dma_wait3A_577 = arith.constant 0 : i32
    %dma_wait3A_578 = tpu.memref_slice %arg8[%dma_wait3A_575, %dma_wait3A_576, %dma_wait3A_577] : memref<12x32x128xf32, #tpu.memory_space<vmem>> -> memref<1x32x128xf32, #tpu.memory_space<vmem>>
    %dma_wait3A_579 = tpu.memref_squeeze %dma_wait3A_578 : memref<1x32x128xf32, #tpu.memory_space<vmem>> -> memref<32x128xf32, #tpu.memory_space<vmem>>
    %dma_wait3A_580 = arith.constant 320 : i32
    %dma_wait3A_581 = tpu.memref_slice %arg6[%dma_wait3A_580] : memref<512xi32, #tpu.memory_space<vmem>> -> memref<32xi32, #tpu.memory_space<vmem>>
    %dma_wait3A_582 = arith.constant 0 : i32
    %dma_wait3A_583 = arith.constant 0 : i32
    %dma_wait3A_584 = tpu.memref_slice %arg4[%dma_wait3A_582, %dma_wait3A_583] : memref<1000000x128xf32, #tpu.memory_space<hbm>> -> memref<1000000x128xf32, #tpu.memory_space<hbm>>
    tpu.wait_indirect_dma semaphore(%arg21 : memref<!tpu.dma_semaphore, #tpu.memory_space<semaphore_mem>>) src(%dma_wait3A_584 : memref<1000000x128xf32, #tpu.memory_space<hbm>>) dst(%dma_wait3A_579 : memref<32x128xf32, #tpu.memory_space<vmem>>)
    %dma_wait3A_585 = arith.constant 10 : i32
    %dma_wait3A_586 = arith.constant 0 : i32
    %dma_wait3A_587 = arith.constant 0 : i32
    %dma_wait3A_588 = tpu.memref_slice %arg9[%dma_wait3A_585, %dma_wait3A_586, %dma_wait3A_587] : memref<12x32x128xf32, #tpu.memory_space<vmem>> -> memref<1x32x128xf32, #tpu.memory_space<vmem>>
    %dma_wait3A_589 = tpu.memref_squeeze %dma_wait3A_588 : memref<1x32x128xf32, #tpu.memory_space<vmem>> -> memref<32x128xf32, #tpu.memory_space<vmem>>
    %dma_wait3A_590 = arith.constant 320 : i32
    %dma_wait3A_591 = tpu.memref_slice %arg7[%dma_wait3A_590] : memref<512xi32, #tpu.memory_space<vmem>> -> memref<32xi32, #tpu.memory_space<vmem>>
    %dma_wait3A_592 = arith.constant 0 : i32
    %dma_wait3A_593 = arith.constant 0 : i32
    %dma_wait3A_594 = tpu.memref_slice %arg4[%dma_wait3A_592, %dma_wait3A_593] : memref<1000000x128xf32, #tpu.memory_space<hbm>> -> memref<1000000x128xf32, #tpu.memory_space<hbm>>
    tpu.wait_indirect_dma semaphore(%arg33 : memref<!tpu.dma_semaphore, #tpu.memory_space<semaphore_mem>>) src(%dma_wait3A_594 : memref<1000000x128xf32, #tpu.memory_space<hbm>>) dst(%dma_wait3A_589 : memref<32x128xf32, #tpu.memory_space<vmem>>)
    %parallel_loop3A_595 = arith.constant 0 : i32
    %parallel_loop3A_596 = arith.constant 32 : i32
    %parallel_loop3A_597 = arith.constant 1 : i32
    %parallel_loop3A_598:8 = scf.for %parallel_loop3A_729 = %parallel_loop3A_595 to %parallel_loop3A_596 step %parallel_loop3A_597 iter_args(%parallel_loop3A_730 = %parallel_loop3A_574#0, %parallel_loop3A_731 = %parallel_loop3A_574#1, %parallel_loop3A_732 = %parallel_loop3A_574#2, %parallel_loop3A_733 = %parallel_loop3A_574#3, %parallel_loop3A_734 = %parallel_loop3A_574#4, %parallel_loop3A_735 = %parallel_loop3A_574#5, %parallel_loop3A_736 = %parallel_loop3A_574#6, %parallel_loop3A_737 = %parallel_loop3A_574#7) -> (vector<16xf32>, vector<16xf32>, vector<16xf32>, vector<16xf32>, vector<16xf32>, vector<16xf32>, vector<16xf32>, vector<16xf32>)  : i32 {
      %parallel_loop3A_738 = arith.constant 10 : i32
      %parallel_loop3A_739 = arith.index_cast %parallel_loop3A_738 : i32 to index
      %parallel_loop3A_740 = arith.index_cast %parallel_loop3A_729 : i32 to index
      %parallel_loop3A_741 = arith.constant 0 : index
      %parallel_loop3A_742 = tpu.vector_load %arg8[%parallel_loop3A_739, %parallel_loop3A_740, %parallel_loop3A_741] {strides = array<i32>} : memref<12x32x128xf32, #tpu.memory_space<vmem>>, vector<1x1x16xf32>,
      %parallel_loop3A_743 = vector.shape_cast %parallel_loop3A_742 : vector<1x1x16xf32> to vector<16xf32>
      %parallel_loop3A_744 = arith.constant 10 : i32
      %parallel_loop3A_745 = arith.index_cast %parallel_loop3A_744 : i32 to index
      %parallel_loop3A_746 = arith.index_cast %parallel_loop3A_729 : i32 to index
      %parallel_loop3A_747 = arith.constant 0 : index
      %parallel_loop3A_748 = tpu.vector_load %arg9[%parallel_loop3A_745, %parallel_loop3A_746, %parallel_loop3A_747] {strides = array<i32>} : memref<12x32x128xf32, #tpu.memory_space<vmem>>, vector<1x1x16xf32>,
      %parallel_loop3A_749 = vector.shape_cast %parallel_loop3A_748 : vector<1x1x16xf32> to vector<16xf32>
      %parallel_loop3A_750 = arith.mulf %parallel_loop3A_743, %parallel_loop3A_749 : vector<16xf32>
      %parallel_loop3A_751 = arith.addf %parallel_loop3A_730, %parallel_loop3A_750 : vector<16xf32>
      %parallel_loop3A_752 = arith.constant 10 : i32
      %parallel_loop3A_753 = arith.index_cast %parallel_loop3A_752 : i32 to index
      %parallel_loop3A_754 = arith.index_cast %parallel_loop3A_729 : i32 to index
      %parallel_loop3A_755 = arith.constant 16 : index
      %parallel_loop3A_756 = tpu.vector_load %arg8[%parallel_loop3A_753, %parallel_loop3A_754, %parallel_loop3A_755] {strides = array<i32>} : memref<12x32x128xf32, #tpu.memory_space<vmem>>, vector<1x1x16xf32>,
      %parallel_loop3A_757 = vector.shape_cast %parallel_loop3A_756 : vector<1x1x16xf32> to vector<16xf32>
      %parallel_loop3A_758 = arith.constant 10 : i32
      %parallel_loop3A_759 = arith.index_cast %parallel_loop3A_758 : i32 to index
      %parallel_loop3A_760 = arith.index_cast %parallel_loop3A_729 : i32 to index
      %parallel_loop3A_761 = arith.constant 16 : index
      %parallel_loop3A_762 = tpu.vector_load %arg9[%parallel_loop3A_759, %parallel_loop3A_760, %parallel_loop3A_761] {strides = array<i32>} : memref<12x32x128xf32, #tpu.memory_space<vmem>>, vector<1x1x16xf32>,
      %parallel_loop3A_763 = vector.shape_cast %parallel_loop3A_762 : vector<1x1x16xf32> to vector<16xf32>
      %parallel_loop3A_764 = arith.mulf %parallel_loop3A_757, %parallel_loop3A_763 : vector<16xf32>
      %parallel_loop3A_765 = arith.addf %parallel_loop3A_731, %parallel_loop3A_764 : vector<16xf32>
      %parallel_loop3A_766 = arith.constant 10 : i32
      %parallel_loop3A_767 = arith.index_cast %parallel_loop3A_766 : i32 to index
      %parallel_loop3A_768 = arith.index_cast %parallel_loop3A_729 : i32 to index
      %parallel_loop3A_769 = arith.constant 32 : index
      %parallel_loop3A_770 = tpu.vector_load %arg8[%parallel_loop3A_767, %parallel_loop3A_768, %parallel_loop3A_769] {strides = array<i32>} : memref<12x32x128xf32, #tpu.memory_space<vmem>>, vector<1x1x16xf32>,
      %parallel_loop3A_771 = vector.shape_cast %parallel_loop3A_770 : vector<1x1x16xf32> to vector<16xf32>
      %parallel_loop3A_772 = arith.constant 10 : i32
      %parallel_loop3A_773 = arith.index_cast %parallel_loop3A_772 : i32 to index
      %parallel_loop3A_774 = arith.index_cast %parallel_loop3A_729 : i32 to index
      %parallel_loop3A_775 = arith.constant 32 : index
      %parallel_loop3A_776 = tpu.vector_load %arg9[%parallel_loop3A_773, %parallel_loop3A_774, %parallel_loop3A_775] {strides = array<i32>} : memref<12x32x128xf32, #tpu.memory_space<vmem>>, vector<1x1x16xf32>,
      %parallel_loop3A_777 = vector.shape_cast %parallel_loop3A_776 : vector<1x1x16xf32> to vector<16xf32>
      %parallel_loop3A_778 = arith.mulf %parallel_loop3A_771, %parallel_loop3A_777 : vector<16xf32>
      %parallel_loop3A_779 = arith.addf %parallel_loop3A_732, %parallel_loop3A_778 : vector<16xf32>
      %parallel_loop3A_780 = arith.constant 10 : i32
      %parallel_loop3A_781 = arith.index_cast %parallel_loop3A_780 : i32 to index
      %parallel_loop3A_782 = arith.index_cast %parallel_loop3A_729 : i32 to index
      %parallel_loop3A_783 = arith.constant 48 : index
      %parallel_loop3A_784 = tpu.vector_load %arg8[%parallel_loop3A_781, %parallel_loop3A_782, %parallel_loop3A_783] {strides = array<i32>} : memref<12x32x128xf32, #tpu.memory_space<vmem>>, vector<1x1x16xf32>,
      %parallel_loop3A_785 = vector.shape_cast %parallel_loop3A_784 : vector<1x1x16xf32> to vector<16xf32>
      %parallel_loop3A_786 = arith.constant 10 : i32
      %parallel_loop3A_787 = arith.index_cast %parallel_loop3A_786 : i32 to index
      %parallel_loop3A_788 = arith.index_cast %parallel_loop3A_729 : i32 to index
      %parallel_loop3A_789 = arith.constant 48 : index
      %parallel_loop3A_790 = tpu.vector_load %arg9[%parallel_loop3A_787, %parallel_loop3A_788, %parallel_loop3A_789] {strides = array<i32>} : memref<12x32x128xf32, #tpu.memory_space<vmem>>, vector<1x1x16xf32>,
      %parallel_loop3A_791 = vector.shape_cast %parallel_loop3A_790 : vector<1x1x16xf32> to vector<16xf32>
      %parallel_loop3A_792 = arith.mulf %parallel_loop3A_785, %parallel_loop3A_791 : vector<16xf32>
      %parallel_loop3A_793 = arith.addf %parallel_loop3A_733, %parallel_loop3A_792 : vector<16xf32>
      %parallel_loop3A_794 = arith.constant 10 : i32
      %parallel_loop3A_795 = arith.index_cast %parallel_loop3A_794 : i32 to index
      %parallel_loop3A_796 = arith.index_cast %parallel_loop3A_729 : i32 to index
      %parallel_loop3A_797 = arith.constant 64 : index
      %parallel_loop3A_798 = tpu.vector_load %arg8[%parallel_loop3A_795, %parallel_loop3A_796, %parallel_loop3A_797] {strides = array<i32>} : memref<12x32x128xf32, #tpu.memory_space<vmem>>, vector<1x1x16xf32>,
      %parallel_loop3A_799 = vector.shape_cast %parallel_loop3A_798 : vector<1x1x16xf32> to vector<16xf32>
      %parallel_loop3A_800 = arith.constant 10 : i32
      %parallel_loop3A_801 = arith.index_cast %parallel_loop3A_800 : i32 to index
      %parallel_loop3A_802 = arith.index_cast %parallel_loop3A_729 : i32 to index
      %parallel_loop3A_803 = arith.constant 64 : index
      %parallel_loop3A_804 = tpu.vector_load %arg9[%parallel_loop3A_801, %parallel_loop3A_802, %parallel_loop3A_803] {strides = array<i32>} : memref<12x32x128xf32, #tpu.memory_space<vmem>>, vector<1x1x16xf32>,
      %parallel_loop3A_805 = vector.shape_cast %parallel_loop3A_804 : vector<1x1x16xf32> to vector<16xf32>
      %parallel_loop3A_806 = arith.mulf %parallel_loop3A_799, %parallel_loop3A_805 : vector<16xf32>
      %parallel_loop3A_807 = arith.addf %parallel_loop3A_734, %parallel_loop3A_806 : vector<16xf32>
      %parallel_loop3A_808 = arith.constant 10 : i32
      %parallel_loop3A_809 = arith.index_cast %parallel_loop3A_808 : i32 to index
      %parallel_loop3A_810 = arith.index_cast %parallel_loop3A_729 : i32 to index
      %parallel_loop3A_811 = arith.constant 80 : index
      %parallel_loop3A_812 = tpu.vector_load %arg8[%parallel_loop3A_809, %parallel_loop3A_810, %parallel_loop3A_811] {strides = array<i32>} : memref<12x32x128xf32, #tpu.memory_space<vmem>>, vector<1x1x16xf32>,
      %parallel_loop3A_813 = vector.shape_cast %parallel_loop3A_812 : vector<1x1x16xf32> to vector<16xf32>
      %parallel_loop3A_814 = arith.constant 10 : i32
      %parallel_loop3A_815 = arith.index_cast %parallel_loop3A_814 : i32 to index
      %parallel_loop3A_816 = arith.index_cast %parallel_loop3A_729 : i32 to index
      %parallel_loop3A_817 = arith.constant 80 : index
      %parallel_loop3A_818 = tpu.vector_load %arg9[%parallel_loop3A_815, %parallel_loop3A_816, %parallel_loop3A_817] {strides = array<i32>} : memref<12x32x128xf32, #tpu.memory_space<vmem>>, vector<1x1x16xf32>,
      %parallel_loop3A_819 = vector.shape_cast %parallel_loop3A_818 : vector<1x1x16xf32> to vector<16xf32>
      %parallel_loop3A_820 = arith.mulf %parallel_loop3A_813, %parallel_loop3A_819 : vector<16xf32>
      %parallel_loop3A_821 = arith.addf %parallel_loop3A_735, %parallel_loop3A_820 : vector<16xf32>
      %parallel_loop3A_822 = arith.constant 10 : i32
      %parallel_loop3A_823 = arith.index_cast %parallel_loop3A_822 : i32 to index
      %parallel_loop3A_824 = arith.index_cast %parallel_loop3A_729 : i32 to index
      %parallel_loop3A_825 = arith.constant 96 : index
      %parallel_loop3A_826 = tpu.vector_load %arg8[%parallel_loop3A_823, %parallel_loop3A_824, %parallel_loop3A_825] {strides = array<i32>} : memref<12x32x128xf32, #tpu.memory_space<vmem>>, vector<1x1x16xf32>,
      %parallel_loop3A_827 = vector.shape_cast %parallel_loop3A_826 : vector<1x1x16xf32> to vector<16xf32>
      %parallel_loop3A_828 = arith.constant 10 : i32
      %parallel_loop3A_829 = arith.index_cast %parallel_loop3A_828 : i32 to index
      %parallel_loop3A_830 = arith.index_cast %parallel_loop3A_729 : i32 to index
      %parallel_loop3A_831 = arith.constant 96 : index
      %parallel_loop3A_832 = tpu.vector_load %arg9[%parallel_loop3A_829, %parallel_loop3A_830, %parallel_loop3A_831] {strides = array<i32>} : memref<12x32x128xf32, #tpu.memory_space<vmem>>, vector<1x1x16xf32>,
      %parallel_loop3A_833 = vector.shape_cast %parallel_loop3A_832 : vector<1x1x16xf32> to vector<16xf32>
      %parallel_loop3A_834 = arith.mulf %parallel_loop3A_827, %parallel_loop3A_833 : vector<16xf32>
      %parallel_loop3A_835 = arith.addf %parallel_loop3A_736, %parallel_loop3A_834 : vector<16xf32>
      %parallel_loop3A_836 = arith.constant 10 : i32
      %parallel_loop3A_837 = arith.index_cast %parallel_loop3A_836 : i32 to index
      %parallel_loop3A_838 = arith.index_cast %parallel_loop3A_729 : i32 to index
      %parallel_loop3A_839 = arith.constant 112 : index
      %parallel_loop3A_840 = tpu.vector_load %arg8[%parallel_loop3A_837, %parallel_loop3A_838, %parallel_loop3A_839] {strides = array<i32>} : memref<12x32x128xf32, #tpu.memory_space<vmem>>, vector<1x1x16xf32>,
      %parallel_loop3A_841 = vector.shape_cast %parallel_loop3A_840 : vector<1x1x16xf32> to vector<16xf32>
      %parallel_loop3A_842 = arith.constant 10 : i32
      %parallel_loop3A_843 = arith.index_cast %parallel_loop3A_842 : i32 to index
      %parallel_loop3A_844 = arith.index_cast %parallel_loop3A_729 : i32 to index
      %parallel_loop3A_845 = arith.constant 112 : index
      %parallel_loop3A_846 = tpu.vector_load %arg9[%parallel_loop3A_843, %parallel_loop3A_844, %parallel_loop3A_845] {strides = array<i32>} : memref<12x32x128xf32, #tpu.memory_space<vmem>>, vector<1x1x16xf32>,
      %parallel_loop3A_847 = vector.shape_cast %parallel_loop3A_846 : vector<1x1x16xf32> to vector<16xf32>
      %parallel_loop3A_848 = arith.mulf %parallel_loop3A_841, %parallel_loop3A_847 : vector<16xf32>
      %parallel_loop3A_849 = arith.addf %parallel_loop3A_737, %parallel_loop3A_848 : vector<16xf32>
      scf.yield %parallel_loop3A_751, %parallel_loop3A_765, %parallel_loop3A_779, %parallel_loop3A_793, %parallel_loop3A_807, %parallel_loop3A_821, %parallel_loop3A_835, %parallel_loop3A_849 : vector<16xf32>, vector<16xf32>, vector<16xf32>, vector<16xf32>, vector<16xf32>, vector<16xf32>, vector<16xf32>, vector<16xf32>
    } {sc.loop_unroll_factor = 4 : i64, sc.parallel_access}
    %dma_wait3A_599 = arith.constant 11 : i32
    %dma_wait3A_600 = arith.constant 0 : i32
    %dma_wait3A_601 = arith.constant 0 : i32
    %dma_wait3A_602 = tpu.memref_slice %arg8[%dma_wait3A_599, %dma_wait3A_600, %dma_wait3A_601] : memref<12x32x128xf32, #tpu.memory_space<vmem>> -> memref<1x32x128xf32, #tpu.memory_space<vmem>>
    %dma_wait3A_603 = tpu.memref_squeeze %dma_wait3A_602 : memref<1x32x128xf32, #tpu.memory_space<vmem>> -> memref<32x128xf32, #tpu.memory_space<vmem>>
    %dma_wait3A_604 = arith.constant 352 : i32
    %dma_wait3A_605 = tpu.memref_slice %arg6[%dma_wait3A_604] : memref<512xi32, #tpu.memory_space<vmem>> -> memref<32xi32, #tpu.memory_space<vmem>>
    %dma_wait3A_606 = arith.constant 0 : i32
    %dma_wait3A_607 = arith.constant 0 : i32
    %dma_wait3A_608 = tpu.memref_slice %arg4[%dma_wait3A_606, %dma_wait3A_607] : memref<1000000x128xf32, #tpu.memory_space<hbm>> -> memref<1000000x128xf32, #tpu.memory_space<hbm>>
    tpu.wait_indirect_dma semaphore(%arg22 : memref<!tpu.dma_semaphore, #tpu.memory_space<semaphore_mem>>) src(%dma_wait3A_608 : memref<1000000x128xf32, #tpu.memory_space<hbm>>) dst(%dma_wait3A_603 : memref<32x128xf32, #tpu.memory_space<vmem>>)
    %dma_wait3A_609 = arith.constant 11 : i32
    %dma_wait3A_610 = arith.constant 0 : i32
    %dma_wait3A_611 = arith.constant 0 : i32
    %dma_wait3A_612 = tpu.memref_slice %arg9[%dma_wait3A_609, %dma_wait3A_610, %dma_wait3A_611] : memref<12x32x128xf32, #tpu.memory_space<vmem>> -> memref<1x32x128xf32, #tpu.memory_space<vmem>>
    %dma_wait3A_613 = tpu.memref_squeeze %dma_wait3A_612 : memref<1x32x128xf32, #tpu.memory_space<vmem>> -> memref<32x128xf32, #tpu.memory_space<vmem>>
    %dma_wait3A_614 = arith.constant 352 : i32
    %dma_wait3A_615 = tpu.memref_slice %arg7[%dma_wait3A_614] : memref<512xi32, #tpu.memory_space<vmem>> -> memref<32xi32, #tpu.memory_space<vmem>>
    %dma_wait3A_616 = arith.constant 0 : i32
    %dma_wait3A_617 = arith.constant 0 : i32
    %dma_wait3A_618 = tpu.memref_slice %arg4[%dma_wait3A_616, %dma_wait3A_617] : memref<1000000x128xf32, #tpu.memory_space<hbm>> -> memref<1000000x128xf32, #tpu.memory_space<hbm>>
    tpu.wait_indirect_dma semaphore(%arg34 : memref<!tpu.dma_semaphore, #tpu.memory_space<semaphore_mem>>) src(%dma_wait3A_618 : memref<1000000x128xf32, #tpu.memory_space<hbm>>) dst(%dma_wait3A_613 : memref<32x128xf32, #tpu.memory_space<vmem>>)
    %parallel_loop3A_619 = arith.constant 0 : i32
    %parallel_loop3A_620 = arith.constant 32 : i32
    %parallel_loop3A_621 = arith.constant 1 : i32
    %parallel_loop3A_622:8 = scf.for %parallel_loop3A_729 = %parallel_loop3A_619 to %parallel_loop3A_620 step %parallel_loop3A_621 iter_args(%parallel_loop3A_730 = %parallel_loop3A_598#0, %parallel_loop3A_731 = %parallel_loop3A_598#1, %parallel_loop3A_732 = %parallel_loop3A_598#2, %parallel_loop3A_733 = %parallel_loop3A_598#3, %parallel_loop3A_734 = %parallel_loop3A_598#4, %parallel_loop3A_735 = %parallel_loop3A_598#5, %parallel_loop3A_736 = %parallel_loop3A_598#6, %parallel_loop3A_737 = %parallel_loop3A_598#7) -> (vector<16xf32>, vector<16xf32>, vector<16xf32>, vector<16xf32>, vector<16xf32>, vector<16xf32>, vector<16xf32>, vector<16xf32>)  : i32 {
      %parallel_loop3A_738 = arith.constant 11 : i32
      %parallel_loop3A_739 = arith.index_cast %parallel_loop3A_738 : i32 to index
      %parallel_loop3A_740 = arith.index_cast %parallel_loop3A_729 : i32 to index
      %parallel_loop3A_741 = arith.constant 0 : index
      %parallel_loop3A_742 = tpu.vector_load %arg8[%parallel_loop3A_739, %parallel_loop3A_740, %parallel_loop3A_741] {strides = array<i32>} : memref<12x32x128xf32, #tpu.memory_space<vmem>>, vector<1x1x16xf32>,
      %parallel_loop3A_743 = vector.shape_cast %parallel_loop3A_742 : vector<1x1x16xf32> to vector<16xf32>
      %parallel_loop3A_744 = arith.constant 11 : i32
      %parallel_loop3A_745 = arith.index_cast %parallel_loop3A_744 : i32 to index
      %parallel_loop3A_746 = arith.index_cast %parallel_loop3A_729 : i32 to index
      %parallel_loop3A_747 = arith.constant 0 : index
      %parallel_loop3A_748 = tpu.vector_load %arg9[%parallel_loop3A_745, %parallel_loop3A_746, %parallel_loop3A_747] {strides = array<i32>} : memref<12x32x128xf32, #tpu.memory_space<vmem>>, vector<1x1x16xf32>,
      %parallel_loop3A_749 = vector.shape_cast %parallel_loop3A_748 : vector<1x1x16xf32> to vector<16xf32>
      %parallel_loop3A_750 = arith.mulf %parallel_loop3A_743, %parallel_loop3A_749 : vector<16xf32>
      %parallel_loop3A_751 = arith.addf %parallel_loop3A_730, %parallel_loop3A_750 : vector<16xf32>
      %parallel_loop3A_752 = arith.constant 11 : i32
      %parallel_loop3A_753 = arith.index_cast %parallel_loop3A_752 : i32 to index
      %parallel_loop3A_754 = arith.index_cast %parallel_loop3A_729 : i32 to index
      %parallel_loop3A_755 = arith.constant 16 : index
      %parallel_loop3A_756 = tpu.vector_load %arg8[%parallel_loop3A_753, %parallel_loop3A_754, %parallel_loop3A_755] {strides = array<i32>} : memref<12x32x128xf32, #tpu.memory_space<vmem>>, vector<1x1x16xf32>,
      %parallel_loop3A_757 = vector.shape_cast %parallel_loop3A_756 : vector<1x1x16xf32> to vector<16xf32>
      %parallel_loop3A_758 = arith.constant 11 : i32
      %parallel_loop3A_759 = arith.index_cast %parallel_loop3A_758 : i32 to index
      %parallel_loop3A_760 = arith.index_cast %parallel_loop3A_729 : i32 to index
      %parallel_loop3A_761 = arith.constant 16 : index
      %parallel_loop3A_762 = tpu.vector_load %arg9[%parallel_loop3A_759, %parallel_loop3A_760, %parallel_loop3A_761] {strides = array<i32>} : memref<12x32x128xf32, #tpu.memory_space<vmem>>, vector<1x1x16xf32>,
      %parallel_loop3A_763 = vector.shape_cast %parallel_loop3A_762 : vector<1x1x16xf32> to vector<16xf32>
      %parallel_loop3A_764 = arith.mulf %parallel_loop3A_757, %parallel_loop3A_763 : vector<16xf32>
      %parallel_loop3A_765 = arith.addf %parallel_loop3A_731, %parallel_loop3A_764 : vector<16xf32>
      %parallel_loop3A_766 = arith.constant 11 : i32
      %parallel_loop3A_767 = arith.index_cast %parallel_loop3A_766 : i32 to index
      %parallel_loop3A_768 = arith.index_cast %parallel_loop3A_729 : i32 to index
      %parallel_loop3A_769 = arith.constant 32 : index
      %parallel_loop3A_770 = tpu.vector_load %arg8[%parallel_loop3A_767, %parallel_loop3A_768, %parallel_loop3A_769] {strides = array<i32>} : memref<12x32x128xf32, #tpu.memory_space<vmem>>, vector<1x1x16xf32>,
      %parallel_loop3A_771 = vector.shape_cast %parallel_loop3A_770 : vector<1x1x16xf32> to vector<16xf32>
      %parallel_loop3A_772 = arith.constant 11 : i32
      %parallel_loop3A_773 = arith.index_cast %parallel_loop3A_772 : i32 to index
      %parallel_loop3A_774 = arith.index_cast %parallel_loop3A_729 : i32 to index
      %parallel_loop3A_775 = arith.constant 32 : index
      %parallel_loop3A_776 = tpu.vector_load %arg9[%parallel_loop3A_773, %parallel_loop3A_774, %parallel_loop3A_775] {strides = array<i32>} : memref<12x32x128xf32, #tpu.memory_space<vmem>>, vector<1x1x16xf32>,
      %parallel_loop3A_777 = vector.shape_cast %parallel_loop3A_776 : vector<1x1x16xf32> to vector<16xf32>
      %parallel_loop3A_778 = arith.mulf %parallel_loop3A_771, %parallel_loop3A_777 : vector<16xf32>
      %parallel_loop3A_779 = arith.addf %parallel_loop3A_732, %parallel_loop3A_778 : vector<16xf32>
      %parallel_loop3A_780 = arith.constant 11 : i32
      %parallel_loop3A_781 = arith.index_cast %parallel_loop3A_780 : i32 to index
      %parallel_loop3A_782 = arith.index_cast %parallel_loop3A_729 : i32 to index
      %parallel_loop3A_783 = arith.constant 48 : index
      %parallel_loop3A_784 = tpu.vector_load %arg8[%parallel_loop3A_781, %parallel_loop3A_782, %parallel_loop3A_783] {strides = array<i32>} : memref<12x32x128xf32, #tpu.memory_space<vmem>>, vector<1x1x16xf32>,
      %parallel_loop3A_785 = vector.shape_cast %parallel_loop3A_784 : vector<1x1x16xf32> to vector<16xf32>
      %parallel_loop3A_786 = arith.constant 11 : i32
      %parallel_loop3A_787 = arith.index_cast %parallel_loop3A_786 : i32 to index
      %parallel_loop3A_788 = arith.index_cast %parallel_loop3A_729 : i32 to index
      %parallel_loop3A_789 = arith.constant 48 : index
      %parallel_loop3A_790 = tpu.vector_load %arg9[%parallel_loop3A_787, %parallel_loop3A_788, %parallel_loop3A_789] {strides = array<i32>} : memref<12x32x128xf32, #tpu.memory_space<vmem>>, vector<1x1x16xf32>,
      %parallel_loop3A_791 = vector.shape_cast %parallel_loop3A_790 : vector<1x1x16xf32> to vector<16xf32>
      %parallel_loop3A_792 = arith.mulf %parallel_loop3A_785, %parallel_loop3A_791 : vector<16xf32>
      %parallel_loop3A_793 = arith.addf %parallel_loop3A_733, %parallel_loop3A_792 : vector<16xf32>
      %parallel_loop3A_794 = arith.constant 11 : i32
      %parallel_loop3A_795 = arith.index_cast %parallel_loop3A_794 : i32 to index
      %parallel_loop3A_796 = arith.index_cast %parallel_loop3A_729 : i32 to index
      %parallel_loop3A_797 = arith.constant 64 : index
      %parallel_loop3A_798 = tpu.vector_load %arg8[%parallel_loop3A_795, %parallel_loop3A_796, %parallel_loop3A_797] {strides = array<i32>} : memref<12x32x128xf32, #tpu.memory_space<vmem>>, vector<1x1x16xf32>,
      %parallel_loop3A_799 = vector.shape_cast %parallel_loop3A_798 : vector<1x1x16xf32> to vector<16xf32>
      %parallel_loop3A_800 = arith.constant 11 : i32
      %parallel_loop3A_801 = arith.index_cast %parallel_loop3A_800 : i32 to index
      %parallel_loop3A_802 = arith.index_cast %parallel_loop3A_729 : i32 to index
      %parallel_loop3A_803 = arith.constant 64 : index
      %parallel_loop3A_804 = tpu.vector_load %arg9[%parallel_loop3A_801, %parallel_loop3A_802, %parallel_loop3A_803] {strides = array<i32>} : memref<12x32x128xf32, #tpu.memory_space<vmem>>, vector<1x1x16xf32>,
      %parallel_loop3A_805 = vector.shape_cast %parallel_loop3A_804 : vector<1x1x16xf32> to vector<16xf32>
      %parallel_loop3A_806 = arith.mulf %parallel_loop3A_799, %parallel_loop3A_805 : vector<16xf32>
      %parallel_loop3A_807 = arith.addf %parallel_loop3A_734, %parallel_loop3A_806 : vector<16xf32>
      %parallel_loop3A_808 = arith.constant 11 : i32
      %parallel_loop3A_809 = arith.index_cast %parallel_loop3A_808 : i32 to index
      %parallel_loop3A_810 = arith.index_cast %parallel_loop3A_729 : i32 to index
      %parallel_loop3A_811 = arith.constant 80 : index
      %parallel_loop3A_812 = tpu.vector_load %arg8[%parallel_loop3A_809, %parallel_loop3A_810, %parallel_loop3A_811] {strides = array<i32>} : memref<12x32x128xf32, #tpu.memory_space<vmem>>, vector<1x1x16xf32>,
      %parallel_loop3A_813 = vector.shape_cast %parallel_loop3A_812 : vector<1x1x16xf32> to vector<16xf32>
      %parallel_loop3A_814 = arith.constant 11 : i32
      %parallel_loop3A_815 = arith.index_cast %parallel_loop3A_814 : i32 to index
      %parallel_loop3A_816 = arith.index_cast %parallel_loop3A_729 : i32 to index
      %parallel_loop3A_817 = arith.constant 80 : index
      %parallel_loop3A_818 = tpu.vector_load %arg9[%parallel_loop3A_815, %parallel_loop3A_816, %parallel_loop3A_817] {strides = array<i32>} : memref<12x32x128xf32, #tpu.memory_space<vmem>>, vector<1x1x16xf32>,
      %parallel_loop3A_819 = vector.shape_cast %parallel_loop3A_818 : vector<1x1x16xf32> to vector<16xf32>
      %parallel_loop3A_820 = arith.mulf %parallel_loop3A_813, %parallel_loop3A_819 : vector<16xf32>
      %parallel_loop3A_821 = arith.addf %parallel_loop3A_735, %parallel_loop3A_820 : vector<16xf32>
      %parallel_loop3A_822 = arith.constant 11 : i32
      %parallel_loop3A_823 = arith.index_cast %parallel_loop3A_822 : i32 to index
      %parallel_loop3A_824 = arith.index_cast %parallel_loop3A_729 : i32 to index
      %parallel_loop3A_825 = arith.constant 96 : index
      %parallel_loop3A_826 = tpu.vector_load %arg8[%parallel_loop3A_823, %parallel_loop3A_824, %parallel_loop3A_825] {strides = array<i32>} : memref<12x32x128xf32, #tpu.memory_space<vmem>>, vector<1x1x16xf32>,
      %parallel_loop3A_827 = vector.shape_cast %parallel_loop3A_826 : vector<1x1x16xf32> to vector<16xf32>
      %parallel_loop3A_828 = arith.constant 11 : i32
      %parallel_loop3A_829 = arith.index_cast %parallel_loop3A_828 : i32 to index
      %parallel_loop3A_830 = arith.index_cast %parallel_loop3A_729 : i32 to index
      %parallel_loop3A_831 = arith.constant 96 : index
      %parallel_loop3A_832 = tpu.vector_load %arg9[%parallel_loop3A_829, %parallel_loop3A_830, %parallel_loop3A_831] {strides = array<i32>} : memref<12x32x128xf32, #tpu.memory_space<vmem>>, vector<1x1x16xf32>,
      %parallel_loop3A_833 = vector.shape_cast %parallel_loop3A_832 : vector<1x1x16xf32> to vector<16xf32>
      %parallel_loop3A_834 = arith.mulf %parallel_loop3A_827, %parallel_loop3A_833 : vector<16xf32>
      %parallel_loop3A_835 = arith.addf %parallel_loop3A_736, %parallel_loop3A_834 : vector<16xf32>
      %parallel_loop3A_836 = arith.constant 11 : i32
      %parallel_loop3A_837 = arith.index_cast %parallel_loop3A_836 : i32 to index
      %parallel_loop3A_838 = arith.index_cast %parallel_loop3A_729 : i32 to index
      %parallel_loop3A_839 = arith.constant 112 : index
      %parallel_loop3A_840 = tpu.vector_load %arg8[%parallel_loop3A_837, %parallel_loop3A_838, %parallel_loop3A_839] {strides = array<i32>} : memref<12x32x128xf32, #tpu.memory_space<vmem>>, vector<1x1x16xf32>,
      %parallel_loop3A_841 = vector.shape_cast %parallel_loop3A_840 : vector<1x1x16xf32> to vector<16xf32>
      %parallel_loop3A_842 = arith.constant 11 : i32
      %parallel_loop3A_843 = arith.index_cast %parallel_loop3A_842 : i32 to index
      %parallel_loop3A_844 = arith.index_cast %parallel_loop3A_729 : i32 to index
      %parallel_loop3A_845 = arith.constant 112 : index
      %parallel_loop3A_846 = tpu.vector_load %arg9[%parallel_loop3A_843, %parallel_loop3A_844, %parallel_loop3A_845] {strides = array<i32>} : memref<12x32x128xf32, #tpu.memory_space<vmem>>, vector<1x1x16xf32>,
      %parallel_loop3A_847 = vector.shape_cast %parallel_loop3A_846 : vector<1x1x16xf32> to vector<16xf32>
      %parallel_loop3A_848 = arith.mulf %parallel_loop3A_841, %parallel_loop3A_847 : vector<16xf32>
      %parallel_loop3A_849 = arith.addf %parallel_loop3A_737, %parallel_loop3A_848 : vector<16xf32>
      scf.yield %parallel_loop3A_751, %parallel_loop3A_765, %parallel_loop3A_779, %parallel_loop3A_793, %parallel_loop3A_807, %parallel_loop3A_821, %parallel_loop3A_835, %parallel_loop3A_849 : vector<16xf32>, vector<16xf32>, vector<16xf32>, vector<16xf32>, vector<16xf32>, vector<16xf32>, vector<16xf32>, vector<16xf32>
    } {sc.loop_unroll_factor = 4 : i64, sc.parallel_access}
    %dma_wait3A_623 = arith.constant 0 : i32
    %dma_wait3A_624 = arith.constant 0 : i32
    %dma_wait3A_625 = arith.constant 0 : i32
    %dma_wait3A_626 = tpu.memref_slice %arg8[%dma_wait3A_623, %dma_wait3A_624, %dma_wait3A_625] : memref<12x32x128xf32, #tpu.memory_space<vmem>> -> memref<1x32x128xf32, #tpu.memory_space<vmem>>
    %dma_wait3A_627 = tpu.memref_squeeze %dma_wait3A_626 : memref<1x32x128xf32, #tpu.memory_space<vmem>> -> memref<32x128xf32, #tpu.memory_space<vmem>>
    %dma_wait3A_628 = arith.constant 384 : i32
    %dma_wait3A_629 = tpu.memref_slice %arg6[%dma_wait3A_628] : memref<512xi32, #tpu.memory_space<vmem>> -> memref<32xi32, #tpu.memory_space<vmem>>
    %dma_wait3A_630 = arith.constant 0 : i32
    %dma_wait3A_631 = arith.constant 0 : i32
    %dma_wait3A_632 = tpu.memref_slice %arg4[%dma_wait3A_630, %dma_wait3A_631] : memref<1000000x128xf32, #tpu.memory_space<hbm>> -> memref<1000000x128xf32, #tpu.memory_space<hbm>>
    tpu.wait_indirect_dma semaphore(%arg11 : memref<!tpu.dma_semaphore, #tpu.memory_space<semaphore_mem>>) src(%dma_wait3A_632 : memref<1000000x128xf32, #tpu.memory_space<hbm>>) dst(%dma_wait3A_627 : memref<32x128xf32, #tpu.memory_space<vmem>>)
    %dma_wait3A_633 = arith.constant 0 : i32
    %dma_wait3A_634 = arith.constant 0 : i32
    %dma_wait3A_635 = arith.constant 0 : i32
    %dma_wait3A_636 = tpu.memref_slice %arg9[%dma_wait3A_633, %dma_wait3A_634, %dma_wait3A_635] : memref<12x32x128xf32, #tpu.memory_space<vmem>> -> memref<1x32x128xf32, #tpu.memory_space<vmem>>
    %dma_wait3A_637 = tpu.memref_squeeze %dma_wait3A_636 : memref<1x32x128xf32, #tpu.memory_space<vmem>> -> memref<32x128xf32, #tpu.memory_space<vmem>>
    %dma_wait3A_638 = arith.constant 384 : i32
    %dma_wait3A_639 = tpu.memref_slice %arg7[%dma_wait3A_638] : memref<512xi32, #tpu.memory_space<vmem>> -> memref<32xi32, #tpu.memory_space<vmem>>
    %dma_wait3A_640 = arith.constant 0 : i32
    %dma_wait3A_641 = arith.constant 0 : i32
    %dma_wait3A_642 = tpu.memref_slice %arg4[%dma_wait3A_640, %dma_wait3A_641] : memref<1000000x128xf32, #tpu.memory_space<hbm>> -> memref<1000000x128xf32, #tpu.memory_space<hbm>>
    tpu.wait_indirect_dma semaphore(%arg23 : memref<!tpu.dma_semaphore, #tpu.memory_space<semaphore_mem>>) src(%dma_wait3A_642 : memref<1000000x128xf32, #tpu.memory_space<hbm>>) dst(%dma_wait3A_637 : memref<32x128xf32, #tpu.memory_space<vmem>>)
    %parallel_loop3A_643 = arith.constant 0 : i32
    %parallel_loop3A_644 = arith.constant 32 : i32
    %parallel_loop3A_645 = arith.constant 1 : i32
    %parallel_loop3A_646:8 = scf.for %parallel_loop3A_729 = %parallel_loop3A_643 to %parallel_loop3A_644 step %parallel_loop3A_645 iter_args(%parallel_loop3A_730 = %parallel_loop3A_622#0, %parallel_loop3A_731 = %parallel_loop3A_622#1, %parallel_loop3A_732 = %parallel_loop3A_622#2, %parallel_loop3A_733 = %parallel_loop3A_622#3, %parallel_loop3A_734 = %parallel_loop3A_622#4, %parallel_loop3A_735 = %parallel_loop3A_622#5, %parallel_loop3A_736 = %parallel_loop3A_622#6, %parallel_loop3A_737 = %parallel_loop3A_622#7) -> (vector<16xf32>, vector<16xf32>, vector<16xf32>, vector<16xf32>, vector<16xf32>, vector<16xf32>, vector<16xf32>, vector<16xf32>)  : i32 {
      %parallel_loop3A_738 = arith.constant 0 : i32
      %parallel_loop3A_739 = arith.index_cast %parallel_loop3A_738 : i32 to index
      %parallel_loop3A_740 = arith.index_cast %parallel_loop3A_729 : i32 to index
      %parallel_loop3A_741 = arith.constant 0 : index
      %parallel_loop3A_742 = tpu.vector_load %arg8[%parallel_loop3A_739, %parallel_loop3A_740, %parallel_loop3A_741] {strides = array<i32>} : memref<12x32x128xf32, #tpu.memory_space<vmem>>, vector<1x1x16xf32>,
      %parallel_loop3A_743 = vector.shape_cast %parallel_loop3A_742 : vector<1x1x16xf32> to vector<16xf32>
      %parallel_loop3A_744 = arith.constant 0 : i32
      %parallel_loop3A_745 = arith.index_cast %parallel_loop3A_744 : i32 to index
      %parallel_loop3A_746 = arith.index_cast %parallel_loop3A_729 : i32 to index
      %parallel_loop3A_747 = arith.constant 0 : index
      %parallel_loop3A_748 = tpu.vector_load %arg9[%parallel_loop3A_745, %parallel_loop3A_746, %parallel_loop3A_747] {strides = array<i32>} : memref<12x32x128xf32, #tpu.memory_space<vmem>>, vector<1x1x16xf32>,
      %parallel_loop3A_749 = vector.shape_cast %parallel_loop3A_748 : vector<1x1x16xf32> to vector<16xf32>
      %parallel_loop3A_750 = arith.mulf %parallel_loop3A_743, %parallel_loop3A_749 : vector<16xf32>
      %parallel_loop3A_751 = arith.addf %parallel_loop3A_730, %parallel_loop3A_750 : vector<16xf32>
      %parallel_loop3A_752 = arith.constant 0 : i32
      %parallel_loop3A_753 = arith.index_cast %parallel_loop3A_752 : i32 to index
      %parallel_loop3A_754 = arith.index_cast %parallel_loop3A_729 : i32 to index
      %parallel_loop3A_755 = arith.constant 16 : index
      %parallel_loop3A_756 = tpu.vector_load %arg8[%parallel_loop3A_753, %parallel_loop3A_754, %parallel_loop3A_755] {strides = array<i32>} : memref<12x32x128xf32, #tpu.memory_space<vmem>>, vector<1x1x16xf32>,
      %parallel_loop3A_757 = vector.shape_cast %parallel_loop3A_756 : vector<1x1x16xf32> to vector<16xf32>
      %parallel_loop3A_758 = arith.constant 0 : i32
      %parallel_loop3A_759 = arith.index_cast %parallel_loop3A_758 : i32 to index
      %parallel_loop3A_760 = arith.index_cast %parallel_loop3A_729 : i32 to index
      %parallel_loop3A_761 = arith.constant 16 : index
      %parallel_loop3A_762 = tpu.vector_load %arg9[%parallel_loop3A_759, %parallel_loop3A_760, %parallel_loop3A_761] {strides = array<i32>} : memref<12x32x128xf32, #tpu.memory_space<vmem>>, vector<1x1x16xf32>,
      %parallel_loop3A_763 = vector.shape_cast %parallel_loop3A_762 : vector<1x1x16xf32> to vector<16xf32>
      %parallel_loop3A_764 = arith.mulf %parallel_loop3A_757, %parallel_loop3A_763 : vector<16xf32>
      %parallel_loop3A_765 = arith.addf %parallel_loop3A_731, %parallel_loop3A_764 : vector<16xf32>
      %parallel_loop3A_766 = arith.constant 0 : i32
      %parallel_loop3A_767 = arith.index_cast %parallel_loop3A_766 : i32 to index
      %parallel_loop3A_768 = arith.index_cast %parallel_loop3A_729 : i32 to index
      %parallel_loop3A_769 = arith.constant 32 : index
      %parallel_loop3A_770 = tpu.vector_load %arg8[%parallel_loop3A_767, %parallel_loop3A_768, %parallel_loop3A_769] {strides = array<i32>} : memref<12x32x128xf32, #tpu.memory_space<vmem>>, vector<1x1x16xf32>,
      %parallel_loop3A_771 = vector.shape_cast %parallel_loop3A_770 : vector<1x1x16xf32> to vector<16xf32>
      %parallel_loop3A_772 = arith.constant 0 : i32
      %parallel_loop3A_773 = arith.index_cast %parallel_loop3A_772 : i32 to index
      %parallel_loop3A_774 = arith.index_cast %parallel_loop3A_729 : i32 to index
      %parallel_loop3A_775 = arith.constant 32 : index
      %parallel_loop3A_776 = tpu.vector_load %arg9[%parallel_loop3A_773, %parallel_loop3A_774, %parallel_loop3A_775] {strides = array<i32>} : memref<12x32x128xf32, #tpu.memory_space<vmem>>, vector<1x1x16xf32>,
      %parallel_loop3A_777 = vector.shape_cast %parallel_loop3A_776 : vector<1x1x16xf32> to vector<16xf32>
      %parallel_loop3A_778 = arith.mulf %parallel_loop3A_771, %parallel_loop3A_777 : vector<16xf32>
      %parallel_loop3A_779 = arith.addf %parallel_loop3A_732, %parallel_loop3A_778 : vector<16xf32>
      %parallel_loop3A_780 = arith.constant 0 : i32
      %parallel_loop3A_781 = arith.index_cast %parallel_loop3A_780 : i32 to index
      %parallel_loop3A_782 = arith.index_cast %parallel_loop3A_729 : i32 to index
      %parallel_loop3A_783 = arith.constant 48 : index
      %parallel_loop3A_784 = tpu.vector_load %arg8[%parallel_loop3A_781, %parallel_loop3A_782, %parallel_loop3A_783] {strides = array<i32>} : memref<12x32x128xf32, #tpu.memory_space<vmem>>, vector<1x1x16xf32>,
      %parallel_loop3A_785 = vector.shape_cast %parallel_loop3A_784 : vector<1x1x16xf32> to vector<16xf32>
      %parallel_loop3A_786 = arith.constant 0 : i32
      %parallel_loop3A_787 = arith.index_cast %parallel_loop3A_786 : i32 to index
      %parallel_loop3A_788 = arith.index_cast %parallel_loop3A_729 : i32 to index
      %parallel_loop3A_789 = arith.constant 48 : index
      %parallel_loop3A_790 = tpu.vector_load %arg9[%parallel_loop3A_787, %parallel_loop3A_788, %parallel_loop3A_789] {strides = array<i32>} : memref<12x32x128xf32, #tpu.memory_space<vmem>>, vector<1x1x16xf32>,
      %parallel_loop3A_791 = vector.shape_cast %parallel_loop3A_790 : vector<1x1x16xf32> to vector<16xf32>
      %parallel_loop3A_792 = arith.mulf %parallel_loop3A_785, %parallel_loop3A_791 : vector<16xf32>
      %parallel_loop3A_793 = arith.addf %parallel_loop3A_733, %parallel_loop3A_792 : vector<16xf32>
      %parallel_loop3A_794 = arith.constant 0 : i32
      %parallel_loop3A_795 = arith.index_cast %parallel_loop3A_794 : i32 to index
      %parallel_loop3A_796 = arith.index_cast %parallel_loop3A_729 : i32 to index
      %parallel_loop3A_797 = arith.constant 64 : index
      %parallel_loop3A_798 = tpu.vector_load %arg8[%parallel_loop3A_795, %parallel_loop3A_796, %parallel_loop3A_797] {strides = array<i32>} : memref<12x32x128xf32, #tpu.memory_space<vmem>>, vector<1x1x16xf32>,
      %parallel_loop3A_799 = vector.shape_cast %parallel_loop3A_798 : vector<1x1x16xf32> to vector<16xf32>
      %parallel_loop3A_800 = arith.constant 0 : i32
      %parallel_loop3A_801 = arith.index_cast %parallel_loop3A_800 : i32 to index
      %parallel_loop3A_802 = arith.index_cast %parallel_loop3A_729 : i32 to index
      %parallel_loop3A_803 = arith.constant 64 : index
      %parallel_loop3A_804 = tpu.vector_load %arg9[%parallel_loop3A_801, %parallel_loop3A_802, %parallel_loop3A_803] {strides = array<i32>} : memref<12x32x128xf32, #tpu.memory_space<vmem>>, vector<1x1x16xf32>,
      %parallel_loop3A_805 = vector.shape_cast %parallel_loop3A_804 : vector<1x1x16xf32> to vector<16xf32>
      %parallel_loop3A_806 = arith.mulf %parallel_loop3A_799, %parallel_loop3A_805 : vector<16xf32>
      %parallel_loop3A_807 = arith.addf %parallel_loop3A_734, %parallel_loop3A_806 : vector<16xf32>
      %parallel_loop3A_808 = arith.constant 0 : i32
      %parallel_loop3A_809 = arith.index_cast %parallel_loop3A_808 : i32 to index
      %parallel_loop3A_810 = arith.index_cast %parallel_loop3A_729 : i32 to index
      %parallel_loop3A_811 = arith.constant 80 : index
      %parallel_loop3A_812 = tpu.vector_load %arg8[%parallel_loop3A_809, %parallel_loop3A_810, %parallel_loop3A_811] {strides = array<i32>} : memref<12x32x128xf32, #tpu.memory_space<vmem>>, vector<1x1x16xf32>,
      %parallel_loop3A_813 = vector.shape_cast %parallel_loop3A_812 : vector<1x1x16xf32> to vector<16xf32>
      %parallel_loop3A_814 = arith.constant 0 : i32
      %parallel_loop3A_815 = arith.index_cast %parallel_loop3A_814 : i32 to index
      %parallel_loop3A_816 = arith.index_cast %parallel_loop3A_729 : i32 to index
      %parallel_loop3A_817 = arith.constant 80 : index
      %parallel_loop3A_818 = tpu.vector_load %arg9[%parallel_loop3A_815, %parallel_loop3A_816, %parallel_loop3A_817] {strides = array<i32>} : memref<12x32x128xf32, #tpu.memory_space<vmem>>, vector<1x1x16xf32>,
      %parallel_loop3A_819 = vector.shape_cast %parallel_loop3A_818 : vector<1x1x16xf32> to vector<16xf32>
      %parallel_loop3A_820 = arith.mulf %parallel_loop3A_813, %parallel_loop3A_819 : vector<16xf32>
      %parallel_loop3A_821 = arith.addf %parallel_loop3A_735, %parallel_loop3A_820 : vector<16xf32>
      %parallel_loop3A_822 = arith.constant 0 : i32
      %parallel_loop3A_823 = arith.index_cast %parallel_loop3A_822 : i32 to index
      %parallel_loop3A_824 = arith.index_cast %parallel_loop3A_729 : i32 to index
      %parallel_loop3A_825 = arith.constant 96 : index
      %parallel_loop3A_826 = tpu.vector_load %arg8[%parallel_loop3A_823, %parallel_loop3A_824, %parallel_loop3A_825] {strides = array<i32>} : memref<12x32x128xf32, #tpu.memory_space<vmem>>, vector<1x1x16xf32>,
      %parallel_loop3A_827 = vector.shape_cast %parallel_loop3A_826 : vector<1x1x16xf32> to vector<16xf32>
      %parallel_loop3A_828 = arith.constant 0 : i32
      %parallel_loop3A_829 = arith.index_cast %parallel_loop3A_828 : i32 to index
      %parallel_loop3A_830 = arith.index_cast %parallel_loop3A_729 : i32 to index
      %parallel_loop3A_831 = arith.constant 96 : index
      %parallel_loop3A_832 = tpu.vector_load %arg9[%parallel_loop3A_829, %parallel_loop3A_830, %parallel_loop3A_831] {strides = array<i32>} : memref<12x32x128xf32, #tpu.memory_space<vmem>>, vector<1x1x16xf32>,
      %parallel_loop3A_833 = vector.shape_cast %parallel_loop3A_832 : vector<1x1x16xf32> to vector<16xf32>
      %parallel_loop3A_834 = arith.mulf %parallel_loop3A_827, %parallel_loop3A_833 : vector<16xf32>
      %parallel_loop3A_835 = arith.addf %parallel_loop3A_736, %parallel_loop3A_834 : vector<16xf32>
      %parallel_loop3A_836 = arith.constant 0 : i32
      %parallel_loop3A_837 = arith.index_cast %parallel_loop3A_836 : i32 to index
      %parallel_loop3A_838 = arith.index_cast %parallel_loop3A_729 : i32 to index
      %parallel_loop3A_839 = arith.constant 112 : index
      %parallel_loop3A_840 = tpu.vector_load %arg8[%parallel_loop3A_837, %parallel_loop3A_838, %parallel_loop3A_839] {strides = array<i32>} : memref<12x32x128xf32, #tpu.memory_space<vmem>>, vector<1x1x16xf32>,
      %parallel_loop3A_841 = vector.shape_cast %parallel_loop3A_840 : vector<1x1x16xf32> to vector<16xf32>
      %parallel_loop3A_842 = arith.constant 0 : i32
      %parallel_loop3A_843 = arith.index_cast %parallel_loop3A_842 : i32 to index
      %parallel_loop3A_844 = arith.index_cast %parallel_loop3A_729 : i32 to index
      %parallel_loop3A_845 = arith.constant 112 : index
      %parallel_loop3A_846 = tpu.vector_load %arg9[%parallel_loop3A_843, %parallel_loop3A_844, %parallel_loop3A_845] {strides = array<i32>} : memref<12x32x128xf32, #tpu.memory_space<vmem>>, vector<1x1x16xf32>,
      %parallel_loop3A_847 = vector.shape_cast %parallel_loop3A_846 : vector<1x1x16xf32> to vector<16xf32>
      %parallel_loop3A_848 = arith.mulf %parallel_loop3A_841, %parallel_loop3A_847 : vector<16xf32>
      %parallel_loop3A_849 = arith.addf %parallel_loop3A_737, %parallel_loop3A_848 : vector<16xf32>
      scf.yield %parallel_loop3A_751, %parallel_loop3A_765, %parallel_loop3A_779, %parallel_loop3A_793, %parallel_loop3A_807, %parallel_loop3A_821, %parallel_loop3A_835, %parallel_loop3A_849 : vector<16xf32>, vector<16xf32>, vector<16xf32>, vector<16xf32>, vector<16xf32>, vector<16xf32>, vector<16xf32>, vector<16xf32>
    } {sc.loop_unroll_factor = 4 : i64, sc.parallel_access}
    %dma_wait3A_647 = arith.constant 1 : i32
    %dma_wait3A_648 = arith.constant 0 : i32
    %dma_wait3A_649 = arith.constant 0 : i32
    %dma_wait3A_650 = tpu.memref_slice %arg8[%dma_wait3A_647, %dma_wait3A_648, %dma_wait3A_649] : memref<12x32x128xf32, #tpu.memory_space<vmem>> -> memref<1x32x128xf32, #tpu.memory_space<vmem>>
    %dma_wait3A_651 = tpu.memref_squeeze %dma_wait3A_650 : memref<1x32x128xf32, #tpu.memory_space<vmem>> -> memref<32x128xf32, #tpu.memory_space<vmem>>
    %dma_wait3A_652 = arith.constant 416 : i32
    %dma_wait3A_653 = tpu.memref_slice %arg6[%dma_wait3A_652] : memref<512xi32, #tpu.memory_space<vmem>> -> memref<32xi32, #tpu.memory_space<vmem>>
    %dma_wait3A_654 = arith.constant 0 : i32
    %dma_wait3A_655 = arith.constant 0 : i32
    %dma_wait3A_656 = tpu.memref_slice %arg4[%dma_wait3A_654, %dma_wait3A_655] : memref<1000000x128xf32, #tpu.memory_space<hbm>> -> memref<1000000x128xf32, #tpu.memory_space<hbm>>
    tpu.wait_indirect_dma semaphore(%arg12 : memref<!tpu.dma_semaphore, #tpu.memory_space<semaphore_mem>>) src(%dma_wait3A_656 : memref<1000000x128xf32, #tpu.memory_space<hbm>>) dst(%dma_wait3A_651 : memref<32x128xf32, #tpu.memory_space<vmem>>)
    %dma_wait3A_657 = arith.constant 1 : i32
    %dma_wait3A_658 = arith.constant 0 : i32
    %dma_wait3A_659 = arith.constant 0 : i32
    %dma_wait3A_660 = tpu.memref_slice %arg9[%dma_wait3A_657, %dma_wait3A_658, %dma_wait3A_659] : memref<12x32x128xf32, #tpu.memory_space<vmem>> -> memref<1x32x128xf32, #tpu.memory_space<vmem>>
    %dma_wait3A_661 = tpu.memref_squeeze %dma_wait3A_660 : memref<1x32x128xf32, #tpu.memory_space<vmem>> -> memref<32x128xf32, #tpu.memory_space<vmem>>
    %dma_wait3A_662 = arith.constant 416 : i32
    %dma_wait3A_663 = tpu.memref_slice %arg7[%dma_wait3A_662] : memref<512xi32, #tpu.memory_space<vmem>> -> memref<32xi32, #tpu.memory_space<vmem>>
    %dma_wait3A_664 = arith.constant 0 : i32
    %dma_wait3A_665 = arith.constant 0 : i32
    %dma_wait3A_666 = tpu.memref_slice %arg4[%dma_wait3A_664, %dma_wait3A_665] : memref<1000000x128xf32, #tpu.memory_space<hbm>> -> memref<1000000x128xf32, #tpu.memory_space<hbm>>
    tpu.wait_indirect_dma semaphore(%arg24 : memref<!tpu.dma_semaphore, #tpu.memory_space<semaphore_mem>>) src(%dma_wait3A_666 : memref<1000000x128xf32, #tpu.memory_space<hbm>>) dst(%dma_wait3A_661 : memref<32x128xf32, #tpu.memory_space<vmem>>)
    %parallel_loop3A_667 = arith.constant 0 : i32
    %parallel_loop3A_668 = arith.constant 32 : i32
    %parallel_loop3A_669 = arith.constant 1 : i32
    %parallel_loop3A_670:8 = scf.for %parallel_loop3A_729 = %parallel_loop3A_667 to %parallel_loop3A_668 step %parallel_loop3A_669 iter_args(%parallel_loop3A_730 = %parallel_loop3A_646#0, %parallel_loop3A_731 = %parallel_loop3A_646#1, %parallel_loop3A_732 = %parallel_loop3A_646#2, %parallel_loop3A_733 = %parallel_loop3A_646#3, %parallel_loop3A_734 = %parallel_loop3A_646#4, %parallel_loop3A_735 = %parallel_loop3A_646#5, %parallel_loop3A_736 = %parallel_loop3A_646#6, %parallel_loop3A_737 = %parallel_loop3A_646#7) -> (vector<16xf32>, vector<16xf32>, vector<16xf32>, vector<16xf32>, vector<16xf32>, vector<16xf32>, vector<16xf32>, vector<16xf32>)  : i32 {
      %parallel_loop3A_738 = arith.constant 1 : i32
      %parallel_loop3A_739 = arith.index_cast %parallel_loop3A_738 : i32 to index
      %parallel_loop3A_740 = arith.index_cast %parallel_loop3A_729 : i32 to index
      %parallel_loop3A_741 = arith.constant 0 : index
      %parallel_loop3A_742 = tpu.vector_load %arg8[%parallel_loop3A_739, %parallel_loop3A_740, %parallel_loop3A_741] {strides = array<i32>} : memref<12x32x128xf32, #tpu.memory_space<vmem>>, vector<1x1x16xf32>,
      %parallel_loop3A_743 = vector.shape_cast %parallel_loop3A_742 : vector<1x1x16xf32> to vector<16xf32>
      %parallel_loop3A_744 = arith.constant 1 : i32
      %parallel_loop3A_745 = arith.index_cast %parallel_loop3A_744 : i32 to index
      %parallel_loop3A_746 = arith.index_cast %parallel_loop3A_729 : i32 to index
      %parallel_loop3A_747 = arith.constant 0 : index
      %parallel_loop3A_748 = tpu.vector_load %arg9[%parallel_loop3A_745, %parallel_loop3A_746, %parallel_loop3A_747] {strides = array<i32>} : memref<12x32x128xf32, #tpu.memory_space<vmem>>, vector<1x1x16xf32>,
      %parallel_loop3A_749 = vector.shape_cast %parallel_loop3A_748 : vector<1x1x16xf32> to vector<16xf32>
      %parallel_loop3A_750 = arith.mulf %parallel_loop3A_743, %parallel_loop3A_749 : vector<16xf32>
      %parallel_loop3A_751 = arith.addf %parallel_loop3A_730, %parallel_loop3A_750 : vector<16xf32>
      %parallel_loop3A_752 = arith.constant 1 : i32
      %parallel_loop3A_753 = arith.index_cast %parallel_loop3A_752 : i32 to index
      %parallel_loop3A_754 = arith.index_cast %parallel_loop3A_729 : i32 to index
      %parallel_loop3A_755 = arith.constant 16 : index
      %parallel_loop3A_756 = tpu.vector_load %arg8[%parallel_loop3A_753, %parallel_loop3A_754, %parallel_loop3A_755] {strides = array<i32>} : memref<12x32x128xf32, #tpu.memory_space<vmem>>, vector<1x1x16xf32>,
      %parallel_loop3A_757 = vector.shape_cast %parallel_loop3A_756 : vector<1x1x16xf32> to vector<16xf32>
      %parallel_loop3A_758 = arith.constant 1 : i32
      %parallel_loop3A_759 = arith.index_cast %parallel_loop3A_758 : i32 to index
      %parallel_loop3A_760 = arith.index_cast %parallel_loop3A_729 : i32 to index
      %parallel_loop3A_761 = arith.constant 16 : index
      %parallel_loop3A_762 = tpu.vector_load %arg9[%parallel_loop3A_759, %parallel_loop3A_760, %parallel_loop3A_761] {strides = array<i32>} : memref<12x32x128xf32, #tpu.memory_space<vmem>>, vector<1x1x16xf32>,
      %parallel_loop3A_763 = vector.shape_cast %parallel_loop3A_762 : vector<1x1x16xf32> to vector<16xf32>
      %parallel_loop3A_764 = arith.mulf %parallel_loop3A_757, %parallel_loop3A_763 : vector<16xf32>
      %parallel_loop3A_765 = arith.addf %parallel_loop3A_731, %parallel_loop3A_764 : vector<16xf32>
      %parallel_loop3A_766 = arith.constant 1 : i32
      %parallel_loop3A_767 = arith.index_cast %parallel_loop3A_766 : i32 to index
      %parallel_loop3A_768 = arith.index_cast %parallel_loop3A_729 : i32 to index
      %parallel_loop3A_769 = arith.constant 32 : index
      %parallel_loop3A_770 = tpu.vector_load %arg8[%parallel_loop3A_767, %parallel_loop3A_768, %parallel_loop3A_769] {strides = array<i32>} : memref<12x32x128xf32, #tpu.memory_space<vmem>>, vector<1x1x16xf32>,
      %parallel_loop3A_771 = vector.shape_cast %parallel_loop3A_770 : vector<1x1x16xf32> to vector<16xf32>
      %parallel_loop3A_772 = arith.constant 1 : i32
      %parallel_loop3A_773 = arith.index_cast %parallel_loop3A_772 : i32 to index
      %parallel_loop3A_774 = arith.index_cast %parallel_loop3A_729 : i32 to index
      %parallel_loop3A_775 = arith.constant 32 : index
      %parallel_loop3A_776 = tpu.vector_load %arg9[%parallel_loop3A_773, %parallel_loop3A_774, %parallel_loop3A_775] {strides = array<i32>} : memref<12x32x128xf32, #tpu.memory_space<vmem>>, vector<1x1x16xf32>,
      %parallel_loop3A_777 = vector.shape_cast %parallel_loop3A_776 : vector<1x1x16xf32> to vector<16xf32>
      %parallel_loop3A_778 = arith.mulf %parallel_loop3A_771, %parallel_loop3A_777 : vector<16xf32>
      %parallel_loop3A_779 = arith.addf %parallel_loop3A_732, %parallel_loop3A_778 : vector<16xf32>
      %parallel_loop3A_780 = arith.constant 1 : i32
      %parallel_loop3A_781 = arith.index_cast %parallel_loop3A_780 : i32 to index
      %parallel_loop3A_782 = arith.index_cast %parallel_loop3A_729 : i32 to index
      %parallel_loop3A_783 = arith.constant 48 : index
      %parallel_loop3A_784 = tpu.vector_load %arg8[%parallel_loop3A_781, %parallel_loop3A_782, %parallel_loop3A_783] {strides = array<i32>} : memref<12x32x128xf32, #tpu.memory_space<vmem>>, vector<1x1x16xf32>,
      %parallel_loop3A_785 = vector.shape_cast %parallel_loop3A_784 : vector<1x1x16xf32> to vector<16xf32>
      %parallel_loop3A_786 = arith.constant 1 : i32
      %parallel_loop3A_787 = arith.index_cast %parallel_loop3A_786 : i32 to index
      %parallel_loop3A_788 = arith.index_cast %parallel_loop3A_729 : i32 to index
      %parallel_loop3A_789 = arith.constant 48 : index
      %parallel_loop3A_790 = tpu.vector_load %arg9[%parallel_loop3A_787, %parallel_loop3A_788, %parallel_loop3A_789] {strides = array<i32>} : memref<12x32x128xf32, #tpu.memory_space<vmem>>, vector<1x1x16xf32>,
      %parallel_loop3A_791 = vector.shape_cast %parallel_loop3A_790 : vector<1x1x16xf32> to vector<16xf32>
      %parallel_loop3A_792 = arith.mulf %parallel_loop3A_785, %parallel_loop3A_791 : vector<16xf32>
      %parallel_loop3A_793 = arith.addf %parallel_loop3A_733, %parallel_loop3A_792 : vector<16xf32>
      %parallel_loop3A_794 = arith.constant 1 : i32
      %parallel_loop3A_795 = arith.index_cast %parallel_loop3A_794 : i32 to index
      %parallel_loop3A_796 = arith.index_cast %parallel_loop3A_729 : i32 to index
      %parallel_loop3A_797 = arith.constant 64 : index
      %parallel_loop3A_798 = tpu.vector_load %arg8[%parallel_loop3A_795, %parallel_loop3A_796, %parallel_loop3A_797] {strides = array<i32>} : memref<12x32x128xf32, #tpu.memory_space<vmem>>, vector<1x1x16xf32>,
      %parallel_loop3A_799 = vector.shape_cast %parallel_loop3A_798 : vector<1x1x16xf32> to vector<16xf32>
      %parallel_loop3A_800 = arith.constant 1 : i32
      %parallel_loop3A_801 = arith.index_cast %parallel_loop3A_800 : i32 to index
      %parallel_loop3A_802 = arith.index_cast %parallel_loop3A_729 : i32 to index
      %parallel_loop3A_803 = arith.constant 64 : index
      %parallel_loop3A_804 = tpu.vector_load %arg9[%parallel_loop3A_801, %parallel_loop3A_802, %parallel_loop3A_803] {strides = array<i32>} : memref<12x32x128xf32, #tpu.memory_space<vmem>>, vector<1x1x16xf32>,
      %parallel_loop3A_805 = vector.shape_cast %parallel_loop3A_804 : vector<1x1x16xf32> to vector<16xf32>
      %parallel_loop3A_806 = arith.mulf %parallel_loop3A_799, %parallel_loop3A_805 : vector<16xf32>
      %parallel_loop3A_807 = arith.addf %parallel_loop3A_734, %parallel_loop3A_806 : vector<16xf32>
      %parallel_loop3A_808 = arith.constant 1 : i32
      %parallel_loop3A_809 = arith.index_cast %parallel_loop3A_808 : i32 to index
      %parallel_loop3A_810 = arith.index_cast %parallel_loop3A_729 : i32 to index
      %parallel_loop3A_811 = arith.constant 80 : index
      %parallel_loop3A_812 = tpu.vector_load %arg8[%parallel_loop3A_809, %parallel_loop3A_810, %parallel_loop3A_811] {strides = array<i32>} : memref<12x32x128xf32, #tpu.memory_space<vmem>>, vector<1x1x16xf32>,
      %parallel_loop3A_813 = vector.shape_cast %parallel_loop3A_812 : vector<1x1x16xf32> to vector<16xf32>
      %parallel_loop3A_814 = arith.constant 1 : i32
      %parallel_loop3A_815 = arith.index_cast %parallel_loop3A_814 : i32 to index
      %parallel_loop3A_816 = arith.index_cast %parallel_loop3A_729 : i32 to index
      %parallel_loop3A_817 = arith.constant 80 : index
      %parallel_loop3A_818 = tpu.vector_load %arg9[%parallel_loop3A_815, %parallel_loop3A_816, %parallel_loop3A_817] {strides = array<i32>} : memref<12x32x128xf32, #tpu.memory_space<vmem>>, vector<1x1x16xf32>,
      %parallel_loop3A_819 = vector.shape_cast %parallel_loop3A_818 : vector<1x1x16xf32> to vector<16xf32>
      %parallel_loop3A_820 = arith.mulf %parallel_loop3A_813, %parallel_loop3A_819 : vector<16xf32>
      %parallel_loop3A_821 = arith.addf %parallel_loop3A_735, %parallel_loop3A_820 : vector<16xf32>
      %parallel_loop3A_822 = arith.constant 1 : i32
      %parallel_loop3A_823 = arith.index_cast %parallel_loop3A_822 : i32 to index
      %parallel_loop3A_824 = arith.index_cast %parallel_loop3A_729 : i32 to index
      %parallel_loop3A_825 = arith.constant 96 : index
      %parallel_loop3A_826 = tpu.vector_load %arg8[%parallel_loop3A_823, %parallel_loop3A_824, %parallel_loop3A_825] {strides = array<i32>} : memref<12x32x128xf32, #tpu.memory_space<vmem>>, vector<1x1x16xf32>,
      %parallel_loop3A_827 = vector.shape_cast %parallel_loop3A_826 : vector<1x1x16xf32> to vector<16xf32>
      %parallel_loop3A_828 = arith.constant 1 : i32
      %parallel_loop3A_829 = arith.index_cast %parallel_loop3A_828 : i32 to index
      %parallel_loop3A_830 = arith.index_cast %parallel_loop3A_729 : i32 to index
      %parallel_loop3A_831 = arith.constant 96 : index
      %parallel_loop3A_832 = tpu.vector_load %arg9[%parallel_loop3A_829, %parallel_loop3A_830, %parallel_loop3A_831] {strides = array<i32>} : memref<12x32x128xf32, #tpu.memory_space<vmem>>, vector<1x1x16xf32>,
      %parallel_loop3A_833 = vector.shape_cast %parallel_loop3A_832 : vector<1x1x16xf32> to vector<16xf32>
      %parallel_loop3A_834 = arith.mulf %parallel_loop3A_827, %parallel_loop3A_833 : vector<16xf32>
      %parallel_loop3A_835 = arith.addf %parallel_loop3A_736, %parallel_loop3A_834 : vector<16xf32>
      %parallel_loop3A_836 = arith.constant 1 : i32
      %parallel_loop3A_837 = arith.index_cast %parallel_loop3A_836 : i32 to index
      %parallel_loop3A_838 = arith.index_cast %parallel_loop3A_729 : i32 to index
      %parallel_loop3A_839 = arith.constant 112 : index
      %parallel_loop3A_840 = tpu.vector_load %arg8[%parallel_loop3A_837, %parallel_loop3A_838, %parallel_loop3A_839] {strides = array<i32>} : memref<12x32x128xf32, #tpu.memory_space<vmem>>, vector<1x1x16xf32>,
      %parallel_loop3A_841 = vector.shape_cast %parallel_loop3A_840 : vector<1x1x16xf32> to vector<16xf32>
      %parallel_loop3A_842 = arith.constant 1 : i32
      %parallel_loop3A_843 = arith.index_cast %parallel_loop3A_842 : i32 to index
      %parallel_loop3A_844 = arith.index_cast %parallel_loop3A_729 : i32 to index
      %parallel_loop3A_845 = arith.constant 112 : index
      %parallel_loop3A_846 = tpu.vector_load %arg9[%parallel_loop3A_843, %parallel_loop3A_844, %parallel_loop3A_845] {strides = array<i32>} : memref<12x32x128xf32, #tpu.memory_space<vmem>>, vector<1x1x16xf32>,
      %parallel_loop3A_847 = vector.shape_cast %parallel_loop3A_846 : vector<1x1x16xf32> to vector<16xf32>
      %parallel_loop3A_848 = arith.mulf %parallel_loop3A_841, %parallel_loop3A_847 : vector<16xf32>
      %parallel_loop3A_849 = arith.addf %parallel_loop3A_737, %parallel_loop3A_848 : vector<16xf32>
      scf.yield %parallel_loop3A_751, %parallel_loop3A_765, %parallel_loop3A_779, %parallel_loop3A_793, %parallel_loop3A_807, %parallel_loop3A_821, %parallel_loop3A_835, %parallel_loop3A_849 : vector<16xf32>, vector<16xf32>, vector<16xf32>, vector<16xf32>, vector<16xf32>, vector<16xf32>, vector<16xf32>, vector<16xf32>
    } {sc.loop_unroll_factor = 4 : i64, sc.parallel_access}
    %dma_wait3A_671 = arith.constant 2 : i32
    %dma_wait3A_672 = arith.constant 0 : i32
    %dma_wait3A_673 = arith.constant 0 : i32
    %dma_wait3A_674 = tpu.memref_slice %arg8[%dma_wait3A_671, %dma_wait3A_672, %dma_wait3A_673] : memref<12x32x128xf32, #tpu.memory_space<vmem>> -> memref<1x32x128xf32, #tpu.memory_space<vmem>>
    %dma_wait3A_675 = tpu.memref_squeeze %dma_wait3A_674 : memref<1x32x128xf32, #tpu.memory_space<vmem>> -> memref<32x128xf32, #tpu.memory_space<vmem>>
    %dma_wait3A_676 = arith.constant 448 : i32
    %dma_wait3A_677 = tpu.memref_slice %arg6[%dma_wait3A_676] : memref<512xi32, #tpu.memory_space<vmem>> -> memref<32xi32, #tpu.memory_space<vmem>>
    %dma_wait3A_678 = arith.constant 0 : i32
    %dma_wait3A_679 = arith.constant 0 : i32
    %dma_wait3A_680 = tpu.memref_slice %arg4[%dma_wait3A_678, %dma_wait3A_679] : memref<1000000x128xf32, #tpu.memory_space<hbm>> -> memref<1000000x128xf32, #tpu.memory_space<hbm>>
    tpu.wait_indirect_dma semaphore(%arg13 : memref<!tpu.dma_semaphore, #tpu.memory_space<semaphore_mem>>) src(%dma_wait3A_680 : memref<1000000x128xf32, #tpu.memory_space<hbm>>) dst(%dma_wait3A_675 : memref<32x128xf32, #tpu.memory_space<vmem>>)
    %dma_wait3A_681 = arith.constant 2 : i32
    %dma_wait3A_682 = arith.constant 0 : i32
    %dma_wait3A_683 = arith.constant 0 : i32
    %dma_wait3A_684 = tpu.memref_slice %arg9[%dma_wait3A_681, %dma_wait3A_682, %dma_wait3A_683] : memref<12x32x128xf32, #tpu.memory_space<vmem>> -> memref<1x32x128xf32, #tpu.memory_space<vmem>>
    %dma_wait3A_685 = tpu.memref_squeeze %dma_wait3A_684 : memref<1x32x128xf32, #tpu.memory_space<vmem>> -> memref<32x128xf32, #tpu.memory_space<vmem>>
    %dma_wait3A_686 = arith.constant 448 : i32
    %dma_wait3A_687 = tpu.memref_slice %arg7[%dma_wait3A_686] : memref<512xi32, #tpu.memory_space<vmem>> -> memref<32xi32, #tpu.memory_space<vmem>>
    %dma_wait3A_688 = arith.constant 0 : i32
    %dma_wait3A_689 = arith.constant 0 : i32
    %dma_wait3A_690 = tpu.memref_slice %arg4[%dma_wait3A_688, %dma_wait3A_689] : memref<1000000x128xf32, #tpu.memory_space<hbm>> -> memref<1000000x128xf32, #tpu.memory_space<hbm>>
    tpu.wait_indirect_dma semaphore(%arg25 : memref<!tpu.dma_semaphore, #tpu.memory_space<semaphore_mem>>) src(%dma_wait3A_690 : memref<1000000x128xf32, #tpu.memory_space<hbm>>) dst(%dma_wait3A_685 : memref<32x128xf32, #tpu.memory_space<vmem>>)
    %parallel_loop3A_691 = arith.constant 0 : i32
    %parallel_loop3A_692 = arith.constant 32 : i32
    %parallel_loop3A_693 = arith.constant 1 : i32
    %parallel_loop3A_694:8 = scf.for %parallel_loop3A_729 = %parallel_loop3A_691 to %parallel_loop3A_692 step %parallel_loop3A_693 iter_args(%parallel_loop3A_730 = %parallel_loop3A_670#0, %parallel_loop3A_731 = %parallel_loop3A_670#1, %parallel_loop3A_732 = %parallel_loop3A_670#2, %parallel_loop3A_733 = %parallel_loop3A_670#3, %parallel_loop3A_734 = %parallel_loop3A_670#4, %parallel_loop3A_735 = %parallel_loop3A_670#5, %parallel_loop3A_736 = %parallel_loop3A_670#6, %parallel_loop3A_737 = %parallel_loop3A_670#7) -> (vector<16xf32>, vector<16xf32>, vector<16xf32>, vector<16xf32>, vector<16xf32>, vector<16xf32>, vector<16xf32>, vector<16xf32>)  : i32 {
      %parallel_loop3A_738 = arith.constant 2 : i32
      %parallel_loop3A_739 = arith.index_cast %parallel_loop3A_738 : i32 to index
      %parallel_loop3A_740 = arith.index_cast %parallel_loop3A_729 : i32 to index
      %parallel_loop3A_741 = arith.constant 0 : index
      %parallel_loop3A_742 = tpu.vector_load %arg8[%parallel_loop3A_739, %parallel_loop3A_740, %parallel_loop3A_741] {strides = array<i32>} : memref<12x32x128xf32, #tpu.memory_space<vmem>>, vector<1x1x16xf32>,
      %parallel_loop3A_743 = vector.shape_cast %parallel_loop3A_742 : vector<1x1x16xf32> to vector<16xf32>
      %parallel_loop3A_744 = arith.constant 2 : i32
      %parallel_loop3A_745 = arith.index_cast %parallel_loop3A_744 : i32 to index
      %parallel_loop3A_746 = arith.index_cast %parallel_loop3A_729 : i32 to index
      %parallel_loop3A_747 = arith.constant 0 : index
      %parallel_loop3A_748 = tpu.vector_load %arg9[%parallel_loop3A_745, %parallel_loop3A_746, %parallel_loop3A_747] {strides = array<i32>} : memref<12x32x128xf32, #tpu.memory_space<vmem>>, vector<1x1x16xf32>,
      %parallel_loop3A_749 = vector.shape_cast %parallel_loop3A_748 : vector<1x1x16xf32> to vector<16xf32>
      %parallel_loop3A_750 = arith.mulf %parallel_loop3A_743, %parallel_loop3A_749 : vector<16xf32>
      %parallel_loop3A_751 = arith.addf %parallel_loop3A_730, %parallel_loop3A_750 : vector<16xf32>
      %parallel_loop3A_752 = arith.constant 2 : i32
      %parallel_loop3A_753 = arith.index_cast %parallel_loop3A_752 : i32 to index
      %parallel_loop3A_754 = arith.index_cast %parallel_loop3A_729 : i32 to index
      %parallel_loop3A_755 = arith.constant 16 : index
      %parallel_loop3A_756 = tpu.vector_load %arg8[%parallel_loop3A_753, %parallel_loop3A_754, %parallel_loop3A_755] {strides = array<i32>} : memref<12x32x128xf32, #tpu.memory_space<vmem>>, vector<1x1x16xf32>,
      %parallel_loop3A_757 = vector.shape_cast %parallel_loop3A_756 : vector<1x1x16xf32> to vector<16xf32>
      %parallel_loop3A_758 = arith.constant 2 : i32
      %parallel_loop3A_759 = arith.index_cast %parallel_loop3A_758 : i32 to index
      %parallel_loop3A_760 = arith.index_cast %parallel_loop3A_729 : i32 to index
      %parallel_loop3A_761 = arith.constant 16 : index
      %parallel_loop3A_762 = tpu.vector_load %arg9[%parallel_loop3A_759, %parallel_loop3A_760, %parallel_loop3A_761] {strides = array<i32>} : memref<12x32x128xf32, #tpu.memory_space<vmem>>, vector<1x1x16xf32>,
      %parallel_loop3A_763 = vector.shape_cast %parallel_loop3A_762 : vector<1x1x16xf32> to vector<16xf32>
      %parallel_loop3A_764 = arith.mulf %parallel_loop3A_757, %parallel_loop3A_763 : vector<16xf32>
      %parallel_loop3A_765 = arith.addf %parallel_loop3A_731, %parallel_loop3A_764 : vector<16xf32>
      %parallel_loop3A_766 = arith.constant 2 : i32
      %parallel_loop3A_767 = arith.index_cast %parallel_loop3A_766 : i32 to index
      %parallel_loop3A_768 = arith.index_cast %parallel_loop3A_729 : i32 to index
      %parallel_loop3A_769 = arith.constant 32 : index
      %parallel_loop3A_770 = tpu.vector_load %arg8[%parallel_loop3A_767, %parallel_loop3A_768, %parallel_loop3A_769] {strides = array<i32>} : memref<12x32x128xf32, #tpu.memory_space<vmem>>, vector<1x1x16xf32>,
      %parallel_loop3A_771 = vector.shape_cast %parallel_loop3A_770 : vector<1x1x16xf32> to vector<16xf32>
      %parallel_loop3A_772 = arith.constant 2 : i32
      %parallel_loop3A_773 = arith.index_cast %parallel_loop3A_772 : i32 to index
      %parallel_loop3A_774 = arith.index_cast %parallel_loop3A_729 : i32 to index
      %parallel_loop3A_775 = arith.constant 32 : index
      %parallel_loop3A_776 = tpu.vector_load %arg9[%parallel_loop3A_773, %parallel_loop3A_774, %parallel_loop3A_775] {strides = array<i32>} : memref<12x32x128xf32, #tpu.memory_space<vmem>>, vector<1x1x16xf32>,
      %parallel_loop3A_777 = vector.shape_cast %parallel_loop3A_776 : vector<1x1x16xf32> to vector<16xf32>
      %parallel_loop3A_778 = arith.mulf %parallel_loop3A_771, %parallel_loop3A_777 : vector<16xf32>
      %parallel_loop3A_779 = arith.addf %parallel_loop3A_732, %parallel_loop3A_778 : vector<16xf32>
      %parallel_loop3A_780 = arith.constant 2 : i32
      %parallel_loop3A_781 = arith.index_cast %parallel_loop3A_780 : i32 to index
      %parallel_loop3A_782 = arith.index_cast %parallel_loop3A_729 : i32 to index
      %parallel_loop3A_783 = arith.constant 48 : index
      %parallel_loop3A_784 = tpu.vector_load %arg8[%parallel_loop3A_781, %parallel_loop3A_782, %parallel_loop3A_783] {strides = array<i32>} : memref<12x32x128xf32, #tpu.memory_space<vmem>>, vector<1x1x16xf32>,
      %parallel_loop3A_785 = vector.shape_cast %parallel_loop3A_784 : vector<1x1x16xf32> to vector<16xf32>
      %parallel_loop3A_786 = arith.constant 2 : i32
      %parallel_loop3A_787 = arith.index_cast %parallel_loop3A_786 : i32 to index
      %parallel_loop3A_788 = arith.index_cast %parallel_loop3A_729 : i32 to index
      %parallel_loop3A_789 = arith.constant 48 : index
      %parallel_loop3A_790 = tpu.vector_load %arg9[%parallel_loop3A_787, %parallel_loop3A_788, %parallel_loop3A_789] {strides = array<i32>} : memref<12x32x128xf32, #tpu.memory_space<vmem>>, vector<1x1x16xf32>,
      %parallel_loop3A_791 = vector.shape_cast %parallel_loop3A_790 : vector<1x1x16xf32> to vector<16xf32>
      %parallel_loop3A_792 = arith.mulf %parallel_loop3A_785, %parallel_loop3A_791 : vector<16xf32>
      %parallel_loop3A_793 = arith.addf %parallel_loop3A_733, %parallel_loop3A_792 : vector<16xf32>
      %parallel_loop3A_794 = arith.constant 2 : i32
      %parallel_loop3A_795 = arith.index_cast %parallel_loop3A_794 : i32 to index
      %parallel_loop3A_796 = arith.index_cast %parallel_loop3A_729 : i32 to index
      %parallel_loop3A_797 = arith.constant 64 : index
      %parallel_loop3A_798 = tpu.vector_load %arg8[%parallel_loop3A_795, %parallel_loop3A_796, %parallel_loop3A_797] {strides = array<i32>} : memref<12x32x128xf32, #tpu.memory_space<vmem>>, vector<1x1x16xf32>,
      %parallel_loop3A_799 = vector.shape_cast %parallel_loop3A_798 : vector<1x1x16xf32> to vector<16xf32>
      %parallel_loop3A_800 = arith.constant 2 : i32
      %parallel_loop3A_801 = arith.index_cast %parallel_loop3A_800 : i32 to index
      %parallel_loop3A_802 = arith.index_cast %parallel_loop3A_729 : i32 to index
      %parallel_loop3A_803 = arith.constant 64 : index
      %parallel_loop3A_804 = tpu.vector_load %arg9[%parallel_loop3A_801, %parallel_loop3A_802, %parallel_loop3A_803] {strides = array<i32>} : memref<12x32x128xf32, #tpu.memory_space<vmem>>, vector<1x1x16xf32>,
      %parallel_loop3A_805 = vector.shape_cast %parallel_loop3A_804 : vector<1x1x16xf32> to vector<16xf32>
      %parallel_loop3A_806 = arith.mulf %parallel_loop3A_799, %parallel_loop3A_805 : vector<16xf32>
      %parallel_loop3A_807 = arith.addf %parallel_loop3A_734, %parallel_loop3A_806 : vector<16xf32>
      %parallel_loop3A_808 = arith.constant 2 : i32
      %parallel_loop3A_809 = arith.index_cast %parallel_loop3A_808 : i32 to index
      %parallel_loop3A_810 = arith.index_cast %parallel_loop3A_729 : i32 to index
      %parallel_loop3A_811 = arith.constant 80 : index
      %parallel_loop3A_812 = tpu.vector_load %arg8[%parallel_loop3A_809, %parallel_loop3A_810, %parallel_loop3A_811] {strides = array<i32>} : memref<12x32x128xf32, #tpu.memory_space<vmem>>, vector<1x1x16xf32>,
      %parallel_loop3A_813 = vector.shape_cast %parallel_loop3A_812 : vector<1x1x16xf32> to vector<16xf32>
      %parallel_loop3A_814 = arith.constant 2 : i32
      %parallel_loop3A_815 = arith.index_cast %parallel_loop3A_814 : i32 to index
      %parallel_loop3A_816 = arith.index_cast %parallel_loop3A_729 : i32 to index
      %parallel_loop3A_817 = arith.constant 80 : index
      %parallel_loop3A_818 = tpu.vector_load %arg9[%parallel_loop3A_815, %parallel_loop3A_816, %parallel_loop3A_817] {strides = array<i32>} : memref<12x32x128xf32, #tpu.memory_space<vmem>>, vector<1x1x16xf32>,
      %parallel_loop3A_819 = vector.shape_cast %parallel_loop3A_818 : vector<1x1x16xf32> to vector<16xf32>
      %parallel_loop3A_820 = arith.mulf %parallel_loop3A_813, %parallel_loop3A_819 : vector<16xf32>
      %parallel_loop3A_821 = arith.addf %parallel_loop3A_735, %parallel_loop3A_820 : vector<16xf32>
      %parallel_loop3A_822 = arith.constant 2 : i32
      %parallel_loop3A_823 = arith.index_cast %parallel_loop3A_822 : i32 to index
      %parallel_loop3A_824 = arith.index_cast %parallel_loop3A_729 : i32 to index
      %parallel_loop3A_825 = arith.constant 96 : index
      %parallel_loop3A_826 = tpu.vector_load %arg8[%parallel_loop3A_823, %parallel_loop3A_824, %parallel_loop3A_825] {strides = array<i32>} : memref<12x32x128xf32, #tpu.memory_space<vmem>>, vector<1x1x16xf32>,
      %parallel_loop3A_827 = vector.shape_cast %parallel_loop3A_826 : vector<1x1x16xf32> to vector<16xf32>
      %parallel_loop3A_828 = arith.constant 2 : i32
      %parallel_loop3A_829 = arith.index_cast %parallel_loop3A_828 : i32 to index
      %parallel_loop3A_830 = arith.index_cast %parallel_loop3A_729 : i32 to index
      %parallel_loop3A_831 = arith.constant 96 : index
      %parallel_loop3A_832 = tpu.vector_load %arg9[%parallel_loop3A_829, %parallel_loop3A_830, %parallel_loop3A_831] {strides = array<i32>} : memref<12x32x128xf32, #tpu.memory_space<vmem>>, vector<1x1x16xf32>,
      %parallel_loop3A_833 = vector.shape_cast %parallel_loop3A_832 : vector<1x1x16xf32> to vector<16xf32>
      %parallel_loop3A_834 = arith.mulf %parallel_loop3A_827, %parallel_loop3A_833 : vector<16xf32>
      %parallel_loop3A_835 = arith.addf %parallel_loop3A_736, %parallel_loop3A_834 : vector<16xf32>
      %parallel_loop3A_836 = arith.constant 2 : i32
      %parallel_loop3A_837 = arith.index_cast %parallel_loop3A_836 : i32 to index
      %parallel_loop3A_838 = arith.index_cast %parallel_loop3A_729 : i32 to index
      %parallel_loop3A_839 = arith.constant 112 : index
      %parallel_loop3A_840 = tpu.vector_load %arg8[%parallel_loop3A_837, %parallel_loop3A_838, %parallel_loop3A_839] {strides = array<i32>} : memref<12x32x128xf32, #tpu.memory_space<vmem>>, vector<1x1x16xf32>,
      %parallel_loop3A_841 = vector.shape_cast %parallel_loop3A_840 : vector<1x1x16xf32> to vector<16xf32>
      %parallel_loop3A_842 = arith.constant 2 : i32
      %parallel_loop3A_843 = arith.index_cast %parallel_loop3A_842 : i32 to index
      %parallel_loop3A_844 = arith.index_cast %parallel_loop3A_729 : i32 to index
      %parallel_loop3A_845 = arith.constant 112 : index
      %parallel_loop3A_846 = tpu.vector_load %arg9[%parallel_loop3A_843, %parallel_loop3A_844, %parallel_loop3A_845] {strides = array<i32>} : memref<12x32x128xf32, #tpu.memory_space<vmem>>, vector<1x1x16xf32>,
      %parallel_loop3A_847 = vector.shape_cast %parallel_loop3A_846 : vector<1x1x16xf32> to vector<16xf32>
      %parallel_loop3A_848 = arith.mulf %parallel_loop3A_841, %parallel_loop3A_847 : vector<16xf32>
      %parallel_loop3A_849 = arith.addf %parallel_loop3A_737, %parallel_loop3A_848 : vector<16xf32>
      scf.yield %parallel_loop3A_751, %parallel_loop3A_765, %parallel_loop3A_779, %parallel_loop3A_793, %parallel_loop3A_807, %parallel_loop3A_821, %parallel_loop3A_835, %parallel_loop3A_849 : vector<16xf32>, vector<16xf32>, vector<16xf32>, vector<16xf32>, vector<16xf32>, vector<16xf32>, vector<16xf32>, vector<16xf32>
    } {sc.loop_unroll_factor = 4 : i64, sc.parallel_access}
    %dma_wait3A_695 = arith.constant 3 : i32
    %dma_wait3A_696 = arith.constant 0 : i32
    %dma_wait3A_697 = arith.constant 0 : i32
    %dma_wait3A_698 = tpu.memref_slice %arg8[%dma_wait3A_695, %dma_wait3A_696, %dma_wait3A_697] : memref<12x32x128xf32, #tpu.memory_space<vmem>> -> memref<1x32x128xf32, #tpu.memory_space<vmem>>
    %dma_wait3A_699 = tpu.memref_squeeze %dma_wait3A_698 : memref<1x32x128xf32, #tpu.memory_space<vmem>> -> memref<32x128xf32, #tpu.memory_space<vmem>>
    %dma_wait3A_700 = arith.constant 480 : i32
    %dma_wait3A_701 = tpu.memref_slice %arg6[%dma_wait3A_700] : memref<512xi32, #tpu.memory_space<vmem>> -> memref<32xi32, #tpu.memory_space<vmem>>
    %dma_wait3A_702 = arith.constant 0 : i32
    %dma_wait3A_703 = arith.constant 0 : i32
    %dma_wait3A_704 = tpu.memref_slice %arg4[%dma_wait3A_702, %dma_wait3A_703] : memref<1000000x128xf32, #tpu.memory_space<hbm>> -> memref<1000000x128xf32, #tpu.memory_space<hbm>>
    tpu.wait_indirect_dma semaphore(%arg14 : memref<!tpu.dma_semaphore, #tpu.memory_space<semaphore_mem>>) src(%dma_wait3A_704 : memref<1000000x128xf32, #tpu.memory_space<hbm>>) dst(%dma_wait3A_699 : memref<32x128xf32, #tpu.memory_space<vmem>>)
    %dma_wait3A_705 = arith.constant 3 : i32
    %dma_wait3A_706 = arith.constant 0 : i32
    %dma_wait3A_707 = arith.constant 0 : i32
    %dma_wait3A_708 = tpu.memref_slice %arg9[%dma_wait3A_705, %dma_wait3A_706, %dma_wait3A_707] : memref<12x32x128xf32, #tpu.memory_space<vmem>> -> memref<1x32x128xf32, #tpu.memory_space<vmem>>
    %dma_wait3A_709 = tpu.memref_squeeze %dma_wait3A_708 : memref<1x32x128xf32, #tpu.memory_space<vmem>> -> memref<32x128xf32, #tpu.memory_space<vmem>>
    %dma_wait3A_710 = arith.constant 480 : i32
    %dma_wait3A_711 = tpu.memref_slice %arg7[%dma_wait3A_710] : memref<512xi32, #tpu.memory_space<vmem>> -> memref<32xi32, #tpu.memory_space<vmem>>
    %dma_wait3A_712 = arith.constant 0 : i32
    %dma_wait3A_713 = arith.constant 0 : i32
    %dma_wait3A_714 = tpu.memref_slice %arg4[%dma_wait3A_712, %dma_wait3A_713] : memref<1000000x128xf32, #tpu.memory_space<hbm>> -> memref<1000000x128xf32, #tpu.memory_space<hbm>>
    tpu.wait_indirect_dma semaphore(%arg26 : memref<!tpu.dma_semaphore, #tpu.memory_space<semaphore_mem>>) src(%dma_wait3A_714 : memref<1000000x128xf32, #tpu.memory_space<hbm>>) dst(%dma_wait3A_709 : memref<32x128xf32, #tpu.memory_space<vmem>>)
    %parallel_loop3A_715 = arith.constant 0 : i32
    %parallel_loop3A_716 = arith.constant 32 : i32
    %parallel_loop3A_717 = arith.constant 1 : i32
    %parallel_loop3A_718:8 = scf.for %parallel_loop3A_729 = %parallel_loop3A_715 to %parallel_loop3A_716 step %parallel_loop3A_717 iter_args(%parallel_loop3A_730 = %parallel_loop3A_694#0, %parallel_loop3A_731 = %parallel_loop3A_694#1, %parallel_loop3A_732 = %parallel_loop3A_694#2, %parallel_loop3A_733 = %parallel_loop3A_694#3, %parallel_loop3A_734 = %parallel_loop3A_694#4, %parallel_loop3A_735 = %parallel_loop3A_694#5, %parallel_loop3A_736 = %parallel_loop3A_694#6, %parallel_loop3A_737 = %parallel_loop3A_694#7) -> (vector<16xf32>, vector<16xf32>, vector<16xf32>, vector<16xf32>, vector<16xf32>, vector<16xf32>, vector<16xf32>, vector<16xf32>)  : i32 {
      %parallel_loop3A_738 = arith.constant 3 : i32
      %parallel_loop3A_739 = arith.index_cast %parallel_loop3A_738 : i32 to index
      %parallel_loop3A_740 = arith.index_cast %parallel_loop3A_729 : i32 to index
      %parallel_loop3A_741 = arith.constant 0 : index
      %parallel_loop3A_742 = tpu.vector_load %arg8[%parallel_loop3A_739, %parallel_loop3A_740, %parallel_loop3A_741] {strides = array<i32>} : memref<12x32x128xf32, #tpu.memory_space<vmem>>, vector<1x1x16xf32>,
      %parallel_loop3A_743 = vector.shape_cast %parallel_loop3A_742 : vector<1x1x16xf32> to vector<16xf32>
      %parallel_loop3A_744 = arith.constant 3 : i32
      %parallel_loop3A_745 = arith.index_cast %parallel_loop3A_744 : i32 to index
      %parallel_loop3A_746 = arith.index_cast %parallel_loop3A_729 : i32 to index
      %parallel_loop3A_747 = arith.constant 0 : index
      %parallel_loop3A_748 = tpu.vector_load %arg9[%parallel_loop3A_745, %parallel_loop3A_746, %parallel_loop3A_747] {strides = array<i32>} : memref<12x32x128xf32, #tpu.memory_space<vmem>>, vector<1x1x16xf32>,
      %parallel_loop3A_749 = vector.shape_cast %parallel_loop3A_748 : vector<1x1x16xf32> to vector<16xf32>
      %parallel_loop3A_750 = arith.mulf %parallel_loop3A_743, %parallel_loop3A_749 : vector<16xf32>
      %parallel_loop3A_751 = arith.addf %parallel_loop3A_730, %parallel_loop3A_750 : vector<16xf32>
      %parallel_loop3A_752 = arith.constant 3 : i32
      %parallel_loop3A_753 = arith.index_cast %parallel_loop3A_752 : i32 to index
      %parallel_loop3A_754 = arith.index_cast %parallel_loop3A_729 : i32 to index
      %parallel_loop3A_755 = arith.constant 16 : index
      %parallel_loop3A_756 = tpu.vector_load %arg8[%parallel_loop3A_753, %parallel_loop3A_754, %parallel_loop3A_755] {strides = array<i32>} : memref<12x32x128xf32, #tpu.memory_space<vmem>>, vector<1x1x16xf32>,
      %parallel_loop3A_757 = vector.shape_cast %parallel_loop3A_756 : vector<1x1x16xf32> to vector<16xf32>
      %parallel_loop3A_758 = arith.constant 3 : i32
      %parallel_loop3A_759 = arith.index_cast %parallel_loop3A_758 : i32 to index
      %parallel_loop3A_760 = arith.index_cast %parallel_loop3A_729 : i32 to index
      %parallel_loop3A_761 = arith.constant 16 : index
      %parallel_loop3A_762 = tpu.vector_load %arg9[%parallel_loop3A_759, %parallel_loop3A_760, %parallel_loop3A_761] {strides = array<i32>} : memref<12x32x128xf32, #tpu.memory_space<vmem>>, vector<1x1x16xf32>,
      %parallel_loop3A_763 = vector.shape_cast %parallel_loop3A_762 : vector<1x1x16xf32> to vector<16xf32>
      %parallel_loop3A_764 = arith.mulf %parallel_loop3A_757, %parallel_loop3A_763 : vector<16xf32>
      %parallel_loop3A_765 = arith.addf %parallel_loop3A_731, %parallel_loop3A_764 : vector<16xf32>
      %parallel_loop3A_766 = arith.constant 3 : i32
      %parallel_loop3A_767 = arith.index_cast %parallel_loop3A_766 : i32 to index
      %parallel_loop3A_768 = arith.index_cast %parallel_loop3A_729 : i32 to index
      %parallel_loop3A_769 = arith.constant 32 : index
      %parallel_loop3A_770 = tpu.vector_load %arg8[%parallel_loop3A_767, %parallel_loop3A_768, %parallel_loop3A_769] {strides = array<i32>} : memref<12x32x128xf32, #tpu.memory_space<vmem>>, vector<1x1x16xf32>,
      %parallel_loop3A_771 = vector.shape_cast %parallel_loop3A_770 : vector<1x1x16xf32> to vector<16xf32>
      %parallel_loop3A_772 = arith.constant 3 : i32
      %parallel_loop3A_773 = arith.index_cast %parallel_loop3A_772 : i32 to index
      %parallel_loop3A_774 = arith.index_cast %parallel_loop3A_729 : i32 to index
      %parallel_loop3A_775 = arith.constant 32 : index
      %parallel_loop3A_776 = tpu.vector_load %arg9[%parallel_loop3A_773, %parallel_loop3A_774, %parallel_loop3A_775] {strides = array<i32>} : memref<12x32x128xf32, #tpu.memory_space<vmem>>, vector<1x1x16xf32>,
      %parallel_loop3A_777 = vector.shape_cast %parallel_loop3A_776 : vector<1x1x16xf32> to vector<16xf32>
      %parallel_loop3A_778 = arith.mulf %parallel_loop3A_771, %parallel_loop3A_777 : vector<16xf32>
      %parallel_loop3A_779 = arith.addf %parallel_loop3A_732, %parallel_loop3A_778 : vector<16xf32>
      %parallel_loop3A_780 = arith.constant 3 : i32
      %parallel_loop3A_781 = arith.index_cast %parallel_loop3A_780 : i32 to index
      %parallel_loop3A_782 = arith.index_cast %parallel_loop3A_729 : i32 to index
      %parallel_loop3A_783 = arith.constant 48 : index
      %parallel_loop3A_784 = tpu.vector_load %arg8[%parallel_loop3A_781, %parallel_loop3A_782, %parallel_loop3A_783] {strides = array<i32>} : memref<12x32x128xf32, #tpu.memory_space<vmem>>, vector<1x1x16xf32>,
      %parallel_loop3A_785 = vector.shape_cast %parallel_loop3A_784 : vector<1x1x16xf32> to vector<16xf32>
      %parallel_loop3A_786 = arith.constant 3 : i32
      %parallel_loop3A_787 = arith.index_cast %parallel_loop3A_786 : i32 to index
      %parallel_loop3A_788 = arith.index_cast %parallel_loop3A_729 : i32 to index
      %parallel_loop3A_789 = arith.constant 48 : index
      %parallel_loop3A_790 = tpu.vector_load %arg9[%parallel_loop3A_787, %parallel_loop3A_788, %parallel_loop3A_789] {strides = array<i32>} : memref<12x32x128xf32, #tpu.memory_space<vmem>>, vector<1x1x16xf32>,
      %parallel_loop3A_791 = vector.shape_cast %parallel_loop3A_790 : vector<1x1x16xf32> to vector<16xf32>
      %parallel_loop3A_792 = arith.mulf %parallel_loop3A_785, %parallel_loop3A_791 : vector<16xf32>
      %parallel_loop3A_793 = arith.addf %parallel_loop3A_733, %parallel_loop3A_792 : vector<16xf32>
      %parallel_loop3A_794 = arith.constant 3 : i32
      %parallel_loop3A_795 = arith.index_cast %parallel_loop3A_794 : i32 to index
      %parallel_loop3A_796 = arith.index_cast %parallel_loop3A_729 : i32 to index
      %parallel_loop3A_797 = arith.constant 64 : index
      %parallel_loop3A_798 = tpu.vector_load %arg8[%parallel_loop3A_795, %parallel_loop3A_796, %parallel_loop3A_797] {strides = array<i32>} : memref<12x32x128xf32, #tpu.memory_space<vmem>>, vector<1x1x16xf32>,
      %parallel_loop3A_799 = vector.shape_cast %parallel_loop3A_798 : vector<1x1x16xf32> to vector<16xf32>
      %parallel_loop3A_800 = arith.constant 3 : i32
      %parallel_loop3A_801 = arith.index_cast %parallel_loop3A_800 : i32 to index
      %parallel_loop3A_802 = arith.index_cast %parallel_loop3A_729 : i32 to index
      %parallel_loop3A_803 = arith.constant 64 : index
      %parallel_loop3A_804 = tpu.vector_load %arg9[%parallel_loop3A_801, %parallel_loop3A_802, %parallel_loop3A_803] {strides = array<i32>} : memref<12x32x128xf32, #tpu.memory_space<vmem>>, vector<1x1x16xf32>,
      %parallel_loop3A_805 = vector.shape_cast %parallel_loop3A_804 : vector<1x1x16xf32> to vector<16xf32>
      %parallel_loop3A_806 = arith.mulf %parallel_loop3A_799, %parallel_loop3A_805 : vector<16xf32>
      %parallel_loop3A_807 = arith.addf %parallel_loop3A_734, %parallel_loop3A_806 : vector<16xf32>
      %parallel_loop3A_808 = arith.constant 3 : i32
      %parallel_loop3A_809 = arith.index_cast %parallel_loop3A_808 : i32 to index
      %parallel_loop3A_810 = arith.index_cast %parallel_loop3A_729 : i32 to index
      %parallel_loop3A_811 = arith.constant 80 : index
      %parallel_loop3A_812 = tpu.vector_load %arg8[%parallel_loop3A_809, %parallel_loop3A_810, %parallel_loop3A_811] {strides = array<i32>} : memref<12x32x128xf32, #tpu.memory_space<vmem>>, vector<1x1x16xf32>,
      %parallel_loop3A_813 = vector.shape_cast %parallel_loop3A_812 : vector<1x1x16xf32> to vector<16xf32>
      %parallel_loop3A_814 = arith.constant 3 : i32
      %parallel_loop3A_815 = arith.index_cast %parallel_loop3A_814 : i32 to index
      %parallel_loop3A_816 = arith.index_cast %parallel_loop3A_729 : i32 to index
      %parallel_loop3A_817 = arith.constant 80 : index
      %parallel_loop3A_818 = tpu.vector_load %arg9[%parallel_loop3A_815, %parallel_loop3A_816, %parallel_loop3A_817] {strides = array<i32>} : memref<12x32x128xf32, #tpu.memory_space<vmem>>, vector<1x1x16xf32>,
      %parallel_loop3A_819 = vector.shape_cast %parallel_loop3A_818 : vector<1x1x16xf32> to vector<16xf32>
      %parallel_loop3A_820 = arith.mulf %parallel_loop3A_813, %parallel_loop3A_819 : vector<16xf32>
      %parallel_loop3A_821 = arith.addf %parallel_loop3A_735, %parallel_loop3A_820 : vector<16xf32>
      %parallel_loop3A_822 = arith.constant 3 : i32
      %parallel_loop3A_823 = arith.index_cast %parallel_loop3A_822 : i32 to index
      %parallel_loop3A_824 = arith.index_cast %parallel_loop3A_729 : i32 to index
      %parallel_loop3A_825 = arith.constant 96 : index
      %parallel_loop3A_826 = tpu.vector_load %arg8[%parallel_loop3A_823, %parallel_loop3A_824, %parallel_loop3A_825] {strides = array<i32>} : memref<12x32x128xf32, #tpu.memory_space<vmem>>, vector<1x1x16xf32>,
      %parallel_loop3A_827 = vector.shape_cast %parallel_loop3A_826 : vector<1x1x16xf32> to vector<16xf32>
      %parallel_loop3A_828 = arith.constant 3 : i32
      %parallel_loop3A_829 = arith.index_cast %parallel_loop3A_828 : i32 to index
      %parallel_loop3A_830 = arith.index_cast %parallel_loop3A_729 : i32 to index
      %parallel_loop3A_831 = arith.constant 96 : index
      %parallel_loop3A_832 = tpu.vector_load %arg9[%parallel_loop3A_829, %parallel_loop3A_830, %parallel_loop3A_831] {strides = array<i32>} : memref<12x32x128xf32, #tpu.memory_space<vmem>>, vector<1x1x16xf32>,
      %parallel_loop3A_833 = vector.shape_cast %parallel_loop3A_832 : vector<1x1x16xf32> to vector<16xf32>
      %parallel_loop3A_834 = arith.mulf %parallel_loop3A_827, %parallel_loop3A_833 : vector<16xf32>
      %parallel_loop3A_835 = arith.addf %parallel_loop3A_736, %parallel_loop3A_834 : vector<16xf32>
      %parallel_loop3A_836 = arith.constant 3 : i32
      %parallel_loop3A_837 = arith.index_cast %parallel_loop3A_836 : i32 to index
      %parallel_loop3A_838 = arith.index_cast %parallel_loop3A_729 : i32 to index
      %parallel_loop3A_839 = arith.constant 112 : index
      %parallel_loop3A_840 = tpu.vector_load %arg8[%parallel_loop3A_837, %parallel_loop3A_838, %parallel_loop3A_839] {strides = array<i32>} : memref<12x32x128xf32, #tpu.memory_space<vmem>>, vector<1x1x16xf32>,
      %parallel_loop3A_841 = vector.shape_cast %parallel_loop3A_840 : vector<1x1x16xf32> to vector<16xf32>
      %parallel_loop3A_842 = arith.constant 3 : i32
      %parallel_loop3A_843 = arith.index_cast %parallel_loop3A_842 : i32 to index
      %parallel_loop3A_844 = arith.index_cast %parallel_loop3A_729 : i32 to index
      %parallel_loop3A_845 = arith.constant 112 : index
      %parallel_loop3A_846 = tpu.vector_load %arg9[%parallel_loop3A_843, %parallel_loop3A_844, %parallel_loop3A_845] {strides = array<i32>} : memref<12x32x128xf32, #tpu.memory_space<vmem>>, vector<1x1x16xf32>,
      %parallel_loop3A_847 = vector.shape_cast %parallel_loop3A_846 : vector<1x1x16xf32> to vector<16xf32>
      %parallel_loop3A_848 = arith.mulf %parallel_loop3A_841, %parallel_loop3A_847 : vector<16xf32>
      %parallel_loop3A_849 = arith.addf %parallel_loop3A_737, %parallel_loop3A_848 : vector<16xf32>
      scf.yield %parallel_loop3A_751, %parallel_loop3A_765, %parallel_loop3A_779, %parallel_loop3A_793, %parallel_loop3A_807, %parallel_loop3A_821, %parallel_loop3A_835, %parallel_loop3A_849 : vector<16xf32>, vector<16xf32>, vector<16xf32>, vector<16xf32>, vector<16xf32>, vector<16xf32>, vector<16xf32>, vector<16xf32>
    } {sc.loop_unroll_factor = 4 : i64, sc.parallel_access}
    %add3A_719 = arith.addf %parallel_loop3A_718#0, %parallel_loop3A_718#1 : vector<16xf32>
    %add3A_720 = arith.addf %add3A_719, %parallel_loop3A_718#2 : vector<16xf32>
    %add3A_721 = arith.addf %add3A_720, %parallel_loop3A_718#3 : vector<16xf32>
    %add3A_722 = arith.addf %add3A_721, %parallel_loop3A_718#4 : vector<16xf32>
    %add3A_723 = arith.addf %add3A_722, %parallel_loop3A_718#5 : vector<16xf32>
    %add3A_724 = arith.addf %add3A_723, %parallel_loop3A_718#6 : vector<16xf32>
    %add3A_725 = arith.addf %add3A_724, %parallel_loop3A_718#7 : vector<16xf32>
    %swap3A = arith.constant 0 : index
    %swap3A_726 = tpu.vector_load %arg10[%swap3A] {strides = array<i32>} : memref<16xf32, #tpu.memory_space<vmem>>, vector<16xf32>,
    %swap3A_727 = vector.shape_cast %swap3A_726 : vector<16xf32> to vector<16xf32>
    %swap3A_728 = vector.shape_cast %add3A_725 : vector<16xf32> to vector<16xf32>
    tpu.vector_store %arg10[%swap3A], %swap3A_728 {strides = array<i32>} : memref<16xf32, #tpu.memory_space<vmem>>, vector<16xf32>,
    "tpu.region"() ({
      %run_scoped3A = tpu.sem_alloc : memref<!tpu.dma_semaphore, #tpu.memory_space<semaphore_mem>>
      %dma_start3A_729 = arith.constant 0 : i32
      %dma_start3A_730 = tpu.memref_slice %arg5[%add3A, %dma_start3A_729] : memref<32x16xf32, #tpu.memory_space<hbm>> -> memref<1x16xf32, #tpu.memory_space<hbm>>
      %dma_start3A_731 = tpu.memref_squeeze %dma_start3A_730 : memref<1x16xf32, #tpu.memory_space<hbm>> -> memref<16xf32, #tpu.memory_space<hbm>>
      %dma_start3A_732 = arith.constant 0 : i32
      %dma_start3A_733 = tpu.memref_slice %arg5[%add3A, %dma_start3A_732] : memref<32x16xf32, #tpu.memory_space<hbm>> -> memref<1x16xf32, #tpu.memory_space<hbm>>
      %dma_start3A_734 = tpu.memref_squeeze %dma_start3A_733 : memref<1x16xf32, #tpu.memory_space<hbm>> -> memref<16xf32, #tpu.memory_space<hbm>>
      tpu.enqueue_dma source(%arg10 : memref<16xf32, #tpu.memory_space<vmem>>) target(%dma_start3A_734 : memref<16xf32, #tpu.memory_space<hbm>>) target_semaphore(%run_scoped3A : memref<!tpu.dma_semaphore, #tpu.memory_space<semaphore_mem>>)
      %dma_wait3A_735 = arith.constant 0 : i32
      %dma_wait3A_736 = tpu.memref_slice %arg5[%add3A, %dma_wait3A_735] : memref<32x16xf32, #tpu.memory_space<hbm>> -> memref<1x16xf32, #tpu.memory_space<hbm>>
      %dma_wait3A_737 = tpu.memref_squeeze %dma_wait3A_736 : memref<1x16xf32, #tpu.memory_space<hbm>> -> memref<16xf32, #tpu.memory_space<hbm>>
      %dma_wait3A_738 = arith.constant 0 : i32
      %dma_wait3A_739 = tpu.memref_slice %arg5[%add3A, %dma_wait3A_738] : memref<32x16xf32, #tpu.memory_space<hbm>> -> memref<1x16xf32, #tpu.memory_space<hbm>>
      %dma_wait3A_740 = tpu.memref_squeeze %dma_wait3A_739 : memref<1x16xf32, #tpu.memory_space<hbm>> -> memref<16xf32, #tpu.memory_space<hbm>>
      tpu.wait_dma2 semaphore(%run_scoped3A : memref<!tpu.dma_semaphore, #tpu.memory_space<semaphore_mem>>) src(%arg10 : memref<16xf32, #tpu.memory_space<vmem>>) dst(%dma_wait3A_740 : memref<16xf32, #tpu.memory_space<hbm>>)
      tpu.yield
    }) : () -> ()
    return
  }
}

module attributes {stable_mosaic.version = 14 : i64} {
  func.func @_finish_body(%arg0: memref<32x16xf32, #tpu.memory_space<vmem>>, %arg1: memref<1x1xf32, #tpu.memory_space<vmem>>) attributes {dimension_semantics = [], scalar_prefetch = 0 : i64, scratch_operands = 0 : i64, tpu.core_type = #tpu.core_type<tc>} {
    %get3A = arith.constant 0 : index
    %get3A_0 = arith.constant 0 : index
    %get3A_1 = vector.load %arg0[%get3A, %get3A_0] : memref<32x16xf32, #tpu.memory_space<vmem>>, vector<32x16xf32>
    %reduce_sum3A = vector.shape_cast %get3A_1 : vector<32x16xf32> to vector<1x32x16xf32>
    %reduce_sum3A_2 = arith.constant dense<0.000000e+00> : vector<1xf32>
    %reduce_sum3A_3 = vector.multi_reduction <add>, %reduce_sum3A, %reduce_sum3A_2 [1, 2] : vector<1x32x16xf32> to vector<1xf32>
    %reduce_sum3A_4 = vector.shape_cast %reduce_sum3A_3 : vector<1xf32> to vector<1x1x1xf32>
    %reduce_sum3A_5 = vector.extract %reduce_sum3A_4[0, 0, 0] : f32 from vector<1x1x1xf32>
    %min3A = arith.constant 0.000000e+00 : f32
    %min3A_6 = arith.minimumf %reduce_sum3A_5, %min3A : f32
    %abs3A = math.absf %reduce_sum3A_5 : f32
    %neg3A = arith.constant 0.000000e+00 : f32
    %neg3A_7 = arith.subf %neg3A, %abs3A : f32
    %exp3A = math.exp %neg3A_7 : f32
    %log1p3A = math.log1p %exp3A : f32
    %sub3A = arith.subf %min3A_6, %log1p3A : f32
    %broadcast_in_dim3A = vector.broadcast %sub3A : f32 to vector<1x1xf32>
    %swap3A = arith.constant 0 : index
    %swap3A_8 = arith.constant 0 : index
    %swap3A_9 = vector.load %arg1[%swap3A, %swap3A_8] : memref<1x1xf32, #tpu.memory_space<vmem>>, vector<1x1xf32>
    tpu.vector_store %arg1[%swap3A, %swap3A_8], %broadcast_in_dim3A {strides = array<i32>} : memref<1x1xf32, #tpu.memory_space<vmem>>, vector<1x1xf32>,
    return
  }
}

</mosaic_0001>

<sc_bundles>
// kernel: kernel.4.cloned.1.call-start
scs
__scs_entry_jumppad:
0x0: {  	(pc) =	sbr.rel $0x88, $3  }
0x1: {  	(tag) =	ssettag $0x0;
	lr =	simm.s32 $0x1  }
0x2: {  	[smem:$0x3F9E] =	sst lr;
	_ =	strace $0xD0000000  }
0x3: {  	_ = 	snop  }
0x4: {  	_ = 	snop  }
0x5: {  	_ = 	snop  }
0x6: {  	_ = 	snop  }
0x7: {  	_ = 	snop  }
__scs_overlays_trampoline_lowered:
0x8: {  	[smem:$0x3FAD] =	sst s0  }
0x9: {  	[smem:$0x3FAE] =	sst s1  }
0xa: {  	[smem:$0x3FAF] =	sst s2  }
0xb: {  	[smem:$0x3FB0] =	sst s3  }
0xc: {  	[smem:$0x3FB1] =	sst s4  }
0xd: {  	[smem:$0x3FB2] =	sst s5  }
0xe: {  	[smem:$0x3FB3] =	sst s6  }
0xf: {  	[smem:$0x3FB4] =	sst s7  }
0x10: {  	[smem:$0x3FB5] =	sst s8  }
0x11: {  	[smem:$0x3FB6] =	sst s9;
	s0 =	simm.s32 @!p0 $0x0  }
0x12: {  	s1 =	sld [smem:$0x3F9C];
	s0 =	simm.s32 @p0 $0x1  }
0x13: {  	[smem:$0x3FB7] =	sst s0;
	s0 =	simm.s32 @!p1 $0x0  }
0x14: {  	s2 =	sld [smem:$0x3F9B];
	s0 =	simm.s32 @p1 $0x1  }
0x15: {  	[smem:$0x3FB8] =	sst s0;
	s0 =	simm.s32 @!p2 $0x0  }
0x16: {  	s3 =	sld [smem:$0x3FDB];
	s0 =	simm.s32 @p2 $0x1  }
0x17: {  	s4 =	simm.s32 $0x1BF5;
	[smem:$0x3FBA] =	sst s0  }
0x18: {  	s0 =	sld [smem:$0x3F9D];
	_ =	swait.ge [sflag:s4], $0x0  }
0x19: {  	s7 =	sld [smem:$0x3F9E]  }
0x1a: {  	s8 =	sadd.s32 $0xFFFFE003, lr  }
0x1b: {  	s9 =	sadd.s32 $0xFFFFFEF7, lr;
	s5 =	simm.s32 $0xFFFFFFFF;
	p2 =	slt.u32 s8, $0xFFFFF086  }
0x1c: {  	p1 =	slt.u32 s9, $0xF7A;
	s5 =	simm.s32 @!p2 $0x0  }
0x1d: {  	s5 =	simm.s32 @p1 $0x1;
	p0 =	seq.s32 s7, s2  }
0x1e: {  	s7 =	smul.u32 @!p0 $0xF7A, s2;
	p2 =	seq.s32 @!p0 s5, $0x0  }
0x1f: {  	s9 =	smul.u32 $0xF7A, s1;
	s8 =	simm.s32 @!p0 $0x1BF5;
	p2 =	por !p2, p0  }
0x20: {  	[sflag:s8] =	ssyncset.s32 @!p0 $0xFFFFF086;
	s6 =	sadd.s32 @!p0 s3, s7;
	s7 =	simm.s32 @!p0 $0x108  }
0x21: {  	s3 =	sadd.s32 s3, s9;
	s6 =	sadd.s32 @!p0 $0x88, s6;
	s7 =	simm.s32 @p2 $0x1082  }
0x22: {  	[simem:s7], [sflag:s8] =	dma.local @!p0 [hbm:s6], $0xF7A  }
0x23: {  	s9 =	sor.u32 $0xD0000000, s2;
	s6 =	simm.s32 $0x108;
	_ =	swait.ge @!p0 [sflag:s8], $0x0  }
0x24: {  	s3 =	sadd.s32 $0x88, s3;
	s6 =	simm.s32 @!p1 $0x1082;
	[sflag:s4] =	ssyncset.s32 $0xFFFFF086  }
0x25: {  	[simem:s6], [sflag:s4] =	dma.local [hbm:s3], $0xF7A  }
0x26: {  	[smem:$0x3F9E] =	sst s1;
	(tag) =	ssettag s2;
	_ =	strace s9  }
0x27: {  	s1 =	sld [smem:$0x3FAE]  }
0x28: {  	s2 =	sld [smem:$0x3FAF]  }
0x29: {  	s4 =	sld [smem:$0x3FB1]  }
0x2a: {  	p0 =	seq.s32 s5, $0x0;
	s5 =	sld [smem:$0x3FB2]  }
0x2b: {  	s6 =	sld [smem:$0x3FB3]  }
0x2c: {  	s7 =	sld [smem:$0x3FB4]  }
0x2d: {  	s3 =	simm.s32 $0x108;
	s8 =	sld [smem:$0x3FB5]  }
0x2e: {  	s3 =	simm.s32 @!p0 $0x1082;
	s9 =	sld [smem:$0x3FB6]  }
0x2f: {  	lr =	sadd.s32 s0, s3;
	s0 =	sld [smem:$0x3FAD]  }
0x30: {  	s3 =	sld [smem:$0x3FB0]  }
0x31: {  	[smem:$0x3FB9] =	sst s10  }
0x32: {  	s10 =	sld [smem:$0x3FB7];
	_ =	sdelay $0x3  }
0x33: {  	p0 =	seq.s32 s10, $0x1;
	s10 =	sld [smem:$0x3FB9];
	_ =	sdelay $0x3  }
0x34: {  	[smem:$0x3FB9] =	sst s10  }
0x35: {  	s10 =	sld [smem:$0x3FB8];
	_ =	sdelay $0x3  }
0x36: {  	p1 =	seq.s32 s10, $0x1;
	s10 =	sld [smem:$0x3FB9];
	_ =	sdelay $0x3  }
0x37: {  	[smem:$0x3FB9] =	sst s10  }
0x38: {  	s10 =	sld [smem:$0x3FBA]  }
0x39: {  	_ = 	snop;
	(pc) =	sbr.ind lr, $3  }
0x3a: {  	_ = 	snop  }
0x3b: {  	_ = 	snop  }
0x3c: {  	p2 =	seq.s32 s10, $0x1;
	s10 =	sld [smem:$0x3FB9]  }
0x3d: {  	_ =	shalt  }
0x3e: {  	_ =	shalt  }
0x3f: {  	_ =	shalt  }
0x40: {  	_ =	shalt  }
0x41: {  	_ =	shalt  }
0x42: {  	_ =	shalt  }
0x43: {  	_ =	shalt  }
0x44: {  	_ =	shalt  }
0x45: {  	_ =	shalt  }
0x46: {  	_ =	shalt  }
0x47: {  	_ =	shalt  }
0x48: {  	_ =	shalt  }
0x49: {  	_ =	shalt  }
0x4a: {  	_ =	shalt  }
0x4b: {  	_ =	shalt  }
0x4c: {  	_ =	shalt  }
0x4d: {  	_ =	shalt  }
0x4e: {  	_ =	shalt  }
0x4f: {  	_ =	shalt  }
0x50: {  	_ =	shalt  }
0x51: {  	_ =	shalt  }
0x52: {  	_ =	shalt  }
0x53: {  	_ =	shalt  }
0x54: {  	_ =	shalt  }
0x55: {  	_ =	shalt  }
0x56: {  	_ =	shalt  }
0x57: {  	_ =	shalt  }
0x58: {  	_ =	shalt  }
0x59: {  	_ =	shalt  }
0x5a: {  	_ =	shalt  }
0x5b: {  	_ =	shalt  }
0x5c: {  	_ =	shalt  }
0x5d: {  	_ =	shalt  }
0x5e: {  	_ =	shalt  }
0x5f: {  	_ =	shalt  }
0x60: {  	_ =	shalt  }
0x61: {  	_ =	shalt  }
0x62: {  	_ =	shalt  }
0x63: {  	_ =	shalt  }
0x64: {  	_ =	shalt  }
0x65: {  	_ =	shalt  }
0x66: {  	_ =	shalt  }
0x67: {  	_ =	shalt  }
0x68: {  	_ =	shalt  }
0x69: {  	_ =	shalt  }
0x6a: {  	_ =	shalt  }
0x6b: {  	_ =	shalt  }
0x6c: {  	_ =	shalt  }
0x6d: {  	_ =	shalt  }
0x6e: {  	_ =	shalt  }
0x6f: {  	_ =	shalt  }
0x70: {  	_ =	shalt  }
0x71: {  	_ =	shalt  }
0x72: {  	_ =	shalt  }
0x73: {  	_ =	shalt  }
0x74: {  	_ =	shalt  }
0x75: {  	_ =	shalt  }
0x76: {  	_ =	shalt  }
0x77: {  	_ =	shalt  }
0x78: {  	_ =	shalt  }
0x79: {  	_ =	shalt  }
0x7a: {  	_ =	shalt  }
0x7b: {  	_ =	shalt  }
0x7c: {  	_ =	shalt  }
0x7d: {  	_ =	shalt  }
0x7e: {  	_ =	shalt  }
0x7f: {  	_ =	shalt  }
0x80: {  	_ =	shalt  }
0x81: {  	_ =	shalt  }
0x82: {  	_ =	shalt  }
0x83: {  	_ =	shalt  }
0x84: {  	_ =	shalt  }
0x85: {  	_ =	shalt  }
0x86: {  	_ =	shalt  }
0x87: {  	_ =	shalt  }
.Lfunc_end0:
.L_simem_size_0:
called_computation_lowered:
.L_overlay_start_0:
0x88: {  	s2 =	sld [smem:$0x3FD9]  }
0x89: {  	s3 =	sld [smem:$0x3FFE];
	_ =	sdelay $0x1  }
0x8a: {  	s1 =	srdreg.scid  }
0x8b: {  	s0 =	sand.u32 $0x1, s1  }
0x8c: {  	s17 =	sshll.u32 s0, $0xA;
	s2 =	sadd.s32 s3, s2  }
0x8d: {  	s2 =	sadd.s32 s2, s17  }
0x8e: {  	[smem:$0x3FC5] =	sst s2  }
0x8f: {  	_ = 	snop  }
0x90: {  	s2 =	sld [smem:$0x3FC9]  }
0x91: {  	s18 =	sld [smem:$0x3FC8]  }
0x92: {  	s4 =	sld [smem:$0x3FC7];
	(tm) =	ssettm $0x1  }
0x93: {  	s5 =	sld [smem:$0x3FFB];
	_ =	sdelay $0x3  }
0x94: {  	_ =	strace s5  }
0x95: {  	s5 =	sld [smem:$0x3FFC];
	_ =	sdelay $0x3  }
0x96: {  	_ =	strace s5  }
0x97: {  	s5 =	sld [smem:$0x3FFD];
	_ =	sdelay $0x3  }
0x98: {  	_ =	strace s5  }
0x99: {  	_ =	strace $0x8FFFFFFF  }
0x9a: {  	s19 =	sld [smem:$0x3FDB];
	_ =	sdelay $0x1  }
0x9b: {  	s6 =	simm.s32 $_scs_section_size  }
0x9c: {  	s7 =	simm.s32 $_size__tile_overlayer_lowered;
	s8 =	simm.s32 $_tile_overlayer_lowered  }
0x9d: {  	s22 =	simm.s32 $0x1BFF;
	s21 =	sshll.u32 s8, $0x1;
	s5 =	sadd.s32 s6, s19  }
0x9e: {  	s9 =	simm.s32 $0x0;
	s20 =	sshll.u32 s7, $0x1;
	s7 =	sadd.s32 s21, s5  }
0x9f: {  	[timem:s9], [sflag:s22] =	dma.local [hbm:s7], s20  }
0xa0: {  	_ =	swait.ge [sflag:s22], s20  }
0xa1: {  	s6 =	ssub.s32 $0x0, s20;
	[sflag:s22] =	ssyncset.done $0x0  }
0xa2: {  	[sflag:s22] =	ssyncadd.s32 s6;
	_ =	sdelay $0x1  }
0xa3: {  	s23 =	simm.s32 $0x1B8B  }
0xa4: {  	_ =	swait.ge [sflag:s23], $0x1  }
0xa5: {  	[sflag:s23] =	ssyncset.done $0x0  }
0xa6: {  	s25 =	simm.s32 $0x1B8E;
	s24 =	sld [smem:$0x3FFE];
	[sflag:s23] =	ssyncadd.s32 $0xFFFFFFFF  }
0xa7: {  	s26 =	simm.s32 $execute0_lowered;
	[smem:$0x3FD2] =	sst s25  }
0xa8: {  	s7 =	sshll.u32 s26, $0x1;
	_ =	strace $0x80000046;
	[dreg:$0x1] =	wrdreg $0xFFFFFFFF  }
0xa9: {  	s28 =	simm.s32 $_size_execute0_lowered;
	s5 =	sadd.s32 s5, s7;
	[dreg:$0x0] =	wrdreg $0x0  }
0xaa: {  	s7 =	sshll.u32 s28, $0x1;
	[dreg:$0x2] =	wrdreg s5  }
0xab: {  	[dreg:$0x3] =	wrdreg s7  }
0xac: {  	[dreg:$0x4] =	wrdreg $0xC0  }
0xad: {  	_ =	task [dreg:s9], $0x5FFFF  }
0xae: {  	[dreg:$0x1] =	wrdreg $0xFFFFFFFF  }
0xaf: {  	[dreg:$0x0] =	wrdreg $0x60  }
0xb0: {  	[dreg:$0x2] =	wrdreg s2  }
0xb1: {  	[dreg:$0x3] =	wrdreg s18  }
0xb2: {  	[dreg:$0x4] =	wrdreg s4  }
0xb3: {  	[dreg:$0x5] =	wrdreg s24  }
0xb4: {  	[dreg:$0x6] =	wrdreg $0x9  }
0xb5: {  	_ =	task.clear_ibuf [dreg:s9], $0x7FFFF;
	_ =	strace $0x90000046  }
0xb6: {  	s29 =	simm.s32 $0x9;
	_ =	strace $0x80000048  }
0xb7: {  	_ =	swait.ge [sflag:s29], $0x1  }
0xb8: {  	[sflag:s29] =	ssyncadd.s32 $0xFFFFFFFF  }
0xb9: {  	_ =	strace $0x90000048  }
0xba: {  	_ =	sfence  }
0xbb: {  	s30 =	sld [smem:$0x0];
	_ =	sdelay $0x2  }
0xbc: {  	s31 =	sshll.u32 s1, $0xD;
	s1 =	sshrl.u32 s1, $0x2  }
0xbd: {  	s3 =	sand.u32 $0x4000, s31;
	s1 =	sadd.s32 s1, s30  }
0xbe: {  	s0 =	sor.u32 s3, s0;
	s1 =	sshll.u32 s1, $0x11  }
0xbf: {  	s0 =	sor.u32 s1, s0  }
0xc0: {  	s0 =	sadd.s32 $0x8F2B, s0  }
0xc1: {  	[sflag:s0] =	ssyncadd.remote.s32 $0x1  }
0xc2: {  	_ =	sfence.sel $0xFFFF  }
0xc3: {  	[dreg:$0x0] =	wrdreg $0xFFFFFFFF;
	(pc) =	sbr.abs _section_cstart, $3  }
0xc4: {  	[dreg:$0x1] =	wrdreg $0xFFFFFFFF  }
0xc5: {  	_ =	task.clear_ibuf [dreg:s9], $0x2FFFF;
	_ =	strace $0x9FFFFFFF  }
0xc6: {  	(tm) =	ssettm $0x7FFFFFFF  }
0xc7: {  	_ =	shalt  }
tec
execute0_lowered:
.L_overlay_start_1:
0x0: {  	(tag) =	ssettag $0x1  }
0x1: {  	s0 =	rddreg [dreg:$0x0]  }
0x2: {  	s1 =	rddreg [dreg:$0x1]  }
0x3: {  	s2 =	rddreg [dreg:$0x2]  }
0x4: {  	s4 =	rddreg [dreg:$0x3];
	s5 =	srdreg.scid  }
0x5: {  	s6 =	stileid.u32;
	s3 =	simm.s32 $0x0;
	s8 =	simm.s32 $0x19  }
0x6: {  	s10 =	simm.s32 $0x20;
	s20 =	simm.s32 $0x1;
	s22 =	simm.s32 $0xD  }
0x7: {  	s29 =	simm.s32 $0x2;
	s30 =	simm.s32 $0xE;
	s16 =	simm.s32 $0x3  }
0x8: {  	s18 =	simm.s32 $0xF;
	s31 =	simm.s32 $0x4;
	s28 =	simm.s32 $0x11  }
0x9: {  	s14 =	simm.s32 $0x12;
	s9 =	simm.s32 $0x8;
	s11 =	simm.s32 $0x14  }
0xa: {  	s12 =	simm.s32 $0x9;
	s13 =	simm.s32 $0x15;
	s15 =	simm.s32 $0xA  }
0xb: {  	s17 =	simm.s32 $0x16;
	s19 =	simm.s32 $0xB;
	s21 =	simm.s32 $0x17  }
0xc: {  	s5 =	sand.u32 $0x1, s5;
	s6 =	sshll.u32 s6, $0x1;
	[smem:$0x7FF] =	sst s3  }
0xd: {  	s6 =	sor.u32 s5, s6;
	_ =	strace $0x80000047;
	s5 =	ssub.s32 $0x2, s5  }
0xe: {  	s7 =	sshll.u32 s6, $0x4;
	s23 =	sshrl.u32 s5, $0x1;
	s6 =	sshll.u32 s6, $0x6  }
0xf: {  	s4 =	sadd.s32 s7, s4;
	s5 =	ssub.s32 s5, s23;
	s0 =	sadd.s32 s0, s6  }
0x10: {  	s24 =	sadd.s32 s1, s6;
	s1 =	simm.s32 $0x6;
	[dreg:$0x5] =	wrdreg s0  }
0x11: {  	s23 =	simm.s32 $0xC;
	[dreg:$0x6] =	wrdreg s24;
	s25 =	sadd.s32 $0x600, s4  }
0x12: {  	s26 =	smax.u32 s5, $0x1;
	s0 =	simm.s32 $0x10;
	s24 =	simm.s32 $0x7  }
0x13: {  	s4 =	simm.s32 $0x18;
	s5 =	simm.s32 $0x0;
	[dreg:$0x7] =	wrdreg s25  }
0x14: {  	[dreg:$0x8] =	wrdreg s26;
	s26 =	simm.s32 $0x5;
	s25 =	simm.s32 $0x13  }
.LBB2_1:
0x15: {  	s6 =	rddreg [dreg:$0x5]  }
0x16: {  	[tilespmem:s3], [sflag:$0x19] =	stream.linear.gather [hbm4b:s6+s3], $0x200, $0x38;
	[tilespmem:$0x18480] =	vst v63  }
0x17: {  	_ =	swait.ge [sflag:s8], $0x200  }
0x18: {  	[sflag:s8] =	ssyncset.done $0x0  }
0x19: {  	s7 =	simm.s32 $0x200;
	s6 =	rddreg [dreg:$0x6];
	[sflag:s8] =	ssyncadd.s32 $0xFFFFFE00  }
0x1a: {  	[tilespmem:s7], [sflag:$0x19] =	stream.linear.gather [hbm4b:s6+s3], $0x200, $0x38;
	[tilespmem:$0x18480] =	vst v63  }
0x1b: {  	_ =	swait.ge [sflag:s8], $0x200  }
0x1c: {  	[sflag:s8] =	ssyncset.done $0x0  }
0x1d: {  	s6 =	simm.s32 $0x400;
	[sflag:s8] =	ssyncadd.s32 $0xFFFFFE00  }
0x1e: {  	[tilespmem:s6], [sflag:$0x1] =	stream.indirect.gather [hbm4b:s2+s10], $0x80, s3, s10, $0xb8;
	[tilespmem:$0x18480] =	vst v63  }
0x1f: {  	s6 =	simm.s32 $0xC400  }
0x20: {  	[tilespmem:s6], [sflag:$0xD] =	stream.indirect.gather [hbm4b:s2+s10], $0x80, s7, s10, $0xb8;
	[tilespmem:$0x18480] =	vst v63  }
0x21: {  	s7 =	simm.s32 $0x1400  }
0x22: {  	[tilespmem:s7], [sflag:$0x2] =	stream.indirect.gather [hbm4b:s2+s10], $0x80, s10, s10, $0xb8;
	[tilespmem:$0x18480] =	vst v63  }
0x23: {  	s6 =	simm.s32 $0x220;
	s7 =	simm.s32 $0xD400  }
0x24: {  	[tilespmem:s7], [sflag:$0xE] =	stream.indirect.gather [hbm4b:s2+s10], $0x80, s6, s10, $0xb8;
	[tilespmem:$0x18480] =	vst v63  }
0x25: {  	s6 =	simm.s32 $0x40;
	s7 =	simm.s32 $0x2400  }
0x26: {  	[tilespmem:s7], [sflag:$0x3] =	stream.indirect.gather [hbm4b:s2+s10], $0x80, s6, s10, $0xb8;
	[tilespmem:$0x18480] =	vst v63  }
0x27: {  	s6 =	simm.s32 $0x240;
	s7 =	simm.s32 $0xE400  }
0x28: {  	[tilespmem:s7], [sflag:$0xF] =	stream.indirect.gather [hbm4b:s2+s10], $0x80, s6, s10, $0xb8;
	[tilespmem:$0x18480] =	vst v63  }
0x29: {  	s6 =	simm.s32 $0x60;
	s7 =	simm.s32 $0x3400  }
0x2a: {  	[tilespmem:s7], [sflag:$0x4] =	stream.indirect.gather [hbm4b:s2+s10], $0x80, s6, s10, $0xb8;
	[tilespmem:$0x18480] =	vst v63  }
0x2b: {  	s6 =	simm.s32 $0x260;
	s7 =	simm.s32 $0xF400  }
0x2c: {  	[tilespmem:s7], [sflag:$0x10] =	stream.indirect.gather [hbm4b:s2+s10], $0x80, s6, s10, $0xb8;
	[tilespmem:$0x18480] =	vst v63  }
0x2d: {  	s6 =	simm.s32 $0x80;
	s7 =	simm.s32 $0x4400  }
0x2e: {  	[tilespmem:s7], [sflag:$0x5] =	stream.indirect.gather [hbm4b:s2+s10], $0x80, s6, s10, $0xb8;
	[tilespmem:$0x18480] =	vst v63  }
0x2f: {  	s6 =	simm.s32 $0x280;
	s7 =	simm.s32 $0x10400  }
0x30: {  	[tilespmem:s7], [sflag:$0x11] =	stream.indirect.gather [hbm4b:s2+s10], $0x80, s6, s10, $0xb8;
	[tilespmem:$0x18480] =	vst v63  }
0x31: {  	s6 =	simm.s32 $0xA0;
	s7 =	simm.s32 $0x5400  }
0x32: {  	[tilespmem:s7], [sflag:$0x6] =	stream.indirect.gather [hbm4b:s2+s10], $0x80, s6, s10, $0xb8;
	[tilespmem:$0x18480] =	vst v63  }
0x33: {  	s6 =	simm.s32 $0x2A0;
	s7 =	simm.s32 $0x11400  }
0x34: {  	[tilespmem:s7], [sflag:$0x12] =	stream.indirect.gather [hbm4b:s2+s10], $0x80, s6, s10, $0xb8;
	[tilespmem:$0x18480] =	vst v63  }
0x35: {  	s6 =	simm.s32 $0xC0;
	s7 =	simm.s32 $0x6400  }
0x36: {  	[tilespmem:s7], [sflag:$0x7] =	stream.indirect.gather [hbm4b:s2+s10], $0x80, s6, s10, $0xb8;
	[tilespmem:$0x18480] =	vst v63  }
0x37: {  	s6 =	simm.s32 $0x2C0;
	s7 =	simm.s32 $0x12400  }
0x38: {  	[tilespmem:s7], [sflag:$0x13] =	stream.indirect.gather [hbm4b:s2+s10], $0x80, s6, s10, $0xb8;
	[tilespmem:$0x18480] =	vst v63  }
0x39: {  	_ =	swait.ge [sflag:s20], $0x1000  }
0x3a: {  	[sflag:s20] =	ssyncset.done $0x0  }
0x3b: {  	[sflag:s20] =	ssyncadd.s32 $0xFFFFF000  }
0x3c: {  	_ =	swait.ge [sflag:s22], $0x1000  }
0x3d: {  	[sflag:s22] =	ssyncset.done $0x0  }
0x3e: {  	s7 =	simm.s32 $0x0;
	[sflag:s22] =	ssyncadd.s32 $0xFFFFF000  }
0x3f: {  	v0 =	vld [tilespmem:s7+$0x470]  }
0x40: {  	v1 =	vld [tilespmem:s7+$0xC470]  }
0x41: {  	v2 =	vld [tilespmem:s7+$0x400]  }
0x42: {  	v3 =	vld [tilespmem:s7+$0xC400]  }
0x43: {  	v5 =	vld [tilespmem:s7+$0x410]  }
0x44: {  	v6 =	vld [tilespmem:s7+$0xC410]  }
0x45: {  	v7 =	vld [tilespmem:s7+$0x420]  }
0x46: {  	v9 =	vld [tilespmem:s7+$0xC420]  }
0x47: {  	v10 =	vld [tilespmem:s7+$0x430]  }
0x48: {  	v11 =	vld [tilespmem:s7+$0xC430]  }
0x49: {  	v13 =	vld [tilespmem:s7+$0x440]  }
0x4a: {  	v14 =	vld [tilespmem:s7+$0xC440]  }
0x4b: {  	v0 =	vmul.f32 v1, v0  }
0x4c: {  	v4 =	vimm.f32 $0.0e+00;
	v8 =	vld [tilespmem:s7+$0x450];
	v1 =	vmul.f32 v3, v2;
	v2 =	vmul.f32 v6, v5  }
0x4d: {  	v6 =	vmul.f32 v11, v10;
	v3 =	vadd.f32 v0, v4;
	v0 =	vmul.f32 v9, v7;
	v9 =	vld [tilespmem:s7+$0xC450]  }
0x4e: {  	v12 =	vld [tilespmem:s7+$0xC460];
	v5 =	vadd.f32 v1, v4  }
0x4f: {  	s6 =	simm.s32 $0x80;
	v10 =	vld [tilespmem:s7+$0x460];
	v13 =	vmul.f32 v14, v13;
	v1 =	vadd.f32 v2, v4;
	v2 =	vadd.f32 v6, v4  }
0x50: {  	v11 =	vld [tilespmem:s6+$0x470];
	s7 =	simm.s32 $0x400;
	v7 =	vimm.f32 $0.0e+00;
	v6 =	vimm.f32 $0.0e+00;
	v0 =	vadd.f32 v0, v4  }
.LBB2_2:
0x51: {  	p0 =	sne.s32 s7, $0x3E00;
	v14 =	vld [tilespmem:s6+$0xC470]  }
0x52: {  	v15 =	vld [tilespmem:s6+$0x400];
	v4 =	vadd.f32 v13, v4;
	v8 =	vmul.f32 v9, v8  }
0x53: {  	v9 =	vld [tilespmem:s6+$0xC400]  }
0x54: {  	v13 =	vld [tilespmem:s6+$0x410];
	v7 =	vadd.f32 v8, v7;
	v8 =	vmul.f32 v12, v10  }
0x55: {  	v10 =	vld [tilespmem:s6+$0xC410]  }
0x56: {  	v12 =	vld [tilespmem:s6+$0x420];
	v11 =	vmul.f32 v14, v11;
	v6 =	vadd.f32 v8, v6  }
0x57: {  	v8 =	vld [tilespmem:s6+$0xC420]  }
0x58: {  	v9 =	vmul.f32 v9, v15;
	v14 =	vld [tilespmem:s6+$0x430];
	v3 =	vadd.f32 v11, v3  }
0x59: {  	v11 =	vld [tilespmem:s6+$0xC430]  }
0x5a: {  	v5 =	vadd.f32 v9, v5;
	v9 =	vmul.f32 v10, v13;
	v13 =	vld [tilespmem:s6+$0x440]  }
0x5b: {  	v15 =	vld [tilespmem:s6+$0xC440]  }
.Ltmp0:
0x5c: {  	v1 =	vadd.f32 v9, v1;
	v10 =	vmul.f32 v8, v12;
	v8 =	vld [tilespmem:s6+$0x450];
	(pc) =	sbr.rel @p0 .LBB2_2-.Ltmp0, $4  }
0x5d: {  	v9 =	vld [tilespmem:s6+$0xC450]  }
0x5e: {  	v0 =	vadd.f32 v10, v0;
	v14 =	vmul.f32 v11, v14;
	v10 =	vld [tilespmem:s6+$0x460]  }
0x5f: {  	v12 =	vld [tilespmem:s6+$0xC460];
	s6 =	sshra.s32 s7, $0x2  }
0x60: {  	s7 =	sadd.s32 $0x200, s7;
	v11 =	vld [tilespmem:s6+$0x470];
	v2 =	vadd.f32 v14, v2;
	v13 =	vmul.f32 v15, v13  }
0x61: {  	v14 =	vld [tilespmem:s6+$0xC470]  }
0x62: {  	v15 =	vld [tilespmem:s6+$0x400]  }
0x63: {  	v16 =	vld [tilespmem:s6+$0xC400]  }
0x64: {  	v17 =	vld [tilespmem:s6+$0x410]  }
0x65: {  	v18 =	vld [tilespmem:s6+$0xC410]  }
0x66: {  	v19 =	vld [tilespmem:s6+$0x420]  }
0x67: {  	v20 =	vld [tilespmem:s6+$0xC420]  }
0x68: {  	v21 =	vld [tilespmem:s6+$0x430]  }
0x69: {  	v22 =	vld [tilespmem:s6+$0xC430]  }
0x6a: {  	v23 =	vld [tilespmem:s6+$0x440]  }
0x6b: {  	v24 =	vld [tilespmem:s6+$0xC440]  }
0x6c: {  	v25 =	vld [tilespmem:s6+$0x450]  }
0x6d: {  	v26 =	vld [tilespmem:s6+$0xC450]  }
0x6e: {  	v27 =	vld [tilespmem:s6+$0x460]  }
0x6f: {  	v28 =	vld [tilespmem:s6+$0xC460];
	s6 =	simm.s32 $0xE0;
	s7 =	simm.s32 $0x7400  }
0x70: {  	[tilespmem:s7], [sflag:$0x8] =	stream.indirect.gather [hbm4b:s2+s10], $0x80, s6, s10, $0xb8;
	[tilespmem:$0x18480] =	vst v63  }
0x71: {  	s6 =	simm.s32 $0x2E0;
	s7 =	simm.s32 $0x13400  }
0x72: {  	[tilespmem:s7], [sflag:$0x14] =	stream.indirect.gather [hbm4b:s2+s10], $0x80, s6, s10, $0xb8;
	[tilespmem:$0x18480] =	vst v63  }
0x73: {  	_ =	swait.ge [sflag:s29], $0x1000  }
0x74: {  	[sflag:s29] =	ssyncset.done $0x0  }
0x75: {  	[sflag:s29] =	ssyncadd.s32 $0xFFFFF000  }
0x76: {  	_ =	swait.ge [sflag:s30], $0x1000  }
0x77: {  	[sflag:s30] =	ssyncset.done $0x0  }
0x78: {  	s7 =	simm.s32 $0x0;
	[sflag:s30] =	ssyncadd.s32 $0xFFFFF000  }
0x79: {  	v29 =	vld [tilespmem:s7+$0x1470]  }
0x7a: {  	v30 =	vld [tilespmem:s7+$0xD470]  }
0x7b: {  	v31 =	vld [tilespmem:s7+$0x1400]  }
0x7c: {  	v32 =	vld [tilespmem:s7+$0xD400]  }
0x7d: {  	v33 =	vld [tilespmem:s7+$0x1410]  }
0x7e: {  	v8 =	vmul.f32 v9, v8;
	v9 =	vld [tilespmem:s7+$0xD410]  }
0x7f: {  	v10 =	vmul.f32 v12, v10;
	v11 =	vmul.f32 v14, v11;
	v12 =	vld [tilespmem:s7+$0x1420]  }
0x80: {  	v4 =	vadd.f32 v13, v4;
	v7 =	vadd.f32 v8, v7;
	v8 =	vmul.f32 v16, v15;
	v13 =	vld [tilespmem:s7+$0xD420]  }
0x81: {  	v6 =	vadd.f32 v10, v6;
	v10 =	vmul.f32 v18, v17;
	v3 =	vadd.f32 v11, v3;
	v11 =	vld [tilespmem:s7+$0x1430]  }
0x82: {  	v14 =	vmul.f32 v22, v21;
	v5 =	vadd.f32 v8, v5;
	v8 =	vmul.f32 v20, v19;
	v15 =	vld [tilespmem:s7+$0xD430]  }
0x83: {  	v59 =	vadd.f32 v10, v1;
	v1 =	vmul.f32 v24, v23;
	v10 =	vmul.f32 v26, v25;
	v60 =	vld [tilespmem:s7+$0x1440]  }
0x84: {  	v14 =	vadd.f32 v14, v2;
	v2 =	vmul.f32 v28, v27;
	v61 =	vadd.f32 v8, v0;
	v62 =	vld [tilespmem:s7+$0xD440]  }
0x85: {  	v0 =	vadd.f32 v1, v4;
	v1 =	vadd.f32 v10, v7;
	v8 =	vld [tilespmem:s7+$0x1450];
	v4 =	vmul.f32 v30, v29  }
0x86: {  	v2 =	vadd.f32 v2, v6;
	v7 =	vmul.f32 v32, v31;
	v63 =	vmul.f32 v9, v33;
	v9 =	vld [tilespmem:s7+$0xD450]  }
0x87: {  	v10 =	vld [tilespmem:s7+$0x1460];
	v6 =	vadd.f32 v4, v3;
	v3 =	vmul.f32 v13, v12;
	v13 =	vmul.f32 v15, v11  }
0x88: {  	s6 =	simm.s32 $0x80;
	v7 =	vadd.f32 v7, v5;
	v4 =	vadd.f32 v63, v59;
	v12 =	vld [tilespmem:s7+$0xD460]  }
0x89: {  	v11 =	vld [tilespmem:s6+$0x1470];
	s7 =	simm.s32 $0x400;
	v3 =	vadd.f32 v3, v61;
	v5 =	vadd.f32 v13, v14;
	v13 =	vmul.f32 v62, v60  }
.LBB2_4:
0x8a: {  	p0 =	sne.s32 s7, $0x3E00;
	v14 =	vld [tilespmem:s6+$0xD470]  }
0x8b: {  	v15 =	vld [tilespmem:s6+$0x1400];
	v0 =	vadd.f32 v13, v0;
	v8 =	vmul.f32 v9, v8  }
0x8c: {  	v9 =	vld [tilespmem:s6+$0xD400]  }
0x8d: {  	v13 =	vld [tilespmem:s6+$0x1410];
	v1 =	vadd.f32 v8, v1;
	v8 =	vmul.f32 v12, v10  }
0x8e: {  	v10 =	vld [tilespmem:s6+$0xD410]  }
0x8f: {  	v12 =	vld [tilespmem:s6+$0x1420];
	v11 =	vmul.f32 v14, v11;
	v2 =	vadd.f32 v8, v2  }
0x90: {  	v8 =	vld [tilespmem:s6+$0xD420]  }
0x91: {  	v9 =	vmul.f32 v9, v15;
	v14 =	vld [tilespmem:s6+$0x1430];
	v6 =	vadd.f32 v11, v6  }
0x92: {  	v11 =	vld [tilespmem:s6+$0xD430]  }
0x93: {  	v7 =	vadd.f32 v9, v7;
	v9 =	vmul.f32 v10, v13;
	v13 =	vld [tilespmem:s6+$0x1440]  }
0x94: {  	v15 =	vld [tilespmem:s6+$0xD440]  }
.Ltmp1:
0x95: {  	v4 =	vadd.f32 v9, v4;
	v10 =	vmul.f32 v8, v12;
	v8 =	vld [tilespmem:s6+$0x1450];
	(pc) =	sbr.rel @p0 .LBB2_4-.Ltmp1, $4  }
0x96: {  	v9 =	vld [tilespmem:s6+$0xD450]  }
0x97: {  	v3 =	vadd.f32 v10, v3;
	v14 =	vmul.f32 v11, v14;
	v10 =	vld [tilespmem:s6+$0x1460]  }
0x98: {  	v12 =	vld [tilespmem:s6+$0xD460];
	s6 =	sshra.s32 s7, $0x2  }
0x99: {  	s7 =	sadd.s32 $0x200, s7;
	v11 =	vld [tilespmem:s6+$0x1470];
	v5 =	vadd.f32 v14, v5;
	v13 =	vmul.f32 v15, v13  }
0x9a: {  	v14 =	vld [tilespmem:s6+$0xD470]  }
0x9b: {  	v15 =	vld [tilespmem:s6+$0x1400]  }
0x9c: {  	v16 =	vld [tilespmem:s6+$0xD400]  }
0x9d: {  	v17 =	vld [tilespmem:s6+$0x1410]  }
0x9e: {  	v18 =	vld [tilespmem:s6+$0xD410]  }
0x9f: {  	v19 =	vld [tilespmem:s6+$0x1420]  }
0xa0: {  	v20 =	vld [tilespmem:s6+$0xD420]  }
0xa1: {  	v21 =	vld [tilespmem:s6+$0x1430]  }
0xa2: {  	v22 =	vld [tilespmem:s6+$0xD430]  }
0xa3: {  	v23 =	vld [tilespmem:s6+$0x1440]  }
0xa4: {  	v24 =	vld [tilespmem:s6+$0xD440]  }
0xa5: {  	v25 =	vld [tilespmem:s6+$0x1450]  }
0xa6: {  	v26 =	vld [tilespmem:s6+$0xD450]  }
0xa7: {  	v27 =	vld [tilespmem:s6+$0x1460]  }
0xa8: {  	v28 =	vld [tilespmem:s6+$0xD460];
	s6 =	simm.s32 $0x100;
	s7 =	simm.s32 $0x8400  }
0xa9: {  	[tilespmem:s7], [sflag:$0x9] =	stream.indirect.gather [hbm4b:s2+s10], $0x80, s6, s10, $0xb8;
	[tilespmem:$0x18480] =	vst v63  }
0xaa: {  	s6 =	simm.s32 $0x300;
	s7 =	simm.s32 $0x14400  }
0xab: {  	[tilespmem:s7], [sflag:$0x15] =	stream.indirect.gather [hbm4b:s2+s10], $0x80, s6, s10, $0xb8;
	[tilespmem:$0x18480] =	vst v63  }
0xac: {  	_ =	swait.ge [sflag:s16], $0x1000  }
0xad: {  	[sflag:s16] =	ssyncset.done $0x0  }
0xae: {  	[sflag:s16] =	ssyncadd.s32 $0xFFFFF000  }
0xaf: {  	_ =	swait.ge [sflag:s18], $0x1000  }
0xb0: {  	[sflag:s18] =	ssyncset.done $0x0  }
0xb1: {  	s7 =	simm.s32 $0x0;
	[sflag:s18] =	ssyncadd.s32 $0xFFFFF000  }
0xb2: {  	v29 =	vld [tilespmem:s7+$0x2470]  }
0xb3: {  	v30 =	vld [tilespmem:s7+$0xE470]  }
0xb4: {  	v31 =	vld [tilespmem:s7+$0x2400]  }
0xb5: {  	v32 =	vld [tilespmem:s7+$0xE400]  }
0xb6: {  	v33 =	vld [tilespmem:s7+$0x2410]  }
0xb7: {  	v8 =	vmul.f32 v9, v8;
	v9 =	vld [tilespmem:s7+$0xE410]  }
0xb8: {  	v10 =	vmul.f32 v12, v10;
	v11 =	vmul.f32 v14, v11;
	v12 =	vld [tilespmem:s7+$0x2420]  }
0xb9: {  	v0 =	vadd.f32 v13, v0;
	v1 =	vadd.f32 v8, v1;
	v8 =	vmul.f32 v16, v15;
	v13 =	vld [tilespmem:s7+$0xE420]  }
0xba: {  	v2 =	vadd.f32 v10, v2;
	v10 =	vmul.f32 v18, v17;
	v6 =	vadd.f32 v11, v6;
	v11 =	vld [tilespmem:s7+$0x2430]  }
0xbb: {  	v14 =	vmul.f32 v22, v21;
	v60 =	vmul.f32 v26, v25;
	v7 =	vadd.f32 v8, v7;
	v15 =	vld [tilespmem:s7+$0xE430]  }
0xbc: {  	v8 =	vmul.f32 v20, v19;
	v4 =	vadd.f32 v10, v4;
	v10 =	vmul.f32 v24, v23;
	v61 =	vld [tilespmem:s7+$0x2440]  }
0xbd: {  	v5 =	vadd.f32 v14, v5;
	v14 =	vmul.f32 v28, v27;
	v1 =	vadd.f32 v60, v1;
	v62 =	vld [tilespmem:s7+$0xE440]  }
0xbe: {  	v3 =	vadd.f32 v8, v3;
	v0 =	vadd.f32 v10, v0;
	v8 =	vld [tilespmem:s7+$0x2450];
	v10 =	vmul.f32 v30, v29  }
0xbf: {  	v2 =	vadd.f32 v14, v2;
	v14 =	vmul.f32 v32, v31;
	v63 =	vmul.f32 v9, v33;
	v9 =	vld [tilespmem:s7+$0xE450]  }
0xc0: {  	v13 =	vmul.f32 v13, v12;
	v15 =	vmul.f32 v15, v11;
	v12 =	vld [tilespmem:s7+$0xE460];
	v6 =	vadd.f32 v10, v6  }
0xc1: {  	s6 =	simm.s32 $0x80;
	v10 =	vld [tilespmem:s7+$0x2460];
	v7 =	vadd.f32 v14, v7;
	v4 =	vadd.f32 v63, v4  }
0xc2: {  	v11 =	vld [tilespmem:s6+$0x2470];
	v3 =	vadd.f32 v13, v3;
	s7 =	simm.s32 $0x400;
	v5 =	vadd.f32 v15, v5;
	v13 =	vmul.f32 v62, v61  }
.LBB2_6:
0xc3: {  	p0 =	sne.s32 s7, $0x3E00;
	v14 =	vld [tilespmem:s6+$0xE470]  }
0xc4: {  	v15 =	vld [tilespmem:s6+$0x2400];
	v0 =	vadd.f32 v13, v0;
	v8 =	vmul.f32 v9, v8  }
0xc5: {  	v9 =	vld [tilespmem:s6+$0xE400]  }
0xc6: {  	v13 =	vld [tilespmem:s6+$0x2410];
	v1 =	vadd.f32 v8, v1;
	v8 =	vmul.f32 v12, v10  }
0xc7: {  	v10 =	vld [tilespmem:s6+$0xE410]  }
0xc8: {  	v12 =	vld [tilespmem:s6+$0x2420];
	v11 =	vmul.f32 v14, v11;
	v2 =	vadd.f32 v8, v2  }
0xc9: {  	v8 =	vld [tilespmem:s6+$0xE420]  }
0xca: {  	v9 =	vmul.f32 v9, v15;
	v14 =	vld [tilespmem:s6+$0x2430];
	v6 =	vadd.f32 v11, v6  }
0xcb: {  	v11 =	vld [tilespmem:s6+$0xE430]  }
0xcc: {  	v7 =	vadd.f32 v9, v7;
	v9 =	vmul.f32 v10, v13;
	v13 =	vld [tilespmem:s6+$0x2440]  }
0xcd: {  	v15 =	vld [tilespmem:s6+$0xE440]  }
.Ltmp2:
0xce: {  	v4 =	vadd.f32 v9, v4;
	v10 =	vmul.f32 v8, v12;
	v8 =	vld [tilespmem:s6+$0x2450];
	(pc) =	sbr.rel @p0 .LBB2_6-.Ltmp2, $4  }
0xcf: {  	v9 =	vld [tilespmem:s6+$0xE450]  }
0xd0: {  	v3 =	vadd.f32 v10, v3;
	v14 =	vmul.f32 v11, v14;
	v10 =	vld [tilespmem:s6+$0x2460]  }
0xd1: {  	v12 =	vld [tilespmem:s6+$0xE460];
	s6 =	sshra.s32 s7, $0x2  }
0xd2: {  	s7 =	sadd.s32 $0x200, s7;
	v11 =	vld [tilespmem:s6+$0x2470];
	v5 =	vadd.f32 v14, v5;
	v13 =	vmul.f32 v15, v13  }
0xd3: {  	v14 =	vld [tilespmem:s6+$0xE470]  }
0xd4: {  	v15 =	vld [tilespmem:s6+$0x2400]  }
0xd5: {  	v16 =	vld [tilespmem:s6+$0xE400]  }
0xd6: {  	v17 =	vld [tilespmem:s6+$0x2410]  }
0xd7: {  	v18 =	vld [tilespmem:s6+$0xE410]  }
0xd8: {  	v19 =	vld [tilespmem:s6+$0x2420]  }
0xd9: {  	v20 =	vld [tilespmem:s6+$0xE420]  }
0xda: {  	v21 =	vld [tilespmem:s6+$0x2430]  }
0xdb: {  	v22 =	vld [tilespmem:s6+$0xE430]  }
0xdc: {  	v23 =	vld [tilespmem:s6+$0x2440]  }
0xdd: {  	v24 =	vld [tilespmem:s6+$0xE440]  }
0xde: {  	v25 =	vld [tilespmem:s6+$0x2450]  }
0xdf: {  	v26 =	vld [tilespmem:s6+$0xE450]  }
0xe0: {  	v27 =	vld [tilespmem:s6+$0x2460]  }
0xe1: {  	v28 =	vld [tilespmem:s6+$0xE460];
	s6 =	simm.s32 $0x120;
	s7 =	simm.s32 $0x9400  }
0xe2: {  	[tilespmem:s7], [sflag:$0xA] =	stream.indirect.gather [hbm4b:s2+s10], $0x80, s6, s10, $0xb8;
	[tilespmem:$0x18480] =	vst v63  }
0xe3: {  	s6 =	simm.s32 $0x320;
	s7 =	simm.s32 $0x15400  }
0xe4: {  	[tilespmem:s7], [sflag:$0x16] =	stream.indirect.gather [hbm4b:s2+s10], $0x80, s6, s10, $0xb8;
	[tilespmem:$0x18480] =	vst v63  }
0xe5: {  	_ =	swait.ge [sflag:s31], $0x1000  }
0xe6: {  	[sflag:s31] =	ssyncset.done $0x0  }
0xe7: {  	[sflag:s31] =	ssyncadd.s32 $0xFFFFF000  }
0xe8: {  	_ =	swait.ge [sflag:s0], $0x1000  }
0xe9: {  	[sflag:s0] =	ssyncset.done $0x0  }
0xea: {  	s7 =	simm.s32 $0x0;
	[sflag:s0] =	ssyncadd.s32 $0xFFFFF000  }
0xeb: {  	v29 =	vld [tilespmem:s7+$0x3470]  }
0xec: {  	v30 =	vld [tilespmem:s7+$0xF470]  }
0xed: {  	v31 =	vld [tilespmem:s7+$0x3400]  }
0xee: {  	v32 =	vld [tilespmem:s7+$0xF400]  }
0xef: {  	v33 =	vld [tilespmem:s7+$0x3410]  }
0xf0: {  	v8 =	vmul.f32 v9, v8;
	v9 =	vld [tilespmem:s7+$0xF410]  }
0xf1: {  	v10 =	vmul.f32 v12, v10;
	v11 =	vmul.f32 v14, v11;
	v12 =	vld [tilespmem:s7+$0x3420]  }
0xf2: {  	v0 =	vadd.f32 v13, v0;
	v1 =	vadd.f32 v8, v1;
	v8 =	vmul.f32 v16, v15;
	v13 =	vld [tilespmem:s7+$0xF420]  }
0xf3: {  	v2 =	vadd.f32 v10, v2;
	v10 =	vmul.f32 v18, v17;
	v6 =	vadd.f32 v11, v6;
	v11 =	vld [tilespmem:s7+$0x3430]  }
0xf4: {  	v14 =	vmul.f32 v22, v21;
	v60 =	vmul.f32 v26, v25;
	v7 =	vadd.f32 v8, v7;
	v15 =	vld [tilespmem:s7+$0xF430]  }
0xf5: {  	v8 =	vmul.f32 v20, v19;
	v4 =	vadd.f32 v10, v4;
	v10 =	vmul.f32 v24, v23;
	v61 =	vld [tilespmem:s7+$0x3440]  }
0xf6: {  	v5 =	vadd.f32 v14, v5;
	v14 =	vmul.f32 v28, v27;
	v1 =	vadd.f32 v60, v1;
	v62 =	vld [tilespmem:s7+$0xF440]  }
0xf7: {  	v3 =	vadd.f32 v8, v3;
	v0 =	vadd.f32 v10, v0;
	v8 =	vld [tilespmem:s7+$0x3450];
	v10 =	vmul.f32 v30, v29  }
0xf8: {  	v2 =	vadd.f32 v14, v2;
	v14 =	vmul.f32 v32, v31;
	v63 =	vmul.f32 v9, v33;
	v9 =	vld [tilespmem:s7+$0xF450]  }
0xf9: {  	v13 =	vmul.f32 v13, v12;
	v15 =	vmul.f32 v15, v11;
	v12 =	vld [tilespmem:s7+$0xF460];
	v6 =	vadd.f32 v10, v6  }
0xfa: {  	s6 =	simm.s32 $0x80;
	v10 =	vld [tilespmem:s7+$0x3460];
	v7 =	vadd.f32 v14, v7;
	v4 =	vadd.f32 v63, v4  }
0xfb: {  	v11 =	vld [tilespmem:s6+$0x3470];
	v3 =	vadd.f32 v13, v3;
	s7 =	simm.s32 $0x400;
	v5 =	vadd.f32 v15, v5;
	v13 =	vmul.f32 v62, v61  }
.LBB2_8:
0xfc: {  	p0 =	sne.s32 s7, $0x3E00;
	v14 =	vld [tilespmem:s6+$0xF470]  }
0xfd: {  	v15 =	vld [tilespmem:s6+$0x3400];
	v0 =	vadd.f32 v13, v0;
	v8 =	vmul.f32 v9, v8  }
0xfe: {  	v9 =	vld [tilespmem:s6+$0xF400]  }
0xff: {  	v13 =	vld [tilespmem:s6+$0x3410];
	v1 =	vadd.f32 v8, v1;
	v8 =	vmul.f32 v12, v10  }
0x100: {  	v10 =	vld [tilespmem:s6+$0xF410]  }
0x101: {  	v12 =	vld [tilespmem:s6+$0x3420];
	v11 =	vmul.f32 v14, v11;
	v2 =	vadd.f32 v8, v2  }
0x102: {  	v8 =	vld [tilespmem:s6+$0xF420]  }
0x103: {  	v9 =	vmul.f32 v9, v15;
	v14 =	vld [tilespmem:s6+$0x3430];
	v6 =	vadd.f32 v11, v6  }
0x104: {  	v11 =	vld [tilespmem:s6+$0xF430]  }
0x105: {  	v7 =	vadd.f32 v9, v7;
	v9 =	vmul.f32 v10, v13;
	v13 =	vld [tilespmem:s6+$0x3440]  }
0x106: {  	v15 =	vld [tilespmem:s6+$0xF440]  }
.Ltmp3:
0x107: {  	v4 =	vadd.f32 v9, v4;
	v10 =	vmul.f32 v8, v12;
	v8 =	vld [tilespmem:s6+$0x3450];
	(pc) =	sbr.rel @p0 .LBB2_8-.Ltmp3, $4  }
0x108: {  	v9 =	vld [tilespmem:s6+$0xF450]  }
0x109: {  	v3 =	vadd.f32 v10, v3;
	v14 =	vmul.f32 v11, v14;
	v10 =	vld [tilespmem:s6+$0x3460]  }
0x10a: {  	v12 =	vld [tilespmem:s6+$0xF460];
	s6 =	sshra.s32 s7, $0x2  }
0x10b: {  	s7 =	sadd.s32 $0x200, s7;
	v11 =	vld [tilespmem:s6+$0x3470];
	v5 =	vadd.f32 v14, v5;
	v13 =	vmul.f32 v15, v13  }
0x10c: {  	v14 =	vld [tilespmem:s6+$0xF470]  }
0x10d: {  	v15 =	vld [tilespmem:s6+$0x3400]  }
0x10e: {  	v16 =	vld [tilespmem:s6+$0xF400]  }
0x10f: {  	v17 =	vld [tilespmem:s6+$0x3410]  }
0x110: {  	v18 =	vld [tilespmem:s6+$0xF410]  }
0x111: {  	v19 =	vld [tilespmem:s6+$0x3420]  }
0x112: {  	v20 =	vld [tilespmem:s6+$0xF420]  }
0x113: {  	v21 =	vld [tilespmem:s6+$0x3430]  }
0x114: {  	v22 =	vld [tilespmem:s6+$0xF430]  }
0x115: {  	v23 =	vld [tilespmem:s6+$0x3440]  }
0x116: {  	v24 =	vld [tilespmem:s6+$0xF440]  }
0x117: {  	v25 =	vld [tilespmem:s6+$0x3450]  }
0x118: {  	v26 =	vld [tilespmem:s6+$0xF450]  }
0x119: {  	v27 =	vld [tilespmem:s6+$0x3460]  }
0x11a: {  	v28 =	vld [tilespmem:s6+$0xF460];
	s6 =	simm.s32 $0x140;
	s7 =	simm.s32 $0xA400  }
0x11b: {  	[tilespmem:s7], [sflag:$0xB] =	stream.indirect.gather [hbm4b:s2+s10], $0x80, s6, s10, $0xb8;
	[tilespmem:$0x18480] =	vst v63  }
0x11c: {  	s6 =	simm.s32 $0x340;
	s7 =	simm.s32 $0x16400  }
0x11d: {  	[tilespmem:s7], [sflag:$0x17] =	stream.indirect.gather [hbm4b:s2+s10], $0x80, s6, s10, $0xb8;
	[tilespmem:$0x18480] =	vst v63  }
0x11e: {  	_ =	swait.ge [sflag:s26], $0x1000  }
0x11f: {  	[sflag:s26] =	ssyncset.done $0x0  }
0x120: {  	[sflag:s26] =	ssyncadd.s32 $0xFFFFF000  }
0x121: {  	_ =	swait.ge [sflag:s28], $0x1000  }
0x122: {  	[sflag:s28] =	ssyncset.done $0x0  }
0x123: {  	s7 =	simm.s32 $0x0;
	[sflag:s28] =	ssyncadd.s32 $0xFFFFF000  }
0x124: {  	v29 =	vld [tilespmem:s7+$0x4470]  }
0x125: {  	v30 =	vld [tilespmem:s7+$0x10470]  }
0x126: {  	v31 =	vld [tilespmem:s7+$0x4400]  }
0x127: {  	v32 =	vld [tilespmem:s7+$0x10400]  }
0x128: {  	v33 =	vld [tilespmem:s7+$0x4410]  }
0x129: {  	v8 =	vmul.f32 v9, v8;
	v9 =	vld [tilespmem:s7+$0x10410]  }
0x12a: {  	v10 =	vmul.f32 v12, v10;
	v11 =	vmul.f32 v14, v11;
	v12 =	vld [tilespmem:s7+$0x4420]  }
0x12b: {  	v0 =	vadd.f32 v13, v0;
	v1 =	vadd.f32 v8, v1;
	v8 =	vmul.f32 v16, v15;
	v13 =	vld [tilespmem:s7+$0x10420]  }
0x12c: {  	v2 =	vadd.f32 v10, v2;
	v10 =	vmul.f32 v18, v17;
	v6 =	vadd.f32 v11, v6;
	v11 =	vld [tilespmem:s7+$0x4430]  }
0x12d: {  	v14 =	vmul.f32 v22, v21;
	v60 =	vmul.f32 v26, v25;
	v7 =	vadd.f32 v8, v7;
	v15 =	vld [tilespmem:s7+$0x10430]  }
0x12e: {  	v8 =	vmul.f32 v20, v19;
	v4 =	vadd.f32 v10, v4;
	v10 =	vmul.f32 v24, v23;
	v61 =	vld [tilespmem:s7+$0x4440]  }
0x12f: {  	v5 =	vadd.f32 v14, v5;
	v14 =	vmul.f32 v28, v27;
	v1 =	vadd.f32 v60, v1;
	v62 =	vld [tilespmem:s7+$0x10440]  }
0x130: {  	v3 =	vadd.f32 v8, v3;
	v0 =	vadd.f32 v10, v0;
	v8 =	vld [tilespmem:s7+$0x4450];
	v10 =	vmul.f32 v30, v29  }
0x131: {  	v2 =	vadd.f32 v14, v2;
	v14 =	vmul.f32 v32, v31;
	v63 =	vmul.f32 v9, v33;
	v9 =	vld [tilespmem:s7+$0x10450]  }
0x132: {  	v13 =	vmul.f32 v13, v12;
	v15 =	vmul.f32 v15, v11;
	v12 =	vld [tilespmem:s7+$0x10460];
	v6 =	vadd.f32 v10, v6  }
0x133: {  	s6 =	simm.s32 $0x80;
	v10 =	vld [tilespmem:s7+$0x4460];
	v7 =	vadd.f32 v14, v7;
	v4 =	vadd.f32 v63, v4  }
0x134: {  	v11 =	vld [tilespmem:s6+$0x4470];
	v3 =	vadd.f32 v13, v3;
	s7 =	simm.s32 $0x400;
	v5 =	vadd.f32 v15, v5;
	v13 =	vmul.f32 v62, v61  }
.LBB2_10:
0x135: {  	p0 =	sne.s32 s7, $0x3E00;
	v14 =	vld [tilespmem:s6+$0x10470]  }
0x136: {  	v15 =	vld [tilespmem:s6+$0x4400];
	v0 =	vadd.f32 v13, v0;
	v8 =	vmul.f32 v9, v8  }
0x137: {  	v9 =	vld [tilespmem:s6+$0x10400]  }
0x138: {  	v13 =	vld [tilespmem:s6+$0x4410];
	v1 =	vadd.f32 v8, v1;
	v8 =	vmul.f32 v12, v10  }
0x139: {  	v10 =	vld [tilespmem:s6+$0x10410]  }
0x13a: {  	v12 =	vld [tilespmem:s6+$0x4420];
	v11 =	vmul.f32 v14, v11;
	v2 =	vadd.f32 v8, v2  }
0x13b: {  	v8 =	vld [tilespmem:s6+$0x10420]  }
0x13c: {  	v9 =	vmul.f32 v9, v15;
	v14 =	vld [tilespmem:s6+$0x4430];
	v6 =	vadd.f32 v11, v6  }
0x13d: {  	v11 =	vld [tilespmem:s6+$0x10430]  }
0x13e: {  	v7 =	vadd.f32 v9, v7;
	v9 =	vmul.f32 v10, v13;
	v13 =	vld [tilespmem:s6+$0x4440]  }
0x13f: {  	v15 =	vld [tilespmem:s6+$0x10440]  }
.Ltmp4:
0x140: {  	v4 =	vadd.f32 v9, v4;
	v10 =	vmul.f32 v8, v12;
	v8 =	vld [tilespmem:s6+$0x4450];
	(pc) =	sbr.rel @p0 .LBB2_10-.Ltmp4, $4  }
0x141: {  	v9 =	vld [tilespmem:s6+$0x10450]  }
0x142: {  	v3 =	vadd.f32 v10, v3;
	v14 =	vmul.f32 v11, v14;
	v10 =	vld [tilespmem:s6+$0x4460]  }
0x143: {  	v12 =	vld [tilespmem:s6+$0x10460];
	s6 =	sshra.s32 s7, $0x2  }
0x144: {  	s7 =	sadd.s32 $0x200, s7;
	v11 =	vld [tilespmem:s6+$0x4470];
	v5 =	vadd.f32 v14, v5;
	v13 =	vmul.f32 v15, v13  }
0x145: {  	v14 =	vld [tilespmem:s6+$0x10470]  }
0x146: {  	v15 =	vld [tilespmem:s6+$0x4400]  }
0x147: {  	v16 =	vld [tilespmem:s6+$0x10400]  }
0x148: {  	v17 =	vld [tilespmem:s6+$0x4410]  }
0x149: {  	v18 =	vld [tilespmem:s6+$0x10410]  }
0x14a: {  	v19 =	vld [tilespmem:s6+$0x4420]  }
0x14b: {  	v20 =	vld [tilespmem:s6+$0x10420]  }
0x14c: {  	v21 =	vld [tilespmem:s6+$0x4430]  }
0x14d: {  	v22 =	vld [tilespmem:s6+$0x10430]  }
0x14e: {  	v23 =	vld [tilespmem:s6+$0x4440]  }
0x14f: {  	v24 =	vld [tilespmem:s6+$0x10440]  }
0x150: {  	v25 =	vld [tilespmem:s6+$0x4450]  }
0x151: {  	v26 =	vld [tilespmem:s6+$0x10450]  }
0x152: {  	v27 =	vld [tilespmem:s6+$0x4460]  }
0x153: {  	v28 =	vld [tilespmem:s6+$0x10460];
	s6 =	simm.s32 $0x160;
	s7 =	simm.s32 $0xB400  }
0x154: {  	[tilespmem:s7], [sflag:$0xC] =	stream.indirect.gather [hbm4b:s2+s10], $0x80, s6, s10, $0xb8;
	[tilespmem:$0x18480] =	vst v63  }
0x155: {  	s6 =	simm.s32 $0x360;
	s7 =	simm.s32 $0x17400  }
0x156: {  	[tilespmem:s7], [sflag:$0x18] =	stream.indirect.gather [hbm4b:s2+s10], $0x80, s6, s10, $0xb8;
	[tilespmem:$0x18480] =	vst v63  }
0x157: {  	_ =	swait.ge [sflag:s1], $0x1000  }
0x158: {  	[sflag:s1] =	ssyncset.done $0x0  }
0x159: {  	[sflag:s1] =	ssyncadd.s32 $0xFFFFF000  }
0x15a: {  	_ =	swait.ge [sflag:s14], $0x1000  }
0x15b: {  	[sflag:s14] =	ssyncset.done $0x0  }
0x15c: {  	s7 =	simm.s32 $0x0;
	[sflag:s14] =	ssyncadd.s32 $0xFFFFF000  }
0x15d: {  	v29 =	vld [tilespmem:s7+$0x5470]  }
0x15e: {  	v30 =	vld [tilespmem:s7+$0x11470]  }
0x15f: {  	v31 =	vld [tilespmem:s7+$0x5400]  }
0x160: {  	v32 =	vld [tilespmem:s7+$0x11400]  }
0x161: {  	v33 =	vld [tilespmem:s7+$0x5410]  }
0x162: {  	v8 =	vmul.f32 v9, v8;
	v9 =	vld [tilespmem:s7+$0x11410]  }
0x163: {  	v10 =	vmul.f32 v12, v10;
	v11 =	vmul.f32 v14, v11;
	v12 =	vld [tilespmem:s7+$0x5420]  }
0x164: {  	v0 =	vadd.f32 v13, v0;
	v1 =	vadd.f32 v8, v1;
	v8 =	vmul.f32 v16, v15;
	v13 =	vld [tilespmem:s7+$0x11420]  }
0x165: {  	v2 =	vadd.f32 v10, v2;
	v10 =	vmul.f32 v18, v17;
	v6 =	vadd.f32 v11, v6;
	v11 =	vld [tilespmem:s7+$0x5430]  }
0x166: {  	v14 =	vmul.f32 v22, v21;
	v60 =	vmul.f32 v26, v25;
	v7 =	vadd.f32 v8, v7;
	v15 =	vld [tilespmem:s7+$0x11430]  }
0x167: {  	v8 =	vmul.f32 v20, v19;
	v4 =	vadd.f32 v10, v4;
	v10 =	vmul.f32 v24, v23;
	v61 =	vld [tilespmem:s7+$0x5440]  }
0x168: {  	v5 =	vadd.f32 v14, v5;
	v14 =	vmul.f32 v28, v27;
	v1 =	vadd.f32 v60, v1;
	v62 =	vld [tilespmem:s7+$0x11440]  }
0x169: {  	v3 =	vadd.f32 v8, v3;
	v0 =	vadd.f32 v10, v0;
	v8 =	vld [tilespmem:s7+$0x5450];
	v10 =	vmul.f32 v30, v29  }
0x16a: {  	v2 =	vadd.f32 v14, v2;
	v14 =	vmul.f32 v32, v31;
	v63 =	vmul.f32 v9, v33;
	v9 =	vld [tilespmem:s7+$0x11450]  }
0x16b: {  	v13 =	vmul.f32 v13, v12;
	v15 =	vmul.f32 v15, v11;
	v12 =	vld [tilespmem:s7+$0x11460];
	v6 =	vadd.f32 v10, v6  }
0x16c: {  	s6 =	simm.s32 $0x80;
	v10 =	vld [tilespmem:s7+$0x5460];
	v7 =	vadd.f32 v14, v7;
	v4 =	vadd.f32 v63, v4  }
0x16d: {  	v11 =	vld [tilespmem:s6+$0x5470];
	v3 =	vadd.f32 v13, v3;
	s7 =	simm.s32 $0x400;
	v5 =	vadd.f32 v15, v5;
	v13 =	vmul.f32 v62, v61  }
.LBB2_12:
0x16e: {  	p0 =	sne.s32 s7, $0x3E00;
	v14 =	vld [tilespmem:s6+$0x11470]  }
0x16f: {  	v15 =	vld [tilespmem:s6+$0x5400];
	v0 =	vadd.f32 v13, v0;
	v8 =	vmul.f32 v9, v8  }
0x170: {  	v9 =	vld [tilespmem:s6+$0x11400]  }
0x171: {  	v13 =	vld [tilespmem:s6+$0x5410];
	v1 =	vadd.f32 v8, v1;
	v8 =	vmul.f32 v12, v10  }
0x172: {  	v10 =	vld [tilespmem:s6+$0x11410]  }
0x173: {  	v12 =	vld [tilespmem:s6+$0x5420];
	v11 =	vmul.f32 v14, v11;
	v2 =	vadd.f32 v8, v2  }
0x174: {  	v8 =	vld [tilespmem:s6+$0x11420]  }
0x175: {  	v9 =	vmul.f32 v9, v15;
	v14 =	vld [tilespmem:s6+$0x5430];
	v6 =	vadd.f32 v11, v6  }
0x176: {  	v11 =	vld [tilespmem:s6+$0x11430]  }
0x177: {  	v7 =	vadd.f32 v9, v7;
	v9 =	vmul.f32 v10, v13;
	v13 =	vld [tilespmem:s6+$0x5440]  }
0x178: {  	v15 =	vld [tilespmem:s6+$0x11440]  }
.Ltmp5:
0x179: {  	v4 =	vadd.f32 v9, v4;
	v10 =	vmul.f32 v8, v12;
	v8 =	vld [tilespmem:s6+$0x5450];
	(pc) =	sbr.rel @p0 .LBB2_12-.Ltmp5, $4  }
0x17a: {  	v9 =	vld [tilespmem:s6+$0x11450]  }
0x17b: {  	v3 =	vadd.f32 v10, v3;
	v14 =	vmul.f32 v11, v14;
	v10 =	vld [tilespmem:s6+$0x5460]  }
0x17c: {  	v12 =	vld [tilespmem:s6+$0x11460];
	s6 =	sshra.s32 s7, $0x2  }
0x17d: {  	s7 =	sadd.s32 $0x200, s7;
	v11 =	vld [tilespmem:s6+$0x5470];
	v5 =	vadd.f32 v14, v5;
	v13 =	vmul.f32 v15, v13  }
0x17e: {  	v14 =	vld [tilespmem:s6+$0x11470]  }
0x17f: {  	v15 =	vld [tilespmem:s6+$0x5400]  }
0x180: {  	v16 =	vld [tilespmem:s6+$0x11400]  }
0x181: {  	v17 =	vld [tilespmem:s6+$0x5410]  }
0x182: {  	v18 =	vld [tilespmem:s6+$0x11410]  }
0x183: {  	v19 =	vld [tilespmem:s6+$0x5420]  }
0x184: {  	v20 =	vld [tilespmem:s6+$0x11420]  }
0x185: {  	v21 =	vld [tilespmem:s6+$0x5430]  }
0x186: {  	v22 =	vld [tilespmem:s6+$0x11430]  }
0x187: {  	v23 =	vld [tilespmem:s6+$0x5440]  }
0x188: {  	v24 =	vld [tilespmem:s6+$0x11440]  }
0x189: {  	v25 =	vld [tilespmem:s6+$0x5450]  }
0x18a: {  	v26 =	vld [tilespmem:s6+$0x11450]  }
0x18b: {  	v27 =	vld [tilespmem:s6+$0x5460]  }
0x18c: {  	v28 =	vld [tilespmem:s6+$0x11460];
	s6 =	simm.s32 $0x400;
	s7 =	simm.s32 $0x180  }
0x18d: {  	[tilespmem:s6], [sflag:$0x1] =	stream.indirect.gather [hbm4b:s2+s10], $0x80, s7, s10, $0xb8;
	[tilespmem:$0x18480] =	vst v63  }
0x18e: {  	s6 =	simm.s32 $0xC400;
	s7 =	simm.s32 $0x380  }
0x18f: {  	[tilespmem:s6], [sflag:$0xD] =	stream.indirect.gather [hbm4b:s2+s10], $0x80, s7, s10, $0xb8;
	[tilespmem:$0x18480] =	vst v63  }
0x190: {  	_ =	swait.ge [sflag:s24], $0x1000  }
0x191: {  	[sflag:s24] =	ssyncset.done $0x0  }
0x192: {  	[sflag:s24] =	ssyncadd.s32 $0xFFFFF000  }
0x193: {  	_ =	swait.ge [sflag:s25], $0x1000  }
0x194: {  	[sflag:s25] =	ssyncset.done $0x0  }
0x195: {  	s7 =	simm.s32 $0x0;
	[sflag:s25] =	ssyncadd.s32 $0xFFFFF000  }
0x196: {  	v29 =	vld [tilespmem:s7+$0x6470]  }
0x197: {  	v30 =	vld [tilespmem:s7+$0x12470]  }
0x198: {  	v31 =	vld [tilespmem:s7+$0x6400]  }
0x199: {  	v32 =	vld [tilespmem:s7+$0x12400]  }
0x19a: {  	v33 =	vld [tilespmem:s7+$0x6410]  }
0x19b: {  	v8 =	vmul.f32 v9, v8;
	v9 =	vld [tilespmem:s7+$0x12410]  }
0x19c: {  	v10 =	vmul.f32 v12, v10;
	v11 =	vmul.f32 v14, v11;
	v12 =	vld [tilespmem:s7+$0x6420]  }
0x19d: {  	v0 =	vadd.f32 v13, v0;
	v1 =	vadd.f32 v8, v1;
	v8 =	vmul.f32 v16, v15;
	v13 =	vld [tilespmem:s7+$0x12420]  }
0x19e: {  	v2 =	vadd.f32 v10, v2;
	v10 =	vmul.f32 v18, v17;
	v6 =	vadd.f32 v11, v6;
	v11 =	vld [tilespmem:s7+$0x6430]  }
0x19f: {  	v14 =	vmul.f32 v22, v21;
	v60 =	vmul.f32 v26, v25;
	v7 =	vadd.f32 v8, v7;
	v15 =	vld [tilespmem:s7+$0x12430]  }
0x1a0: {  	v8 =	vmul.f32 v20, v19;
	v4 =	vadd.f32 v10, v4;
	v10 =	vmul.f32 v24, v23;
	v61 =	vld [tilespmem:s7+$0x6440]  }
0x1a1: {  	v5 =	vadd.f32 v14, v5;
	v14 =	vmul.f32 v28, v27;
	v1 =	vadd.f32 v60, v1;
	v62 =	vld [tilespmem:s7+$0x12440]  }
0x1a2: {  	v3 =	vadd.f32 v8, v3;
	v0 =	vadd.f32 v10, v0;
	v8 =	vld [tilespmem:s7+$0x6450];
	v10 =	vmul.f32 v30, v29  }
0x1a3: {  	v2 =	vadd.f32 v14, v2;
	v14 =	vmul.f32 v32, v31;
	v63 =	vmul.f32 v9, v33;
	v9 =	vld [tilespmem:s7+$0x12450]  }
0x1a4: {  	v13 =	vmul.f32 v13, v12;
	v15 =	vmul.f32 v15, v11;
	v12 =	vld [tilespmem:s7+$0x12460];
	v6 =	vadd.f32 v10, v6  }
0x1a5: {  	s6 =	simm.s32 $0x80;
	v10 =	vld [tilespmem:s7+$0x6460];
	v7 =	vadd.f32 v14, v7;
	v4 =	vadd.f32 v63, v4  }
0x1a6: {  	v11 =	vld [tilespmem:s6+$0x6470];
	v3 =	vadd.f32 v13, v3;
	s7 =	simm.s32 $0x400;
	v5 =	vadd.f32 v15, v5;
	v13 =	vmul.f32 v62, v61  }
.LBB2_14:
0x1a7: {  	p0 =	sne.s32 s7, $0x3E00;
	v14 =	vld [tilespmem:s6+$0x12470]  }
0x1a8: {  	v15 =	vld [tilespmem:s6+$0x6400];
	v0 =	vadd.f32 v13, v0;
	v8 =	vmul.f32 v9, v8  }
0x1a9: {  	v9 =	vld [tilespmem:s6+$0x12400]  }
0x1aa: {  	v13 =	vld [tilespmem:s6+$0x6410];
	v1 =	vadd.f32 v8, v1;
	v8 =	vmul.f32 v12, v10  }
0x1ab: {  	v10 =	vld [tilespmem:s6+$0x12410]  }
0x1ac: {  	v12 =	vld [tilespmem:s6+$0x6420];
	v11 =	vmul.f32 v14, v11;
	v2 =	vadd.f32 v8, v2  }
0x1ad: {  	v8 =	vld [tilespmem:s6+$0x12420]  }
0x1ae: {  	v9 =	vmul.f32 v9, v15;
	v14 =	vld [tilespmem:s6+$0x6430];
	v6 =	vadd.f32 v11, v6  }
0x1af: {  	v11 =	vld [tilespmem:s6+$0x12430]  }
0x1b0: {  	v7 =	vadd.f32 v9, v7;
	v9 =	vmul.f32 v10, v13;
	v13 =	vld [tilespmem:s6+$0x6440]  }
0x1b1: {  	v15 =	vld [tilespmem:s6+$0x12440]  }
.Ltmp6:
0x1b2: {  	v4 =	vadd.f32 v9, v4;
	v10 =	vmul.f32 v8, v12;
	v8 =	vld [tilespmem:s6+$0x6450];
	(pc) =	sbr.rel @p0 .LBB2_14-.Ltmp6, $4  }
0x1b3: {  	v9 =	vld [tilespmem:s6+$0x12450]  }
0x1b4: {  	v3 =	vadd.f32 v10, v3;
	v14 =	vmul.f32 v11, v14;
	v10 =	vld [tilespmem:s6+$0x6460]  }
0x1b5: {  	v12 =	vld [tilespmem:s6+$0x12460];
	s6 =	sshra.s32 s7, $0x2  }
0x1b6: {  	s7 =	sadd.s32 $0x200, s7;
	v11 =	vld [tilespmem:s6+$0x6470];
	v5 =	vadd.f32 v14, v5;
	v13 =	vmul.f32 v15, v13  }
0x1b7: {  	v14 =	vld [tilespmem:s6+$0x12470]  }
0x1b8: {  	v15 =	vld [tilespmem:s6+$0x6400]  }
0x1b9: {  	v16 =	vld [tilespmem:s6+$0x12400]  }
0x1ba: {  	v17 =	vld [tilespmem:s6+$0x6410]  }
0x1bb: {  	v18 =	vld [tilespmem:s6+$0x12410]  }
0x1bc: {  	v19 =	vld [tilespmem:s6+$0x6420]  }
0x1bd: {  	v20 =	vld [tilespmem:s6+$0x12420]  }
0x1be: {  	v21 =	vld [tilespmem:s6+$0x6430]  }
0x1bf: {  	v22 =	vld [tilespmem:s6+$0x12430]  }
0x1c0: {  	v23 =	vld [tilespmem:s6+$0x6440]  }
0x1c1: {  	v24 =	vld [tilespmem:s6+$0x12440]  }
0x1c2: {  	v25 =	vld [tilespmem:s6+$0x6450]  }
0x1c3: {  	v26 =	vld [tilespmem:s6+$0x12450]  }
0x1c4: {  	v27 =	vld [tilespmem:s6+$0x6460]  }
0x1c5: {  	v28 =	vld [tilespmem:s6+$0x12460];
	s6 =	simm.s32 $0x1400;
	s7 =	simm.s32 $0x1A0  }
0x1c6: {  	[tilespmem:s6], [sflag:$0x2] =	stream.indirect.gather [hbm4b:s2+s10], $0x80, s7, s10, $0xb8;
	[tilespmem:$0x18480] =	vst v63  }
0x1c7: {  	s6 =	simm.s32 $0xD400;
	s7 =	simm.s32 $0x3A0  }
0x1c8: {  	[tilespmem:s6], [sflag:$0xE] =	stream.indirect.gather [hbm4b:s2+s10], $0x80, s7, s10, $0xb8;
	[tilespmem:$0x18480] =	vst v63  }
0x1c9: {  	_ =	swait.ge [sflag:s9], $0x1000  }
0x1ca: {  	[sflag:s9] =	ssyncset.done $0x0  }
0x1cb: {  	[sflag:s9] =	ssyncadd.s32 $0xFFFFF000  }
0x1cc: {  	_ =	swait.ge [sflag:s11], $0x1000  }
0x1cd: {  	[sflag:s11] =	ssyncset.done $0x0  }
0x1ce: {  	s7 =	simm.s32 $0x0;
	[sflag:s11] =	ssyncadd.s32 $0xFFFFF000  }
0x1cf: {  	v29 =	vld [tilespmem:s7+$0x7470]  }
0x1d0: {  	v30 =	vld [tilespmem:s7+$0x13470]  }
0x1d1: {  	v31 =	vld [tilespmem:s7+$0x7400]  }
0x1d2: {  	v32 =	vld [tilespmem:s7+$0x13400]  }
0x1d3: {  	v33 =	vld [tilespmem:s7+$0x7410]  }
0x1d4: {  	v8 =	vmul.f32 v9, v8;
	v9 =	vld [tilespmem:s7+$0x13410]  }
0x1d5: {  	v10 =	vmul.f32 v12, v10;
	v11 =	vmul.f32 v14, v11;
	v12 =	vld [tilespmem:s7+$0x7420]  }
0x1d6: {  	v0 =	vadd.f32 v13, v0;
	v1 =	vadd.f32 v8, v1;
	v8 =	vmul.f32 v16, v15;
	v13 =	vld [tilespmem:s7+$0x13420]  }
0x1d7: {  	v2 =	vadd.f32 v10, v2;
	v10 =	vmul.f32 v18, v17;
	v6 =	vadd.f32 v11, v6;
	v11 =	vld [tilespmem:s7+$0x7430]  }
0x1d8: {  	v14 =	vmul.f32 v22, v21;
	v60 =	vmul.f32 v26, v25;
	v7 =	vadd.f32 v8, v7;
	v15 =	vld [tilespmem:s7+$0x13430]  }
0x1d9: {  	v8 =	vmul.f32 v20, v19;
	v4 =	vadd.f32 v10, v4;
	v10 =	vmul.f32 v24, v23;
	v61 =	vld [tilespmem:s7+$0x7440]  }
0x1da: {  	v5 =	vadd.f32 v14, v5;
	v14 =	vmul.f32 v28, v27;
	v1 =	vadd.f32 v60, v1;
	v62 =	vld [tilespmem:s7+$0x13440]  }
0x1db: {  	v3 =	vadd.f32 v8, v3;
	v0 =	vadd.f32 v10, v0;
	v8 =	vld [tilespmem:s7+$0x7450];
	v10 =	vmul.f32 v30, v29  }
0x1dc: {  	v2 =	vadd.f32 v14, v2;
	v14 =	vmul.f32 v32, v31;
	v63 =	vmul.f32 v9, v33;
	v9 =	vld [tilespmem:s7+$0x13450]  }
0x1dd: {  	v13 =	vmul.f32 v13, v12;
	v15 =	vmul.f32 v15, v11;
	v12 =	vld [tilespmem:s7+$0x13460];
	v6 =	vadd.f32 v10, v6  }
0x1de: {  	s6 =	simm.s32 $0x80;
	v10 =	vld [tilespmem:s7+$0x7460];
	v7 =	vadd.f32 v14, v7;
	v4 =	vadd.f32 v63, v4  }
0x1df: {  	v11 =	vld [tilespmem:s6+$0x7470];
	v3 =	vadd.f32 v13, v3;
	s7 =	simm.s32 $0x400;
	v5 =	vadd.f32 v15, v5;
	v13 =	vmul.f32 v62, v61  }
.LBB2_16:
0x1e0: {  	p0 =	sne.s32 s7, $0x3E00;
	v14 =	vld [tilespmem:s6+$0x13470]  }
0x1e1: {  	v15 =	vld [tilespmem:s6+$0x7400];
	v0 =	vadd.f32 v13, v0;
	v8 =	vmul.f32 v9, v8  }
0x1e2: {  	v9 =	vld [tilespmem:s6+$0x13400]  }
0x1e3: {  	v13 =	vld [tilespmem:s6+$0x7410];
	v1 =	vadd.f32 v8, v1;
	v8 =	vmul.f32 v12, v10  }
0x1e4: {  	v10 =	vld [tilespmem:s6+$0x13410]  }
0x1e5: {  	v12 =	vld [tilespmem:s6+$0x7420];
	v11 =	vmul.f32 v14, v11;
	v2 =	vadd.f32 v8, v2  }
0x1e6: {  	v8 =	vld [tilespmem:s6+$0x13420]  }
0x1e7: {  	v9 =	vmul.f32 v9, v15;
	v14 =	vld [tilespmem:s6+$0x7430];
	v6 =	vadd.f32 v11, v6  }
0x1e8: {  	v11 =	vld [tilespmem:s6+$0x13430]  }
0x1e9: {  	v7 =	vadd.f32 v9, v7;
	v9 =	vmul.f32 v10, v13;
	v13 =	vld [tilespmem:s6+$0x7440]  }
0x1ea: {  	v15 =	vld [tilespmem:s6+$0x13440]  }
.Ltmp7:
0x1eb: {  	v4 =	vadd.f32 v9, v4;
	v10 =	vmul.f32 v8, v12;
	v8 =	vld [tilespmem:s6+$0x7450];
	(pc) =	sbr.rel @p0 .LBB2_16-.Ltmp7, $4  }
0x1ec: {  	v9 =	vld [tilespmem:s6+$0x13450]  }
0x1ed: {  	v3 =	vadd.f32 v10, v3;
	v14 =	vmul.f32 v11, v14;
	v10 =	vld [tilespmem:s6+$0x7460]  }
0x1ee: {  	v12 =	vld [tilespmem:s6+$0x13460];
	s6 =	sshra.s32 s7, $0x2  }
0x1ef: {  	s7 =	sadd.s32 $0x200, s7;
	v11 =	vld [tilespmem:s6+$0x7470];
	v5 =	vadd.f32 v14, v5;
	v13 =	vmul.f32 v15, v13  }
0x1f0: {  	v14 =	vld [tilespmem:s6+$0x13470]  }
0x1f1: {  	v15 =	vld [tilespmem:s6+$0x7400]  }
0x1f2: {  	v16 =	vld [tilespmem:s6+$0x13400]  }
0x1f3: {  	v17 =	vld [tilespmem:s6+$0x7410]  }
0x1f4: {  	v18 =	vld [tilespmem:s6+$0x13410]  }
0x1f5: {  	v19 =	vld [tilespmem:s6+$0x7420]  }
0x1f6: {  	v20 =	vld [tilespmem:s6+$0x13420]  }
0x1f7: {  	v21 =	vld [tilespmem:s6+$0x7430]  }
0x1f8: {  	v22 =	vld [tilespmem:s6+$0x13430]  }
0x1f9: {  	v23 =	vld [tilespmem:s6+$0x7440]  }
0x1fa: {  	v24 =	vld [tilespmem:s6+$0x13440]  }
0x1fb: {  	v25 =	vld [tilespmem:s6+$0x7450]  }
0x1fc: {  	v26 =	vld [tilespmem:s6+$0x13450]  }
0x1fd: {  	v27 =	vld [tilespmem:s6+$0x7460]  }
0x1fe: {  	v28 =	vld [tilespmem:s6+$0x13460];
	s6 =	simm.s32 $0x2400;
	s7 =	simm.s32 $0x1C0  }
0x1ff: {  	[tilespmem:s6], [sflag:$0x3] =	stream.indirect.gather [hbm4b:s2+s10], $0x80, s7, s10, $0xb8;
	[tilespmem:$0x18480] =	vst v63  }
0x200: {  	s6 =	simm.s32 $0xE400;
	s7 =	simm.s32 $0x3C0  }
0x201: {  	[tilespmem:s6], [sflag:$0xF] =	stream.indirect.gather [hbm4b:s2+s10], $0x80, s7, s10, $0xb8;
	[tilespmem:$0x18480] =	vst v63  }
0x202: {  	_ =	swait.ge [sflag:s12], $0x1000  }
0x203: {  	[sflag:s12] =	ssyncset.done $0x0  }
0x204: {  	[sflag:s12] =	ssyncadd.s32 $0xFFFFF000  }
0x205: {  	_ =	swait.ge [sflag:s13], $0x1000  }
0x206: {  	[sflag:s13] =	ssyncset.done $0x0  }
0x207: {  	s7 =	simm.s32 $0x0;
	[sflag:s13] =	ssyncadd.s32 $0xFFFFF000  }
0x208: {  	v29 =	vld [tilespmem:s7+$0x8470]  }
0x209: {  	v30 =	vld [tilespmem:s7+$0x14470]  }
0x20a: {  	v31 =	vld [tilespmem:s7+$0x8400]  }
0x20b: {  	v32 =	vld [tilespmem:s7+$0x14400]  }
0x20c: {  	v33 =	vld [tilespmem:s7+$0x8410]  }
0x20d: {  	v8 =	vmul.f32 v9, v8;
	v9 =	vld [tilespmem:s7+$0x14410]  }
0x20e: {  	v10 =	vmul.f32 v12, v10;
	v11 =	vmul.f32 v14, v11;
	v12 =	vld [tilespmem:s7+$0x8420]  }
0x20f: {  	v0 =	vadd.f32 v13, v0;
	v1 =	vadd.f32 v8, v1;
	v8 =	vmul.f32 v16, v15;
	v13 =	vld [tilespmem:s7+$0x14420]  }
0x210: {  	v2 =	vadd.f32 v10, v2;
	v10 =	vmul.f32 v18, v17;
	v6 =	vadd.f32 v11, v6;
	v11 =	vld [tilespmem:s7+$0x8430]  }
0x211: {  	v14 =	vmul.f32 v22, v21;
	v60 =	vmul.f32 v26, v25;
	v7 =	vadd.f32 v8, v7;
	v15 =	vld [tilespmem:s7+$0x14430]  }
0x212: {  	v8 =	vmul.f32 v20, v19;
	v4 =	vadd.f32 v10, v4;
	v10 =	vmul.f32 v24, v23;
	v61 =	vld [tilespmem:s7+$0x8440]  }
0x213: {  	v5 =	vadd.f32 v14, v5;
	v14 =	vmul.f32 v28, v27;
	v1 =	vadd.f32 v60, v1;
	v62 =	vld [tilespmem:s7+$0x14440]  }
0x214: {  	v3 =	vadd.f32 v8, v3;
	v0 =	vadd.f32 v10, v0;
	v8 =	vld [tilespmem:s7+$0x8450];
	v10 =	vmul.f32 v30, v29  }
0x215: {  	v2 =	vadd.f32 v14, v2;
	v14 =	vmul.f32 v32, v31;
	v63 =	vmul.f32 v9, v33;
	v9 =	vld [tilespmem:s7+$0x14450]  }
0x216: {  	v13 =	vmul.f32 v13, v12;
	v15 =	vmul.f32 v15, v11;
	v12 =	vld [tilespmem:s7+$0x14460];
	v6 =	vadd.f32 v10, v6  }
0x217: {  	s6 =	simm.s32 $0x80;
	v10 =	vld [tilespmem:s7+$0x8460];
	v7 =	vadd.f32 v14, v7;
	v4 =	vadd.f32 v63, v4  }
0x218: {  	v11 =	vld [tilespmem:s6+$0x8470];
	v3 =	vadd.f32 v13, v3;
	s7 =	simm.s32 $0x400;
	v5 =	vadd.f32 v15, v5;
	v13 =	vmul.f32 v62, v61  }
.LBB2_18:
0x219: {  	p0 =	sne.s32 s7, $0x3E00;
	v14 =	vld [tilespmem:s6+$0x14470]  }
0x21a: {  	v15 =	vld [tilespmem:s6+$0x8400];
	v0 =	vadd.f32 v13, v0;
	v8 =	vmul.f32 v9, v8  }
0x21b: {  	v9 =	vld [tilespmem:s6+$0x14400]  }
0x21c: {  	v13 =	vld [tilespmem:s6+$0x8410];
	v1 =	vadd.f32 v8, v1;
	v8 =	vmul.f32 v12, v10  }
0x21d: {  	v10 =	vld [tilespmem:s6+$0x14410]  }
0x21e: {  	v12 =	vld [tilespmem:s6+$0x8420];
	v11 =	vmul.f32 v14, v11;
	v2 =	vadd.f32 v8, v2  }
0x21f: {  	v8 =	vld [tilespmem:s6+$0x14420]  }
0x220: {  	v9 =	vmul.f32 v9, v15;
	v14 =	vld [tilespmem:s6+$0x8430];
	v6 =	vadd.f32 v11, v6  }
0x221: {  	v11 =	vld [tilespmem:s6+$0x14430]  }
0x222: {  	v7 =	vadd.f32 v9, v7;
	v9 =	vmul.f32 v10, v13;
	v13 =	vld [tilespmem:s6+$0x8440]  }
0x223: {  	v15 =	vld [tilespmem:s6+$0x14440]  }
.Ltmp8:
0x224: {  	v4 =	vadd.f32 v9, v4;
	v10 =	vmul.f32 v8, v12;
	v8 =	vld [tilespmem:s6+$0x8450];
	(pc) =	sbr.rel @p0 .LBB2_18-.Ltmp8, $4  }
0x225: {  	v9 =	vld [tilespmem:s6+$0x14450]  }
0x226: {  	v3 =	vadd.f32 v10, v3;
	v14 =	vmul.f32 v11, v14;
	v10 =	vld [tilespmem:s6+$0x8460]  }
0x227: {  	v12 =	vld [tilespmem:s6+$0x14460];
	s6 =	sshra.s32 s7, $0x2  }
0x228: {  	s7 =	sadd.s32 $0x200, s7;
	v11 =	vld [tilespmem:s6+$0x8470];
	v5 =	vadd.f32 v14, v5;
	v13 =	vmul.f32 v15, v13  }
0x229: {  	v14 =	vld [tilespmem:s6+$0x14470]  }
0x22a: {  	v15 =	vld [tilespmem:s6+$0x8400]  }
0x22b: {  	v16 =	vld [tilespmem:s6+$0x14400]  }
0x22c: {  	v17 =	vld [tilespmem:s6+$0x8410]  }
0x22d: {  	v18 =	vld [tilespmem:s6+$0x14410]  }
0x22e: {  	v19 =	vld [tilespmem:s6+$0x8420]  }
0x22f: {  	v20 =	vld [tilespmem:s6+$0x14420]  }
0x230: {  	v21 =	vld [tilespmem:s6+$0x8430]  }
0x231: {  	v22 =	vld [tilespmem:s6+$0x14430]  }
0x232: {  	v23 =	vld [tilespmem:s6+$0x8440]  }
0x233: {  	v24 =	vld [tilespmem:s6+$0x14440]  }
0x234: {  	v25 =	vld [tilespmem:s6+$0x8450]  }
0x235: {  	v26 =	vld [tilespmem:s6+$0x14450]  }
0x236: {  	v27 =	vld [tilespmem:s6+$0x8460]  }
0x237: {  	v28 =	vld [tilespmem:s6+$0x14460];
	s6 =	simm.s32 $0x3400;
	s7 =	simm.s32 $0x1E0  }
0x238: {  	[tilespmem:s6], [sflag:$0x4] =	stream.indirect.gather [hbm4b:s2+s10], $0x80, s7, s10, $0xb8;
	[tilespmem:$0x18480] =	vst v63  }
0x239: {  	s6 =	simm.s32 $0xF400;
	s7 =	simm.s32 $0x3E0  }
0x23a: {  	[tilespmem:s6], [sflag:$0x10] =	stream.indirect.gather [hbm4b:s2+s10], $0x80, s7, s10, $0xb8;
	[tilespmem:$0x18480] =	vst v63  }
0x23b: {  	_ =	swait.ge [sflag:s15], $0x1000  }
0x23c: {  	[sflag:s15] =	ssyncset.done $0x0  }
0x23d: {  	[sflag:s15] =	ssyncadd.s32 $0xFFFFF000  }
0x23e: {  	_ =	swait.ge [sflag:s17], $0x1000  }
0x23f: {  	[sflag:s17] =	ssyncset.done $0x0  }
0x240: {  	s7 =	simm.s32 $0x0;
	[sflag:s17] =	ssyncadd.s32 $0xFFFFF000  }
0x241: {  	v29 =	vld [tilespmem:s7+$0x9470]  }
0x242: {  	v30 =	vld [tilespmem:s7+$0x15470]  }
0x243: {  	v31 =	vld [tilespmem:s7+$0x9400]  }
0x244: {  	v32 =	vld [tilespmem:s7+$0x15400]  }
0x245: {  	v33 =	vld [tilespmem:s7+$0x9410]  }
0x246: {  	v8 =	vmul.f32 v9, v8;
	v9 =	vld [tilespmem:s7+$0x15410]  }
0x247: {  	v10 =	vmul.f32 v12, v10;
	v11 =	vmul.f32 v14, v11;
	v12 =	vld [tilespmem:s7+$0x9420]  }
0x248: {  	v0 =	vadd.f32 v13, v0;
	v1 =	vadd.f32 v8, v1;
	v8 =	vmul.f32 v16, v15;
	v13 =	vld [tilespmem:s7+$0x15420]  }
0x249: {  	v2 =	vadd.f32 v10, v2;
	v10 =	vmul.f32 v18, v17;
	v6 =	vadd.f32 v11, v6;
	v11 =	vld [tilespmem:s7+$0x9430]  }
0x24a: {  	v14 =	vmul.f32 v22, v21;
	v60 =	vmul.f32 v26, v25;
	v7 =	vadd.f32 v8, v7;
	v15 =	vld [tilespmem:s7+$0x15430]  }
0x24b: {  	v8 =	vmul.f32 v20, v19;
	v4 =	vadd.f32 v10, v4;
	v10 =	vmul.f32 v24, v23;
	v61 =	vld [tilespmem:s7+$0x9440]  }
0x24c: {  	v5 =	vadd.f32 v14, v5;
	v14 =	vmul.f32 v28, v27;
	v1 =	vadd.f32 v60, v1;
	v62 =	vld [tilespmem:s7+$0x15440]  }
0x24d: {  	v3 =	vadd.f32 v8, v3;
	v0 =	vadd.f32 v10, v0;
	v8 =	vld [tilespmem:s7+$0x9450];
	v10 =	vmul.f32 v30, v29  }
0x24e: {  	v2 =	vadd.f32 v14, v2;
	v14 =	vmul.f32 v32, v31;
	v63 =	vmul.f32 v9, v33;
	v9 =	vld [tilespmem:s7+$0x15450]  }
0x24f: {  	v13 =	vmul.f32 v13, v12;
	v15 =	vmul.f32 v15, v11;
	v12 =	vld [tilespmem:s7+$0x15460];
	v6 =	vadd.f32 v10, v6  }
0x250: {  	s6 =	simm.s32 $0x80;
	v10 =	vld [tilespmem:s7+$0x9460];
	v7 =	vadd.f32 v14, v7;
	v4 =	vadd.f32 v63, v4  }
0x251: {  	v11 =	vld [tilespmem:s6+$0x9470];
	v3 =	vadd.f32 v13, v3;
	s7 =	simm.s32 $0x400;
	v5 =	vadd.f32 v15, v5;
	v13 =	vmul.f32 v62, v61  }
.LBB2_20:
0x252: {  	p0 =	sne.s32 s7, $0x3E00;
	v14 =	vld [tilespmem:s6+$0x15470]  }
0x253: {  	v15 =	vld [tilespmem:s6+$0x9400];
	v0 =	vadd.f32 v13, v0;
	v8 =	vmul.f32 v9, v8  }
0x254: {  	v9 =	vld [tilespmem:s6+$0x15400]  }
0x255: {  	v13 =	vld [tilespmem:s6+$0x9410];
	v1 =	vadd.f32 v8, v1;
	v8 =	vmul.f32 v12, v10  }
0x256: {  	v10 =	vld [tilespmem:s6+$0x15410]  }
0x257: {  	v12 =	vld [tilespmem:s6+$0x9420];
	v11 =	vmul.f32 v14, v11;
	v2 =	vadd.f32 v8, v2  }
0x258: {  	v8 =	vld [tilespmem:s6+$0x15420]  }
0x259: {  	v9 =	vmul.f32 v9, v15;
	v14 =	vld [tilespmem:s6+$0x9430];
	v6 =	vadd.f32 v11, v6  }
0x25a: {  	v11 =	vld [tilespmem:s6+$0x15430]  }
0x25b: {  	v7 =	vadd.f32 v9, v7;
	v9 =	vmul.f32 v10, v13;
	v13 =	vld [tilespmem:s6+$0x9440]  }
0x25c: {  	v15 =	vld [tilespmem:s6+$0x15440]  }
.Ltmp9:
0x25d: {  	v4 =	vadd.f32 v9, v4;
	v10 =	vmul.f32 v8, v12;
	v8 =	vld [tilespmem:s6+$0x9450];
	(pc) =	sbr.rel @p0 .LBB2_20-.Ltmp9, $4  }
0x25e: {  	v9 =	vld [tilespmem:s6+$0x15450]  }
0x25f: {  	v3 =	vadd.f32 v10, v3;
	v14 =	vmul.f32 v11, v14;
	v10 =	vld [tilespmem:s6+$0x9460]  }
0x260: {  	v12 =	vld [tilespmem:s6+$0x15460];
	s6 =	sshra.s32 s7, $0x2  }
0x261: {  	s7 =	sadd.s32 $0x200, s7;
	v11 =	vld [tilespmem:s6+$0x9470];
	v5 =	vadd.f32 v14, v5;
	v13 =	vmul.f32 v15, v13  }
0x262: {  	v14 =	vld [tilespmem:s6+$0x15470]  }
0x263: {  	v15 =	vld [tilespmem:s6+$0x9400]  }
0x264: {  	v16 =	vld [tilespmem:s6+$0x15400]  }
0x265: {  	v17 =	vld [tilespmem:s6+$0x9410]  }
0x266: {  	v18 =	vld [tilespmem:s6+$0x15410]  }
0x267: {  	v19 =	vld [tilespmem:s6+$0x9420]  }
0x268: {  	v20 =	vld [tilespmem:s6+$0x15420]  }
0x269: {  	v21 =	vld [tilespmem:s6+$0x9430]  }
0x26a: {  	v22 =	vld [tilespmem:s6+$0x15430]  }
0x26b: {  	v23 =	vld [tilespmem:s6+$0x9440]  }
0x26c: {  	v24 =	vld [tilespmem:s6+$0x15440]  }
0x26d: {  	v25 =	vld [tilespmem:s6+$0x9450]  }
0x26e: {  	v26 =	vld [tilespmem:s6+$0x15450]  }
0x26f: {  	v27 =	vld [tilespmem:s6+$0x9460]  }
0x270: {  	v28 =	vld [tilespmem:s6+$0x15460];
	_ =	swait.ge [sflag:s19], $0x1000  }
0x271: {  	[sflag:s19] =	ssyncset.done $0x0  }
0x272: {  	[sflag:s19] =	ssyncadd.s32 $0xFFFFF000  }
0x273: {  	_ =	swait.ge [sflag:s21], $0x1000  }
0x274: {  	[sflag:s21] =	ssyncset.done $0x0  }
0x275: {  	s7 =	simm.s32 $0x0;
	[sflag:s21] =	ssyncadd.s32 $0xFFFFF000  }
0x276: {  	v29 =	vld [tilespmem:s7+$0xA470]  }
0x277: {  	v30 =	vld [tilespmem:s7+$0x16470]  }
0x278: {  	v31 =	vld [tilespmem:s7+$0xA400]  }
0x279: {  	v32 =	vld [tilespmem:s7+$0x16400]  }
0x27a: {  	v33 =	vld [tilespmem:s7+$0xA410]  }
0x27b: {  	v8 =	vmul.f32 v9, v8;
	v9 =	vld [tilespmem:s7+$0x16410]  }
0x27c: {  	v0 =	vadd.f32 v13, v0;
	v10 =	vmul.f32 v12, v10;
	v12 =	vld [tilespmem:s7+$0xA420]  }
0x27d: {  	v1 =	vadd.f32 v8, v1;
	v11 =	vmul.f32 v14, v11;
	v8 =	vmul.f32 v16, v15;
	v13 =	vld [tilespmem:s7+$0x16420]  }
0x27e: {  	v2 =	vadd.f32 v10, v2;
	v10 =	vmul.f32 v18, v17;
	v14 =	vmul.f32 v22, v21;
	v15 =	vld [tilespmem:s7+$0x16430]  }
0x27f: {  	v60 =	vmul.f32 v26, v25;
	v6 =	vadd.f32 v11, v6;
	v11 =	vld [tilespmem:s7+$0xA430];
	v7 =	vadd.f32 v8, v7  }
0x280: {  	v61 =	vld [tilespmem:s7+$0xA440];
	v8 =	vmul.f32 v20, v19;
	v4 =	vadd.f32 v10, v4;
	v10 =	vmul.f32 v24, v23  }
0x281: {  	v62 =	vld [tilespmem:s7+$0x16440];
	v5 =	vadd.f32 v14, v5;
	v14 =	vmul.f32 v28, v27;
	v1 =	vadd.f32 v60, v1  }
0x282: {  	v3 =	vadd.f32 v8, v3;
	v0 =	vadd.f32 v10, v0;
	v8 =	vld [tilespmem:s7+$0xA450];
	v10 =	vmul.f32 v30, v29  }
0x283: {  	v2 =	vadd.f32 v14, v2;
	v14 =	vmul.f32 v32, v31;
	v63 =	vmul.f32 v9, v33;
	v9 =	vld [tilespmem:s7+$0x16450]  }
0x284: {  	v13 =	vmul.f32 v13, v12;
	v12 =	vld [tilespmem:s7+$0x16460];
	v15 =	vmul.f32 v15, v11;
	v6 =	vadd.f32 v10, v6  }
0x285: {  	s6 =	simm.s32 $0x80;
	v10 =	vld [tilespmem:s7+$0xA460];
	v7 =	vadd.f32 v14, v7;
	v4 =	vadd.f32 v63, v4  }
0x286: {  	v11 =	vld [tilespmem:s6+$0xA470];
	v3 =	vadd.f32 v13, v3;
	s7 =	simm.s32 $0x400;
	v13 =	vmul.f32 v62, v61;
	v5 =	vadd.f32 v15, v5  }
.LBB2_22:
0x287: {  	p0 =	sne.s32 s7, $0x3E00;
	v14 =	vld [tilespmem:s6+$0x16470]  }
0x288: {  	v15 =	vld [tilespmem:s6+$0xA400];
	v0 =	vadd.f32 v13, v0;
	v8 =	vmul.f32 v9, v8  }
0x289: {  	v9 =	vld [tilespmem:s6+$0x16400]  }
0x28a: {  	v13 =	vld [tilespmem:s6+$0xA410];
	v1 =	vadd.f32 v8, v1;
	v8 =	vmul.f32 v12, v10  }
0x28b: {  	v10 =	vld [tilespmem:s6+$0x16410]  }
0x28c: {  	v12 =	vld [tilespmem:s6+$0xA420];
	v11 =	vmul.f32 v14, v11;
	v2 =	vadd.f32 v8, v2  }
0x28d: {  	v8 =	vld [tilespmem:s6+$0x16420]  }
0x28e: {  	v9 =	vmul.f32 v9, v15;
	v14 =	vld [tilespmem:s6+$0xA430];
	v6 =	vadd.f32 v11, v6  }
0x28f: {  	v11 =	vld [tilespmem:s6+$0x16430]  }
0x290: {  	v7 =	vadd.f32 v9, v7;
	v9 =	vmul.f32 v10, v13;
	v13 =	vld [tilespmem:s6+$0xA440]  }
0x291: {  	v15 =	vld [tilespmem:s6+$0x16440]  }
.Ltmp10:
0x292: {  	v4 =	vadd.f32 v9, v4;
	v10 =	vmul.f32 v8, v12;
	v8 =	vld [tilespmem:s6+$0xA450];
	(pc) =	sbr.rel @p0 .LBB2_22-.Ltmp10, $4  }
0x293: {  	v9 =	vld [tilespmem:s6+$0x16450]  }
0x294: {  	v3 =	vadd.f32 v10, v3;
	v14 =	vmul.f32 v11, v14;
	v10 =	vld [tilespmem:s6+$0xA460]  }
0x295: {  	v12 =	vld [tilespmem:s6+$0x16460];
	s6 =	sshra.s32 s7, $0x2  }
0x296: {  	s7 =	sadd.s32 $0x200, s7;
	v11 =	vld [tilespmem:s6+$0xA470];
	v5 =	vadd.f32 v14, v5;
	v13 =	vmul.f32 v15, v13  }
0x297: {  	v14 =	vld [tilespmem:s6+$0x16470]  }
0x298: {  	v15 =	vld [tilespmem:s6+$0xA400]  }
0x299: {  	v16 =	vld [tilespmem:s6+$0x16400]  }
0x29a: {  	v17 =	vld [tilespmem:s6+$0xA410]  }
0x29b: {  	v18 =	vld [tilespmem:s6+$0x16410]  }
0x29c: {  	v19 =	vld [tilespmem:s6+$0xA420]  }
0x29d: {  	v20 =	vld [tilespmem:s6+$0x16420]  }
0x29e: {  	v21 =	vld [tilespmem:s6+$0xA430]  }
0x29f: {  	v22 =	vld [tilespmem:s6+$0x16430]  }
0x2a0: {  	v23 =	vld [tilespmem:s6+$0xA440]  }
0x2a1: {  	v24 =	vld [tilespmem:s6+$0x16440]  }
0x2a2: {  	v25 =	vld [tilespmem:s6+$0xA450]  }
0x2a3: {  	v26 =	vld [tilespmem:s6+$0x16450]  }
0x2a4: {  	v27 =	vld [tilespmem:s6+$0xA460]  }
0x2a5: {  	v28 =	vld [tilespmem:s6+$0x16460];
	_ =	swait.ge [sflag:s23], $0x1000  }
0x2a6: {  	[sflag:s23] =	ssyncset.done $0x0  }
0x2a7: {  	[sflag:s23] =	ssyncadd.s32 $0xFFFFF000  }
0x2a8: {  	_ =	swait.ge [sflag:s4], $0x1000  }
0x2a9: {  	[sflag:s4] =	ssyncset.done $0x0  }
0x2aa: {  	s7 =	simm.s32 $0x0;
	[sflag:s4] =	ssyncadd.s32 $0xFFFFF000  }
0x2ab: {  	v29 =	vld [tilespmem:s7+$0xB470]  }
0x2ac: {  	v30 =	vld [tilespmem:s7+$0x17470]  }
0x2ad: {  	v31 =	vld [tilespmem:s7+$0xB400]  }
0x2ae: {  	v32 =	vld [tilespmem:s7+$0x17400]  }
0x2af: {  	v33 =	vld [tilespmem:s7+$0xB410]  }
0x2b0: {  	v8 =	vmul.f32 v9, v8;
	v9 =	vld [tilespmem:s7+$0x17410]  }
0x2b1: {  	v0 =	vadd.f32 v13, v0;
	v10 =	vmul.f32 v12, v10;
	v12 =	vld [tilespmem:s7+$0xB420]  }
0x2b2: {  	v1 =	vadd.f32 v8, v1;
	v11 =	vmul.f32 v14, v11;
	v8 =	vmul.f32 v16, v15;
	v13 =	vld [tilespmem:s7+$0x17420]  }
0x2b3: {  	v2 =	vadd.f32 v10, v2;
	v10 =	vmul.f32 v18, v17;
	v14 =	vmul.f32 v22, v21;
	v15 =	vld [tilespmem:s7+$0x17430]  }
0x2b4: {  	v60 =	vmul.f32 v26, v25;
	v6 =	vadd.f32 v11, v6;
	v11 =	vld [tilespmem:s7+$0xB430];
	v7 =	vadd.f32 v8, v7  }
0x2b5: {  	v61 =	vld [tilespmem:s7+$0xB440];
	v8 =	vmul.f32 v20, v19;
	v4 =	vadd.f32 v10, v4;
	v10 =	vmul.f32 v24, v23  }
0x2b6: {  	v62 =	vld [tilespmem:s7+$0x17440];
	v5 =	vadd.f32 v14, v5;
	v14 =	vmul.f32 v28, v27;
	v1 =	vadd.f32 v60, v1  }
0x2b7: {  	v3 =	vadd.f32 v8, v3;
	v0 =	vadd.f32 v10, v0;
	v8 =	vld [tilespmem:s7+$0xB450];
	v10 =	vmul.f32 v30, v29  }
0x2b8: {  	v2 =	vadd.f32 v14, v2;
	v14 =	vmul.f32 v32, v31;
	v63 =	vmul.f32 v9, v33;
	v9 =	vld [tilespmem:s7+$0x17450]  }
0x2b9: {  	v13 =	vmul.f32 v13, v12;
	v12 =	vld [tilespmem:s7+$0x17460];
	v15 =	vmul.f32 v15, v11;
	v6 =	vadd.f32 v10, v6  }
0x2ba: {  	s6 =	simm.s32 $0x80;
	v10 =	vld [tilespmem:s7+$0xB460];
	v7 =	vadd.f32 v14, v7;
	v4 =	vadd.f32 v63, v4  }
0x2bb: {  	v11 =	vld [tilespmem:s6+$0xB470];
	v3 =	vadd.f32 v13, v3;
	s7 =	simm.s32 $0x400;
	v13 =	vmul.f32 v62, v61;
	v5 =	vadd.f32 v15, v5  }
.LBB2_24:
0x2bc: {  	p0 =	sne.s32 s7, $0x3E00;
	v14 =	vld [tilespmem:s6+$0x17470]  }
0x2bd: {  	v15 =	vld [tilespmem:s6+$0xB400];
	v0 =	vadd.f32 v13, v0;
	v8 =	vmul.f32 v9, v8  }
0x2be: {  	v9 =	vld [tilespmem:s6+$0x17400]  }
0x2bf: {  	v13 =	vld [tilespmem:s6+$0xB410];
	v1 =	vadd.f32 v8, v1;
	v8 =	vmul.f32 v12, v10  }
0x2c0: {  	v10 =	vld [tilespmem:s6+$0x17410]  }
0x2c1: {  	v12 =	vld [tilespmem:s6+$0xB420];
	v11 =	vmul.f32 v14, v11;
	v2 =	vadd.f32 v8, v2  }
0x2c2: {  	v8 =	vld [tilespmem:s6+$0x17420]  }
0x2c3: {  	v9 =	vmul.f32 v9, v15;
	v14 =	vld [tilespmem:s6+$0xB430];
	v6 =	vadd.f32 v11, v6  }
0x2c4: {  	v11 =	vld [tilespmem:s6+$0x17430]  }
0x2c5: {  	v7 =	vadd.f32 v9, v7;
	v9 =	vmul.f32 v10, v13;
	v13 =	vld [tilespmem:s6+$0xB440]  }
0x2c6: {  	v15 =	vld [tilespmem:s6+$0x17440]  }
.Ltmp11:
0x2c7: {  	v4 =	vadd.f32 v9, v4;
	v10 =	vmul.f32 v8, v12;
	v8 =	vld [tilespmem:s6+$0xB450];
	(pc) =	sbr.rel @p0 .LBB2_24-.Ltmp11, $4  }
0x2c8: {  	v9 =	vld [tilespmem:s6+$0x17450]  }
0x2c9: {  	v3 =	vadd.f32 v10, v3;
	v14 =	vmul.f32 v11, v14;
	v10 =	vld [tilespmem:s6+$0xB460]  }
0x2ca: {  	v12 =	vld [tilespmem:s6+$0x17460];
	s6 =	sshra.s32 s7, $0x2  }
0x2cb: {  	s7 =	sadd.s32 $0x200, s7;
	v11 =	vld [tilespmem:s6+$0xB470];
	v5 =	vadd.f32 v14, v5;
	v13 =	vmul.f32 v15, v13  }
0x2cc: {  	v14 =	vld [tilespmem:s6+$0x17470]  }
0x2cd: {  	v15 =	vld [tilespmem:s6+$0xB400]  }
0x2ce: {  	v16 =	vld [tilespmem:s6+$0x17400]  }
0x2cf: {  	v17 =	vld [tilespmem:s6+$0xB410]  }
0x2d0: {  	v18 =	vld [tilespmem:s6+$0x17410]  }
0x2d1: {  	v19 =	vld [tilespmem:s6+$0xB420]  }
0x2d2: {  	v20 =	vld [tilespmem:s6+$0x17420]  }
0x2d3: {  	v21 =	vld [tilespmem:s6+$0xB430]  }
0x2d4: {  	v22 =	vld [tilespmem:s6+$0x17430]  }
0x2d5: {  	v23 =	vld [tilespmem:s6+$0xB440]  }
0x2d6: {  	v24 =	vld [tilespmem:s6+$0x17440]  }
0x2d7: {  	v25 =	vld [tilespmem:s6+$0xB450]  }
0x2d8: {  	v26 =	vld [tilespmem:s6+$0x17450]  }
0x2d9: {  	v27 =	vld [tilespmem:s6+$0xB460]  }
0x2da: {  	v28 =	vld [tilespmem:s6+$0x17460];
	_ =	swait.ge [sflag:s20], $0x1000  }
0x2db: {  	[sflag:s20] =	ssyncset.done $0x0  }
0x2dc: {  	[sflag:s20] =	ssyncadd.s32 $0xFFFFF000  }
0x2dd: {  	_ =	swait.ge [sflag:s22], $0x1000  }
0x2de: {  	[sflag:s22] =	ssyncset.done $0x0  }
0x2df: {  	s7 =	simm.s32 $0x0;
	[sflag:s22] =	ssyncadd.s32 $0xFFFFF000  }
0x2e0: {  	v29 =	vld [tilespmem:s7+$0x470]  }
0x2e1: {  	v30 =	vld [tilespmem:s7+$0xC470]  }
0x2e2: {  	v31 =	vld [tilespmem:s7+$0x400]  }
0x2e3: {  	v32 =	vld [tilespmem:s7+$0xC400]  }
0x2e4: {  	v33 =	vld [tilespmem:s7+$0x410]  }
0x2e5: {  	v8 =	vmul.f32 v9, v8;
	v9 =	vld [tilespmem:s7+$0xC410]  }
0x2e6: {  	v0 =	vadd.f32 v13, v0;
	v10 =	vmul.f32 v12, v10;
	v12 =	vld [tilespmem:s7+$0x420]  }
0x2e7: {  	v1 =	vadd.f32 v8, v1;
	v11 =	vmul.f32 v14, v11;
	v8 =	vmul.f32 v16, v15;
	v13 =	vld [tilespmem:s7+$0xC420]  }
0x2e8: {  	v2 =	vadd.f32 v10, v2;
	v10 =	vmul.f32 v18, v17;
	v14 =	vmul.f32 v22, v21;
	v15 =	vld [tilespmem:s7+$0xC430]  }
0x2e9: {  	v60 =	vmul.f32 v26, v25;
	v6 =	vadd.f32 v11, v6;
	v11 =	vld [tilespmem:s7+$0x430];
	v7 =	vadd.f32 v8, v7  }
0x2ea: {  	v61 =	vld [tilespmem:s7+$0x440];
	v8 =	vmul.f32 v20, v19;
	v4 =	vadd.f32 v10, v4;
	v10 =	vmul.f32 v24, v23  }
0x2eb: {  	v62 =	vld [tilespmem:s7+$0xC440];
	v5 =	vadd.f32 v14, v5;
	v14 =	vmul.f32 v28, v27;
	v1 =	vadd.f32 v60, v1  }
0x2ec: {  	v3 =	vadd.f32 v8, v3;
	v0 =	vadd.f32 v10, v0;
	v8 =	vld [tilespmem:s7+$0x450];
	v10 =	vmul.f32 v30, v29  }
0x2ed: {  	v2 =	vadd.f32 v14, v2;
	v14 =	vmul.f32 v32, v31;
	v63 =	vmul.f32 v9, v33;
	v9 =	vld [tilespmem:s7+$0xC450]  }
0x2ee: {  	v13 =	vmul.f32 v13, v12;
	v12 =	vld [tilespmem:s7+$0xC460];
	v15 =	vmul.f32 v15, v11;
	v6 =	vadd.f32 v10, v6  }
0x2ef: {  	s6 =	simm.s32 $0x80;
	v10 =	vld [tilespmem:s7+$0x460];
	v7 =	vadd.f32 v14, v7;
	v4 =	vadd.f32 v63, v4  }
0x2f0: {  	v11 =	vld [tilespmem:s6+$0x470];
	v3 =	vadd.f32 v13, v3;
	s7 =	simm.s32 $0x400;
	v13 =	vmul.f32 v62, v61;
	v5 =	vadd.f32 v15, v5  }
.LBB2_26:
0x2f1: {  	p0 =	sne.s32 s7, $0x3E00;
	v14 =	vld [tilespmem:s6+$0xC470]  }
0x2f2: {  	v15 =	vld [tilespmem:s6+$0x400];
	v0 =	vadd.f32 v13, v0;
	v8 =	vmul.f32 v9, v8  }
0x2f3: {  	v9 =	vld [tilespmem:s6+$0xC400]  }
0x2f4: {  	v13 =	vld [tilespmem:s6+$0x410];
	v1 =	vadd.f32 v8, v1;
	v8 =	vmul.f32 v12, v10  }
0x2f5: {  	v10 =	vld [tilespmem:s6+$0xC410]  }
0x2f6: {  	v12 =	vld [tilespmem:s6+$0x420];
	v11 =	vmul.f32 v14, v11;
	v2 =	vadd.f32 v8, v2  }
0x2f7: {  	v8 =	vld [tilespmem:s6+$0xC420]  }
0x2f8: {  	v9 =	vmul.f32 v9, v15;
	v14 =	vld [tilespmem:s6+$0x430];
	v6 =	vadd.f32 v11, v6  }
0x2f9: {  	v11 =	vld [tilespmem:s6+$0xC430]  }
0x2fa: {  	v7 =	vadd.f32 v9, v7;
	v9 =	vmul.f32 v10, v13;
	v13 =	vld [tilespmem:s6+$0x440]  }
0x2fb: {  	v15 =	vld [tilespmem:s6+$0xC440]  }
.Ltmp12:
0x2fc: {  	v4 =	vadd.f32 v9, v4;
	v10 =	vmul.f32 v8, v12;
	v8 =	vld [tilespmem:s6+$0x450];
	(pc) =	sbr.rel @p0 .LBB2_26-.Ltmp12, $4  }
0x2fd: {  	v9 =	vld [tilespmem:s6+$0xC450]  }
0x2fe: {  	v3 =	vadd.f32 v10, v3;
	v14 =	vmul.f32 v11, v14;
	v10 =	vld [tilespmem:s6+$0x460]  }
0x2ff: {  	v12 =	vld [tilespmem:s6+$0xC460];
	s6 =	sshra.s32 s7, $0x2  }
0x300: {  	s7 =	sadd.s32 $0x200, s7;
	v11 =	vld [tilespmem:s6+$0x470];
	v5 =	vadd.f32 v14, v5;
	v13 =	vmul.f32 v15, v13  }
0x301: {  	v14 =	vld [tilespmem:s6+$0xC470]  }
0x302: {  	v15 =	vld [tilespmem:s6+$0x400]  }
0x303: {  	v16 =	vld [tilespmem:s6+$0xC400]  }
0x304: {  	v17 =	vld [tilespmem:s6+$0x410]  }
0x305: {  	v18 =	vld [tilespmem:s6+$0xC410]  }
0x306: {  	v19 =	vld [tilespmem:s6+$0x420]  }
0x307: {  	v20 =	vld [tilespmem:s6+$0xC420]  }
0x308: {  	v21 =	vld [tilespmem:s6+$0x430]  }
0x309: {  	v22 =	vld [tilespmem:s6+$0xC430]  }
0x30a: {  	v23 =	vld [tilespmem:s6+$0x440]  }
0x30b: {  	v24 =	vld [tilespmem:s6+$0xC440]  }
0x30c: {  	v25 =	vld [tilespmem:s6+$0x450]  }
0x30d: {  	v26 =	vld [tilespmem:s6+$0xC450]  }
0x30e: {  	v27 =	vld [tilespmem:s6+$0x460]  }
0x30f: {  	v28 =	vld [tilespmem:s6+$0xC460];
	_ =	swait.ge [sflag:s29], $0x1000  }
0x310: {  	[sflag:s29] =	ssyncset.done $0x0  }
0x311: {  	[sflag:s29] =	ssyncadd.s32 $0xFFFFF000  }
0x312: {  	_ =	swait.ge [sflag:s30], $0x1000  }
0x313: {  	[sflag:s30] =	ssyncset.done $0x0  }
0x314: {  	s7 =	simm.s32 $0x0;
	[sflag:s30] =	ssyncadd.s32 $0xFFFFF000  }
0x315: {  	v29 =	vld [tilespmem:s7+$0x1470]  }
0x316: {  	v30 =	vld [tilespmem:s7+$0xD470]  }
0x317: {  	v31 =	vld [tilespmem:s7+$0x1400]  }
0x318: {  	v32 =	vld [tilespmem:s7+$0xD400]  }
0x319: {  	v33 =	vld [tilespmem:s7+$0x1410]  }
0x31a: {  	v8 =	vmul.f32 v9, v8;
	v9 =	vld [tilespmem:s7+$0xD410]  }
0x31b: {  	v0 =	vadd.f32 v13, v0;
	v10 =	vmul.f32 v12, v10;
	v12 =	vld [tilespmem:s7+$0x1420]  }
0x31c: {  	v1 =	vadd.f32 v8, v1;
	v11 =	vmul.f32 v14, v11;
	v8 =	vmul.f32 v16, v15;
	v13 =	vld [tilespmem:s7+$0xD420]  }
0x31d: {  	v2 =	vadd.f32 v10, v2;
	v10 =	vmul.f32 v18, v17;
	v14 =	vmul.f32 v22, v21;
	v15 =	vld [tilespmem:s7+$0xD430]  }
0x31e: {  	v60 =	vmul.f32 v26, v25;
	v6 =	vadd.f32 v11, v6;
	v11 =	vld [tilespmem:s7+$0x1430];
	v7 =	vadd.f32 v8, v7  }
0x31f: {  	v61 =	vld [tilespmem:s7+$0x1440];
	v8 =	vmul.f32 v20, v19;
	v4 =	vadd.f32 v10, v4;
	v10 =	vmul.f32 v24, v23  }
0x320: {  	v62 =	vld [tilespmem:s7+$0xD440];
	v5 =	vadd.f32 v14, v5;
	v14 =	vmul.f32 v28, v27;
	v1 =	vadd.f32 v60, v1  }
0x321: {  	v3 =	vadd.f32 v8, v3;
	v0 =	vadd.f32 v10, v0;
	v8 =	vld [tilespmem:s7+$0x1450];
	v10 =	vmul.f32 v30, v29  }
0x322: {  	v2 =	vadd.f32 v14, v2;
	v14 =	vmul.f32 v32, v31;
	v63 =	vmul.f32 v9, v33;
	v9 =	vld [tilespmem:s7+$0xD450]  }
0x323: {  	v13 =	vmul.f32 v13, v12;
	v12 =	vld [tilespmem:s7+$0xD460];
	v15 =	vmul.f32 v15, v11;
	v6 =	vadd.f32 v10, v6  }
0x324: {  	s6 =	simm.s32 $0x80;
	v10 =	vld [tilespmem:s7+$0x1460];
	v7 =	vadd.f32 v14, v7;
	v4 =	vadd.f32 v63, v4  }
0x325: {  	v11 =	vld [tilespmem:s6+$0x1470];
	v3 =	vadd.f32 v13, v3;
	s7 =	simm.s32 $0x400;
	v13 =	vmul.f32 v62, v61;
	v5 =	vadd.f32 v15, v5  }
.LBB2_28:
0x326: {  	p0 =	sne.s32 s7, $0x3E00;
	v14 =	vld [tilespmem:s6+$0xD470]  }
0x327: {  	v15 =	vld [tilespmem:s6+$0x1400];
	v0 =	vadd.f32 v13, v0;
	v8 =	vmul.f32 v9, v8  }
0x328: {  	v9 =	vld [tilespmem:s6+$0xD400]  }
0x329: {  	v13 =	vld [tilespmem:s6+$0x1410];
	v1 =	vadd.f32 v8, v1;
	v8 =	vmul.f32 v12, v10  }
0x32a: {  	v10 =	vld [tilespmem:s6+$0xD410]  }
0x32b: {  	v12 =	vld [tilespmem:s6+$0x1420];
	v11 =	vmul.f32 v14, v11;
	v2 =	vadd.f32 v8, v2  }
0x32c: {  	v8 =	vld [tilespmem:s6+$0xD420]  }
0x32d: {  	v9 =	vmul.f32 v9, v15;
	v14 =	vld [tilespmem:s6+$0x1430];
	v6 =	vadd.f32 v11, v6  }
0x32e: {  	v11 =	vld [tilespmem:s6+$0xD430]  }
0x32f: {  	v7 =	vadd.f32 v9, v7;
	v9 =	vmul.f32 v10, v13;
	v13 =	vld [tilespmem:s6+$0x1440]  }
0x330: {  	v15 =	vld [tilespmem:s6+$0xD440]  }
.Ltmp13:
0x331: {  	v4 =	vadd.f32 v9, v4;
	v10 =	vmul.f32 v8, v12;
	v8 =	vld [tilespmem:s6+$0x1450];
	(pc) =	sbr.rel @p0 .LBB2_28-.Ltmp13, $4  }
0x332: {  	v9 =	vld [tilespmem:s6+$0xD450]  }
0x333: {  	v3 =	vadd.f32 v10, v3;
	v14 =	vmul.f32 v11, v14;
	v10 =	vld [tilespmem:s6+$0x1460]  }
0x334: {  	v12 =	vld [tilespmem:s6+$0xD460];
	s6 =	sshra.s32 s7, $0x2  }
0x335: {  	s7 =	sadd.s32 $0x200, s7;
	v11 =	vld [tilespmem:s6+$0x1470];
	v5 =	vadd.f32 v14, v5;
	v13 =	vmul.f32 v15, v13  }
0x336: {  	v14 =	vld [tilespmem:s6+$0xD470]  }
0x337: {  	v15 =	vld [tilespmem:s6+$0x1400]  }
0x338: {  	v16 =	vld [tilespmem:s6+$0xD400]  }
0x339: {  	v17 =	vld [tilespmem:s6+$0x1410]  }
0x33a: {  	v18 =	vld [tilespmem:s6+$0xD410]  }
0x33b: {  	v19 =	vld [tilespmem:s6+$0x1420]  }
0x33c: {  	v20 =	vld [tilespmem:s6+$0xD420]  }
0x33d: {  	v21 =	vld [tilespmem:s6+$0x1430]  }
0x33e: {  	v22 =	vld [tilespmem:s6+$0xD430]  }
0x33f: {  	v23 =	vld [tilespmem:s6+$0x1440]  }
0x340: {  	v24 =	vld [tilespmem:s6+$0xD440]  }
0x341: {  	v25 =	vld [tilespmem:s6+$0x1450]  }
0x342: {  	v26 =	vld [tilespmem:s6+$0xD450]  }
0x343: {  	v27 =	vld [tilespmem:s6+$0x1460]  }
0x344: {  	v28 =	vld [tilespmem:s6+$0xD460];
	_ =	swait.ge [sflag:s16], $0x1000  }
0x345: {  	[sflag:s16] =	ssyncset.done $0x0  }
0x346: {  	[sflag:s16] =	ssyncadd.s32 $0xFFFFF000  }
0x347: {  	_ =	swait.ge [sflag:s18], $0x1000  }
0x348: {  	[sflag:s18] =	ssyncset.done $0x0  }
0x349: {  	s7 =	simm.s32 $0x0;
	[sflag:s18] =	ssyncadd.s32 $0xFFFFF000  }
0x34a: {  	v29 =	vld [tilespmem:s7+$0x2470]  }
0x34b: {  	v30 =	vld [tilespmem:s7+$0xE470]  }
0x34c: {  	v31 =	vld [tilespmem:s7+$0x2400]  }
0x34d: {  	v32 =	vld [tilespmem:s7+$0xE400]  }
0x34e: {  	v33 =	vld [tilespmem:s7+$0x2410]  }
0x34f: {  	v8 =	vmul.f32 v9, v8;
	v9 =	vld [tilespmem:s7+$0xE410]  }
0x350: {  	v0 =	vadd.f32 v13, v0;
	v10 =	vmul.f32 v12, v10;
	v12 =	vld [tilespmem:s7+$0x2420]  }
0x351: {  	v1 =	vadd.f32 v8, v1;
	v11 =	vmul.f32 v14, v11;
	v8 =	vmul.f32 v16, v15;
	v13 =	vld [tilespmem:s7+$0xE420]  }
0x352: {  	v2 =	vadd.f32 v10, v2;
	v10 =	vmul.f32 v18, v17;
	v14 =	vmul.f32 v22, v21;
	v15 =	vld [tilespmem:s7+$0xE430]  }
0x353: {  	v60 =	vmul.f32 v26, v25;
	v6 =	vadd.f32 v11, v6;
	v11 =	vld [tilespmem:s7+$0x2430];
	v7 =	vadd.f32 v8, v7  }
0x354: {  	v61 =	vld [tilespmem:s7+$0x2440];
	v8 =	vmul.f32 v20, v19;
	v4 =	vadd.f32 v10, v4;
	v10 =	vmul.f32 v24, v23  }
0x355: {  	v62 =	vld [tilespmem:s7+$0xE440];
	v5 =	vadd.f32 v14, v5;
	v14 =	vmul.f32 v28, v27;
	v1 =	vadd.f32 v60, v1  }
0x356: {  	v3 =	vadd.f32 v8, v3;
	v0 =	vadd.f32 v10, v0;
	v8 =	vld [tilespmem:s7+$0x2450];
	v10 =	vmul.f32 v30, v29  }
0x357: {  	v2 =	vadd.f32 v14, v2;
	v14 =	vmul.f32 v32, v31;
	v63 =	vmul.f32 v9, v33;
	v9 =	vld [tilespmem:s7+$0xE450]  }
0x358: {  	v13 =	vmul.f32 v13, v12;
	v12 =	vld [tilespmem:s7+$0xE460];
	v15 =	vmul.f32 v15, v11;
	v6 =	vadd.f32 v10, v6  }
0x359: {  	s6 =	simm.s32 $0x80;
	v10 =	vld [tilespmem:s7+$0x2460];
	v7 =	vadd.f32 v14, v7;
	v4 =	vadd.f32 v63, v4  }
0x35a: {  	v11 =	vld [tilespmem:s6+$0x2470];
	v3 =	vadd.f32 v13, v3;
	s7 =	simm.s32 $0x400;
	v13 =	vmul.f32 v62, v61;
	v5 =	vadd.f32 v15, v5  }
.LBB2_30:
0x35b: {  	p0 =	sne.s32 s7, $0x3E00;
	v14 =	vld [tilespmem:s6+$0xE470]  }
0x35c: {  	v15 =	vld [tilespmem:s6+$0x2400];
	v0 =	vadd.f32 v13, v0;
	v8 =	vmul.f32 v9, v8  }
0x35d: {  	v9 =	vld [tilespmem:s6+$0xE400]  }
0x35e: {  	v13 =	vld [tilespmem:s6+$0x2410];
	v1 =	vadd.f32 v8, v1;
	v8 =	vmul.f32 v12, v10  }
0x35f: {  	v10 =	vld [tilespmem:s6+$0xE410]  }
0x360: {  	v12 =	vld [tilespmem:s6+$0x2420];
	v11 =	vmul.f32 v14, v11;
	v2 =	vadd.f32 v8, v2  }
0x361: {  	v8 =	vld [tilespmem:s6+$0xE420]  }
0x362: {  	v9 =	vmul.f32 v9, v15;
	v14 =	vld [tilespmem:s6+$0x2430];
	v6 =	vadd.f32 v11, v6  }
0x363: {  	v11 =	vld [tilespmem:s6+$0xE430]  }
0x364: {  	v7 =	vadd.f32 v9, v7;
	v9 =	vmul.f32 v10, v13;
	v13 =	vld [tilespmem:s6+$0x2440]  }
0x365: {  	v15 =	vld [tilespmem:s6+$0xE440]  }
.Ltmp14:
0x366: {  	v4 =	vadd.f32 v9, v4;
	v10 =	vmul.f32 v8, v12;
	v8 =	vld [tilespmem:s6+$0x2450];
	(pc) =	sbr.rel @p0 .LBB2_30-.Ltmp14, $4  }
0x367: {  	v9 =	vld [tilespmem:s6+$0xE450]  }
0x368: {  	v3 =	vadd.f32 v10, v3;
	v14 =	vmul.f32 v11, v14;
	v10 =	vld [tilespmem:s6+$0x2460]  }
0x369: {  	v12 =	vld [tilespmem:s6+$0xE460];
	s6 =	sshra.s32 s7, $0x2  }
0x36a: {  	s7 =	sadd.s32 $0x200, s7;
	v11 =	vld [tilespmem:s6+$0x2470];
	v5 =	vadd.f32 v14, v5;
	v13 =	vmul.f32 v15, v13  }
0x36b: {  	v14 =	vld [tilespmem:s6+$0xE470]  }
0x36c: {  	v15 =	vld [tilespmem:s6+$0x2400]  }
0x36d: {  	v16 =	vld [tilespmem:s6+$0xE400]  }
0x36e: {  	v17 =	vld [tilespmem:s6+$0x2410]  }
0x36f: {  	v18 =	vld [tilespmem:s6+$0xE410]  }
0x370: {  	v19 =	vld [tilespmem:s6+$0x2420]  }
0x371: {  	v20 =	vld [tilespmem:s6+$0xE420]  }
0x372: {  	v21 =	vld [tilespmem:s6+$0x2430]  }
0x373: {  	v22 =	vld [tilespmem:s6+$0xE430]  }
0x374: {  	v23 =	vld [tilespmem:s6+$0x2440]  }
0x375: {  	v24 =	vld [tilespmem:s6+$0xE440]  }
0x376: {  	v25 =	vld [tilespmem:s6+$0x2450]  }
0x377: {  	v26 =	vld [tilespmem:s6+$0xE450]  }
0x378: {  	v27 =	vld [tilespmem:s6+$0x2460]  }
0x379: {  	v28 =	vld [tilespmem:s6+$0xE460];
	_ =	swait.ge [sflag:s31], $0x1000  }
0x37a: {  	[sflag:s31] =	ssyncset.done $0x0  }
0x37b: {  	[sflag:s31] =	ssyncadd.s32 $0xFFFFF000  }
0x37c: {  	_ =	swait.ge [sflag:s0], $0x1000  }
0x37d: {  	[sflag:s0] =	ssyncset.done $0x0  }
0x37e: {  	s7 =	simm.s32 $0x0;
	[sflag:s0] =	ssyncadd.s32 $0xFFFFF000  }
0x37f: {  	v29 =	vld [tilespmem:s7+$0x3470]  }
0x380: {  	v30 =	vld [tilespmem:s7+$0xF470]  }
0x381: {  	v31 =	vld [tilespmem:s7+$0x3400]  }
0x382: {  	v32 =	vld [tilespmem:s7+$0xF400]  }
0x383: {  	v33 =	vld [tilespmem:s7+$0x3410]  }
0x384: {  	v8 =	vmul.f32 v9, v8;
	v34 =	vld [tilespmem:s7+$0xF410]  }
0x385: {  	v0 =	vadd.f32 v13, v0;
	v9 =	vmul.f32 v12, v10;
	v12 =	vld [tilespmem:s7+$0x3420]  }
0x386: {  	v1 =	vadd.f32 v8, v1;
	v10 =	vmul.f32 v14, v11;
	v8 =	vmul.f32 v16, v15;
	v13 =	vld [tilespmem:s7+$0xF420]  }
0x387: {  	v11 =	vadd.f32 v9, v2;
	v2 =	vmul.f32 v18, v17;
	v9 =	vmul.f32 v22, v21;
	v14 =	vld [tilespmem:s7+$0xF430]  }
0x388: {  	v6 =	vadd.f32 v10, v6;
	v10 =	vld [tilespmem:s7+$0x3430];
	v7 =	vadd.f32 v8, v7;
	v8 =	vmul.f32 v20, v19  }
0x389: {  	v15 =	vmul.f32 v26, v25;
	v61 =	vld [tilespmem:s7+$0x3440];
	v4 =	vadd.f32 v2, v4;
	v2 =	vmul.f32 v24, v23  }
0x38a: {  	v63 =	vld [tilespmem:s7+$0xF440];
	v62 =	vadd.f32 v9, v5;
	v5 =	vmul.f32 v28, v27;
	v8 =	vadd.f32 v8, v3  }
0x38b: {  	v9 =	vld [tilespmem:s7+$0x3450];
	v3 =	vadd.f32 v2, v0;
	v2 =	vadd.f32 v15, v1;
	v0 =	vmul.f32 v30, v29  }
0x38c: {  	v1 =	vadd.f32 v5, v11;
	v11 =	vld [tilespmem:s7+$0xF450];
	v5 =	vmul.f32 v32, v31;
	v15 =	vmul.f32 v34, v33  }
0x38d: {  	v13 =	vmul.f32 v13, v12;
	v12 =	vld [tilespmem:s7+$0xF460];
	v14 =	vmul.f32 v14, v10;
	v0 =	vadd.f32 v0, v6  }
0x38e: {  	s6 =	simm.s32 $0x80;
	v10 =	vld [tilespmem:s7+$0x3460];
	v6 =	vadd.f32 v5, v7;
	v7 =	vadd.f32 v15, v4  }
0x38f: {  	s7 =	simm.s32 $0x400;
	v5 =	vadd.f32 v13, v8;
	v8 =	vld [tilespmem:s6+$0x3470];
	v13 =	vmul.f32 v63, v61;
	v4 =	vadd.f32 v14, v62  }
.LBB2_32:
0x390: {  	p0 =	sne.s32 s7, $0x3E00;
	v14 =	vld [tilespmem:s6+$0xF470]  }
0x391: {  	v15 =	vld [tilespmem:s6+$0x3400];
	v3 =	vadd.f32 v13, v3;
	v9 =	vmul.f32 v11, v9  }
0x392: {  	v11 =	vld [tilespmem:s6+$0xF400]  }
0x393: {  	v13 =	vld [tilespmem:s6+$0x3410];
	v2 =	vadd.f32 v9, v2;
	v9 =	vmul.f32 v12, v10  }
0x394: {  	v10 =	vld [tilespmem:s6+$0xF410]  }
0x395: {  	v12 =	vld [tilespmem:s6+$0x3420];
	v8 =	vmul.f32 v14, v8;
	v1 =	vadd.f32 v9, v1  }
0x396: {  	v9 =	vld [tilespmem:s6+$0xF420]  }
0x397: {  	v11 =	vmul.f32 v11, v15;
	v14 =	vld [tilespmem:s6+$0x3430];
	v0 =	vadd.f32 v8, v0  }
0x398: {  	v8 =	vld [tilespmem:s6+$0xF430]  }
0x399: {  	v6 =	vadd.f32 v11, v6;
	v10 =	vmul.f32 v10, v13;
	v13 =	vld [tilespmem:s6+$0x3440]  }
0x39a: {  	v15 =	vld [tilespmem:s6+$0xF440]  }
.Ltmp15:
0x39b: {  	v7 =	vadd.f32 v10, v7;
	v10 =	vmul.f32 v9, v12;
	v9 =	vld [tilespmem:s6+$0x3450];
	(pc) =	sbr.rel @p0 .LBB2_32-.Ltmp15, $4  }
0x39c: {  	v11 =	vld [tilespmem:s6+$0xF450]  }
0x39d: {  	v5 =	vadd.f32 v10, v5;
	v14 =	vmul.f32 v8, v14;
	v10 =	vld [tilespmem:s6+$0x3460]  }
0x39e: {  	v12 =	vld [tilespmem:s6+$0xF460];
	s6 =	sshra.s32 s7, $0x2  }
0x39f: {  	s7 =	sadd.s32 $0x200, s7;
	v8 =	vld [tilespmem:s6+$0x3470];
	v4 =	vadd.f32 v14, v4;
	v13 =	vmul.f32 v15, v13  }
0x3a0: {  	v14 =	vld [tilespmem:s6+$0x3400]  }
0x3a1: {  	v15 =	vld [tilespmem:s6+$0xF400]  }
0x3a2: {  	v16 =	vld [tilespmem:s6+$0x3410]  }
0x3a3: {  	v17 =	vld [tilespmem:s6+$0xF410]  }
0x3a4: {  	v18 =	vld [tilespmem:s6+$0x3420]  }
0x3a5: {  	v19 =	vld [tilespmem:s6+$0xF420]  }
0x3a6: {  	v20 =	vld [tilespmem:s6+$0x3430]  }
0x3a7: {  	v21 =	vld [tilespmem:s6+$0xF430]  }
0x3a8: {  	v50 =	vld [tilespmem:s6+$0x3440];
	v14 =	vmul.f32 v15, v14;
	v49 =	vmul.f32 v17, v16  }
0x3a9: {  	v51 =	vld [tilespmem:s6+$0xF440]  }
0x3aa: {  	v53 =	vld [tilespmem:s6+$0x3450];
	v52 =	vmul.f32 v19, v18;
	v6 =	vadd.f32 v14, v6;
	v7 =	vadd.f32 v49, v7  }
0x3ab: {  	v54 =	vld [tilespmem:s6+$0xF450]  }
0x3ac: {  	v56 =	vld [tilespmem:s6+$0x3460];
	v55 =	vmul.f32 v21, v20;
	v5 =	vadd.f32 v52, v5;
	v6 =	vadd.f32 v7, v6  }
0x3ad: {  	v57 =	vld [tilespmem:s6+$0xF460];
	v3 =	vadd.f32 v13, v3;
	v9 =	vmul.f32 v11, v9  }
0x3ae: {  	v58 =	vmul.f32 v51, v50;
	v4 =	vadd.f32 v55, v4;
	v5 =	vadd.f32 v5, v6  }
0x3af: {  	v59 =	vld [tilespmem:s6+$0xF470];
	v2 =	vadd.f32 v9, v2;
	v60 =	vmul.f32 v12, v10  }
0x3b0: {  	v61 =	vmul.f32 v54, v53;
	v3 =	vadd.f32 v58, v3;
	v4 =	vadd.f32 v4, v5  }
0x3b1: {  	v1 =	vadd.f32 v60, v1  }
0x3b2: {  	v62 =	vmul.f32 v57, v56;
	v2 =	vadd.f32 v61, v2;
	v3 =	vadd.f32 v3, v4;
	_ =	sdelay $0x1  }
0x3b3: {  	v63 =	vmul.f32 v59, v8;
	v1 =	vadd.f32 v62, v1;
	v2 =	vadd.f32 v2, v3;
	_ =	sdelay $0x1  }
0x3b4: {  	v0 =	vadd.f32 v63, v0;
	v1 =	vadd.f32 v1, v2;
	_ =	sdelay $0x1  }
0x3b5: {  	v0 =	vadd.f32 v0, v1;
	_ =	sdelay $0x1  }
0x3b6: {  	s6 =	rddreg [dreg:$0x7];
	s7 =	simm.s32 $0x18400;
	[tilespmem:$0x18400] =	vst v0  }
0x3b7: {  	[hbm4b:s6+s3] =	stream.linear.scatter [tilespmem:s7], [sflag:$0x19], $0x80, $0x38;
	[tilespmem:$0x18480] =	vst v63  }
0x3b8: {  	_ =	swait.ge [sflag:s8], $0x80  }
0x3b9: {  	s5 =	sadd.s32 $0x1, s5;
	s7 =	rddreg [dreg:$0x8]  }
0x3ba: {  	p0 =	sne.s32 s5, s7  }
.Ltmp16:
0x3bb: {  	_ = 	snop;
	(pc) =	sbr.rel @p0 .LBB2_1-.Ltmp16, $3  }
0x3bc: {  	_ =	sdelay $0x1  }
0x3bd: {  	[sflag:s8] =	ssyncset.done $0x0  }
0x3be: {  	[sflag:s8] =	ssyncadd.s32 $0xFFFFFF80  }
0x3bf: {  	_ =	sfence.sel $0x180000  }
0x3c0: {  	[bflag:$0x0] =	sbarrier.arrive $0xFFFF  }
0x3c1: {  	_ =	strace $0x90000047  }
0x3c2: {  	s0 =	stileid.u32;
	[bflag:$0x2] =	sbarrier.arrive $0xFFFF  }
0x3c3: {  	p0 =	sne.s32 s0, $0x0;
	s0 =	rddreg [dreg:$0x4]  }
0x3c4: {  	s0 =	sadd.s32 @!p0 $0x100000, s0  }
0x3c5: {  	[sflag:s0] =	ssyncadd.tile.s32 @!p0 $0x1;
	_ =	shalt  }
.Lfunc_end2:
_tile_overlayer_lowered:
.L_overlay_start_2:
0x3c6: {  	(tag) =	ssettag $0x2  }
0x3c7: {  	s0 =	rddreg [dreg:$0x0];
	s2 =	stileid.u32  }
0x3c8: {  	s1 =	rddreg [dreg:$0x1];
	p0 =	sne.s32 s2, $0x0  }
0x3c9: {  	s3 =	rddreg [dreg:$0x2];
	[bflag:$0x3] =	sbarrier.arrive $0xFFFF;
	s2 =	simm.s32 @!p0 $0x1C19  }
0x3ca: {  	[timem:s3], [sflag:s2] =	dma.local @!p0 [hbm:s0], s1  }
0x3cb: {  	s0 =	simm.s32 @!p0 $0x19  }
0x3cc: {  	_ =	swait.ge @!p0 [sflag:s0], s1  }
0x3cd: {  	s1 =	ssub.s32 @!p0 $0x0, s1;
	[sflag:s0] =	ssyncset.done @!p0 $0x0  }
0x3ce: {  	[sflag:s0] =	ssyncadd.s32 @!p0 s1  }
0x3cf: {  	[bflag:$0x3] =	sbarrier.arrive $0xFFFF  }
0x3d0: {  	_ =	shalt  }

</sc_bundles>
